<compile_context>
chip_gen: v7x
topology: tpu7x:2x2x1
jax: 0.10.2.dev20260603
libtpu: 0.0.44.dev20260713+nightly
codegen_flags: <defaults>
</compile_context>

<pallas_src>
import functools

import jax
import jax.numpy as jnp
from jax import lax
from jax.experimental import pallas as pl
from jax.experimental.pallas import tpu as pltpu
from jax.experimental.pallas import tpu_sc as plsc

N = 10000
NP = 10240
D = 128
E = 160000
ET = E + N
NC, NS, L = 2, 16, 16
NW = NC * NS
BLKA = 256
BLKB = 32
NRING = 3
ET_PAD = -(-ET // 12288) * 12288
CHUNK_A = ET_PAD // NS
CHUNK_B = ET_PAD // NW
NBLK_A = CHUNK_A // BLKA
NBLK_B = CHUNK_B // BLKB
ROWS_PER_TILE = NP // NS


def _mm_body(x_ref, w_ref, as_ref, ad_ref, h_ref, sd_ref):
    h = jnp.dot(x_ref[...], w_ref[...], preferred_element_type=jnp.float32)
    h_ref[...] = h
    s = jnp.sum(h * as_ref[...], axis=1)
    d = jnp.sum(h * ad_ref[...], axis=1)
    sd_ref[...] = jnp.stack([s, d], axis=0)


def _matmul(x, W, att_src2, att_dst2):
    return pl.pallas_call(
        _mm_body,
        out_shape=[
            jax.ShapeDtypeStruct((NP, D), jnp.float32),
            jax.ShapeDtypeStruct((2, NP), jnp.float32),
        ],
    )(x, W, att_src2, att_dst2)


_MESH = plsc.VectorSubcoreMesh(core_axis_name="c", subcore_axis_name="s")


@functools.partial(
    pl.kernel,
    out_type=jax.ShapeDtypeStruct((NC, NP, D), jnp.float32),
    mesh=_MESH,
    compiler_params=pltpu.CompilerParams(needs_layout_passes=False),
    scratch_types=[
        pltpu.VMEM((NP,), jnp.float32),
        pltpu.VMEM((NP,), jnp.float32),
        pltpu.VMEM((NP,), jnp.float32),
        [pltpu.VMEM((BLKA,), jnp.int32)] * 2,
        [pltpu.VMEM((BLKA,), jnp.int32)] * 2,
        [pltpu.VMEM((BLKA,), jnp.float32)] * 2,
        [pltpu.VMEM((BLKB,), jnp.int32)] * NRING,
        [pltpu.VMEM((BLKB,), jnp.int32)] * NRING,
        [pltpu.VMEM((BLKB,), jnp.float32)] * NRING,
        [pltpu.VMEM((BLKB,), jnp.int32)] * NRING,
        [pltpu.VMEM((BLKB, D), jnp.float32)] * NRING,
        pltpu.VMEM((BLKB,), jnp.float32),
        pltpu.VMEM_SHARED((NP,), jnp.float32),
        pltpu.VMEM_SHARED((NP, D), jnp.float32),
        [pltpu.SemaphoreType.DMA] * 2,
        [pltpu.SemaphoreType.DMA] * 2,
        [pltpu.SemaphoreType.DMA] * NRING,
        [pltpu.SemaphoreType.DMA] * NRING,
        [pltpu.SemaphoreType.DMA] * NRING,
    ],
)
def _sc_attention(h_hbm, sd_hbm, src_hbm, dst_hbm, ew_hbm, zro_hbm, zrov_hbm,
                  out_hbm,
                  s_loc, d_loc, den_loc, isrcA, idstA, exA,
                  isrcB, idstB, ewbB, dstblkB, rows, coef,
                  den_sh, out_sh, sem_i, sem_a, sem_ib, sem_g, sem_s):
    cid = lax.axis_index("c")
    sid = lax.axis_index("s")
    wid = sid * NC + cid
    r0 = sid * ROWS_PER_TILE
    a0 = sid * CHUNK_A
    b0 = wid * CHUNK_B
    lanes = lax.broadcasted_iota(jnp.int32, (L,), 0)

    init_scope = jax.named_scope("sc_init")
    init_scope.__enter__()
    pltpu.sync_copy(sd_hbm.at[0], s_loc)
    pltpu.sync_copy(sd_hbm.at[1], d_loc)
    pltpu.sync_copy(zro_hbm.at[pl.ds(r0, ROWS_PER_TILE)],
                    out_sh.at[pl.ds(r0, ROWS_PER_TILE)])
    pltpu.sync_copy(zrov_hbm.at[pl.ds(r0, ROWS_PER_TILE)],
                    den_sh.at[pl.ds(r0, ROWS_PER_TILE)])
    init_scope.__exit__(None, None, None)
    pa_scope = jax.named_scope("sc_phase_a")
    pa_scope.__enter__()
    plsc.subcore_barrier()

    def a_fetch_start(b, j):
        pltpu.async_copy(src_hbm.at[pl.ds(a0 + b * BLKA, BLKA)], isrcA[j],
                         sem_i[j])
        pltpu.async_copy(dst_hbm.at[pl.ds(a0 + b * BLKA, BLKA)], idstA[j],
                         sem_i[j])

    def a_fetch_wait(b, j):
        pltpu.make_async_copy(src_hbm.at[pl.ds(a0 + b * BLKA, BLKA)],
                              isrcA[j], sem_i[j]).wait()
        pltpu.make_async_copy(dst_hbm.at[pl.ds(a0 + b * BLKA, BLKA)],
                              idstA[j], sem_i[j]).wait()

    def a_scatter_wait(j):
        pltpu.make_async_copy(exA[j], den_sh.at[idstA[j]], sem_a[j]).wait()

    def a_compute(b, j):
        for g in range(BLKA // L):
            off = g * L
            iv = isrcA[j][pl.ds(off, L)]
            jv = idstA[j][pl.ds(off, L)]
            e = plsc.load_gather(s_loc, [iv]) + plsc.load_gather(d_loc, [jv])
            e = jnp.where(e >= 0.0, e, 0.2 * e)
            ex = jnp.exp(e)
            ex = jnp.where(a0 + b * BLKA + off + lanes < ET, ex, 0.0)
            exA[j][pl.ds(off, L)] = ex

    a_fetch_start(0, 0)

    def a_pair(pi, carry):
        for j in range(2):
            b = 2 * pi + j
            j1 = 1 - j
            a_fetch_wait(b, j)

            @pl.when(b >= 1)
            def _():
                a_scatter_wait(j1)

            @pl.when(b + 1 < NBLK_A)
            def _():
                a_fetch_start(b + 1, j1)

            a_compute(b, j)
            pltpu.async_copy(exA[j], den_sh.at[idstA[j]], sem_a[j], add=True)
        return carry

    lax.fori_loop(0, NBLK_A // 2, a_pair, 0)
    a_scatter_wait((NBLK_A - 1) % 2)
    plsc.subcore_barrier()
    pltpu.sync_copy(den_sh, den_loc)
    pa_scope.__exit__(None, None, None)
    pb_scope = jax.named_scope("sc_phase_b")
    pb_scope.__enter__()

    def b_fetch_start(b, r):
        pltpu.async_copy(src_hbm.at[pl.ds(b0 + b * BLKB, BLKB)], isrcB[r],
                         sem_ib[r])
        pltpu.async_copy(dst_hbm.at[pl.ds(b0 + b * BLKB, BLKB)], idstB[r],
                         sem_ib[r])
        pltpu.async_copy(ew_hbm.at[pl.ds(b0 + b * BLKB, BLKB)], ewbB[r],
                         sem_ib[r])

    def b_fetch_wait(b, r):
        pltpu.make_async_copy(src_hbm.at[pl.ds(b0 + b * BLKB, BLKB)],
                              isrcB[r], sem_ib[r]).wait()
        pltpu.make_async_copy(dst_hbm.at[pl.ds(b0 + b * BLKB, BLKB)],
                              idstB[r], sem_ib[r]).wait()
        pltpu.make_async_copy(ew_hbm.at[pl.ds(b0 + b * BLKB, BLKB)],
                              ewbB[r], sem_ib[r]).wait()

    def b_gather_start(r):
        pltpu.async_copy(h_hbm.at[isrcB[r]], rows[r], sem_g[r])

    def b_gather_wait(r):
        pltpu.make_async_copy(h_hbm.at[isrcB[r]], rows[r], sem_g[r]).wait()

    def b_scatter_wait(r):
        pltpu.make_async_copy(rows[r], out_sh.at[dstblkB[r]], sem_s[r]).wait()

    def b_coef(b, r):
        for g in range(BLKB // L):
            off = g * L
            iv = isrcB[r][pl.ds(off, L)]
            jv = idstB[r][pl.ds(off, L)]
            dstblkB[r][pl.ds(off, L)] = jv
            e = plsc.load_gather(s_loc, [iv]) + plsc.load_gather(d_loc, [jv])
            e = jnp.where(e >= 0.0, e, 0.2 * e)
            ex = jnp.exp(e) * ewbB[r][pl.ds(off, L)]
            den = plsc.load_gather(den_loc, [jv])
            coef[pl.ds(off, L)] = ex / den

    def b_scale(r):
        def kloop(c, carry2):
            for ke in range(8):
                kf = jnp.zeros((L,), jnp.int32) + (c * 8 + ke)
                cvec = plsc.load_gather(coef, [kf])
                for g in range(D // L):
                    cols = lanes + g * L
                    v = plsc.load_gather(rows[r], [kf, cols])
                    plsc.store_scatter(rows[r], [kf, cols], v * cvec)
            return carry2

        lax.fori_loop(0, BLKB // 8, kloop, 0)

    for r in range(NRING):
        b_fetch_start(r, r)
    b_fetch_wait(0, 0)
    b_fetch_wait(1, 1)
    b_gather_start(0)

    def b_triple(ti, carry):
        for r in range(NRING):
            b = NRING * ti + r
            r1 = (r + 1) % NRING
            r2 = (r + 2) % NRING
            b_coef(b, r)

            @pl.when(b + 1 < NBLK_B)
            def _():
                @pl.when(b >= 2)
                def _():
                    b_scatter_wait(r1)

                b_gather_start(r1)

            b_gather_wait(r)
            b_scale(r)
            pltpu.async_copy(rows[r], out_sh.at[dstblkB[r]], sem_s[r],
                             add=True)

            @pl.when(b + 2 < NBLK_B)
            def _():
                b_fetch_wait(b + 2, r2)

                @pl.when(b + 3 < NBLK_B)
                def _():
                    b_fetch_start(b + 3, r)
        return carry

    lax.fori_loop(0, NBLK_B // NRING, b_triple, 0)
    for r in range(NRING):
        b_scatter_wait(r)
    pb_scope.__exit__(None, None, None)
    with jax.named_scope("sc_writeout"):
        plsc.subcore_barrier()
        pltpu.sync_copy(out_sh.at[pl.ds(r0, ROWS_PER_TILE)],
                        out_hbm.at[cid, pl.ds(r0, ROWS_PER_TILE)])


def _comb_body(p_ref, b_ref, o_ref):
    o_ref[...] = jnp.maximum(p_ref[0] + p_ref[1] + b_ref[...], 0.0)


def _combine(partial, bias2):
    BN = 2000
    return pl.pallas_call(
        _comb_body,
        grid=(N // BN,),
        in_specs=[
            pl.BlockSpec((NC, BN, D), lambda i: (0, i, 0)),
            pl.BlockSpec((1, D), lambda i: (0, 0)),
        ],
        out_specs=pl.BlockSpec((BN, D), lambda i: (i, 0)),
        out_shape=jax.ShapeDtypeStruct((N, D), jnp.float32),
    )(partial, bias2)


def kernel(input_x, edge_index, edge_weight, W, att_src, att_dst, bias):
    loop = jnp.arange(N, dtype=jnp.int32)
    pad = ET_PAD - ET
    zi = jnp.zeros((pad,), jnp.int32)
    zf = jnp.zeros((pad,), jnp.float32)
    src = jnp.concatenate([edge_index[0].astype(jnp.int32), loop, zi])
    dst = jnp.concatenate([edge_index[1].astype(jnp.int32), loop, zi])
    ew = jnp.concatenate([edge_weight.astype(jnp.float32),
                          jnp.ones((N,), jnp.float32), zf])
    zro = jnp.zeros((NP, D), jnp.float32)
    zrov = jnp.zeros((NP,), jnp.float32)

    xp = jnp.concatenate([input_x, jnp.zeros((NP - N, D), jnp.float32)])
    h, sd = _matmul(xp, W, att_src.reshape(1, D), att_dst.reshape(1, D))
    partial = _sc_attention(h, sd, src, dst, ew, zro, zrov)
    out = _combine(partial, bias.reshape(1, D))
    return out[None]

# --- scband reference (transcript-rebuilt; emitter-appended) ---
"""Pipeline reference for scband-multi-graph-convolution-layer-28656021799304 (READ-ONLY COPY).

The authoritative reference and input builder live on the scoring server;
editing this copy changes nothing except your own understanding.
"""

import jax, jax.numpy as jnp
import numpy as np

N = 10000
AVG_DEG = 16
E = N * AVG_DEG
D_IN = 128
D_OUT = 128


def setup_inputs(seed: int = 0) -> dict:
    key = jax.random.key(seed)
    ks = jax.random.split(key, 6)
    # The torch module receives a dense adj and converts it to COO (edge_index,
    # edge_weight). We materialize the sparse form directly: a random graph with
    # avg degree 16 and uniform edge weights (the nonzero adj values).
    rng = np.random.default_rng(0)
    src = rng.integers(0, N, size=E)
    dst = rng.integers(0, N, size=E)
    edge_index = jnp.asarray(np.stack([src, dst], axis=0), dtype=jnp.int32)
    input_x = jax.random.normal(ks[0], (N, D_IN), dtype=jnp.float32)
    edge_weight = jax.random.uniform(ks[1], (E,), dtype=jnp.float32)
    # GATConv(in_features, out_features) learned params (heads=1, concat=True)
    W = jax.random.normal(ks[2], (D_IN, D_OUT), dtype=jnp.float32) / np.sqrt(D_IN)
    att_src = jax.random.normal(ks[3], (D_OUT,), dtype=jnp.float32) * 0.1
    att_dst = jax.random.normal(ks[4], (D_OUT,), dtype=jnp.float32) * 0.1
    bias = jnp.zeros((D_OUT,), dtype=jnp.float32)
    return {"input_x": input_x, "edge_index": edge_index, "edge_weight": edge_weight,
            "W": W, "att_src": att_src, "att_dst": att_dst, "bias": bias}


def reference(input_x, edge_index, edge_weight, W, att_src, att_dst, bias):
    # GATConv with add_self_loops=True, heads=1, negative_slope=0.2,
    # edge weights scale the attended messages; followed by ReLU and unsqueeze(0).
    loop = jnp.arange(N, dtype=edge_index.dtype)
    src = jnp.concatenate([edge_index[0], loop])
    dst = jnp.concatenate([edge_index[1], loop])
    ew = jnp.concatenate([edge_weight, jnp.ones((N,), edge_weight.dtype)])
    h = input_x @ W                                  # [N, D_OUT]
    a_src = (h * att_src).sum(-1)                    # [N]
    a_dst = (h * att_dst).sum(-1)                    # [N]
    e = a_src[src] + a_dst[dst]                      # gather per edge
    e = jax.nn.leaky_relu(e, 0.2)
    # numerically stable softmax over incoming edges of each dst node
    e_max = jax.ops.segment_max(e, dst, num_segments=N)
    e_max = jax.lax.stop_gradient(e_max)
    ex = jnp.exp(e - e_max[dst])
    denom = jax.ops.segment_sum(ex, dst, num_segments=N)
    alpha = ex / (denom[dst] + 1e-16)
    msg = h[src] * (alpha * ew)[:, None]             # gather + weight
    out = jax.ops.segment_sum(msg, dst, num_segments=N) + bias  # scatter-add
    out = jax.nn.relu(out)
    return out[None, :, :]                           # [1, N, D_OUT]

if __name__ == "__main__":
    import jax
    _d = setup_inputs()
    print(jax.jit(kernel)(*tuple(_d.values())))

</pallas_src>

<mosaic_0001>
#map = affine_map<(d0, d1) -> (0, 0)>
#map1 = affine_map<(d0, d1) -> (0)>
#map2 = affine_map<(d0, d1) -> (0, 0, 0)>
module attributes {stable_mosaic.version = 14 : i64} {
  func.func @_sc_attention(%arg0: i32, %arg1: i32, %arg2: memref<10240x128xf32, #tpu.memory_space<hbm>>, %arg3: memref<2x10240xf32, #tpu.memory_space<hbm>>, %arg4: memref<172032xi32, #tpu.memory_space<hbm>>, %arg5: memref<172032xi32, #tpu.memory_space<hbm>>, %arg6: memref<172032xf32, #tpu.memory_space<hbm>>, %arg7: memref<10240x128xf32, #tpu.memory_space<hbm>>, %arg8: memref<10240xf32, #tpu.memory_space<hbm>>, %arg9: memref<2x10240x128xf32, #tpu.memory_space<hbm>>, %arg10: memref<10240xf32, #tpu.memory_space<vmem>>, %arg11: memref<10240xf32, #tpu.memory_space<vmem>>, %arg12: memref<10240xf32, #tpu.memory_space<vmem>>, %arg13: memref<256xi32, #tpu.memory_space<vmem>>, %arg14: memref<256xi32, #tpu.memory_space<vmem>>, %arg15: memref<256xi32, #tpu.memory_space<vmem>>, %arg16: memref<256xi32, #tpu.memory_space<vmem>>, %arg17: memref<256xf32, #tpu.memory_space<vmem>>, %arg18: memref<256xf32, #tpu.memory_space<vmem>>, %arg19: memref<32xi32, #tpu.memory_space<vmem>>, %arg20: memref<32xi32, #tpu.memory_space<vmem>>, %arg21: memref<32xi32, #tpu.memory_space<vmem>>, %arg22: memref<32xi32, #tpu.memory_space<vmem>>, %arg23: memref<32xi32, #tpu.memory_space<vmem>>, %arg24: memref<32xi32, #tpu.memory_space<vmem>>, %arg25: memref<32xf32, #tpu.memory_space<vmem>>, %arg26: memref<32xf32, #tpu.memory_space<vmem>>, %arg27: memref<32xf32, #tpu.memory_space<vmem>>, %arg28: memref<32xi32, #tpu.memory_space<vmem>>, %arg29: memref<32xi32, #tpu.memory_space<vmem>>, %arg30: memref<32xi32, #tpu.memory_space<vmem>>, %arg31: memref<32x128xf32, #tpu.memory_space<vmem>>, %arg32: memref<32x128xf32, #tpu.memory_space<vmem>>, %arg33: memref<32x128xf32, #tpu.memory_space<vmem>>, %arg34: memref<32xf32, #tpu.memory_space<vmem>>, %arg35: memref<10240xf32, #tpu.memory_space<vmem_shared>>, %arg36: memref<10240x128xf32, #tpu.memory_space<vmem_shared>>, %arg37: memref<!tpu.dma_semaphore, #tpu.memory_space<semaphore_mem>>, %arg38: memref<!tpu.dma_semaphore, #tpu.memory_space<semaphore_mem>>, %arg39: memref<!tpu.dma_semaphore, #tpu.memory_space<semaphore_mem>>, %arg40: memref<!tpu.dma_semaphore, #tpu.memory_space<semaphore_mem>>, %arg41: memref<!tpu.dma_semaphore, #tpu.memory_space<semaphore_mem>>, %arg42: memref<!tpu.dma_semaphore, #tpu.memory_space<semaphore_mem>>, %arg43: memref<!tpu.dma_semaphore, #tpu.memory_space<semaphore_mem>>, %arg44: memref<!tpu.dma_semaphore, #tpu.memory_space<semaphore_mem>>, %arg45: memref<!tpu.dma_semaphore, #tpu.memory_space<semaphore_mem>>, %arg46: memref<!tpu.dma_semaphore, #tpu.memory_space<semaphore_mem>>, %arg47: memref<!tpu.dma_semaphore, #tpu.memory_space<semaphore_mem>>, %arg48: memref<!tpu.dma_semaphore, #tpu.memory_space<semaphore_mem>>, %arg49: memref<!tpu.dma_semaphore, #tpu.memory_space<semaphore_mem>>) attributes {dimension_semantics = [#tpu.dimension_semantics<core_parallel>, #tpu.dimension_semantics<subcore_parallel>], iteration_bounds = array<i64: 2, 16>, scalar_prefetch = 0 : i64, scratch_operands = 40 : i64, tpu.core_type = #tpu.core_type<sc_vector_subcore>, window_params = [{transform_indices = #map}, {transform_indices = #map}, {transform_indices = #map1}, {transform_indices = #map1}, {transform_indices = #map1}, {transform_indices = #map}, {transform_indices = #map1}, {transform_indices = #map2}]} {
    %mul3A = arith.constant 2 : i32
    %mul3A_0 = arith.muli %arg1, %mul3A : i32
    %add3A = arith.addi %mul3A_0, %arg0 : i32
    %mul3A_1 = arith.constant 640 : i32
    %mul3A_2 = arith.muli %arg1, %mul3A_1 : i32
    %mul3A_3 = arith.constant 10752 : i32
    %mul3A_4 = arith.muli %arg1, %mul3A_3 : i32
    %mul3A_5 = arith.constant 5376 : i32
    %mul3A_6 = arith.muli %add3A, %mul3A_5 : i32
    %iota3A = tpu.iota {dimensions = array<i32: 0>} : vector<16xi32>
    %run_scoped3A = arith.constant 0 : i32
    "tpu.trace_start"() <{level = 10 : i32, message = "sc_init"}> : () -> ()
    "tpu.region"() ({
      %run_scoped3A_101 = tpu.sem_alloc : memref<!tpu.dma_semaphore, #tpu.memory_space<semaphore_mem>>
      %dma_start3A_102 = arith.constant 0 : i32
      %dma_start3A_103 = tpu.memref_slice %arg3[%run_scoped3A, %dma_start3A_102] : memref<2x10240xf32, #tpu.memory_space<hbm>> -> memref<1x10240xf32, #tpu.memory_space<hbm>>
      %dma_start3A_104 = tpu.memref_squeeze %dma_start3A_103 : memref<1x10240xf32, #tpu.memory_space<hbm>> -> memref<10240xf32, #tpu.memory_space<hbm>>
      %dma_start3A_105 = arith.constant 0 : i32
      %dma_start3A_106 = tpu.memref_slice %arg3[%run_scoped3A, %dma_start3A_105] : memref<2x10240xf32, #tpu.memory_space<hbm>> -> memref<1x10240xf32, #tpu.memory_space<hbm>>
      %dma_start3A_107 = tpu.memref_squeeze %dma_start3A_106 : memref<1x10240xf32, #tpu.memory_space<hbm>> -> memref<10240xf32, #tpu.memory_space<hbm>>
      tpu.enqueue_dma source(%dma_start3A_107 : memref<10240xf32, #tpu.memory_space<hbm>>) target(%arg10 : memref<10240xf32, #tpu.memory_space<vmem>>) target_semaphore(%run_scoped3A_101 : memref<!tpu.dma_semaphore, #tpu.memory_space<semaphore_mem>>)
      %dma_wait3A_108 = arith.constant 0 : i32
      %dma_wait3A_109 = tpu.memref_slice %arg3[%run_scoped3A, %dma_wait3A_108] : memref<2x10240xf32, #tpu.memory_space<hbm>> -> memref<1x10240xf32, #tpu.memory_space<hbm>>
      %dma_wait3A_110 = tpu.memref_squeeze %dma_wait3A_109 : memref<1x10240xf32, #tpu.memory_space<hbm>> -> memref<10240xf32, #tpu.memory_space<hbm>>
      %dma_wait3A_111 = arith.constant 0 : i32
      %dma_wait3A_112 = tpu.memref_slice %arg3[%run_scoped3A, %dma_wait3A_111] : memref<2x10240xf32, #tpu.memory_space<hbm>> -> memref<1x10240xf32, #tpu.memory_space<hbm>>
      %dma_wait3A_113 = tpu.memref_squeeze %dma_wait3A_112 : memref<1x10240xf32, #tpu.memory_space<hbm>> -> memref<10240xf32, #tpu.memory_space<hbm>>
      tpu.wait_dma2 semaphore(%run_scoped3A_101 : memref<!tpu.dma_semaphore, #tpu.memory_space<semaphore_mem>>) src(%dma_wait3A_113 : memref<10240xf32, #tpu.memory_space<hbm>>) dst(%arg10 : memref<10240xf32, #tpu.memory_space<vmem>>)
      tpu.yield
    }) : () -> ()
    %run_scoped3A_7 = arith.constant 1 : i32
    "tpu.region"() ({
      %run_scoped3A_101 = tpu.sem_alloc : memref<!tpu.dma_semaphore, #tpu.memory_space<semaphore_mem>>
      %dma_start3A_102 = arith.constant 0 : i32
      %dma_start3A_103 = tpu.memref_slice %arg3[%run_scoped3A_7, %dma_start3A_102] : memref<2x10240xf32, #tpu.memory_space<hbm>> -> memref<1x10240xf32, #tpu.memory_space<hbm>>
      %dma_start3A_104 = tpu.memref_squeeze %dma_start3A_103 : memref<1x10240xf32, #tpu.memory_space<hbm>> -> memref<10240xf32, #tpu.memory_space<hbm>>
      %dma_start3A_105 = arith.constant 0 : i32
      %dma_start3A_106 = tpu.memref_slice %arg3[%run_scoped3A_7, %dma_start3A_105] : memref<2x10240xf32, #tpu.memory_space<hbm>> -> memref<1x10240xf32, #tpu.memory_space<hbm>>
      %dma_start3A_107 = tpu.memref_squeeze %dma_start3A_106 : memref<1x10240xf32, #tpu.memory_space<hbm>> -> memref<10240xf32, #tpu.memory_space<hbm>>
      tpu.enqueue_dma source(%dma_start3A_107 : memref<10240xf32, #tpu.memory_space<hbm>>) target(%arg11 : memref<10240xf32, #tpu.memory_space<vmem>>) target_semaphore(%run_scoped3A_101 : memref<!tpu.dma_semaphore, #tpu.memory_space<semaphore_mem>>)
      %dma_wait3A_108 = arith.constant 0 : i32
      %dma_wait3A_109 = tpu.memref_slice %arg3[%run_scoped3A_7, %dma_wait3A_108] : memref<2x10240xf32, #tpu.memory_space<hbm>> -> memref<1x10240xf32, #tpu.memory_space<hbm>>
      %dma_wait3A_110 = tpu.memref_squeeze %dma_wait3A_109 : memref<1x10240xf32, #tpu.memory_space<hbm>> -> memref<10240xf32, #tpu.memory_space<hbm>>
      %dma_wait3A_111 = arith.constant 0 : i32
      %dma_wait3A_112 = tpu.memref_slice %arg3[%run_scoped3A_7, %dma_wait3A_111] : memref<2x10240xf32, #tpu.memory_space<hbm>> -> memref<1x10240xf32, #tpu.memory_space<hbm>>
      %dma_wait3A_113 = tpu.memref_squeeze %dma_wait3A_112 : memref<1x10240xf32, #tpu.memory_space<hbm>> -> memref<10240xf32, #tpu.memory_space<hbm>>
      tpu.wait_dma2 semaphore(%run_scoped3A_101 : memref<!tpu.dma_semaphore, #tpu.memory_space<semaphore_mem>>) src(%dma_wait3A_113 : memref<10240xf32, #tpu.memory_space<hbm>>) dst(%arg11 : memref<10240xf32, #tpu.memory_space<vmem>>)
      tpu.yield
    }) : () -> ()
    "tpu.region"() ({
      %run_scoped3A_101 = tpu.sem_alloc : memref<!tpu.dma_semaphore, #tpu.memory_space<semaphore_mem>>
      %dma_start3A_102 = arith.constant 0 : i32
      %dma_start3A_103 = tpu.memref_slice %arg36[%mul3A_2, %dma_start3A_102] : memref<10240x128xf32, #tpu.memory_space<vmem_shared>> -> memref<640x128xf32, #tpu.memory_space<vmem_shared>>
      %dma_start3A_104 = arith.constant 0 : i32
      %dma_start3A_105 = tpu.memref_slice %arg7[%mul3A_2, %dma_start3A_104] : memref<10240x128xf32, #tpu.memory_space<hbm>> -> memref<640x128xf32, #tpu.memory_space<hbm>>
      tpu.enqueue_dma source(%dma_start3A_105 : memref<640x128xf32, #tpu.memory_space<hbm>>) target(%dma_start3A_103 : memref<640x128xf32, #tpu.memory_space<vmem_shared>>) target_semaphore(%run_scoped3A_101 : memref<!tpu.dma_semaphore, #tpu.memory_space<semaphore_mem>>)
      %dma_wait3A_106 = arith.constant 0 : i32
      %dma_wait3A_107 = tpu.memref_slice %arg36[%mul3A_2, %dma_wait3A_106] : memref<10240x128xf32, #tpu.memory_space<vmem_shared>> -> memref<640x128xf32, #tpu.memory_space<vmem_shared>>
      %dma_wait3A_108 = arith.constant 0 : i32
      %dma_wait3A_109 = tpu.memref_slice %arg7[%mul3A_2, %dma_wait3A_108] : memref<10240x128xf32, #tpu.memory_space<hbm>> -> memref<640x128xf32, #tpu.memory_space<hbm>>
      tpu.wait_dma2 semaphore(%run_scoped3A_101 : memref<!tpu.dma_semaphore, #tpu.memory_space<semaphore_mem>>) src(%dma_wait3A_109 : memref<640x128xf32, #tpu.memory_space<hbm>>) dst(%dma_wait3A_107 : memref<640x128xf32, #tpu.memory_space<vmem_shared>>)
      tpu.yield
    }) : () -> ()
    "tpu.region"() ({
      %run_scoped3A_101 = tpu.sem_alloc : memref<!tpu.dma_semaphore, #tpu.memory_space<semaphore_mem>>
      %dma_start3A_102 = tpu.memref_slice %arg35[%mul3A_2] : memref<10240xf32, #tpu.memory_space<vmem_shared>> -> memref<640xf32, #tpu.memory_space<vmem_shared>>
      %dma_start3A_103 = tpu.memref_slice %arg8[%mul3A_2] : memref<10240xf32, #tpu.memory_space<hbm>> -> memref<640xf32, #tpu.memory_space<hbm>>
      tpu.enqueue_dma source(%dma_start3A_103 : memref<640xf32, #tpu.memory_space<hbm>>) target(%dma_start3A_102 : memref<640xf32, #tpu.memory_space<vmem_shared>>) target_semaphore(%run_scoped3A_101 : memref<!tpu.dma_semaphore, #tpu.memory_space<semaphore_mem>>)
      %dma_wait3A_104 = tpu.memref_slice %arg35[%mul3A_2] : memref<10240xf32, #tpu.memory_space<vmem_shared>> -> memref<640xf32, #tpu.memory_space<vmem_shared>>
      %dma_wait3A_105 = tpu.memref_slice %arg8[%mul3A_2] : memref<10240xf32, #tpu.memory_space<hbm>> -> memref<640xf32, #tpu.memory_space<hbm>>
      tpu.wait_dma2 semaphore(%run_scoped3A_101 : memref<!tpu.dma_semaphore, #tpu.memory_space<semaphore_mem>>) src(%dma_wait3A_105 : memref<640xf32, #tpu.memory_space<hbm>>) dst(%dma_wait3A_104 : memref<640xf32, #tpu.memory_space<vmem_shared>>)
      tpu.yield
    }) : () -> ()
    "tpu.trace_stop"() : () -> ()
    "tpu.trace_start"() <{level = 10 : i32, message = "sc_phase_a"}> : () -> ()
    %barrier3A = arith.constant 0 : index
    tpu.barrier barrier_id(%barrier3A)
    %add3A_8 = arith.constant 0 : i32
    %add3A_9 = arith.addi %mul3A_4, %add3A_8 : i32
    %dma_start3A = tpu.memref_slice %arg4[%add3A_9] : memref<172032xi32, #tpu.memory_space<hbm>> -> memref<256xi32, #tpu.memory_space<hbm>>
    %dma_start3A_10 = tpu.memref_slice %arg4[%add3A_9] : memref<172032xi32, #tpu.memory_space<hbm>> -> memref<256xi32, #tpu.memory_space<hbm>>
    tpu.enqueue_dma source(%dma_start3A_10 : memref<256xi32, #tpu.memory_space<hbm>>) target(%arg13 : memref<256xi32, #tpu.memory_space<vmem>>) target_semaphore(%arg37 : memref<!tpu.dma_semaphore, #tpu.memory_space<semaphore_mem>>)
    %add3A_11 = arith.constant 0 : i32
    %add3A_12 = arith.addi %mul3A_4, %add3A_11 : i32
    %dma_start3A_13 = tpu.memref_slice %arg5[%add3A_12] : memref<172032xi32, #tpu.memory_space<hbm>> -> memref<256xi32, #tpu.memory_space<hbm>>
    %dma_start3A_14 = tpu.memref_slice %arg5[%add3A_12] : memref<172032xi32, #tpu.memory_space<hbm>> -> memref<256xi32, #tpu.memory_space<hbm>>
    tpu.enqueue_dma source(%dma_start3A_14 : memref<256xi32, #tpu.memory_space<hbm>>) target(%arg15 : memref<256xi32, #tpu.memory_space<vmem>>) target_semaphore(%arg37 : memref<!tpu.dma_semaphore, #tpu.memory_space<semaphore_mem>>)
    %scan3A = arith.constant 0 : i32
    %scan3A_15 = arith.constant 0 : i32
    %scan3A_16 = arith.constant 21 : i32
    %scan3A_17 = arith.addi %scan3A_15, %scan3A_16 : i32
    %scan3A_18 = arith.constant 1 : i32
    scf.for %scan3A_101 = %scan3A_15 to %scan3A_17 step %scan3A_18  : i32 {
      %mul3A_102 = arith.constant 2 : i32
      %mul3A_103 = arith.muli %mul3A_102, %scan3A_101 : i32
      %add3A_104 = arith.constant 0 : i32
      %add3A_105 = arith.addi %mul3A_103, %add3A_104 : i32
      %mul3A_106 = arith.constant 256 : i32
      %mul3A_107 = arith.muli %add3A_105, %mul3A_106 : i32
      %add3A_108 = arith.addi %mul3A_4, %mul3A_107 : i32
      %dma_wait3A_109 = tpu.memref_slice %arg4[%add3A_108] : memref<172032xi32, #tpu.memory_space<hbm>> -> memref<256xi32, #tpu.memory_space<hbm>>
      %dma_wait3A_110 = tpu.memref_slice %arg4[%add3A_108] : memref<172032xi32, #tpu.memory_space<hbm>> -> memref<256xi32, #tpu.memory_space<hbm>>
      tpu.wait_dma2 semaphore(%arg37 : memref<!tpu.dma_semaphore, #tpu.memory_space<semaphore_mem>>) src(%dma_wait3A_110 : memref<256xi32, #tpu.memory_space<hbm>>) dst(%arg13 : memref<256xi32, #tpu.memory_space<vmem>>)
      %mul3A_111 = arith.constant 256 : i32
      %mul3A_112 = arith.muli %add3A_105, %mul3A_111 : i32
      %add3A_113 = arith.addi %mul3A_4, %mul3A_112 : i32
      %dma_wait3A_114 = tpu.memref_slice %arg5[%add3A_113] : memref<172032xi32, #tpu.memory_space<hbm>> -> memref<256xi32, #tpu.memory_space<hbm>>
      %dma_wait3A_115 = tpu.memref_slice %arg5[%add3A_113] : memref<172032xi32, #tpu.memory_space<hbm>> -> memref<256xi32, #tpu.memory_space<hbm>>
      tpu.wait_dma2 semaphore(%arg37 : memref<!tpu.dma_semaphore, #tpu.memory_space<semaphore_mem>>) src(%dma_wait3A_115 : memref<256xi32, #tpu.memory_space<hbm>>) dst(%arg15 : memref<256xi32, #tpu.memory_space<vmem>>)
      %ge3A = arith.constant 1 : i32
      %ge3A_116 = arith.cmpi sge, %add3A_105, %ge3A : i32
      %convert_element_type3A = arith.extui %ge3A_116 : i1 to i32
      %cond3A = arith.constant 0 : i32
      %cond3A_117 = arith.cmpi ne, %convert_element_type3A, %cond3A : i32
      scf.if %cond3A_117 {
        %dma_wait3A_1107 = arith.constant 0 : i32
        %dma_wait3A_1108 = tpu.memref_slice %arg35[%dma_wait3A_1107] : memref<10240xf32, #tpu.memory_space<vmem_shared>> -> memref<10240xf32, #tpu.memory_space<vmem_shared>>
        tpu.wait_indirect_dma semaphore(%arg40 : memref<!tpu.dma_semaphore, #tpu.memory_space<semaphore_mem>>) src(%arg18 : memref<256xf32, #tpu.memory_space<vmem>>) dst(%dma_wait3A_1108 : memref<10240xf32, #tpu.memory_space<vmem_shared>>)
      } else {
      }
      %add3A_118 = arith.constant 1 : i32
      %add3A_119 = arith.addi %add3A_105, %add3A_118 : i32
      %lt3A = arith.constant 42 : i32
      %lt3A_120 = arith.cmpi slt, %add3A_119, %lt3A : i32
      %convert_element_type3A_121 = arith.extui %lt3A_120 : i1 to i32
      %cond3A_122 = arith.constant 0 : i32
      %cond3A_123 = arith.cmpi ne, %convert_element_type3A_121, %cond3A_122 : i32
      scf.if %cond3A_123 {
        %add3A_1107 = arith.constant 1 : i32
        %add3A_1108 = arith.addi %add3A_105, %add3A_1107 : i32
        %mul3A_1109 = arith.constant 256 : i32
        %mul3A_1110 = arith.muli %add3A_1108, %mul3A_1109 : i32
        %add3A_1111 = arith.addi %mul3A_4, %mul3A_1110 : i32
        %dma_start3A_1112 = tpu.memref_slice %arg4[%add3A_1111] : memref<172032xi32, #tpu.memory_space<hbm>> -> memref<256xi32, #tpu.memory_space<hbm>>
        %dma_start3A_1113 = tpu.memref_slice %arg4[%add3A_1111] : memref<172032xi32, #tpu.memory_space<hbm>> -> memref<256xi32, #tpu.memory_space<hbm>>
        tpu.enqueue_dma source(%dma_start3A_1113 : memref<256xi32, #tpu.memory_space<hbm>>) target(%arg14 : memref<256xi32, #tpu.memory_space<vmem>>) target_semaphore(%arg38 : memref<!tpu.dma_semaphore, #tpu.memory_space<semaphore_mem>>)
        %mul3A_1114 = arith.constant 256 : i32
        %mul3A_1115 = arith.muli %add3A_1108, %mul3A_1114 : i32
        %add3A_1116 = arith.addi %mul3A_4, %mul3A_1115 : i32
        %dma_start3A_1117 = tpu.memref_slice %arg5[%add3A_1116] : memref<172032xi32, #tpu.memory_space<hbm>> -> memref<256xi32, #tpu.memory_space<hbm>>
        %dma_start3A_1118 = tpu.memref_slice %arg5[%add3A_1116] : memref<172032xi32, #tpu.memory_space<hbm>> -> memref<256xi32, #tpu.memory_space<hbm>>
        tpu.enqueue_dma source(%dma_start3A_1118 : memref<256xi32, #tpu.memory_space<hbm>>) target(%arg16 : memref<256xi32, #tpu.memory_space<vmem>>) target_semaphore(%arg38 : memref<!tpu.dma_semaphore, #tpu.memory_space<semaphore_mem>>)
      } else {
      }
      %get3A = arith.constant 0 : index
      %get3A_124 = tpu.vector_load %arg13[%get3A] {strides = array<i32>} : memref<256xi32, #tpu.memory_space<vmem>>, vector<16xi32>,
      %get3A_125 = arith.constant 0 : index
      %get3A_126 = tpu.vector_load %arg15[%get3A_125] {strides = array<i32>} : memref<256xi32, #tpu.memory_space<vmem>>, vector<16xi32>,
      %gather3A = tpu.vector_load_idx %arg10[%get3A_124] : memref<10240xf32, #tpu.memory_space<vmem>>[vector<16xi32>], vector<16xf32>,
      %gather3A_127 = tpu.vector_load_idx %arg11[%get3A_126] : memref<10240xf32, #tpu.memory_space<vmem>>[vector<16xi32>], vector<16xf32>,
      %add3A_128 = arith.addf %gather3A, %gather3A_127 : vector<16xf32>
      %ge3A_129 = arith.constant 0.000000e+00 : f32
      %ge3A_130 = vector.broadcast %ge3A_129 : f32 to vector<16xf32>
      %ge3A_131 = arith.cmpf oge, %add3A_128, %ge3A_130 : vector<16xf32>
      %mul3A_132 = arith.constant 2.000000e-01 : f32
      %mul3A_133 = vector.broadcast %mul3A_132 : f32 to vector<16xf32>
      %mul3A_134 = arith.mulf %mul3A_133, %add3A_128 : vector<16xf32>
      %select_n3A = arith.select %ge3A_131, %add3A_128, %mul3A_134 : vector<16xi1>, vector<16xf32>
      %exp3A = math.exp %select_n3A : vector<16xf32>
      %mul3A_135 = arith.constant 256 : i32
      %mul3A_136 = arith.muli %add3A_105, %mul3A_135 : i32
      %add3A_137 = arith.addi %mul3A_4, %mul3A_136 : i32
      %add3A_138 = arith.constant 0 : i32
      %add3A_139 = arith.addi %add3A_137, %add3A_138 : i32
      %add3A_140 = vector.broadcast %add3A_139 : i32 to vector<16xi32>
      %add3A_141 = arith.addi %add3A_140, %iota3A : vector<16xi32>
      %lt3A_142 = arith.constant 170000 : i32
      %lt3A_143 = vector.broadcast %lt3A_142 : i32 to vector<16xi32>
      %lt3A_144 = arith.cmpi slt, %add3A_141, %lt3A_143 : vector<16xi32>
      %jit3A = arith.constant 0.000000e+00 : f32
      %broadcast_in_dim3A = vector.broadcast %jit3A : f32 to vector<16xf32>
      %select_n3A_145 = arith.select %lt3A_144, %exp3A, %broadcast_in_dim3A : vector<16xi1>, vector<16xf32>
      %swap3A = arith.constant 0 : index
      %swap3A_146 = tpu.vector_load %arg17[%swap3A] {strides = array<i32>} : memref<256xf32, #tpu.memory_space<vmem>>, vector<16xf32>,
      tpu.vector_store %arg17[%swap3A], %select_n3A_145 {strides = array<i32>} : memref<256xf32, #tpu.memory_space<vmem>>, vector<16xf32>,
      %get3A_147 = arith.constant 16 : index
      %get3A_148 = tpu.vector_load %arg13[%get3A_147] {strides = array<i32>} : memref<256xi32, #tpu.memory_space<vmem>>, vector<16xi32>,
      %get3A_149 = arith.constant 16 : index
      %get3A_150 = tpu.vector_load %arg15[%get3A_149] {strides = array<i32>} : memref<256xi32, #tpu.memory_space<vmem>>, vector<16xi32>,
      %gather3A_151 = tpu.vector_load_idx %arg10[%get3A_148] : memref<10240xf32, #tpu.memory_space<vmem>>[vector<16xi32>], vector<16xf32>,
      %gather3A_152 = tpu.vector_load_idx %arg11[%get3A_150] : memref<10240xf32, #tpu.memory_space<vmem>>[vector<16xi32>], vector<16xf32>,
      %add3A_153 = arith.addf %gather3A_151, %gather3A_152 : vector<16xf32>
      %ge3A_154 = arith.constant 0.000000e+00 : f32
      %ge3A_155 = vector.broadcast %ge3A_154 : f32 to vector<16xf32>
      %ge3A_156 = arith.cmpf oge, %add3A_153, %ge3A_155 : vector<16xf32>
      %mul3A_157 = arith.constant 2.000000e-01 : f32
      %mul3A_158 = vector.broadcast %mul3A_157 : f32 to vector<16xf32>
      %mul3A_159 = arith.mulf %mul3A_158, %add3A_153 : vector<16xf32>
      %select_n3A_160 = arith.select %ge3A_156, %add3A_153, %mul3A_159 : vector<16xi1>, vector<16xf32>
      %exp3A_161 = math.exp %select_n3A_160 : vector<16xf32>
      %mul3A_162 = arith.constant 256 : i32
      %mul3A_163 = arith.muli %add3A_105, %mul3A_162 : i32
      %add3A_164 = arith.addi %mul3A_4, %mul3A_163 : i32
      %add3A_165 = arith.constant 16 : i32
      %add3A_166 = arith.addi %add3A_164, %add3A_165 : i32
      %add3A_167 = vector.broadcast %add3A_166 : i32 to vector<16xi32>
      %add3A_168 = arith.addi %add3A_167, %iota3A : vector<16xi32>
      %lt3A_169 = arith.constant 170000 : i32
      %lt3A_170 = vector.broadcast %lt3A_169 : i32 to vector<16xi32>
      %lt3A_171 = arith.cmpi slt, %add3A_168, %lt3A_170 : vector<16xi32>
      %jit3A_172 = arith.constant 0.000000e+00 : f32
      %broadcast_in_dim3A_173 = vector.broadcast %jit3A_172 : f32 to vector<16xf32>
      %select_n3A_174 = arith.select %lt3A_171, %exp3A_161, %broadcast_in_dim3A_173 : vector<16xi1>, vector<16xf32>
      %swap3A_175 = arith.constant 16 : index
      %swap3A_176 = tpu.vector_load %arg17[%swap3A_175] {strides = array<i32>} : memref<256xf32, #tpu.memory_space<vmem>>, vector<16xf32>,
      tpu.vector_store %arg17[%swap3A_175], %select_n3A_174 {strides = array<i32>} : memref<256xf32, #tpu.memory_space<vmem>>, vector<16xf32>,
      %get3A_177 = arith.constant 32 : index
      %get3A_178 = tpu.vector_load %arg13[%get3A_177] {strides = array<i32>} : memref<256xi32, #tpu.memory_space<vmem>>, vector<16xi32>,
      %get3A_179 = arith.constant 32 : index
      %get3A_180 = tpu.vector_load %arg15[%get3A_179] {strides = array<i32>} : memref<256xi32, #tpu.memory_space<vmem>>, vector<16xi32>,
      %gather3A_181 = tpu.vector_load_idx %arg10[%get3A_178] : memref<10240xf32, #tpu.memory_space<vmem>>[vector<16xi32>], vector<16xf32>,
      %gather3A_182 = tpu.vector_load_idx %arg11[%get3A_180] : memref<10240xf32, #tpu.memory_space<vmem>>[vector<16xi32>], vector<16xf32>,
      %add3A_183 = arith.addf %gather3A_181, %gather3A_182 : vector<16xf32>
      %ge3A_184 = arith.constant 0.000000e+00 : f32
      %ge3A_185 = vector.broadcast %ge3A_184 : f32 to vector<16xf32>
      %ge3A_186 = arith.cmpf oge, %add3A_183, %ge3A_185 : vector<16xf32>
      %mul3A_187 = arith.constant 2.000000e-01 : f32
      %mul3A_188 = vector.broadcast %mul3A_187 : f32 to vector<16xf32>
      %mul3A_189 = arith.mulf %mul3A_188, %add3A_183 : vector<16xf32>
      %select_n3A_190 = arith.select %ge3A_186, %add3A_183, %mul3A_189 : vector<16xi1>, vector<16xf32>
      %exp3A_191 = math.exp %select_n3A_190 : vector<16xf32>
      %mul3A_192 = arith.constant 256 : i32
      %mul3A_193 = arith.muli %add3A_105, %mul3A_192 : i32
      %add3A_194 = arith.addi %mul3A_4, %mul3A_193 : i32
      %add3A_195 = arith.constant 32 : i32
      %add3A_196 = arith.addi %add3A_194, %add3A_195 : i32
      %add3A_197 = vector.broadcast %add3A_196 : i32 to vector<16xi32>
      %add3A_198 = arith.addi %add3A_197, %iota3A : vector<16xi32>
      %lt3A_199 = arith.constant 170000 : i32
      %lt3A_200 = vector.broadcast %lt3A_199 : i32 to vector<16xi32>
      %lt3A_201 = arith.cmpi slt, %add3A_198, %lt3A_200 : vector<16xi32>
      %jit3A_202 = arith.constant 0.000000e+00 : f32
      %broadcast_in_dim3A_203 = vector.broadcast %jit3A_202 : f32 to vector<16xf32>
      %select_n3A_204 = arith.select %lt3A_201, %exp3A_191, %broadcast_in_dim3A_203 : vector<16xi1>, vector<16xf32>
      %swap3A_205 = arith.constant 32 : index
      %swap3A_206 = tpu.vector_load %arg17[%swap3A_205] {strides = array<i32>} : memref<256xf32, #tpu.memory_space<vmem>>, vector<16xf32>,
      tpu.vector_store %arg17[%swap3A_205], %select_n3A_204 {strides = array<i32>} : memref<256xf32, #tpu.memory_space<vmem>>, vector<16xf32>,
      %get3A_207 = arith.constant 48 : index
      %get3A_208 = tpu.vector_load %arg13[%get3A_207] {strides = array<i32>} : memref<256xi32, #tpu.memory_space<vmem>>, vector<16xi32>,
      %get3A_209 = arith.constant 48 : index
      %get3A_210 = tpu.vector_load %arg15[%get3A_209] {strides = array<i32>} : memref<256xi32, #tpu.memory_space<vmem>>, vector<16xi32>,
      %gather3A_211 = tpu.vector_load_idx %arg10[%get3A_208] : memref<10240xf32, #tpu.memory_space<vmem>>[vector<16xi32>], vector<16xf32>,
      %gather3A_212 = tpu.vector_load_idx %arg11[%get3A_210] : memref<10240xf32, #tpu.memory_space<vmem>>[vector<16xi32>], vector<16xf32>,
      %add3A_213 = arith.addf %gather3A_211, %gather3A_212 : vector<16xf32>
      %ge3A_214 = arith.constant 0.000000e+00 : f32
      %ge3A_215 = vector.broadcast %ge3A_214 : f32 to vector<16xf32>
      %ge3A_216 = arith.cmpf oge, %add3A_213, %ge3A_215 : vector<16xf32>
      %mul3A_217 = arith.constant 2.000000e-01 : f32
      %mul3A_218 = vector.broadcast %mul3A_217 : f32 to vector<16xf32>
      %mul3A_219 = arith.mulf %mul3A_218, %add3A_213 : vector<16xf32>
      %select_n3A_220 = arith.select %ge3A_216, %add3A_213, %mul3A_219 : vector<16xi1>, vector<16xf32>
      %exp3A_221 = math.exp %select_n3A_220 : vector<16xf32>
      %mul3A_222 = arith.constant 256 : i32
      %mul3A_223 = arith.muli %add3A_105, %mul3A_222 : i32
      %add3A_224 = arith.addi %mul3A_4, %mul3A_223 : i32
      %add3A_225 = arith.constant 48 : i32
      %add3A_226 = arith.addi %add3A_224, %add3A_225 : i32
      %add3A_227 = vector.broadcast %add3A_226 : i32 to vector<16xi32>
      %add3A_228 = arith.addi %add3A_227, %iota3A : vector<16xi32>
      %lt3A_229 = arith.constant 170000 : i32
      %lt3A_230 = vector.broadcast %lt3A_229 : i32 to vector<16xi32>
      %lt3A_231 = arith.cmpi slt, %add3A_228, %lt3A_230 : vector<16xi32>
      %jit3A_232 = arith.constant 0.000000e+00 : f32
      %broadcast_in_dim3A_233 = vector.broadcast %jit3A_232 : f32 to vector<16xf32>
      %select_n3A_234 = arith.select %lt3A_231, %exp3A_221, %broadcast_in_dim3A_233 : vector<16xi1>, vector<16xf32>
      %swap3A_235 = arith.constant 48 : index
      %swap3A_236 = tpu.vector_load %arg17[%swap3A_235] {strides = array<i32>} : memref<256xf32, #tpu.memory_space<vmem>>, vector<16xf32>,
      tpu.vector_store %arg17[%swap3A_235], %select_n3A_234 {strides = array<i32>} : memref<256xf32, #tpu.memory_space<vmem>>, vector<16xf32>,
      %get3A_237 = arith.constant 64 : index
      %get3A_238 = tpu.vector_load %arg13[%get3A_237] {strides = array<i32>} : memref<256xi32, #tpu.memory_space<vmem>>, vector<16xi32>,
      %get3A_239 = arith.constant 64 : index
      %get3A_240 = tpu.vector_load %arg15[%get3A_239] {strides = array<i32>} : memref<256xi32, #tpu.memory_space<vmem>>, vector<16xi32>,
      %gather3A_241 = tpu.vector_load_idx %arg10[%get3A_238] : memref<10240xf32, #tpu.memory_space<vmem>>[vector<16xi32>], vector<16xf32>,
      %gather3A_242 = tpu.vector_load_idx %arg11[%get3A_240] : memref<10240xf32, #tpu.memory_space<vmem>>[vector<16xi32>], vector<16xf32>,
      %add3A_243 = arith.addf %gather3A_241, %gather3A_242 : vector<16xf32>
      %ge3A_244 = arith.constant 0.000000e+00 : f32
      %ge3A_245 = vector.broadcast %ge3A_244 : f32 to vector<16xf32>
      %ge3A_246 = arith.cmpf oge, %add3A_243, %ge3A_245 : vector<16xf32>
      %mul3A_247 = arith.constant 2.000000e-01 : f32
      %mul3A_248 = vector.broadcast %mul3A_247 : f32 to vector<16xf32>
      %mul3A_249 = arith.mulf %mul3A_248, %add3A_243 : vector<16xf32>
      %select_n3A_250 = arith.select %ge3A_246, %add3A_243, %mul3A_249 : vector<16xi1>, vector<16xf32>
      %exp3A_251 = math.exp %select_n3A_250 : vector<16xf32>
      %mul3A_252 = arith.constant 256 : i32
      %mul3A_253 = arith.muli %add3A_105, %mul3A_252 : i32
      %add3A_254 = arith.addi %mul3A_4, %mul3A_253 : i32
      %add3A_255 = arith.constant 64 : i32
      %add3A_256 = arith.addi %add3A_254, %add3A_255 : i32
      %add3A_257 = vector.broadcast %add3A_256 : i32 to vector<16xi32>
      %add3A_258 = arith.addi %add3A_257, %iota3A : vector<16xi32>
      %lt3A_259 = arith.constant 170000 : i32
      %lt3A_260 = vector.broadcast %lt3A_259 : i32 to vector<16xi32>
      %lt3A_261 = arith.cmpi slt, %add3A_258, %lt3A_260 : vector<16xi32>
      %jit3A_262 = arith.constant 0.000000e+00 : f32
      %broadcast_in_dim3A_263 = vector.broadcast %jit3A_262 : f32 to vector<16xf32>
      %select_n3A_264 = arith.select %lt3A_261, %exp3A_251, %broadcast_in_dim3A_263 : vector<16xi1>, vector<16xf32>
      %swap3A_265 = arith.constant 64 : index
      %swap3A_266 = tpu.vector_load %arg17[%swap3A_265] {strides = array<i32>} : memref<256xf32, #tpu.memory_space<vmem>>, vector<16xf32>,
      tpu.vector_store %arg17[%swap3A_265], %select_n3A_264 {strides = array<i32>} : memref<256xf32, #tpu.memory_space<vmem>>, vector<16xf32>,
      %get3A_267 = arith.constant 80 : index
      %get3A_268 = tpu.vector_load %arg13[%get3A_267] {strides = array<i32>} : memref<256xi32, #tpu.memory_space<vmem>>, vector<16xi32>,
      %get3A_269 = arith.constant 80 : index
      %get3A_270 = tpu.vector_load %arg15[%get3A_269] {strides = array<i32>} : memref<256xi32, #tpu.memory_space<vmem>>, vector<16xi32>,
      %gather3A_271 = tpu.vector_load_idx %arg10[%get3A_268] : memref<10240xf32, #tpu.memory_space<vmem>>[vector<16xi32>], vector<16xf32>,
      %gather3A_272 = tpu.vector_load_idx %arg11[%get3A_270] : memref<10240xf32, #tpu.memory_space<vmem>>[vector<16xi32>], vector<16xf32>,
      %add3A_273 = arith.addf %gather3A_271, %gather3A_272 : vector<16xf32>
      %ge3A_274 = arith.constant 0.000000e+00 : f32
      %ge3A_275 = vector.broadcast %ge3A_274 : f32 to vector<16xf32>
      %ge3A_276 = arith.cmpf oge, %add3A_273, %ge3A_275 : vector<16xf32>
      %mul3A_277 = arith.constant 2.000000e-01 : f32
      %mul3A_278 = vector.broadcast %mul3A_277 : f32 to vector<16xf32>
      %mul3A_279 = arith.mulf %mul3A_278, %add3A_273 : vector<16xf32>
      %select_n3A_280 = arith.select %ge3A_276, %add3A_273, %mul3A_279 : vector<16xi1>, vector<16xf32>
      %exp3A_281 = math.exp %select_n3A_280 : vector<16xf32>
      %mul3A_282 = arith.constant 256 : i32
      %mul3A_283 = arith.muli %add3A_105, %mul3A_282 : i32
      %add3A_284 = arith.addi %mul3A_4, %mul3A_283 : i32
      %add3A_285 = arith.constant 80 : i32
      %add3A_286 = arith.addi %add3A_284, %add3A_285 : i32
      %add3A_287 = vector.broadcast %add3A_286 : i32 to vector<16xi32>
      %add3A_288 = arith.addi %add3A_287, %iota3A : vector<16xi32>
      %lt3A_289 = arith.constant 170000 : i32
      %lt3A_290 = vector.broadcast %lt3A_289 : i32 to vector<16xi32>
      %lt3A_291 = arith.cmpi slt, %add3A_288, %lt3A_290 : vector<16xi32>
      %jit3A_292 = arith.constant 0.000000e+00 : f32
      %broadcast_in_dim3A_293 = vector.broadcast %jit3A_292 : f32 to vector<16xf32>
      %select_n3A_294 = arith.select %lt3A_291, %exp3A_281, %broadcast_in_dim3A_293 : vector<16xi1>, vector<16xf32>
      %swap3A_295 = arith.constant 80 : index
      %swap3A_296 = tpu.vector_load %arg17[%swap3A_295] {strides = array<i32>} : memref<256xf32, #tpu.memory_space<vmem>>, vector<16xf32>,
      tpu.vector_store %arg17[%swap3A_295], %select_n3A_294 {strides = array<i32>} : memref<256xf32, #tpu.memory_space<vmem>>, vector<16xf32>,
      %get3A_297 = arith.constant 96 : index
      %get3A_298 = tpu.vector_load %arg13[%get3A_297] {strides = array<i32>} : memref<256xi32, #tpu.memory_space<vmem>>, vector<16xi32>,
      %get3A_299 = arith.constant 96 : index
      %get3A_300 = tpu.vector_load %arg15[%get3A_299] {strides = array<i32>} : memref<256xi32, #tpu.memory_space<vmem>>, vector<16xi32>,
      %gather3A_301 = tpu.vector_load_idx %arg10[%get3A_298] : memref<10240xf32, #tpu.memory_space<vmem>>[vector<16xi32>], vector<16xf32>,
      %gather3A_302 = tpu.vector_load_idx %arg11[%get3A_300] : memref<10240xf32, #tpu.memory_space<vmem>>[vector<16xi32>], vector<16xf32>,
      %add3A_303 = arith.addf %gather3A_301, %gather3A_302 : vector<16xf32>
      %ge3A_304 = arith.constant 0.000000e+00 : f32
      %ge3A_305 = vector.broadcast %ge3A_304 : f32 to vector<16xf32>
      %ge3A_306 = arith.cmpf oge, %add3A_303, %ge3A_305 : vector<16xf32>
      %mul3A_307 = arith.constant 2.000000e-01 : f32
      %mul3A_308 = vector.broadcast %mul3A_307 : f32 to vector<16xf32>
      %mul3A_309 = arith.mulf %mul3A_308, %add3A_303 : vector<16xf32>
      %select_n3A_310 = arith.select %ge3A_306, %add3A_303, %mul3A_309 : vector<16xi1>, vector<16xf32>
      %exp3A_311 = math.exp %select_n3A_310 : vector<16xf32>
      %mul3A_312 = arith.constant 256 : i32
      %mul3A_313 = arith.muli %add3A_105, %mul3A_312 : i32
      %add3A_314 = arith.addi %mul3A_4, %mul3A_313 : i32
      %add3A_315 = arith.constant 96 : i32
      %add3A_316 = arith.addi %add3A_314, %add3A_315 : i32
      %add3A_317 = vector.broadcast %add3A_316 : i32 to vector<16xi32>
      %add3A_318 = arith.addi %add3A_317, %iota3A : vector<16xi32>
      %lt3A_319 = arith.constant 170000 : i32
      %lt3A_320 = vector.broadcast %lt3A_319 : i32 to vector<16xi32>
      %lt3A_321 = arith.cmpi slt, %add3A_318, %lt3A_320 : vector<16xi32>
      %jit3A_322 = arith.constant 0.000000e+00 : f32
      %broadcast_in_dim3A_323 = vector.broadcast %jit3A_322 : f32 to vector<16xf32>
      %select_n3A_324 = arith.select %lt3A_321, %exp3A_311, %broadcast_in_dim3A_323 : vector<16xi1>, vector<16xf32>
      %swap3A_325 = arith.constant 96 : index
      %swap3A_326 = tpu.vector_load %arg17[%swap3A_325] {strides = array<i32>} : memref<256xf32, #tpu.memory_space<vmem>>, vector<16xf32>,
      tpu.vector_store %arg17[%swap3A_325], %select_n3A_324 {strides = array<i32>} : memref<256xf32, #tpu.memory_space<vmem>>, vector<16xf32>,
      %get3A_327 = arith.constant 112 : index
      %get3A_328 = tpu.vector_load %arg13[%get3A_327] {strides = array<i32>} : memref<256xi32, #tpu.memory_space<vmem>>, vector<16xi32>,
      %get3A_329 = arith.constant 112 : index
      %get3A_330 = tpu.vector_load %arg15[%get3A_329] {strides = array<i32>} : memref<256xi32, #tpu.memory_space<vmem>>, vector<16xi32>,
      %gather3A_331 = tpu.vector_load_idx %arg10[%get3A_328] : memref<10240xf32, #tpu.memory_space<vmem>>[vector<16xi32>], vector<16xf32>,
      %gather3A_332 = tpu.vector_load_idx %arg11[%get3A_330] : memref<10240xf32, #tpu.memory_space<vmem>>[vector<16xi32>], vector<16xf32>,
      %add3A_333 = arith.addf %gather3A_331, %gather3A_332 : vector<16xf32>
      %ge3A_334 = arith.constant 0.000000e+00 : f32
      %ge3A_335 = vector.broadcast %ge3A_334 : f32 to vector<16xf32>
      %ge3A_336 = arith.cmpf oge, %add3A_333, %ge3A_335 : vector<16xf32>
      %mul3A_337 = arith.constant 2.000000e-01 : f32
      %mul3A_338 = vector.broadcast %mul3A_337 : f32 to vector<16xf32>
      %mul3A_339 = arith.mulf %mul3A_338, %add3A_333 : vector<16xf32>
      %select_n3A_340 = arith.select %ge3A_336, %add3A_333, %mul3A_339 : vector<16xi1>, vector<16xf32>
      %exp3A_341 = math.exp %select_n3A_340 : vector<16xf32>
      %mul3A_342 = arith.constant 256 : i32
      %mul3A_343 = arith.muli %add3A_105, %mul3A_342 : i32
      %add3A_344 = arith.addi %mul3A_4, %mul3A_343 : i32
      %add3A_345 = arith.constant 112 : i32
      %add3A_346 = arith.addi %add3A_344, %add3A_345 : i32
      %add3A_347 = vector.broadcast %add3A_346 : i32 to vector<16xi32>
      %add3A_348 = arith.addi %add3A_347, %iota3A : vector<16xi32>
      %lt3A_349 = arith.constant 170000 : i32
      %lt3A_350 = vector.broadcast %lt3A_349 : i32 to vector<16xi32>
      %lt3A_351 = arith.cmpi slt, %add3A_348, %lt3A_350 : vector<16xi32>
      %jit3A_352 = arith.constant 0.000000e+00 : f32
      %broadcast_in_dim3A_353 = vector.broadcast %jit3A_352 : f32 to vector<16xf32>
      %select_n3A_354 = arith.select %lt3A_351, %exp3A_341, %broadcast_in_dim3A_353 : vector<16xi1>, vector<16xf32>
      %swap3A_355 = arith.constant 112 : index
      %swap3A_356 = tpu.vector_load %arg17[%swap3A_355] {strides = array<i32>} : memref<256xf32, #tpu.memory_space<vmem>>, vector<16xf32>,
      tpu.vector_store %arg17[%swap3A_355], %select_n3A_354 {strides = array<i32>} : memref<256xf32, #tpu.memory_space<vmem>>, vector<16xf32>,
      %get3A_357 = arith.constant 128 : index
      %get3A_358 = tpu.vector_load %arg13[%get3A_357] {strides = array<i32>} : memref<256xi32, #tpu.memory_space<vmem>>, vector<16xi32>,
      %get3A_359 = arith.constant 128 : index
      %get3A_360 = tpu.vector_load %arg15[%get3A_359] {strides = array<i32>} : memref<256xi32, #tpu.memory_space<vmem>>, vector<16xi32>,
      %gather3A_361 = tpu.vector_load_idx %arg10[%get3A_358] : memref<10240xf32, #tpu.memory_space<vmem>>[vector<16xi32>], vector<16xf32>,
      %gather3A_362 = tpu.vector_load_idx %arg11[%get3A_360] : memref<10240xf32, #tpu.memory_space<vmem>>[vector<16xi32>], vector<16xf32>,
      %add3A_363 = arith.addf %gather3A_361, %gather3A_362 : vector<16xf32>
      %ge3A_364 = arith.constant 0.000000e+00 : f32
      %ge3A_365 = vector.broadcast %ge3A_364 : f32 to vector<16xf32>
      %ge3A_366 = arith.cmpf oge, %add3A_363, %ge3A_365 : vector<16xf32>
      %mul3A_367 = arith.constant 2.000000e-01 : f32
      %mul3A_368 = vector.broadcast %mul3A_367 : f32 to vector<16xf32>
      %mul3A_369 = arith.mulf %mul3A_368, %add3A_363 : vector<16xf32>
      %select_n3A_370 = arith.select %ge3A_366, %add3A_363, %mul3A_369 : vector<16xi1>, vector<16xf32>
      %exp3A_371 = math.exp %select_n3A_370 : vector<16xf32>
      %mul3A_372 = arith.constant 256 : i32
      %mul3A_373 = arith.muli %add3A_105, %mul3A_372 : i32
      %add3A_374 = arith.addi %mul3A_4, %mul3A_373 : i32
      %add3A_375 = arith.constant 128 : i32
      %add3A_376 = arith.addi %add3A_374, %add3A_375 : i32
      %add3A_377 = vector.broadcast %add3A_376 : i32 to vector<16xi32>
      %add3A_378 = arith.addi %add3A_377, %iota3A : vector<16xi32>
      %lt3A_379 = arith.constant 170000 : i32
      %lt3A_380 = vector.broadcast %lt3A_379 : i32 to vector<16xi32>
      %lt3A_381 = arith.cmpi slt, %add3A_378, %lt3A_380 : vector<16xi32>
      %jit3A_382 = arith.constant 0.000000e+00 : f32
      %broadcast_in_dim3A_383 = vector.broadcast %jit3A_382 : f32 to vector<16xf32>
      %select_n3A_384 = arith.select %lt3A_381, %exp3A_371, %broadcast_in_dim3A_383 : vector<16xi1>, vector<16xf32>
      %swap3A_385 = arith.constant 128 : index
      %swap3A_386 = tpu.vector_load %arg17[%swap3A_385] {strides = array<i32>} : memref<256xf32, #tpu.memory_space<vmem>>, vector<16xf32>,
      tpu.vector_store %arg17[%swap3A_385], %select_n3A_384 {strides = array<i32>} : memref<256xf32, #tpu.memory_space<vmem>>, vector<16xf32>,
      %get3A_387 = arith.constant 144 : index
      %get3A_388 = tpu.vector_load %arg13[%get3A_387] {strides = array<i32>} : memref<256xi32, #tpu.memory_space<vmem>>, vector<16xi32>,
      %get3A_389 = arith.constant 144 : index
      %get3A_390 = tpu.vector_load %arg15[%get3A_389] {strides = array<i32>} : memref<256xi32, #tpu.memory_space<vmem>>, vector<16xi32>,
      %gather3A_391 = tpu.vector_load_idx %arg10[%get3A_388] : memref<10240xf32, #tpu.memory_space<vmem>>[vector<16xi32>], vector<16xf32>,
      %gather3A_392 = tpu.vector_load_idx %arg11[%get3A_390] : memref<10240xf32, #tpu.memory_space<vmem>>[vector<16xi32>], vector<16xf32>,
      %add3A_393 = arith.addf %gather3A_391, %gather3A_392 : vector<16xf32>
      %ge3A_394 = arith.constant 0.000000e+00 : f32
      %ge3A_395 = vector.broadcast %ge3A_394 : f32 to vector<16xf32>
      %ge3A_396 = arith.cmpf oge, %add3A_393, %ge3A_395 : vector<16xf32>
      %mul3A_397 = arith.constant 2.000000e-01 : f32
      %mul3A_398 = vector.broadcast %mul3A_397 : f32 to vector<16xf32>
      %mul3A_399 = arith.mulf %mul3A_398, %add3A_393 : vector<16xf32>
      %select_n3A_400 = arith.select %ge3A_396, %add3A_393, %mul3A_399 : vector<16xi1>, vector<16xf32>
      %exp3A_401 = math.exp %select_n3A_400 : vector<16xf32>
      %mul3A_402 = arith.constant 256 : i32
      %mul3A_403 = arith.muli %add3A_105, %mul3A_402 : i32
      %add3A_404 = arith.addi %mul3A_4, %mul3A_403 : i32
      %add3A_405 = arith.constant 144 : i32
      %add3A_406 = arith.addi %add3A_404, %add3A_405 : i32
      %add3A_407 = vector.broadcast %add3A_406 : i32 to vector<16xi32>
      %add3A_408 = arith.addi %add3A_407, %iota3A : vector<16xi32>
      %lt3A_409 = arith.constant 170000 : i32
      %lt3A_410 = vector.broadcast %lt3A_409 : i32 to vector<16xi32>
      %lt3A_411 = arith.cmpi slt, %add3A_408, %lt3A_410 : vector<16xi32>
      %jit3A_412 = arith.constant 0.000000e+00 : f32
      %broadcast_in_dim3A_413 = vector.broadcast %jit3A_412 : f32 to vector<16xf32>
      %select_n3A_414 = arith.select %lt3A_411, %exp3A_401, %broadcast_in_dim3A_413 : vector<16xi1>, vector<16xf32>
      %swap3A_415 = arith.constant 144 : index
      %swap3A_416 = tpu.vector_load %arg17[%swap3A_415] {strides = array<i32>} : memref<256xf32, #tpu.memory_space<vmem>>, vector<16xf32>,
      tpu.vector_store %arg17[%swap3A_415], %select_n3A_414 {strides = array<i32>} : memref<256xf32, #tpu.memory_space<vmem>>, vector<16xf32>,
      %get3A_417 = arith.constant 160 : index
      %get3A_418 = tpu.vector_load %arg13[%get3A_417] {strides = array<i32>} : memref<256xi32, #tpu.memory_space<vmem>>, vector<16xi32>,
      %get3A_419 = arith.constant 160 : index
      %get3A_420 = tpu.vector_load %arg15[%get3A_419] {strides = array<i32>} : memref<256xi32, #tpu.memory_space<vmem>>, vector<16xi32>,
      %gather3A_421 = tpu.vector_load_idx %arg10[%get3A_418] : memref<10240xf32, #tpu.memory_space<vmem>>[vector<16xi32>], vector<16xf32>,
      %gather3A_422 = tpu.vector_load_idx %arg11[%get3A_420] : memref<10240xf32, #tpu.memory_space<vmem>>[vector<16xi32>], vector<16xf32>,
      %add3A_423 = arith.addf %gather3A_421, %gather3A_422 : vector<16xf32>
      %ge3A_424 = arith.constant 0.000000e+00 : f32
      %ge3A_425 = vector.broadcast %ge3A_424 : f32 to vector<16xf32>
      %ge3A_426 = arith.cmpf oge, %add3A_423, %ge3A_425 : vector<16xf32>
      %mul3A_427 = arith.constant 2.000000e-01 : f32
      %mul3A_428 = vector.broadcast %mul3A_427 : f32 to vector<16xf32>
      %mul3A_429 = arith.mulf %mul3A_428, %add3A_423 : vector<16xf32>
      %select_n3A_430 = arith.select %ge3A_426, %add3A_423, %mul3A_429 : vector<16xi1>, vector<16xf32>
      %exp3A_431 = math.exp %select_n3A_430 : vector<16xf32>
      %mul3A_432 = arith.constant 256 : i32
      %mul3A_433 = arith.muli %add3A_105, %mul3A_432 : i32
      %add3A_434 = arith.addi %mul3A_4, %mul3A_433 : i32
      %add3A_435 = arith.constant 160 : i32
      %add3A_436 = arith.addi %add3A_434, %add3A_435 : i32
      %add3A_437 = vector.broadcast %add3A_436 : i32 to vector<16xi32>
      %add3A_438 = arith.addi %add3A_437, %iota3A : vector<16xi32>
      %lt3A_439 = arith.constant 170000 : i32
      %lt3A_440 = vector.broadcast %lt3A_439 : i32 to vector<16xi32>
      %lt3A_441 = arith.cmpi slt, %add3A_438, %lt3A_440 : vector<16xi32>
      %jit3A_442 = arith.constant 0.000000e+00 : f32
      %broadcast_in_dim3A_443 = vector.broadcast %jit3A_442 : f32 to vector<16xf32>
      %select_n3A_444 = arith.select %lt3A_441, %exp3A_431, %broadcast_in_dim3A_443 : vector<16xi1>, vector<16xf32>
      %swap3A_445 = arith.constant 160 : index
      %swap3A_446 = tpu.vector_load %arg17[%swap3A_445] {strides = array<i32>} : memref<256xf32, #tpu.memory_space<vmem>>, vector<16xf32>,
      tpu.vector_store %arg17[%swap3A_445], %select_n3A_444 {strides = array<i32>} : memref<256xf32, #tpu.memory_space<vmem>>, vector<16xf32>,
      %get3A_447 = arith.constant 176 : index
      %get3A_448 = tpu.vector_load %arg13[%get3A_447] {strides = array<i32>} : memref<256xi32, #tpu.memory_space<vmem>>, vector<16xi32>,
      %get3A_449 = arith.constant 176 : index
      %get3A_450 = tpu.vector_load %arg15[%get3A_449] {strides = array<i32>} : memref<256xi32, #tpu.memory_space<vmem>>, vector<16xi32>,
      %gather3A_451 = tpu.vector_load_idx %arg10[%get3A_448] : memref<10240xf32, #tpu.memory_space<vmem>>[vector<16xi32>], vector<16xf32>,
      %gather3A_452 = tpu.vector_load_idx %arg11[%get3A_450] : memref<10240xf32, #tpu.memory_space<vmem>>[vector<16xi32>], vector<16xf32>,
      %add3A_453 = arith.addf %gather3A_451, %gather3A_452 : vector<16xf32>
      %ge3A_454 = arith.constant 0.000000e+00 : f32
      %ge3A_455 = vector.broadcast %ge3A_454 : f32 to vector<16xf32>
      %ge3A_456 = arith.cmpf oge, %add3A_453, %ge3A_455 : vector<16xf32>
      %mul3A_457 = arith.constant 2.000000e-01 : f32
      %mul3A_458 = vector.broadcast %mul3A_457 : f32 to vector<16xf32>
      %mul3A_459 = arith.mulf %mul3A_458, %add3A_453 : vector<16xf32>
      %select_n3A_460 = arith.select %ge3A_456, %add3A_453, %mul3A_459 : vector<16xi1>, vector<16xf32>
      %exp3A_461 = math.exp %select_n3A_460 : vector<16xf32>
      %mul3A_462 = arith.constant 256 : i32
      %mul3A_463 = arith.muli %add3A_105, %mul3A_462 : i32
      %add3A_464 = arith.addi %mul3A_4, %mul3A_463 : i32
      %add3A_465 = arith.constant 176 : i32
      %add3A_466 = arith.addi %add3A_464, %add3A_465 : i32
      %add3A_467 = vector.broadcast %add3A_466 : i32 to vector<16xi32>
      %add3A_468 = arith.addi %add3A_467, %iota3A : vector<16xi32>
      %lt3A_469 = arith.constant 170000 : i32
      %lt3A_470 = vector.broadcast %lt3A_469 : i32 to vector<16xi32>
      %lt3A_471 = arith.cmpi slt, %add3A_468, %lt3A_470 : vector<16xi32>
      %jit3A_472 = arith.constant 0.000000e+00 : f32
      %broadcast_in_dim3A_473 = vector.broadcast %jit3A_472 : f32 to vector<16xf32>
      %select_n3A_474 = arith.select %lt3A_471, %exp3A_461, %broadcast_in_dim3A_473 : vector<16xi1>, vector<16xf32>
      %swap3A_475 = arith.constant 176 : index
      %swap3A_476 = tpu.vector_load %arg17[%swap3A_475] {strides = array<i32>} : memref<256xf32, #tpu.memory_space<vmem>>, vector<16xf32>,
      tpu.vector_store %arg17[%swap3A_475], %select_n3A_474 {strides = array<i32>} : memref<256xf32, #tpu.memory_space<vmem>>, vector<16xf32>,
      %get3A_477 = arith.constant 192 : index
      %get3A_478 = tpu.vector_load %arg13[%get3A_477] {strides = array<i32>} : memref<256xi32, #tpu.memory_space<vmem>>, vector<16xi32>,
      %get3A_479 = arith.constant 192 : index
      %get3A_480 = tpu.vector_load %arg15[%get3A_479] {strides = array<i32>} : memref<256xi32, #tpu.memory_space<vmem>>, vector<16xi32>,
      %gather3A_481 = tpu.vector_load_idx %arg10[%get3A_478] : memref<10240xf32, #tpu.memory_space<vmem>>[vector<16xi32>], vector<16xf32>,
      %gather3A_482 = tpu.vector_load_idx %arg11[%get3A_480] : memref<10240xf32, #tpu.memory_space<vmem>>[vector<16xi32>], vector<16xf32>,
      %add3A_483 = arith.addf %gather3A_481, %gather3A_482 : vector<16xf32>
      %ge3A_484 = arith.constant 0.000000e+00 : f32
      %ge3A_485 = vector.broadcast %ge3A_484 : f32 to vector<16xf32>
      %ge3A_486 = arith.cmpf oge, %add3A_483, %ge3A_485 : vector<16xf32>
      %mul3A_487 = arith.constant 2.000000e-01 : f32
      %mul3A_488 = vector.broadcast %mul3A_487 : f32 to vector<16xf32>
      %mul3A_489 = arith.mulf %mul3A_488, %add3A_483 : vector<16xf32>
      %select_n3A_490 = arith.select %ge3A_486, %add3A_483, %mul3A_489 : vector<16xi1>, vector<16xf32>
      %exp3A_491 = math.exp %select_n3A_490 : vector<16xf32>
      %mul3A_492 = arith.constant 256 : i32
      %mul3A_493 = arith.muli %add3A_105, %mul3A_492 : i32
      %add3A_494 = arith.addi %mul3A_4, %mul3A_493 : i32
      %add3A_495 = arith.constant 192 : i32
      %add3A_496 = arith.addi %add3A_494, %add3A_495 : i32
      %add3A_497 = vector.broadcast %add3A_496 : i32 to vector<16xi32>
      %add3A_498 = arith.addi %add3A_497, %iota3A : vector<16xi32>
      %lt3A_499 = arith.constant 170000 : i32
      %lt3A_500 = vector.broadcast %lt3A_499 : i32 to vector<16xi32>
      %lt3A_501 = arith.cmpi slt, %add3A_498, %lt3A_500 : vector<16xi32>
      %jit3A_502 = arith.constant 0.000000e+00 : f32
      %broadcast_in_dim3A_503 = vector.broadcast %jit3A_502 : f32 to vector<16xf32>
      %select_n3A_504 = arith.select %lt3A_501, %exp3A_491, %broadcast_in_dim3A_503 : vector<16xi1>, vector<16xf32>
      %swap3A_505 = arith.constant 192 : index
      %swap3A_506 = tpu.vector_load %arg17[%swap3A_505] {strides = array<i32>} : memref<256xf32, #tpu.memory_space<vmem>>, vector<16xf32>,
      tpu.vector_store %arg17[%swap3A_505], %select_n3A_504 {strides = array<i32>} : memref<256xf32, #tpu.memory_space<vmem>>, vector<16xf32>,
      %get3A_507 = arith.constant 208 : index
      %get3A_508 = tpu.vector_load %arg13[%get3A_507] {strides = array<i32>} : memref<256xi32, #tpu.memory_space<vmem>>, vector<16xi32>,
      %get3A_509 = arith.constant 208 : index
      %get3A_510 = tpu.vector_load %arg15[%get3A_509] {strides = array<i32>} : memref<256xi32, #tpu.memory_space<vmem>>, vector<16xi32>,
      %gather3A_511 = tpu.vector_load_idx %arg10[%get3A_508] : memref<10240xf32, #tpu.memory_space<vmem>>[vector<16xi32>], vector<16xf32>,
      %gather3A_512 = tpu.vector_load_idx %arg11[%get3A_510] : memref<10240xf32, #tpu.memory_space<vmem>>[vector<16xi32>], vector<16xf32>,
      %add3A_513 = arith.addf %gather3A_511, %gather3A_512 : vector<16xf32>
      %ge3A_514 = arith.constant 0.000000e+00 : f32
      %ge3A_515 = vector.broadcast %ge3A_514 : f32 to vector<16xf32>
      %ge3A_516 = arith.cmpf oge, %add3A_513, %ge3A_515 : vector<16xf32>
      %mul3A_517 = arith.constant 2.000000e-01 : f32
      %mul3A_518 = vector.broadcast %mul3A_517 : f32 to vector<16xf32>
      %mul3A_519 = arith.mulf %mul3A_518, %add3A_513 : vector<16xf32>
      %select_n3A_520 = arith.select %ge3A_516, %add3A_513, %mul3A_519 : vector<16xi1>, vector<16xf32>
      %exp3A_521 = math.exp %select_n3A_520 : vector<16xf32>
      %mul3A_522 = arith.constant 256 : i32
      %mul3A_523 = arith.muli %add3A_105, %mul3A_522 : i32
      %add3A_524 = arith.addi %mul3A_4, %mul3A_523 : i32
      %add3A_525 = arith.constant 208 : i32
      %add3A_526 = arith.addi %add3A_524, %add3A_525 : i32
      %add3A_527 = vector.broadcast %add3A_526 : i32 to vector<16xi32>
      %add3A_528 = arith.addi %add3A_527, %iota3A : vector<16xi32>
      %lt3A_529 = arith.constant 170000 : i32
      %lt3A_530 = vector.broadcast %lt3A_529 : i32 to vector<16xi32>
      %lt3A_531 = arith.cmpi slt, %add3A_528, %lt3A_530 : vector<16xi32>
      %jit3A_532 = arith.constant 0.000000e+00 : f32
      %broadcast_in_dim3A_533 = vector.broadcast %jit3A_532 : f32 to vector<16xf32>
      %select_n3A_534 = arith.select %lt3A_531, %exp3A_521, %broadcast_in_dim3A_533 : vector<16xi1>, vector<16xf32>
      %swap3A_535 = arith.constant 208 : index
      %swap3A_536 = tpu.vector_load %arg17[%swap3A_535] {strides = array<i32>} : memref<256xf32, #tpu.memory_space<vmem>>, vector<16xf32>,
      tpu.vector_store %arg17[%swap3A_535], %select_n3A_534 {strides = array<i32>} : memref<256xf32, #tpu.memory_space<vmem>>, vector<16xf32>,
      %get3A_537 = arith.constant 224 : index
      %get3A_538 = tpu.vector_load %arg13[%get3A_537] {strides = array<i32>} : memref<256xi32, #tpu.memory_space<vmem>>, vector<16xi32>,
      %get3A_539 = arith.constant 224 : index
      %get3A_540 = tpu.vector_load %arg15[%get3A_539] {strides = array<i32>} : memref<256xi32, #tpu.memory_space<vmem>>, vector<16xi32>,
      %gather3A_541 = tpu.vector_load_idx %arg10[%get3A_538] : memref<10240xf32, #tpu.memory_space<vmem>>[vector<16xi32>], vector<16xf32>,
      %gather3A_542 = tpu.vector_load_idx %arg11[%get3A_540] : memref<10240xf32, #tpu.memory_space<vmem>>[vector<16xi32>], vector<16xf32>,
      %add3A_543 = arith.addf %gather3A_541, %gather3A_542 : vector<16xf32>
      %ge3A_544 = arith.constant 0.000000e+00 : f32
      %ge3A_545 = vector.broadcast %ge3A_544 : f32 to vector<16xf32>
      %ge3A_546 = arith.cmpf oge, %add3A_543, %ge3A_545 : vector<16xf32>
      %mul3A_547 = arith.constant 2.000000e-01 : f32
      %mul3A_548 = vector.broadcast %mul3A_547 : f32 to vector<16xf32>
      %mul3A_549 = arith.mulf %mul3A_548, %add3A_543 : vector<16xf32>
      %select_n3A_550 = arith.select %ge3A_546, %add3A_543, %mul3A_549 : vector<16xi1>, vector<16xf32>
      %exp3A_551 = math.exp %select_n3A_550 : vector<16xf32>
      %mul3A_552 = arith.constant 256 : i32
      %mul3A_553 = arith.muli %add3A_105, %mul3A_552 : i32
      %add3A_554 = arith.addi %mul3A_4, %mul3A_553 : i32
      %add3A_555 = arith.constant 224 : i32
      %add3A_556 = arith.addi %add3A_554, %add3A_555 : i32
      %add3A_557 = vector.broadcast %add3A_556 : i32 to vector<16xi32>
      %add3A_558 = arith.addi %add3A_557, %iota3A : vector<16xi32>
      %lt3A_559 = arith.constant 170000 : i32
      %lt3A_560 = vector.broadcast %lt3A_559 : i32 to vector<16xi32>
      %lt3A_561 = arith.cmpi slt, %add3A_558, %lt3A_560 : vector<16xi32>
      %jit3A_562 = arith.constant 0.000000e+00 : f32
      %broadcast_in_dim3A_563 = vector.broadcast %jit3A_562 : f32 to vector<16xf32>
      %select_n3A_564 = arith.select %lt3A_561, %exp3A_551, %broadcast_in_dim3A_563 : vector<16xi1>, vector<16xf32>
      %swap3A_565 = arith.constant 224 : index
      %swap3A_566 = tpu.vector_load %arg17[%swap3A_565] {strides = array<i32>} : memref<256xf32, #tpu.memory_space<vmem>>, vector<16xf32>,
      tpu.vector_store %arg17[%swap3A_565], %select_n3A_564 {strides = array<i32>} : memref<256xf32, #tpu.memory_space<vmem>>, vector<16xf32>,
      %get3A_567 = arith.constant 240 : index
      %get3A_568 = tpu.vector_load %arg13[%get3A_567] {strides = array<i32>} : memref<256xi32, #tpu.memory_space<vmem>>, vector<16xi32>,
      %get3A_569 = arith.constant 240 : index
      %get3A_570 = tpu.vector_load %arg15[%get3A_569] {strides = array<i32>} : memref<256xi32, #tpu.memory_space<vmem>>, vector<16xi32>,
      %gather3A_571 = tpu.vector_load_idx %arg10[%get3A_568] : memref<10240xf32, #tpu.memory_space<vmem>>[vector<16xi32>], vector<16xf32>,
      %gather3A_572 = tpu.vector_load_idx %arg11[%get3A_570] : memref<10240xf32, #tpu.memory_space<vmem>>[vector<16xi32>], vector<16xf32>,
      %add3A_573 = arith.addf %gather3A_571, %gather3A_572 : vector<16xf32>
      %ge3A_574 = arith.constant 0.000000e+00 : f32
      %ge3A_575 = vector.broadcast %ge3A_574 : f32 to vector<16xf32>
      %ge3A_576 = arith.cmpf oge, %add3A_573, %ge3A_575 : vector<16xf32>
      %mul3A_577 = arith.constant 2.000000e-01 : f32
      %mul3A_578 = vector.broadcast %mul3A_577 : f32 to vector<16xf32>
      %mul3A_579 = arith.mulf %mul3A_578, %add3A_573 : vector<16xf32>
      %select_n3A_580 = arith.select %ge3A_576, %add3A_573, %mul3A_579 : vector<16xi1>, vector<16xf32>
      %exp3A_581 = math.exp %select_n3A_580 : vector<16xf32>
      %mul3A_582 = arith.constant 256 : i32
      %mul3A_583 = arith.muli %add3A_105, %mul3A_582 : i32
      %add3A_584 = arith.addi %mul3A_4, %mul3A_583 : i32
      %add3A_585 = arith.constant 240 : i32
      %add3A_586 = arith.addi %add3A_584, %add3A_585 : i32
      %add3A_587 = vector.broadcast %add3A_586 : i32 to vector<16xi32>
      %add3A_588 = arith.addi %add3A_587, %iota3A : vector<16xi32>
      %lt3A_589 = arith.constant 170000 : i32
      %lt3A_590 = vector.broadcast %lt3A_589 : i32 to vector<16xi32>
      %lt3A_591 = arith.cmpi slt, %add3A_588, %lt3A_590 : vector<16xi32>
      %jit3A_592 = arith.constant 0.000000e+00 : f32
      %broadcast_in_dim3A_593 = vector.broadcast %jit3A_592 : f32 to vector<16xf32>
      %select_n3A_594 = arith.select %lt3A_591, %exp3A_581, %broadcast_in_dim3A_593 : vector<16xi1>, vector<16xf32>
      %swap3A_595 = arith.constant 240 : index
      %swap3A_596 = tpu.vector_load %arg17[%swap3A_595] {strides = array<i32>} : memref<256xf32, #tpu.memory_space<vmem>>, vector<16xf32>,
      tpu.vector_store %arg17[%swap3A_595], %select_n3A_594 {strides = array<i32>} : memref<256xf32, #tpu.memory_space<vmem>>, vector<16xf32>,
      %dma_start3A_597 = arith.constant 0 : i32
      %dma_start3A_598 = tpu.memref_slice %arg35[%dma_start3A_597] : memref<10240xf32, #tpu.memory_space<vmem_shared>> -> memref<10240xf32, #tpu.memory_space<vmem_shared>>
      tpu.enqueue_indirect_dma source(%arg17 : memref<256xf32, #tpu.memory_space<vmem>>) target(%dma_start3A_598 : memref<10240xf32, #tpu.memory_space<vmem_shared>>) offsets(%arg15 : memref<256xi32, #tpu.memory_space<vmem>>) semaphore(%arg39 : memref<!tpu.dma_semaphore, #tpu.memory_space<semaphore_mem>>) {add = true}
      %mul3A_599 = arith.constant 2 : i32
      %mul3A_600 = arith.muli %mul3A_599, %scan3A_101 : i32
      %add3A_601 = arith.constant 1 : i32
      %add3A_602 = arith.addi %mul3A_600, %add3A_601 : i32
      %mul3A_603 = arith.constant 256 : i32
      %mul3A_604 = arith.muli %add3A_602, %mul3A_603 : i32
      %add3A_605 = arith.addi %mul3A_4, %mul3A_604 : i32
      %dma_wait3A_606 = tpu.memref_slice %arg4[%add3A_605] : memref<172032xi32, #tpu.memory_space<hbm>> -> memref<256xi32, #tpu.memory_space<hbm>>
      %dma_wait3A_607 = tpu.memref_slice %arg4[%add3A_605] : memref<172032xi32, #tpu.memory_space<hbm>> -> memref<256xi32, #tpu.memory_space<hbm>>
      tpu.wait_dma2 semaphore(%arg38 : memref<!tpu.dma_semaphore, #tpu.memory_space<semaphore_mem>>) src(%dma_wait3A_607 : memref<256xi32, #tpu.memory_space<hbm>>) dst(%arg14 : memref<256xi32, #tpu.memory_space<vmem>>)
      %mul3A_608 = arith.constant 256 : i32
      %mul3A_609 = arith.muli %add3A_602, %mul3A_608 : i32
      %add3A_610 = arith.addi %mul3A_4, %mul3A_609 : i32
      %dma_wait3A_611 = tpu.memref_slice %arg5[%add3A_610] : memref<172032xi32, #tpu.memory_space<hbm>> -> memref<256xi32, #tpu.memory_space<hbm>>
      %dma_wait3A_612 = tpu.memref_slice %arg5[%add3A_610] : memref<172032xi32, #tpu.memory_space<hbm>> -> memref<256xi32, #tpu.memory_space<hbm>>
      tpu.wait_dma2 semaphore(%arg38 : memref<!tpu.dma_semaphore, #tpu.memory_space<semaphore_mem>>) src(%dma_wait3A_612 : memref<256xi32, #tpu.memory_space<hbm>>) dst(%arg16 : memref<256xi32, #tpu.memory_space<vmem>>)
      %ge3A_613 = arith.constant 1 : i32
      %ge3A_614 = arith.cmpi sge, %add3A_602, %ge3A_613 : i32
      %convert_element_type3A_615 = arith.extui %ge3A_614 : i1 to i32
      %cond3A_616 = arith.constant 0 : i32
      %cond3A_617 = arith.cmpi ne, %convert_element_type3A_615, %cond3A_616 : i32
      scf.if %cond3A_617 {
        %dma_wait3A_1107 = arith.constant 0 : i32
        %dma_wait3A_1108 = tpu.memref_slice %arg35[%dma_wait3A_1107] : memref<10240xf32, #tpu.memory_space<vmem_shared>> -> memref<10240xf32, #tpu.memory_space<vmem_shared>>
        tpu.wait_indirect_dma semaphore(%arg39 : memref<!tpu.dma_semaphore, #tpu.memory_space<semaphore_mem>>) src(%arg17 : memref<256xf32, #tpu.memory_space<vmem>>) dst(%dma_wait3A_1108 : memref<10240xf32, #tpu.memory_space<vmem_shared>>)
      } else {
      }
      %add3A_618 = arith.constant 1 : i32
      %add3A_619 = arith.addi %add3A_602, %add3A_618 : i32
      %lt3A_620 = arith.constant 42 : i32
      %lt3A_621 = arith.cmpi slt, %add3A_619, %lt3A_620 : i32
      %convert_element_type3A_622 = arith.extui %lt3A_621 : i1 to i32
      %cond3A_623 = arith.constant 0 : i32
      %cond3A_624 = arith.cmpi ne, %convert_element_type3A_622, %cond3A_623 : i32
      scf.if %cond3A_624 {
        %add3A_1107 = arith.constant 1 : i32
        %add3A_1108 = arith.addi %add3A_602, %add3A_1107 : i32
        %mul3A_1109 = arith.constant 256 : i32
        %mul3A_1110 = arith.muli %add3A_1108, %mul3A_1109 : i32
        %add3A_1111 = arith.addi %mul3A_4, %mul3A_1110 : i32
        %dma_start3A_1112 = tpu.memref_slice %arg4[%add3A_1111] : memref<172032xi32, #tpu.memory_space<hbm>> -> memref<256xi32, #tpu.memory_space<hbm>>
        %dma_start3A_1113 = tpu.memref_slice %arg4[%add3A_1111] : memref<172032xi32, #tpu.memory_space<hbm>> -> memref<256xi32, #tpu.memory_space<hbm>>
        tpu.enqueue_dma source(%dma_start3A_1113 : memref<256xi32, #tpu.memory_space<hbm>>) target(%arg13 : memref<256xi32, #tpu.memory_space<vmem>>) target_semaphore(%arg37 : memref<!tpu.dma_semaphore, #tpu.memory_space<semaphore_mem>>)
        %mul3A_1114 = arith.constant 256 : i32
        %mul3A_1115 = arith.muli %add3A_1108, %mul3A_1114 : i32
        %add3A_1116 = arith.addi %mul3A_4, %mul3A_1115 : i32
        %dma_start3A_1117 = tpu.memref_slice %arg5[%add3A_1116] : memref<172032xi32, #tpu.memory_space<hbm>> -> memref<256xi32, #tpu.memory_space<hbm>>
        %dma_start3A_1118 = tpu.memref_slice %arg5[%add3A_1116] : memref<172032xi32, #tpu.memory_space<hbm>> -> memref<256xi32, #tpu.memory_space<hbm>>
        tpu.enqueue_dma source(%dma_start3A_1118 : memref<256xi32, #tpu.memory_space<hbm>>) target(%arg15 : memref<256xi32, #tpu.memory_space<vmem>>) target_semaphore(%arg37 : memref<!tpu.dma_semaphore, #tpu.memory_space<semaphore_mem>>)
      } else {
      }
      %get3A_625 = arith.constant 0 : index
      %get3A_626 = tpu.vector_load %arg14[%get3A_625] {strides = array<i32>} : memref<256xi32, #tpu.memory_space<vmem>>, vector<16xi32>,
      %get3A_627 = arith.constant 0 : index
      %get3A_628 = tpu.vector_load %arg16[%get3A_627] {strides = array<i32>} : memref<256xi32, #tpu.memory_space<vmem>>, vector<16xi32>,
      %gather3A_629 = tpu.vector_load_idx %arg10[%get3A_626] : memref<10240xf32, #tpu.memory_space<vmem>>[vector<16xi32>], vector<16xf32>,
      %gather3A_630 = tpu.vector_load_idx %arg11[%get3A_628] : memref<10240xf32, #tpu.memory_space<vmem>>[vector<16xi32>], vector<16xf32>,
      %add3A_631 = arith.addf %gather3A_629, %gather3A_630 : vector<16xf32>
      %ge3A_632 = arith.constant 0.000000e+00 : f32
      %ge3A_633 = vector.broadcast %ge3A_632 : f32 to vector<16xf32>
      %ge3A_634 = arith.cmpf oge, %add3A_631, %ge3A_633 : vector<16xf32>
      %mul3A_635 = arith.constant 2.000000e-01 : f32
      %mul3A_636 = vector.broadcast %mul3A_635 : f32 to vector<16xf32>
      %mul3A_637 = arith.mulf %mul3A_636, %add3A_631 : vector<16xf32>
      %select_n3A_638 = arith.select %ge3A_634, %add3A_631, %mul3A_637 : vector<16xi1>, vector<16xf32>
      %exp3A_639 = math.exp %select_n3A_638 : vector<16xf32>
      %mul3A_640 = arith.constant 256 : i32
      %mul3A_641 = arith.muli %add3A_602, %mul3A_640 : i32
      %add3A_642 = arith.addi %mul3A_4, %mul3A_641 : i32
      %add3A_643 = arith.constant 0 : i32
      %add3A_644 = arith.addi %add3A_642, %add3A_643 : i32
      %add3A_645 = vector.broadcast %add3A_644 : i32 to vector<16xi32>
      %add3A_646 = arith.addi %add3A_645, %iota3A : vector<16xi32>
      %lt3A_647 = arith.constant 170000 : i32
      %lt3A_648 = vector.broadcast %lt3A_647 : i32 to vector<16xi32>
      %lt3A_649 = arith.cmpi slt, %add3A_646, %lt3A_648 : vector<16xi32>
      %jit3A_650 = arith.constant 0.000000e+00 : f32
      %broadcast_in_dim3A_651 = vector.broadcast %jit3A_650 : f32 to vector<16xf32>
      %select_n3A_652 = arith.select %lt3A_649, %exp3A_639, %broadcast_in_dim3A_651 : vector<16xi1>, vector<16xf32>
      %swap3A_653 = arith.constant 0 : index
      %swap3A_654 = tpu.vector_load %arg18[%swap3A_653] {strides = array<i32>} : memref<256xf32, #tpu.memory_space<vmem>>, vector<16xf32>,
      tpu.vector_store %arg18[%swap3A_653], %select_n3A_652 {strides = array<i32>} : memref<256xf32, #tpu.memory_space<vmem>>, vector<16xf32>,
      %get3A_655 = arith.constant 16 : index
      %get3A_656 = tpu.vector_load %arg14[%get3A_655] {strides = array<i32>} : memref<256xi32, #tpu.memory_space<vmem>>, vector<16xi32>,
      %get3A_657 = arith.constant 16 : index
      %get3A_658 = tpu.vector_load %arg16[%get3A_657] {strides = array<i32>} : memref<256xi32, #tpu.memory_space<vmem>>, vector<16xi32>,
      %gather3A_659 = tpu.vector_load_idx %arg10[%get3A_656] : memref<10240xf32, #tpu.memory_space<vmem>>[vector<16xi32>], vector<16xf32>,
      %gather3A_660 = tpu.vector_load_idx %arg11[%get3A_658] : memref<10240xf32, #tpu.memory_space<vmem>>[vector<16xi32>], vector<16xf32>,
      %add3A_661 = arith.addf %gather3A_659, %gather3A_660 : vector<16xf32>
      %ge3A_662 = arith.constant 0.000000e+00 : f32
      %ge3A_663 = vector.broadcast %ge3A_662 : f32 to vector<16xf32>
      %ge3A_664 = arith.cmpf oge, %add3A_661, %ge3A_663 : vector<16xf32>
      %mul3A_665 = arith.constant 2.000000e-01 : f32
      %mul3A_666 = vector.broadcast %mul3A_665 : f32 to vector<16xf32>
      %mul3A_667 = arith.mulf %mul3A_666, %add3A_661 : vector<16xf32>
      %select_n3A_668 = arith.select %ge3A_664, %add3A_661, %mul3A_667 : vector<16xi1>, vector<16xf32>
      %exp3A_669 = math.exp %select_n3A_668 : vector<16xf32>
      %mul3A_670 = arith.constant 256 : i32
      %mul3A_671 = arith.muli %add3A_602, %mul3A_670 : i32
      %add3A_672 = arith.addi %mul3A_4, %mul3A_671 : i32
      %add3A_673 = arith.constant 16 : i32
      %add3A_674 = arith.addi %add3A_672, %add3A_673 : i32
      %add3A_675 = vector.broadcast %add3A_674 : i32 to vector<16xi32>
      %add3A_676 = arith.addi %add3A_675, %iota3A : vector<16xi32>
      %lt3A_677 = arith.constant 170000 : i32
      %lt3A_678 = vector.broadcast %lt3A_677 : i32 to vector<16xi32>
      %lt3A_679 = arith.cmpi slt, %add3A_676, %lt3A_678 : vector<16xi32>
      %jit3A_680 = arith.constant 0.000000e+00 : f32
      %broadcast_in_dim3A_681 = vector.broadcast %jit3A_680 : f32 to vector<16xf32>
      %select_n3A_682 = arith.select %lt3A_679, %exp3A_669, %broadcast_in_dim3A_681 : vector<16xi1>, vector<16xf32>
      %swap3A_683 = arith.constant 16 : index
      %swap3A_684 = tpu.vector_load %arg18[%swap3A_683] {strides = array<i32>} : memref<256xf32, #tpu.memory_space<vmem>>, vector<16xf32>,
      tpu.vector_store %arg18[%swap3A_683], %select_n3A_682 {strides = array<i32>} : memref<256xf32, #tpu.memory_space<vmem>>, vector<16xf32>,
      %get3A_685 = arith.constant 32 : index
      %get3A_686 = tpu.vector_load %arg14[%get3A_685] {strides = array<i32>} : memref<256xi32, #tpu.memory_space<vmem>>, vector<16xi32>,
      %get3A_687 = arith.constant 32 : index
      %get3A_688 = tpu.vector_load %arg16[%get3A_687] {strides = array<i32>} : memref<256xi32, #tpu.memory_space<vmem>>, vector<16xi32>,
      %gather3A_689 = tpu.vector_load_idx %arg10[%get3A_686] : memref<10240xf32, #tpu.memory_space<vmem>>[vector<16xi32>], vector<16xf32>,
      %gather3A_690 = tpu.vector_load_idx %arg11[%get3A_688] : memref<10240xf32, #tpu.memory_space<vmem>>[vector<16xi32>], vector<16xf32>,
      %add3A_691 = arith.addf %gather3A_689, %gather3A_690 : vector<16xf32>
      %ge3A_692 = arith.constant 0.000000e+00 : f32
      %ge3A_693 = vector.broadcast %ge3A_692 : f32 to vector<16xf32>
      %ge3A_694 = arith.cmpf oge, %add3A_691, %ge3A_693 : vector<16xf32>
      %mul3A_695 = arith.constant 2.000000e-01 : f32
      %mul3A_696 = vector.broadcast %mul3A_695 : f32 to vector<16xf32>
      %mul3A_697 = arith.mulf %mul3A_696, %add3A_691 : vector<16xf32>
      %select_n3A_698 = arith.select %ge3A_694, %add3A_691, %mul3A_697 : vector<16xi1>, vector<16xf32>
      %exp3A_699 = math.exp %select_n3A_698 : vector<16xf32>
      %mul3A_700 = arith.constant 256 : i32
      %mul3A_701 = arith.muli %add3A_602, %mul3A_700 : i32
      %add3A_702 = arith.addi %mul3A_4, %mul3A_701 : i32
      %add3A_703 = arith.constant 32 : i32
      %add3A_704 = arith.addi %add3A_702, %add3A_703 : i32
      %add3A_705 = vector.broadcast %add3A_704 : i32 to vector<16xi32>
      %add3A_706 = arith.addi %add3A_705, %iota3A : vector<16xi32>
      %lt3A_707 = arith.constant 170000 : i32
      %lt3A_708 = vector.broadcast %lt3A_707 : i32 to vector<16xi32>
      %lt3A_709 = arith.cmpi slt, %add3A_706, %lt3A_708 : vector<16xi32>
      %jit3A_710 = arith.constant 0.000000e+00 : f32
      %broadcast_in_dim3A_711 = vector.broadcast %jit3A_710 : f32 to vector<16xf32>
      %select_n3A_712 = arith.select %lt3A_709, %exp3A_699, %broadcast_in_dim3A_711 : vector<16xi1>, vector<16xf32>
      %swap3A_713 = arith.constant 32 : index
      %swap3A_714 = tpu.vector_load %arg18[%swap3A_713] {strides = array<i32>} : memref<256xf32, #tpu.memory_space<vmem>>, vector<16xf32>,
      tpu.vector_store %arg18[%swap3A_713], %select_n3A_712 {strides = array<i32>} : memref<256xf32, #tpu.memory_space<vmem>>, vector<16xf32>,
      %get3A_715 = arith.constant 48 : index
      %get3A_716 = tpu.vector_load %arg14[%get3A_715] {strides = array<i32>} : memref<256xi32, #tpu.memory_space<vmem>>, vector<16xi32>,
      %get3A_717 = arith.constant 48 : index
      %get3A_718 = tpu.vector_load %arg16[%get3A_717] {strides = array<i32>} : memref<256xi32, #tpu.memory_space<vmem>>, vector<16xi32>,
      %gather3A_719 = tpu.vector_load_idx %arg10[%get3A_716] : memref<10240xf32, #tpu.memory_space<vmem>>[vector<16xi32>], vector<16xf32>,
      %gather3A_720 = tpu.vector_load_idx %arg11[%get3A_718] : memref<10240xf32, #tpu.memory_space<vmem>>[vector<16xi32>], vector<16xf32>,
      %add3A_721 = arith.addf %gather3A_719, %gather3A_720 : vector<16xf32>
      %ge3A_722 = arith.constant 0.000000e+00 : f32
      %ge3A_723 = vector.broadcast %ge3A_722 : f32 to vector<16xf32>
      %ge3A_724 = arith.cmpf oge, %add3A_721, %ge3A_723 : vector<16xf32>
      %mul3A_725 = arith.constant 2.000000e-01 : f32
      %mul3A_726 = vector.broadcast %mul3A_725 : f32 to vector<16xf32>
      %mul3A_727 = arith.mulf %mul3A_726, %add3A_721 : vector<16xf32>
      %select_n3A_728 = arith.select %ge3A_724, %add3A_721, %mul3A_727 : vector<16xi1>, vector<16xf32>
      %exp3A_729 = math.exp %select_n3A_728 : vector<16xf32>
      %mul3A_730 = arith.constant 256 : i32
      %mul3A_731 = arith.muli %add3A_602, %mul3A_730 : i32
      %add3A_732 = arith.addi %mul3A_4, %mul3A_731 : i32
      %add3A_733 = arith.constant 48 : i32
      %add3A_734 = arith.addi %add3A_732, %add3A_733 : i32
      %add3A_735 = vector.broadcast %add3A_734 : i32 to vector<16xi32>
      %add3A_736 = arith.addi %add3A_735, %iota3A : vector<16xi32>
      %lt3A_737 = arith.constant 170000 : i32
      %lt3A_738 = vector.broadcast %lt3A_737 : i32 to vector<16xi32>
      %lt3A_739 = arith.cmpi slt, %add3A_736, %lt3A_738 : vector<16xi32>
      %jit3A_740 = arith.constant 0.000000e+00 : f32
      %broadcast_in_dim3A_741 = vector.broadcast %jit3A_740 : f32 to vector<16xf32>
      %select_n3A_742 = arith.select %lt3A_739, %exp3A_729, %broadcast_in_dim3A_741 : vector<16xi1>, vector<16xf32>
      %swap3A_743 = arith.constant 48 : index
      %swap3A_744 = tpu.vector_load %arg18[%swap3A_743] {strides = array<i32>} : memref<256xf32, #tpu.memory_space<vmem>>, vector<16xf32>,
      tpu.vector_store %arg18[%swap3A_743], %select_n3A_742 {strides = array<i32>} : memref<256xf32, #tpu.memory_space<vmem>>, vector<16xf32>,
      %get3A_745 = arith.constant 64 : index
      %get3A_746 = tpu.vector_load %arg14[%get3A_745] {strides = array<i32>} : memref<256xi32, #tpu.memory_space<vmem>>, vector<16xi32>,
      %get3A_747 = arith.constant 64 : index
      %get3A_748 = tpu.vector_load %arg16[%get3A_747] {strides = array<i32>} : memref<256xi32, #tpu.memory_space<vmem>>, vector<16xi32>,
      %gather3A_749 = tpu.vector_load_idx %arg10[%get3A_746] : memref<10240xf32, #tpu.memory_space<vmem>>[vector<16xi32>], vector<16xf32>,
      %gather3A_750 = tpu.vector_load_idx %arg11[%get3A_748] : memref<10240xf32, #tpu.memory_space<vmem>>[vector<16xi32>], vector<16xf32>,
      %add3A_751 = arith.addf %gather3A_749, %gather3A_750 : vector<16xf32>
      %ge3A_752 = arith.constant 0.000000e+00 : f32
      %ge3A_753 = vector.broadcast %ge3A_752 : f32 to vector<16xf32>
      %ge3A_754 = arith.cmpf oge, %add3A_751, %ge3A_753 : vector<16xf32>
      %mul3A_755 = arith.constant 2.000000e-01 : f32
      %mul3A_756 = vector.broadcast %mul3A_755 : f32 to vector<16xf32>
      %mul3A_757 = arith.mulf %mul3A_756, %add3A_751 : vector<16xf32>
      %select_n3A_758 = arith.select %ge3A_754, %add3A_751, %mul3A_757 : vector<16xi1>, vector<16xf32>
      %exp3A_759 = math.exp %select_n3A_758 : vector<16xf32>
      %mul3A_760 = arith.constant 256 : i32
      %mul3A_761 = arith.muli %add3A_602, %mul3A_760 : i32
      %add3A_762 = arith.addi %mul3A_4, %mul3A_761 : i32
      %add3A_763 = arith.constant 64 : i32
      %add3A_764 = arith.addi %add3A_762, %add3A_763 : i32
      %add3A_765 = vector.broadcast %add3A_764 : i32 to vector<16xi32>
      %add3A_766 = arith.addi %add3A_765, %iota3A : vector<16xi32>
      %lt3A_767 = arith.constant 170000 : i32
      %lt3A_768 = vector.broadcast %lt3A_767 : i32 to vector<16xi32>
      %lt3A_769 = arith.cmpi slt, %add3A_766, %lt3A_768 : vector<16xi32>
      %jit3A_770 = arith.constant 0.000000e+00 : f32
      %broadcast_in_dim3A_771 = vector.broadcast %jit3A_770 : f32 to vector<16xf32>
      %select_n3A_772 = arith.select %lt3A_769, %exp3A_759, %broadcast_in_dim3A_771 : vector<16xi1>, vector<16xf32>
      %swap3A_773 = arith.constant 64 : index
      %swap3A_774 = tpu.vector_load %arg18[%swap3A_773] {strides = array<i32>} : memref<256xf32, #tpu.memory_space<vmem>>, vector<16xf32>,
      tpu.vector_store %arg18[%swap3A_773], %select_n3A_772 {strides = array<i32>} : memref<256xf32, #tpu.memory_space<vmem>>, vector<16xf32>,
      %get3A_775 = arith.constant 80 : index
      %get3A_776 = tpu.vector_load %arg14[%get3A_775] {strides = array<i32>} : memref<256xi32, #tpu.memory_space<vmem>>, vector<16xi32>,
      %get3A_777 = arith.constant 80 : index
      %get3A_778 = tpu.vector_load %arg16[%get3A_777] {strides = array<i32>} : memref<256xi32, #tpu.memory_space<vmem>>, vector<16xi32>,
      %gather3A_779 = tpu.vector_load_idx %arg10[%get3A_776] : memref<10240xf32, #tpu.memory_space<vmem>>[vector<16xi32>], vector<16xf32>,
      %gather3A_780 = tpu.vector_load_idx %arg11[%get3A_778] : memref<10240xf32, #tpu.memory_space<vmem>>[vector<16xi32>], vector<16xf32>,
      %add3A_781 = arith.addf %gather3A_779, %gather3A_780 : vector<16xf32>
      %ge3A_782 = arith.constant 0.000000e+00 : f32
      %ge3A_783 = vector.broadcast %ge3A_782 : f32 to vector<16xf32>
      %ge3A_784 = arith.cmpf oge, %add3A_781, %ge3A_783 : vector<16xf32>
      %mul3A_785 = arith.constant 2.000000e-01 : f32
      %mul3A_786 = vector.broadcast %mul3A_785 : f32 to vector<16xf32>
      %mul3A_787 = arith.mulf %mul3A_786, %add3A_781 : vector<16xf32>
      %select_n3A_788 = arith.select %ge3A_784, %add3A_781, %mul3A_787 : vector<16xi1>, vector<16xf32>
      %exp3A_789 = math.exp %select_n3A_788 : vector<16xf32>
      %mul3A_790 = arith.constant 256 : i32
      %mul3A_791 = arith.muli %add3A_602, %mul3A_790 : i32
      %add3A_792 = arith.addi %mul3A_4, %mul3A_791 : i32
      %add3A_793 = arith.constant 80 : i32
      %add3A_794 = arith.addi %add3A_792, %add3A_793 : i32
      %add3A_795 = vector.broadcast %add3A_794 : i32 to vector<16xi32>
      %add3A_796 = arith.addi %add3A_795, %iota3A : vector<16xi32>
      %lt3A_797 = arith.constant 170000 : i32
      %lt3A_798 = vector.broadcast %lt3A_797 : i32 to vector<16xi32>
      %lt3A_799 = arith.cmpi slt, %add3A_796, %lt3A_798 : vector<16xi32>
      %jit3A_800 = arith.constant 0.000000e+00 : f32
      %broadcast_in_dim3A_801 = vector.broadcast %jit3A_800 : f32 to vector<16xf32>
      %select_n3A_802 = arith.select %lt3A_799, %exp3A_789, %broadcast_in_dim3A_801 : vector<16xi1>, vector<16xf32>
      %swap3A_803 = arith.constant 80 : index
      %swap3A_804 = tpu.vector_load %arg18[%swap3A_803] {strides = array<i32>} : memref<256xf32, #tpu.memory_space<vmem>>, vector<16xf32>,
      tpu.vector_store %arg18[%swap3A_803], %select_n3A_802 {strides = array<i32>} : memref<256xf32, #tpu.memory_space<vmem>>, vector<16xf32>,
      %get3A_805 = arith.constant 96 : index
      %get3A_806 = tpu.vector_load %arg14[%get3A_805] {strides = array<i32>} : memref<256xi32, #tpu.memory_space<vmem>>, vector<16xi32>,
      %get3A_807 = arith.constant 96 : index
      %get3A_808 = tpu.vector_load %arg16[%get3A_807] {strides = array<i32>} : memref<256xi32, #tpu.memory_space<vmem>>, vector<16xi32>,
      %gather3A_809 = tpu.vector_load_idx %arg10[%get3A_806] : memref<10240xf32, #tpu.memory_space<vmem>>[vector<16xi32>], vector<16xf32>,
      %gather3A_810 = tpu.vector_load_idx %arg11[%get3A_808] : memref<10240xf32, #tpu.memory_space<vmem>>[vector<16xi32>], vector<16xf32>,
      %add3A_811 = arith.addf %gather3A_809, %gather3A_810 : vector<16xf32>
      %ge3A_812 = arith.constant 0.000000e+00 : f32
      %ge3A_813 = vector.broadcast %ge3A_812 : f32 to vector<16xf32>
      %ge3A_814 = arith.cmpf oge, %add3A_811, %ge3A_813 : vector<16xf32>
      %mul3A_815 = arith.constant 2.000000e-01 : f32
      %mul3A_816 = vector.broadcast %mul3A_815 : f32 to vector<16xf32>
      %mul3A_817 = arith.mulf %mul3A_816, %add3A_811 : vector<16xf32>
      %select_n3A_818 = arith.select %ge3A_814, %add3A_811, %mul3A_817 : vector<16xi1>, vector<16xf32>
      %exp3A_819 = math.exp %select_n3A_818 : vector<16xf32>
      %mul3A_820 = arith.constant 256 : i32
      %mul3A_821 = arith.muli %add3A_602, %mul3A_820 : i32
      %add3A_822 = arith.addi %mul3A_4, %mul3A_821 : i32
      %add3A_823 = arith.constant 96 : i32
      %add3A_824 = arith.addi %add3A_822, %add3A_823 : i32
      %add3A_825 = vector.broadcast %add3A_824 : i32 to vector<16xi32>
      %add3A_826 = arith.addi %add3A_825, %iota3A : vector<16xi32>
      %lt3A_827 = arith.constant 170000 : i32
      %lt3A_828 = vector.broadcast %lt3A_827 : i32 to vector<16xi32>
      %lt3A_829 = arith.cmpi slt, %add3A_826, %lt3A_828 : vector<16xi32>
      %jit3A_830 = arith.constant 0.000000e+00 : f32
      %broadcast_in_dim3A_831 = vector.broadcast %jit3A_830 : f32 to vector<16xf32>
      %select_n3A_832 = arith.select %lt3A_829, %exp3A_819, %broadcast_in_dim3A_831 : vector<16xi1>, vector<16xf32>
      %swap3A_833 = arith.constant 96 : index
      %swap3A_834 = tpu.vector_load %arg18[%swap3A_833] {strides = array<i32>} : memref<256xf32, #tpu.memory_space<vmem>>, vector<16xf32>,
      tpu.vector_store %arg18[%swap3A_833], %select_n3A_832 {strides = array<i32>} : memref<256xf32, #tpu.memory_space<vmem>>, vector<16xf32>,
      %get3A_835 = arith.constant 112 : index
      %get3A_836 = tpu.vector_load %arg14[%get3A_835] {strides = array<i32>} : memref<256xi32, #tpu.memory_space<vmem>>, vector<16xi32>,
      %get3A_837 = arith.constant 112 : index
      %get3A_838 = tpu.vector_load %arg16[%get3A_837] {strides = array<i32>} : memref<256xi32, #tpu.memory_space<vmem>>, vector<16xi32>,
      %gather3A_839 = tpu.vector_load_idx %arg10[%get3A_836] : memref<10240xf32, #tpu.memory_space<vmem>>[vector<16xi32>], vector<16xf32>,
      %gather3A_840 = tpu.vector_load_idx %arg11[%get3A_838] : memref<10240xf32, #tpu.memory_space<vmem>>[vector<16xi32>], vector<16xf32>,
      %add3A_841 = arith.addf %gather3A_839, %gather3A_840 : vector<16xf32>
      %ge3A_842 = arith.constant 0.000000e+00 : f32
      %ge3A_843 = vector.broadcast %ge3A_842 : f32 to vector<16xf32>
      %ge3A_844 = arith.cmpf oge, %add3A_841, %ge3A_843 : vector<16xf32>
      %mul3A_845 = arith.constant 2.000000e-01 : f32
      %mul3A_846 = vector.broadcast %mul3A_845 : f32 to vector<16xf32>
      %mul3A_847 = arith.mulf %mul3A_846, %add3A_841 : vector<16xf32>
      %select_n3A_848 = arith.select %ge3A_844, %add3A_841, %mul3A_847 : vector<16xi1>, vector<16xf32>
      %exp3A_849 = math.exp %select_n3A_848 : vector<16xf32>
      %mul3A_850 = arith.constant 256 : i32
      %mul3A_851 = arith.muli %add3A_602, %mul3A_850 : i32
      %add3A_852 = arith.addi %mul3A_4, %mul3A_851 : i32
      %add3A_853 = arith.constant 112 : i32
      %add3A_854 = arith.addi %add3A_852, %add3A_853 : i32
      %add3A_855 = vector.broadcast %add3A_854 : i32 to vector<16xi32>
      %add3A_856 = arith.addi %add3A_855, %iota3A : vector<16xi32>
      %lt3A_857 = arith.constant 170000 : i32
      %lt3A_858 = vector.broadcast %lt3A_857 : i32 to vector<16xi32>
      %lt3A_859 = arith.cmpi slt, %add3A_856, %lt3A_858 : vector<16xi32>
      %jit3A_860 = arith.constant 0.000000e+00 : f32
      %broadcast_in_dim3A_861 = vector.broadcast %jit3A_860 : f32 to vector<16xf32>
      %select_n3A_862 = arith.select %lt3A_859, %exp3A_849, %broadcast_in_dim3A_861 : vector<16xi1>, vector<16xf32>
      %swap3A_863 = arith.constant 112 : index
      %swap3A_864 = tpu.vector_load %arg18[%swap3A_863] {strides = array<i32>} : memref<256xf32, #tpu.memory_space<vmem>>, vector<16xf32>,
      tpu.vector_store %arg18[%swap3A_863], %select_n3A_862 {strides = array<i32>} : memref<256xf32, #tpu.memory_space<vmem>>, vector<16xf32>,
      %get3A_865 = arith.constant 128 : index
      %get3A_866 = tpu.vector_load %arg14[%get3A_865] {strides = array<i32>} : memref<256xi32, #tpu.memory_space<vmem>>, vector<16xi32>,
      %get3A_867 = arith.constant 128 : index
      %get3A_868 = tpu.vector_load %arg16[%get3A_867] {strides = array<i32>} : memref<256xi32, #tpu.memory_space<vmem>>, vector<16xi32>,
      %gather3A_869 = tpu.vector_load_idx %arg10[%get3A_866] : memref<10240xf32, #tpu.memory_space<vmem>>[vector<16xi32>], vector<16xf32>,
      %gather3A_870 = tpu.vector_load_idx %arg11[%get3A_868] : memref<10240xf32, #tpu.memory_space<vmem>>[vector<16xi32>], vector<16xf32>,
      %add3A_871 = arith.addf %gather3A_869, %gather3A_870 : vector<16xf32>
      %ge3A_872 = arith.constant 0.000000e+00 : f32
      %ge3A_873 = vector.broadcast %ge3A_872 : f32 to vector<16xf32>
      %ge3A_874 = arith.cmpf oge, %add3A_871, %ge3A_873 : vector<16xf32>
      %mul3A_875 = arith.constant 2.000000e-01 : f32
      %mul3A_876 = vector.broadcast %mul3A_875 : f32 to vector<16xf32>
      %mul3A_877 = arith.mulf %mul3A_876, %add3A_871 : vector<16xf32>
      %select_n3A_878 = arith.select %ge3A_874, %add3A_871, %mul3A_877 : vector<16xi1>, vector<16xf32>
      %exp3A_879 = math.exp %select_n3A_878 : vector<16xf32>
      %mul3A_880 = arith.constant 256 : i32
      %mul3A_881 = arith.muli %add3A_602, %mul3A_880 : i32
      %add3A_882 = arith.addi %mul3A_4, %mul3A_881 : i32
      %add3A_883 = arith.constant 128 : i32
      %add3A_884 = arith.addi %add3A_882, %add3A_883 : i32
      %add3A_885 = vector.broadcast %add3A_884 : i32 to vector<16xi32>
      %add3A_886 = arith.addi %add3A_885, %iota3A : vector<16xi32>
      %lt3A_887 = arith.constant 170000 : i32
      %lt3A_888 = vector.broadcast %lt3A_887 : i32 to vector<16xi32>
      %lt3A_889 = arith.cmpi slt, %add3A_886, %lt3A_888 : vector<16xi32>
      %jit3A_890 = arith.constant 0.000000e+00 : f32
      %broadcast_in_dim3A_891 = vector.broadcast %jit3A_890 : f32 to vector<16xf32>
      %select_n3A_892 = arith.select %lt3A_889, %exp3A_879, %broadcast_in_dim3A_891 : vector<16xi1>, vector<16xf32>
      %swap3A_893 = arith.constant 128 : index
      %swap3A_894 = tpu.vector_load %arg18[%swap3A_893] {strides = array<i32>} : memref<256xf32, #tpu.memory_space<vmem>>, vector<16xf32>,
      tpu.vector_store %arg18[%swap3A_893], %select_n3A_892 {strides = array<i32>} : memref<256xf32, #tpu.memory_space<vmem>>, vector<16xf32>,
      %get3A_895 = arith.constant 144 : index
      %get3A_896 = tpu.vector_load %arg14[%get3A_895] {strides = array<i32>} : memref<256xi32, #tpu.memory_space<vmem>>, vector<16xi32>,
      %get3A_897 = arith.constant 144 : index
      %get3A_898 = tpu.vector_load %arg16[%get3A_897] {strides = array<i32>} : memref<256xi32, #tpu.memory_space<vmem>>, vector<16xi32>,
      %gather3A_899 = tpu.vector_load_idx %arg10[%get3A_896] : memref<10240xf32, #tpu.memory_space<vmem>>[vector<16xi32>], vector<16xf32>,
      %gather3A_900 = tpu.vector_load_idx %arg11[%get3A_898] : memref<10240xf32, #tpu.memory_space<vmem>>[vector<16xi32>], vector<16xf32>,
      %add3A_901 = arith.addf %gather3A_899, %gather3A_900 : vector<16xf32>
      %ge3A_902 = arith.constant 0.000000e+00 : f32
      %ge3A_903 = vector.broadcast %ge3A_902 : f32 to vector<16xf32>
      %ge3A_904 = arith.cmpf oge, %add3A_901, %ge3A_903 : vector<16xf32>
      %mul3A_905 = arith.constant 2.000000e-01 : f32
      %mul3A_906 = vector.broadcast %mul3A_905 : f32 to vector<16xf32>
      %mul3A_907 = arith.mulf %mul3A_906, %add3A_901 : vector<16xf32>
      %select_n3A_908 = arith.select %ge3A_904, %add3A_901, %mul3A_907 : vector<16xi1>, vector<16xf32>
      %exp3A_909 = math.exp %select_n3A_908 : vector<16xf32>
      %mul3A_910 = arith.constant 256 : i32
      %mul3A_911 = arith.muli %add3A_602, %mul3A_910 : i32
      %add3A_912 = arith.addi %mul3A_4, %mul3A_911 : i32
      %add3A_913 = arith.constant 144 : i32
      %add3A_914 = arith.addi %add3A_912, %add3A_913 : i32
      %add3A_915 = vector.broadcast %add3A_914 : i32 to vector<16xi32>
      %add3A_916 = arith.addi %add3A_915, %iota3A : vector<16xi32>
      %lt3A_917 = arith.constant 170000 : i32
      %lt3A_918 = vector.broadcast %lt3A_917 : i32 to vector<16xi32>
      %lt3A_919 = arith.cmpi slt, %add3A_916, %lt3A_918 : vector<16xi32>
      %jit3A_920 = arith.constant 0.000000e+00 : f32
      %broadcast_in_dim3A_921 = vector.broadcast %jit3A_920 : f32 to vector<16xf32>
      %select_n3A_922 = arith.select %lt3A_919, %exp3A_909, %broadcast_in_dim3A_921 : vector<16xi1>, vector<16xf32>
      %swap3A_923 = arith.constant 144 : index
      %swap3A_924 = tpu.vector_load %arg18[%swap3A_923] {strides = array<i32>} : memref<256xf32, #tpu.memory_space<vmem>>, vector<16xf32>,
      tpu.vector_store %arg18[%swap3A_923], %select_n3A_922 {strides = array<i32>} : memref<256xf32, #tpu.memory_space<vmem>>, vector<16xf32>,
      %get3A_925 = arith.constant 160 : index
      %get3A_926 = tpu.vector_load %arg14[%get3A_925] {strides = array<i32>} : memref<256xi32, #tpu.memory_space<vmem>>, vector<16xi32>,
      %get3A_927 = arith.constant 160 : index
      %get3A_928 = tpu.vector_load %arg16[%get3A_927] {strides = array<i32>} : memref<256xi32, #tpu.memory_space<vmem>>, vector<16xi32>,
      %gather3A_929 = tpu.vector_load_idx %arg10[%get3A_926] : memref<10240xf32, #tpu.memory_space<vmem>>[vector<16xi32>], vector<16xf32>,
      %gather3A_930 = tpu.vector_load_idx %arg11[%get3A_928] : memref<10240xf32, #tpu.memory_space<vmem>>[vector<16xi32>], vector<16xf32>,
      %add3A_931 = arith.addf %gather3A_929, %gather3A_930 : vector<16xf32>
      %ge3A_932 = arith.constant 0.000000e+00 : f32
      %ge3A_933 = vector.broadcast %ge3A_932 : f32 to vector<16xf32>
      %ge3A_934 = arith.cmpf oge, %add3A_931, %ge3A_933 : vector<16xf32>
      %mul3A_935 = arith.constant 2.000000e-01 : f32
      %mul3A_936 = vector.broadcast %mul3A_935 : f32 to vector<16xf32>
      %mul3A_937 = arith.mulf %mul3A_936, %add3A_931 : vector<16xf32>
      %select_n3A_938 = arith.select %ge3A_934, %add3A_931, %mul3A_937 : vector<16xi1>, vector<16xf32>
      %exp3A_939 = math.exp %select_n3A_938 : vector<16xf32>
      %mul3A_940 = arith.constant 256 : i32
      %mul3A_941 = arith.muli %add3A_602, %mul3A_940 : i32
      %add3A_942 = arith.addi %mul3A_4, %mul3A_941 : i32
      %add3A_943 = arith.constant 160 : i32
      %add3A_944 = arith.addi %add3A_942, %add3A_943 : i32
      %add3A_945 = vector.broadcast %add3A_944 : i32 to vector<16xi32>
      %add3A_946 = arith.addi %add3A_945, %iota3A : vector<16xi32>
      %lt3A_947 = arith.constant 170000 : i32
      %lt3A_948 = vector.broadcast %lt3A_947 : i32 to vector<16xi32>
      %lt3A_949 = arith.cmpi slt, %add3A_946, %lt3A_948 : vector<16xi32>
      %jit3A_950 = arith.constant 0.000000e+00 : f32
      %broadcast_in_dim3A_951 = vector.broadcast %jit3A_950 : f32 to vector<16xf32>
      %select_n3A_952 = arith.select %lt3A_949, %exp3A_939, %broadcast_in_dim3A_951 : vector<16xi1>, vector<16xf32>
      %swap3A_953 = arith.constant 160 : index
      %swap3A_954 = tpu.vector_load %arg18[%swap3A_953] {strides = array<i32>} : memref<256xf32, #tpu.memory_space<vmem>>, vector<16xf32>,
      tpu.vector_store %arg18[%swap3A_953], %select_n3A_952 {strides = array<i32>} : memref<256xf32, #tpu.memory_space<vmem>>, vector<16xf32>,
      %get3A_955 = arith.constant 176 : index
      %get3A_956 = tpu.vector_load %arg14[%get3A_955] {strides = array<i32>} : memref<256xi32, #tpu.memory_space<vmem>>, vector<16xi32>,
      %get3A_957 = arith.constant 176 : index
      %get3A_958 = tpu.vector_load %arg16[%get3A_957] {strides = array<i32>} : memref<256xi32, #tpu.memory_space<vmem>>, vector<16xi32>,
      %gather3A_959 = tpu.vector_load_idx %arg10[%get3A_956] : memref<10240xf32, #tpu.memory_space<vmem>>[vector<16xi32>], vector<16xf32>,
      %gather3A_960 = tpu.vector_load_idx %arg11[%get3A_958] : memref<10240xf32, #tpu.memory_space<vmem>>[vector<16xi32>], vector<16xf32>,
      %add3A_961 = arith.addf %gather3A_959, %gather3A_960 : vector<16xf32>
      %ge3A_962 = arith.constant 0.000000e+00 : f32
      %ge3A_963 = vector.broadcast %ge3A_962 : f32 to vector<16xf32>
      %ge3A_964 = arith.cmpf oge, %add3A_961, %ge3A_963 : vector<16xf32>
      %mul3A_965 = arith.constant 2.000000e-01 : f32
      %mul3A_966 = vector.broadcast %mul3A_965 : f32 to vector<16xf32>
      %mul3A_967 = arith.mulf %mul3A_966, %add3A_961 : vector<16xf32>
      %select_n3A_968 = arith.select %ge3A_964, %add3A_961, %mul3A_967 : vector<16xi1>, vector<16xf32>
      %exp3A_969 = math.exp %select_n3A_968 : vector<16xf32>
      %mul3A_970 = arith.constant 256 : i32
      %mul3A_971 = arith.muli %add3A_602, %mul3A_970 : i32
      %add3A_972 = arith.addi %mul3A_4, %mul3A_971 : i32
      %add3A_973 = arith.constant 176 : i32
      %add3A_974 = arith.addi %add3A_972, %add3A_973 : i32
      %add3A_975 = vector.broadcast %add3A_974 : i32 to vector<16xi32>
      %add3A_976 = arith.addi %add3A_975, %iota3A : vector<16xi32>
      %lt3A_977 = arith.constant 170000 : i32
      %lt3A_978 = vector.broadcast %lt3A_977 : i32 to vector<16xi32>
      %lt3A_979 = arith.cmpi slt, %add3A_976, %lt3A_978 : vector<16xi32>
      %jit3A_980 = arith.constant 0.000000e+00 : f32
      %broadcast_in_dim3A_981 = vector.broadcast %jit3A_980 : f32 to vector<16xf32>
      %select_n3A_982 = arith.select %lt3A_979, %exp3A_969, %broadcast_in_dim3A_981 : vector<16xi1>, vector<16xf32>
      %swap3A_983 = arith.constant 176 : index
      %swap3A_984 = tpu.vector_load %arg18[%swap3A_983] {strides = array<i32>} : memref<256xf32, #tpu.memory_space<vmem>>, vector<16xf32>,
      tpu.vector_store %arg18[%swap3A_983], %select_n3A_982 {strides = array<i32>} : memref<256xf32, #tpu.memory_space<vmem>>, vector<16xf32>,
      %get3A_985 = arith.constant 192 : index
      %get3A_986 = tpu.vector_load %arg14[%get3A_985] {strides = array<i32>} : memref<256xi32, #tpu.memory_space<vmem>>, vector<16xi32>,
      %get3A_987 = arith.constant 192 : index
      %get3A_988 = tpu.vector_load %arg16[%get3A_987] {strides = array<i32>} : memref<256xi32, #tpu.memory_space<vmem>>, vector<16xi32>,
      %gather3A_989 = tpu.vector_load_idx %arg10[%get3A_986] : memref<10240xf32, #tpu.memory_space<vmem>>[vector<16xi32>], vector<16xf32>,
      %gather3A_990 = tpu.vector_load_idx %arg11[%get3A_988] : memref<10240xf32, #tpu.memory_space<vmem>>[vector<16xi32>], vector<16xf32>,
      %add3A_991 = arith.addf %gather3A_989, %gather3A_990 : vector<16xf32>
      %ge3A_992 = arith.constant 0.000000e+00 : f32
      %ge3A_993 = vector.broadcast %ge3A_992 : f32 to vector<16xf32>
      %ge3A_994 = arith.cmpf oge, %add3A_991, %ge3A_993 : vector<16xf32>
      %mul3A_995 = arith.constant 2.000000e-01 : f32
      %mul3A_996 = vector.broadcast %mul3A_995 : f32 to vector<16xf32>
      %mul3A_997 = arith.mulf %mul3A_996, %add3A_991 : vector<16xf32>
      %select_n3A_998 = arith.select %ge3A_994, %add3A_991, %mul3A_997 : vector<16xi1>, vector<16xf32>
      %exp3A_999 = math.exp %select_n3A_998 : vector<16xf32>
      %mul3A_1000 = arith.constant 256 : i32
      %mul3A_1001 = arith.muli %add3A_602, %mul3A_1000 : i32
      %add3A_1002 = arith.addi %mul3A_4, %mul3A_1001 : i32
      %add3A_1003 = arith.constant 192 : i32
      %add3A_1004 = arith.addi %add3A_1002, %add3A_1003 : i32
      %add3A_1005 = vector.broadcast %add3A_1004 : i32 to vector<16xi32>
      %add3A_1006 = arith.addi %add3A_1005, %iota3A : vector<16xi32>
      %lt3A_1007 = arith.constant 170000 : i32
      %lt3A_1008 = vector.broadcast %lt3A_1007 : i32 to vector<16xi32>
      %lt3A_1009 = arith.cmpi slt, %add3A_1006, %lt3A_1008 : vector<16xi32>
      %jit3A_1010 = arith.constant 0.000000e+00 : f32
      %broadcast_in_dim3A_1011 = vector.broadcast %jit3A_1010 : f32 to vector<16xf32>
      %select_n3A_1012 = arith.select %lt3A_1009, %exp3A_999, %broadcast_in_dim3A_1011 : vector<16xi1>, vector<16xf32>
      %swap3A_1013 = arith.constant 192 : index
      %swap3A_1014 = tpu.vector_load %arg18[%swap3A_1013] {strides = array<i32>} : memref<256xf32, #tpu.memory_space<vmem>>, vector<16xf32>,
      tpu.vector_store %arg18[%swap3A_1013], %select_n3A_1012 {strides = array<i32>} : memref<256xf32, #tpu.memory_space<vmem>>, vector<16xf32>,
      %get3A_1015 = arith.constant 208 : index
      %get3A_1016 = tpu.vector_load %arg14[%get3A_1015] {strides = array<i32>} : memref<256xi32, #tpu.memory_space<vmem>>, vector<16xi32>,
      %get3A_1017 = arith.constant 208 : index
      %get3A_1018 = tpu.vector_load %arg16[%get3A_1017] {strides = array<i32>} : memref<256xi32, #tpu.memory_space<vmem>>, vector<16xi32>,
      %gather3A_1019 = tpu.vector_load_idx %arg10[%get3A_1016] : memref<10240xf32, #tpu.memory_space<vmem>>[vector<16xi32>], vector<16xf32>,
      %gather3A_1020 = tpu.vector_load_idx %arg11[%get3A_1018] : memref<10240xf32, #tpu.memory_space<vmem>>[vector<16xi32>], vector<16xf32>,
      %add3A_1021 = arith.addf %gather3A_1019, %gather3A_1020 : vector<16xf32>
      %ge3A_1022 = arith.constant 0.000000e+00 : f32
      %ge3A_1023 = vector.broadcast %ge3A_1022 : f32 to vector<16xf32>
      %ge3A_1024 = arith.cmpf oge, %add3A_1021, %ge3A_1023 : vector<16xf32>
      %mul3A_1025 = arith.constant 2.000000e-01 : f32
      %mul3A_1026 = vector.broadcast %mul3A_1025 : f32 to vector<16xf32>
      %mul3A_1027 = arith.mulf %mul3A_1026, %add3A_1021 : vector<16xf32>
      %select_n3A_1028 = arith.select %ge3A_1024, %add3A_1021, %mul3A_1027 : vector<16xi1>, vector<16xf32>
      %exp3A_1029 = math.exp %select_n3A_1028 : vector<16xf32>
      %mul3A_1030 = arith.constant 256 : i32
      %mul3A_1031 = arith.muli %add3A_602, %mul3A_1030 : i32
      %add3A_1032 = arith.addi %mul3A_4, %mul3A_1031 : i32
      %add3A_1033 = arith.constant 208 : i32
      %add3A_1034 = arith.addi %add3A_1032, %add3A_1033 : i32
      %add3A_1035 = vector.broadcast %add3A_1034 : i32 to vector<16xi32>
      %add3A_1036 = arith.addi %add3A_1035, %iota3A : vector<16xi32>
      %lt3A_1037 = arith.constant 170000 : i32
      %lt3A_1038 = vector.broadcast %lt3A_1037 : i32 to vector<16xi32>
      %lt3A_1039 = arith.cmpi slt, %add3A_1036, %lt3A_1038 : vector<16xi32>
      %jit3A_1040 = arith.constant 0.000000e+00 : f32
      %broadcast_in_dim3A_1041 = vector.broadcast %jit3A_1040 : f32 to vector<16xf32>
      %select_n3A_1042 = arith.select %lt3A_1039, %exp3A_1029, %broadcast_in_dim3A_1041 : vector<16xi1>, vector<16xf32>
      %swap3A_1043 = arith.constant 208 : index
      %swap3A_1044 = tpu.vector_load %arg18[%swap3A_1043] {strides = array<i32>} : memref<256xf32, #tpu.memory_space<vmem>>, vector<16xf32>,
      tpu.vector_store %arg18[%swap3A_1043], %select_n3A_1042 {strides = array<i32>} : memref<256xf32, #tpu.memory_space<vmem>>, vector<16xf32>,
      %get3A_1045 = arith.constant 224 : index
      %get3A_1046 = tpu.vector_load %arg14[%get3A_1045] {strides = array<i32>} : memref<256xi32, #tpu.memory_space<vmem>>, vector<16xi32>,
      %get3A_1047 = arith.constant 224 : index
      %get3A_1048 = tpu.vector_load %arg16[%get3A_1047] {strides = array<i32>} : memref<256xi32, #tpu.memory_space<vmem>>, vector<16xi32>,
      %gather3A_1049 = tpu.vector_load_idx %arg10[%get3A_1046] : memref<10240xf32, #tpu.memory_space<vmem>>[vector<16xi32>], vector<16xf32>,
      %gather3A_1050 = tpu.vector_load_idx %arg11[%get3A_1048] : memref<10240xf32, #tpu.memory_space<vmem>>[vector<16xi32>], vector<16xf32>,
      %add3A_1051 = arith.addf %gather3A_1049, %gather3A_1050 : vector<16xf32>
      %ge3A_1052 = arith.constant 0.000000e+00 : f32
      %ge3A_1053 = vector.broadcast %ge3A_1052 : f32 to vector<16xf32>
      %ge3A_1054 = arith.cmpf oge, %add3A_1051, %ge3A_1053 : vector<16xf32>
      %mul3A_1055 = arith.constant 2.000000e-01 : f32
      %mul3A_1056 = vector.broadcast %mul3A_1055 : f32 to vector<16xf32>
      %mul3A_1057 = arith.mulf %mul3A_1056, %add3A_1051 : vector<16xf32>
      %select_n3A_1058 = arith.select %ge3A_1054, %add3A_1051, %mul3A_1057 : vector<16xi1>, vector<16xf32>
      %exp3A_1059 = math.exp %select_n3A_1058 : vector<16xf32>
      %mul3A_1060 = arith.constant 256 : i32
      %mul3A_1061 = arith.muli %add3A_602, %mul3A_1060 : i32
      %add3A_1062 = arith.addi %mul3A_4, %mul3A_1061 : i32
      %add3A_1063 = arith.constant 224 : i32
      %add3A_1064 = arith.addi %add3A_1062, %add3A_1063 : i32
      %add3A_1065 = vector.broadcast %add3A_1064 : i32 to vector<16xi32>
      %add3A_1066 = arith.addi %add3A_1065, %iota3A : vector<16xi32>
      %lt3A_1067 = arith.constant 170000 : i32
      %lt3A_1068 = vector.broadcast %lt3A_1067 : i32 to vector<16xi32>
      %lt3A_1069 = arith.cmpi slt, %add3A_1066, %lt3A_1068 : vector<16xi32>
      %jit3A_1070 = arith.constant 0.000000e+00 : f32
      %broadcast_in_dim3A_1071 = vector.broadcast %jit3A_1070 : f32 to vector<16xf32>
      %select_n3A_1072 = arith.select %lt3A_1069, %exp3A_1059, %broadcast_in_dim3A_1071 : vector<16xi1>, vector<16xf32>
      %swap3A_1073 = arith.constant 224 : index
      %swap3A_1074 = tpu.vector_load %arg18[%swap3A_1073] {strides = array<i32>} : memref<256xf32, #tpu.memory_space<vmem>>, vector<16xf32>,
      tpu.vector_store %arg18[%swap3A_1073], %select_n3A_1072 {strides = array<i32>} : memref<256xf32, #tpu.memory_space<vmem>>, vector<16xf32>,
      %get3A_1075 = arith.constant 240 : index
      %get3A_1076 = tpu.vector_load %arg14[%get3A_1075] {strides = array<i32>} : memref<256xi32, #tpu.memory_space<vmem>>, vector<16xi32>,
      %get3A_1077 = arith.constant 240 : index
      %get3A_1078 = tpu.vector_load %arg16[%get3A_1077] {strides = array<i32>} : memref<256xi32, #tpu.memory_space<vmem>>, vector<16xi32>,
      %gather3A_1079 = tpu.vector_load_idx %arg10[%get3A_1076] : memref<10240xf32, #tpu.memory_space<vmem>>[vector<16xi32>], vector<16xf32>,
      %gather3A_1080 = tpu.vector_load_idx %arg11[%get3A_1078] : memref<10240xf32, #tpu.memory_space<vmem>>[vector<16xi32>], vector<16xf32>,
      %add3A_1081 = arith.addf %gather3A_1079, %gather3A_1080 : vector<16xf32>
      %ge3A_1082 = arith.constant 0.000000e+00 : f32
      %ge3A_1083 = vector.broadcast %ge3A_1082 : f32 to vector<16xf32>
      %ge3A_1084 = arith.cmpf oge, %add3A_1081, %ge3A_1083 : vector<16xf32>
      %mul3A_1085 = arith.constant 2.000000e-01 : f32
      %mul3A_1086 = vector.broadcast %mul3A_1085 : f32 to vector<16xf32>
      %mul3A_1087 = arith.mulf %mul3A_1086, %add3A_1081 : vector<16xf32>
      %select_n3A_1088 = arith.select %ge3A_1084, %add3A_1081, %mul3A_1087 : vector<16xi1>, vector<16xf32>
      %exp3A_1089 = math.exp %select_n3A_1088 : vector<16xf32>
      %mul3A_1090 = arith.constant 256 : i32
      %mul3A_1091 = arith.muli %add3A_602, %mul3A_1090 : i32
      %add3A_1092 = arith.addi %mul3A_4, %mul3A_1091 : i32
      %add3A_1093 = arith.constant 240 : i32
      %add3A_1094 = arith.addi %add3A_1092, %add3A_1093 : i32
      %add3A_1095 = vector.broadcast %add3A_1094 : i32 to vector<16xi32>
      %add3A_1096 = arith.addi %add3A_1095, %iota3A : vector<16xi32>
      %lt3A_1097 = arith.constant 170000 : i32
      %lt3A_1098 = vector.broadcast %lt3A_1097 : i32 to vector<16xi32>
      %lt3A_1099 = arith.cmpi slt, %add3A_1096, %lt3A_1098 : vector<16xi32>
      %jit3A_1100 = arith.constant 0.000000e+00 : f32
      %broadcast_in_dim3A_1101 = vector.broadcast %jit3A_1100 : f32 to vector<16xf32>
      %select_n3A_1102 = arith.select %lt3A_1099, %exp3A_1089, %broadcast_in_dim3A_1101 : vector<16xi1>, vector<16xf32>
      %swap3A_1103 = arith.constant 240 : index
      %swap3A_1104 = tpu.vector_load %arg18[%swap3A_1103] {strides = array<i32>} : memref<256xf32, #tpu.memory_space<vmem>>, vector<16xf32>,
      tpu.vector_store %arg18[%swap3A_1103], %select_n3A_1102 {strides = array<i32>} : memref<256xf32, #tpu.memory_space<vmem>>, vector<16xf32>,
      %dma_start3A_1105 = arith.constant 0 : i32
      %dma_start3A_1106 = tpu.memref_slice %arg35[%dma_start3A_1105] : memref<10240xf32, #tpu.memory_space<vmem_shared>> -> memref<10240xf32, #tpu.memory_space<vmem_shared>>
      tpu.enqueue_indirect_dma source(%arg18 : memref<256xf32, #tpu.memory_space<vmem>>) target(%dma_start3A_1106 : memref<10240xf32, #tpu.memory_space<vmem_shared>>) offsets(%arg16 : memref<256xi32, #tpu.memory_space<vmem>>) semaphore(%arg40 : memref<!tpu.dma_semaphore, #tpu.memory_space<semaphore_mem>>) {add = true}
    }
    %scan3A_19 = arith.constant 21 : i32
    %dma_wait3A = arith.constant 0 : i32
    %dma_wait3A_20 = tpu.memref_slice %arg35[%dma_wait3A] : memref<10240xf32, #tpu.memory_space<vmem_shared>> -> memref<10240xf32, #tpu.memory_space<vmem_shared>>
    tpu.wait_indirect_dma semaphore(%arg40 : memref<!tpu.dma_semaphore, #tpu.memory_space<semaphore_mem>>) src(%arg18 : memref<256xf32, #tpu.memory_space<vmem>>) dst(%dma_wait3A_20 : memref<10240xf32, #tpu.memory_space<vmem_shared>>)
    %barrier3A_21 = arith.constant 0 : index
    tpu.barrier barrier_id(%barrier3A_21)
    "tpu.region"() ({
      %run_scoped3A_101 = tpu.sem_alloc : memref<!tpu.dma_semaphore, #tpu.memory_space<semaphore_mem>>
      tpu.enqueue_dma source(%arg35 : memref<10240xf32, #tpu.memory_space<vmem_shared>>) target(%arg12 : memref<10240xf32, #tpu.memory_space<vmem>>) target_semaphore(%run_scoped3A_101 : memref<!tpu.dma_semaphore, #tpu.memory_space<semaphore_mem>>)
      tpu.wait_dma2 semaphore(%run_scoped3A_101 : memref<!tpu.dma_semaphore, #tpu.memory_space<semaphore_mem>>) src(%arg35 : memref<10240xf32, #tpu.memory_space<vmem_shared>>) dst(%arg12 : memref<10240xf32, #tpu.memory_space<vmem>>)
      tpu.yield
    }) : () -> ()
    "tpu.trace_stop"() : () -> ()
    "tpu.trace_start"() <{level = 10 : i32, message = "sc_phase_b"}> : () -> ()
    %add3A_22 = arith.constant 0 : i32
    %add3A_23 = arith.addi %mul3A_6, %add3A_22 : i32
    %dma_start3A_24 = tpu.memref_slice %arg4[%add3A_23] : memref<172032xi32, #tpu.memory_space<hbm>> -> memref<32xi32, #tpu.memory_space<hbm>>
    %dma_start3A_25 = tpu.memref_slice %arg4[%add3A_23] : memref<172032xi32, #tpu.memory_space<hbm>> -> memref<32xi32, #tpu.memory_space<hbm>>
    tpu.enqueue_dma source(%dma_start3A_25 : memref<32xi32, #tpu.memory_space<hbm>>) target(%arg19 : memref<32xi32, #tpu.memory_space<vmem>>) target_semaphore(%arg41 : memref<!tpu.dma_semaphore, #tpu.memory_space<semaphore_mem>>)
    %add3A_26 = arith.constant 0 : i32
    %add3A_27 = arith.addi %mul3A_6, %add3A_26 : i32
    %dma_start3A_28 = tpu.memref_slice %arg5[%add3A_27] : memref<172032xi32, #tpu.memory_space<hbm>> -> memref<32xi32, #tpu.memory_space<hbm>>
    %dma_start3A_29 = tpu.memref_slice %arg5[%add3A_27] : memref<172032xi32, #tpu.memory_space<hbm>> -> memref<32xi32, #tpu.memory_space<hbm>>
    tpu.enqueue_dma source(%dma_start3A_29 : memref<32xi32, #tpu.memory_space<hbm>>) target(%arg22 : memref<32xi32, #tpu.memory_space<vmem>>) target_semaphore(%arg41 : memref<!tpu.dma_semaphore, #tpu.memory_space<semaphore_mem>>)
    %add3A_30 = arith.constant 0 : i32
    %add3A_31 = arith.addi %mul3A_6, %add3A_30 : i32
    %dma_start3A_32 = tpu.memref_slice %arg6[%add3A_31] : memref<172032xf32, #tpu.memory_space<hbm>> -> memref<32xf32, #tpu.memory_space<hbm>>
    %dma_start3A_33 = tpu.memref_slice %arg6[%add3A_31] : memref<172032xf32, #tpu.memory_space<hbm>> -> memref<32xf32, #tpu.memory_space<hbm>>
    tpu.enqueue_dma source(%dma_start3A_33 : memref<32xf32, #tpu.memory_space<hbm>>) target(%arg25 : memref<32xf32, #tpu.memory_space<vmem>>) target_semaphore(%arg41 : memref<!tpu.dma_semaphore, #tpu.memory_space<semaphore_mem>>)
    %add3A_34 = arith.constant 32 : i32
    %add3A_35 = arith.addi %mul3A_6, %add3A_34 : i32
    %dma_start3A_36 = tpu.memref_slice %arg4[%add3A_35] : memref<172032xi32, #tpu.memory_space<hbm>> -> memref<32xi32, #tpu.memory_space<hbm>>
    %dma_start3A_37 = tpu.memref_slice %arg4[%add3A_35] : memref<172032xi32, #tpu.memory_space<hbm>> -> memref<32xi32, #tpu.memory_space<hbm>>
    tpu.enqueue_dma source(%dma_start3A_37 : memref<32xi32, #tpu.memory_space<hbm>>) target(%arg20 : memref<32xi32, #tpu.memory_space<vmem>>) target_semaphore(%arg42 : memref<!tpu.dma_semaphore, #tpu.memory_space<semaphore_mem>>)
    %add3A_38 = arith.constant 32 : i32
    %add3A_39 = arith.addi %mul3A_6, %add3A_38 : i32
    %dma_start3A_40 = tpu.memref_slice %arg5[%add3A_39] : memref<172032xi32, #tpu.memory_space<hbm>> -> memref<32xi32, #tpu.memory_space<hbm>>
    %dma_start3A_41 = tpu.memref_slice %arg5[%add3A_39] : memref<172032xi32, #tpu.memory_space<hbm>> -> memref<32xi32, #tpu.memory_space<hbm>>
    tpu.enqueue_dma source(%dma_start3A_41 : memref<32xi32, #tpu.memory_space<hbm>>) target(%arg23 : memref<32xi32, #tpu.memory_space<vmem>>) target_semaphore(%arg42 : memref<!tpu.dma_semaphore, #tpu.memory_space<semaphore_mem>>)
    %add3A_42 = arith.constant 32 : i32
    %add3A_43 = arith.addi %mul3A_6, %add3A_42 : i32
    %dma_start3A_44 = tpu.memref_slice %arg6[%add3A_43] : memref<172032xf32, #tpu.memory_space<hbm>> -> memref<32xf32, #tpu.memory_space<hbm>>
    %dma_start3A_45 = tpu.memref_slice %arg6[%add3A_43] : memref<172032xf32, #tpu.memory_space<hbm>> -> memref<32xf32, #tpu.memory_space<hbm>>
    tpu.enqueue_dma source(%dma_start3A_45 : memref<32xf32, #tpu.memory_space<hbm>>) target(%arg26 : memref<32xf32, #tpu.memory_space<vmem>>) target_semaphore(%arg42 : memref<!tpu.dma_semaphore, #tpu.memory_space<semaphore_mem>>)
    %add3A_46 = arith.constant 64 : i32
    %add3A_47 = arith.addi %mul3A_6, %add3A_46 : i32
    %dma_start3A_48 = tpu.memref_slice %arg4[%add3A_47] : memref<172032xi32, #tpu.memory_space<hbm>> -> memref<32xi32, #tpu.memory_space<hbm>>
    %dma_start3A_49 = tpu.memref_slice %arg4[%add3A_47] : memref<172032xi32, #tpu.memory_space<hbm>> -> memref<32xi32, #tpu.memory_space<hbm>>
    tpu.enqueue_dma source(%dma_start3A_49 : memref<32xi32, #tpu.memory_space<hbm>>) target(%arg21 : memref<32xi32, #tpu.memory_space<vmem>>) target_semaphore(%arg43 : memref<!tpu.dma_semaphore, #tpu.memory_space<semaphore_mem>>)
    %add3A_50 = arith.constant 64 : i32
    %add3A_51 = arith.addi %mul3A_6, %add3A_50 : i32
    %dma_start3A_52 = tpu.memref_slice %arg5[%add3A_51] : memref<172032xi32, #tpu.memory_space<hbm>> -> memref<32xi32, #tpu.memory_space<hbm>>
    %dma_start3A_53 = tpu.memref_slice %arg5[%add3A_51] : memref<172032xi32, #tpu.memory_space<hbm>> -> memref<32xi32, #tpu.memory_space<hbm>>
    tpu.enqueue_dma source(%dma_start3A_53 : memref<32xi32, #tpu.memory_space<hbm>>) target(%arg24 : memref<32xi32, #tpu.memory_space<vmem>>) target_semaphore(%arg43 : memref<!tpu.dma_semaphore, #tpu.memory_space<semaphore_mem>>)
    %add3A_54 = arith.constant 64 : i32
    %add3A_55 = arith.addi %mul3A_6, %add3A_54 : i32
    %dma_start3A_56 = tpu.memref_slice %arg6[%add3A_55] : memref<172032xf32, #tpu.memory_space<hbm>> -> memref<32xf32, #tpu.memory_space<hbm>>
    %dma_start3A_57 = tpu.memref_slice %arg6[%add3A_55] : memref<172032xf32, #tpu.memory_space<hbm>> -> memref<32xf32, #tpu.memory_space<hbm>>
    tpu.enqueue_dma source(%dma_start3A_57 : memref<32xf32, #tpu.memory_space<hbm>>) target(%arg27 : memref<32xf32, #tpu.memory_space<vmem>>) target_semaphore(%arg43 : memref<!tpu.dma_semaphore, #tpu.memory_space<semaphore_mem>>)
    %add3A_58 = arith.constant 0 : i32
    %add3A_59 = arith.addi %mul3A_6, %add3A_58 : i32
    %dma_wait3A_60 = tpu.memref_slice %arg4[%add3A_59] : memref<172032xi32, #tpu.memory_space<hbm>> -> memref<32xi32, #tpu.memory_space<hbm>>
    %dma_wait3A_61 = tpu.memref_slice %arg4[%add3A_59] : memref<172032xi32, #tpu.memory_space<hbm>> -> memref<32xi32, #tpu.memory_space<hbm>>
    tpu.wait_dma2 semaphore(%arg41 : memref<!tpu.dma_semaphore, #tpu.memory_space<semaphore_mem>>) src(%dma_wait3A_61 : memref<32xi32, #tpu.memory_space<hbm>>) dst(%arg19 : memref<32xi32, #tpu.memory_space<vmem>>)
    %add3A_62 = arith.constant 0 : i32
    %add3A_63 = arith.addi %mul3A_6, %add3A_62 : i32
    %dma_wait3A_64 = tpu.memref_slice %arg5[%add3A_63] : memref<172032xi32, #tpu.memory_space<hbm>> -> memref<32xi32, #tpu.memory_space<hbm>>
    %dma_wait3A_65 = tpu.memref_slice %arg5[%add3A_63] : memref<172032xi32, #tpu.memory_space<hbm>> -> memref<32xi32, #tpu.memory_space<hbm>>
    tpu.wait_dma2 semaphore(%arg41 : memref<!tpu.dma_semaphore, #tpu.memory_space<semaphore_mem>>) src(%dma_wait3A_65 : memref<32xi32, #tpu.memory_space<hbm>>) dst(%arg22 : memref<32xi32, #tpu.memory_space<vmem>>)
    %add3A_66 = arith.constant 0 : i32
    %add3A_67 = arith.addi %mul3A_6, %add3A_66 : i32
    %dma_wait3A_68 = tpu.memref_slice %arg6[%add3A_67] : memref<172032xf32, #tpu.memory_space<hbm>> -> memref<32xf32, #tpu.memory_space<hbm>>
    %dma_wait3A_69 = tpu.memref_slice %arg6[%add3A_67] : memref<172032xf32, #tpu.memory_space<hbm>> -> memref<32xf32, #tpu.memory_space<hbm>>
    tpu.wait_dma2 semaphore(%arg41 : memref<!tpu.dma_semaphore, #tpu.memory_space<semaphore_mem>>) src(%dma_wait3A_69 : memref<32xf32, #tpu.memory_space<hbm>>) dst(%arg25 : memref<32xf32, #tpu.memory_space<vmem>>)
    %add3A_70 = arith.constant 32 : i32
    %add3A_71 = arith.addi %mul3A_6, %add3A_70 : i32
    %dma_wait3A_72 = tpu.memref_slice %arg4[%add3A_71] : memref<172032xi32, #tpu.memory_space<hbm>> -> memref<32xi32, #tpu.memory_space<hbm>>
    %dma_wait3A_73 = tpu.memref_slice %arg4[%add3A_71] : memref<172032xi32, #tpu.memory_space<hbm>> -> memref<32xi32, #tpu.memory_space<hbm>>
    tpu.wait_dma2 semaphore(%arg42 : memref<!tpu.dma_semaphore, #tpu.memory_space<semaphore_mem>>) src(%dma_wait3A_73 : memref<32xi32, #tpu.memory_space<hbm>>) dst(%arg20 : memref<32xi32, #tpu.memory_space<vmem>>)
    %add3A_74 = arith.constant 32 : i32
    %add3A_75 = arith.addi %mul3A_6, %add3A_74 : i32
    %dma_wait3A_76 = tpu.memref_slice %arg5[%add3A_75] : memref<172032xi32, #tpu.memory_space<hbm>> -> memref<32xi32, #tpu.memory_space<hbm>>
    %dma_wait3A_77 = tpu.memref_slice %arg5[%add3A_75] : memref<172032xi32, #tpu.memory_space<hbm>> -> memref<32xi32, #tpu.memory_space<hbm>>
    tpu.wait_dma2 semaphore(%arg42 : memref<!tpu.dma_semaphore, #tpu.memory_space<semaphore_mem>>) src(%dma_wait3A_77 : memref<32xi32, #tpu.memory_space<hbm>>) dst(%arg23 : memref<32xi32, #tpu.memory_space<vmem>>)
    %add3A_78 = arith.constant 32 : i32
    %add3A_79 = arith.addi %mul3A_6, %add3A_78 : i32
    %dma_wait3A_80 = tpu.memref_slice %arg6[%add3A_79] : memref<172032xf32, #tpu.memory_space<hbm>> -> memref<32xf32, #tpu.memory_space<hbm>>
    %dma_wait3A_81 = tpu.memref_slice %arg6[%add3A_79] : memref<172032xf32, #tpu.memory_space<hbm>> -> memref<32xf32, #tpu.memory_space<hbm>>
    tpu.wait_dma2 semaphore(%arg42 : memref<!tpu.dma_semaphore, #tpu.memory_space<semaphore_mem>>) src(%dma_wait3A_81 : memref<32xf32, #tpu.memory_space<hbm>>) dst(%arg26 : memref<32xf32, #tpu.memory_space<vmem>>)
    %dma_start3A_82 = arith.constant 0 : i32
    %dma_start3A_83 = arith.constant 0 : i32
    %dma_start3A_84 = tpu.memref_slice %arg2[%dma_start3A_82, %dma_start3A_83] : memref<10240x128xf32, #tpu.memory_space<hbm>> -> memref<10240x128xf32, #tpu.memory_space<hbm>>
    tpu.enqueue_indirect_dma source(%dma_start3A_84 : memref<10240x128xf32, #tpu.memory_space<hbm>>) target(%arg31 : memref<32x128xf32, #tpu.memory_space<vmem>>) offsets(%arg19 : memref<32xi32, #tpu.memory_space<vmem>>) semaphore(%arg44 : memref<!tpu.dma_semaphore, #tpu.memory_space<semaphore_mem>>)
    %scan3A_85 = arith.constant 0 : i32
    %scan3A_86 = arith.constant 0 : i32
    %scan3A_87 = arith.constant 56 : i32
    %scan3A_88 = arith.addi %scan3A_86, %scan3A_87 : i32
    %scan3A_89 = arith.constant 1 : i32
    scf.for %scan3A_101 = %scan3A_86 to %scan3A_88 step %scan3A_89  : i32 {
      %mul3A_102 = arith.constant 3 : i32
      %mul3A_103 = arith.muli %mul3A_102, %scan3A_101 : i32
      %add3A_104 = arith.constant 0 : i32
      %add3A_105 = arith.addi %mul3A_103, %add3A_104 : i32
      %get3A = arith.constant 0 : index
      %get3A_106 = tpu.vector_load %arg19[%get3A] {strides = array<i32>} : memref<32xi32, #tpu.memory_space<vmem>>, vector<16xi32>,
      %get3A_107 = arith.constant 0 : index
      %get3A_108 = tpu.vector_load %arg22[%get3A_107] {strides = array<i32>} : memref<32xi32, #tpu.memory_space<vmem>>, vector<16xi32>,
      %swap3A = arith.constant 0 : index
      %swap3A_109 = tpu.vector_load %arg28[%swap3A] {strides = array<i32>} : memref<32xi32, #tpu.memory_space<vmem>>, vector<16xi32>,
      tpu.vector_store %arg28[%swap3A], %get3A_108 {strides = array<i32>} : memref<32xi32, #tpu.memory_space<vmem>>, vector<16xi32>,
      %gather3A = tpu.vector_load_idx %arg10[%get3A_106] : memref<10240xf32, #tpu.memory_space<vmem>>[vector<16xi32>], vector<16xf32>,
      %gather3A_110 = tpu.vector_load_idx %arg11[%get3A_108] : memref<10240xf32, #tpu.memory_space<vmem>>[vector<16xi32>], vector<16xf32>,
      %add3A_111 = arith.addf %gather3A, %gather3A_110 : vector<16xf32>
      %ge3A = arith.constant 0.000000e+00 : f32
      %ge3A_112 = vector.broadcast %ge3A : f32 to vector<16xf32>
      %ge3A_113 = arith.cmpf oge, %add3A_111, %ge3A_112 : vector<16xf32>
      %mul3A_114 = arith.constant 2.000000e-01 : f32
      %mul3A_115 = vector.broadcast %mul3A_114 : f32 to vector<16xf32>
      %mul3A_116 = arith.mulf %mul3A_115, %add3A_111 : vector<16xf32>
      %select_n3A = arith.select %ge3A_113, %add3A_111, %mul3A_116 : vector<16xi1>, vector<16xf32>
      %exp3A = math.exp %select_n3A : vector<16xf32>
      %get3A_117 = arith.constant 0 : index
      %get3A_118 = tpu.vector_load %arg25[%get3A_117] {strides = array<i32>} : memref<32xf32, #tpu.memory_space<vmem>>, vector<16xf32>,
      %mul3A_119 = arith.mulf %exp3A, %get3A_118 : vector<16xf32>
      %gather3A_120 = tpu.vector_load_idx %arg12[%get3A_108] : memref<10240xf32, #tpu.memory_space<vmem>>[vector<16xi32>], vector<16xf32>,
      %div3A = arith.divf %mul3A_119, %gather3A_120 : vector<16xf32>
      %swap3A_121 = arith.constant 0 : index
      %swap3A_122 = tpu.vector_load %arg34[%swap3A_121] {strides = array<i32>} : memref<32xf32, #tpu.memory_space<vmem>>, vector<16xf32>,
      tpu.vector_store %arg34[%swap3A_121], %div3A {strides = array<i32>} : memref<32xf32, #tpu.memory_space<vmem>>, vector<16xf32>,
      %get3A_123 = arith.constant 16 : index
      %get3A_124 = tpu.vector_load %arg19[%get3A_123] {strides = array<i32>} : memref<32xi32, #tpu.memory_space<vmem>>, vector<16xi32>,
      %get3A_125 = arith.constant 16 : index
      %get3A_126 = tpu.vector_load %arg22[%get3A_125] {strides = array<i32>} : memref<32xi32, #tpu.memory_space<vmem>>, vector<16xi32>,
      %swap3A_127 = arith.constant 16 : index
      %swap3A_128 = tpu.vector_load %arg28[%swap3A_127] {strides = array<i32>} : memref<32xi32, #tpu.memory_space<vmem>>, vector<16xi32>,
      tpu.vector_store %arg28[%swap3A_127], %get3A_126 {strides = array<i32>} : memref<32xi32, #tpu.memory_space<vmem>>, vector<16xi32>,
      %gather3A_129 = tpu.vector_load_idx %arg10[%get3A_124] : memref<10240xf32, #tpu.memory_space<vmem>>[vector<16xi32>], vector<16xf32>,
      %gather3A_130 = tpu.vector_load_idx %arg11[%get3A_126] : memref<10240xf32, #tpu.memory_space<vmem>>[vector<16xi32>], vector<16xf32>,
      %add3A_131 = arith.addf %gather3A_129, %gather3A_130 : vector<16xf32>
      %ge3A_132 = arith.constant 0.000000e+00 : f32
      %ge3A_133 = vector.broadcast %ge3A_132 : f32 to vector<16xf32>
      %ge3A_134 = arith.cmpf oge, %add3A_131, %ge3A_133 : vector<16xf32>
      %mul3A_135 = arith.constant 2.000000e-01 : f32
      %mul3A_136 = vector.broadcast %mul3A_135 : f32 to vector<16xf32>
      %mul3A_137 = arith.mulf %mul3A_136, %add3A_131 : vector<16xf32>
      %select_n3A_138 = arith.select %ge3A_134, %add3A_131, %mul3A_137 : vector<16xi1>, vector<16xf32>
      %exp3A_139 = math.exp %select_n3A_138 : vector<16xf32>
      %get3A_140 = arith.constant 16 : index
      %get3A_141 = tpu.vector_load %arg25[%get3A_140] {strides = array<i32>} : memref<32xf32, #tpu.memory_space<vmem>>, vector<16xf32>,
      %mul3A_142 = arith.mulf %exp3A_139, %get3A_141 : vector<16xf32>
      %gather3A_143 = tpu.vector_load_idx %arg12[%get3A_126] : memref<10240xf32, #tpu.memory_space<vmem>>[vector<16xi32>], vector<16xf32>,
      %div3A_144 = arith.divf %mul3A_142, %gather3A_143 : vector<16xf32>
      %swap3A_145 = arith.constant 16 : index
      %swap3A_146 = tpu.vector_load %arg34[%swap3A_145] {strides = array<i32>} : memref<32xf32, #tpu.memory_space<vmem>>, vector<16xf32>,
      tpu.vector_store %arg34[%swap3A_145], %div3A_144 {strides = array<i32>} : memref<32xf32, #tpu.memory_space<vmem>>, vector<16xf32>,
      %add3A_147 = arith.constant 1 : i32
      %add3A_148 = arith.addi %add3A_105, %add3A_147 : i32
      %lt3A = arith.constant 168 : i32
      %lt3A_149 = arith.cmpi slt, %add3A_148, %lt3A : i32
      %convert_element_type3A = arith.extui %lt3A_149 : i1 to i32
      %cond3A = arith.constant 0 : i32
      %cond3A_150 = arith.cmpi ne, %convert_element_type3A, %cond3A : i32
      scf.if %cond3A_150 {
        %ge3A_326 = arith.constant 2 : i32
        %ge3A_327 = arith.cmpi sge, %add3A_105, %ge3A_326 : i32
        %convert_element_type3A_328 = arith.extui %ge3A_327 : i1 to i32
        %cond3A_329 = arith.constant 0 : i32
        %cond3A_330 = arith.cmpi ne, %convert_element_type3A_328, %cond3A_329 : i32
        scf.if %cond3A_330 {
          %dma_wait3A_334 = arith.constant 0 : i32
          %dma_wait3A_335 = arith.constant 0 : i32
          %dma_wait3A_336 = tpu.memref_slice %arg36[%dma_wait3A_334, %dma_wait3A_335] : memref<10240x128xf32, #tpu.memory_space<vmem_shared>> -> memref<10240x128xf32, #tpu.memory_space<vmem_shared>>
          tpu.wait_indirect_dma semaphore(%arg48 : memref<!tpu.dma_semaphore, #tpu.memory_space<semaphore_mem>>) src(%arg32 : memref<32x128xf32, #tpu.memory_space<vmem>>) dst(%dma_wait3A_336 : memref<10240x128xf32, #tpu.memory_space<vmem_shared>>)
        } else {
        }
        %dma_start3A_331 = arith.constant 0 : i32
        %dma_start3A_332 = arith.constant 0 : i32
        %dma_start3A_333 = tpu.memref_slice %arg2[%dma_start3A_331, %dma_start3A_332] : memref<10240x128xf32, #tpu.memory_space<hbm>> -> memref<10240x128xf32, #tpu.memory_space<hbm>>
        tpu.enqueue_indirect_dma source(%dma_start3A_333 : memref<10240x128xf32, #tpu.memory_space<hbm>>) target(%arg32 : memref<32x128xf32, #tpu.memory_space<vmem>>) offsets(%arg20 : memref<32xi32, #tpu.memory_space<vmem>>) semaphore(%arg45 : memref<!tpu.dma_semaphore, #tpu.memory_space<semaphore_mem>>)
      } else {
      }
      %dma_wait3A_151 = arith.constant 0 : i32
      %dma_wait3A_152 = arith.constant 0 : i32
      %dma_wait3A_153 = tpu.memref_slice %arg2[%dma_wait3A_151, %dma_wait3A_152] : memref<10240x128xf32, #tpu.memory_space<hbm>> -> memref<10240x128xf32, #tpu.memory_space<hbm>>
      tpu.wait_indirect_dma semaphore(%arg44 : memref<!tpu.dma_semaphore, #tpu.memory_space<semaphore_mem>>) src(%dma_wait3A_153 : memref<10240x128xf32, #tpu.memory_space<hbm>>) dst(%arg31 : memref<32x128xf32, #tpu.memory_space<vmem>>)
      %scan3A_154 = arith.constant 0 : i32
      %scan3A_155 = arith.constant 0 : i32
      %scan3A_156 = arith.constant 4 : i32
      %scan3A_157 = arith.addi %scan3A_155, %scan3A_156 : i32
      %scan3A_158 = arith.constant 1 : i32
      scf.for %scan3A_326 = %scan3A_155 to %scan3A_157 step %scan3A_158  : i32 {
        %broadcast_in_dim3A = arith.constant 0 : i32
        %broadcast_in_dim3A_327 = vector.broadcast %broadcast_in_dim3A : i32 to vector<16xi32>
        %mul3A_328 = arith.constant 8 : i32
        %mul3A_329 = arith.muli %scan3A_326, %mul3A_328 : i32
        %add3A_330 = arith.constant 0 : i32
        %add3A_331 = arith.addi %mul3A_329, %add3A_330 : i32
        %add3A_332 = vector.broadcast %add3A_331 : i32 to vector<16xi32>
        %add3A_333 = arith.addi %broadcast_in_dim3A_327, %add3A_332 : vector<16xi32>
        %gather3A_334 = tpu.vector_load_idx %arg34[%add3A_333] : memref<32xf32, #tpu.memory_space<vmem>>[vector<16xi32>], vector<16xf32>,
        %add3A_335 = arith.constant 0 : i32
        %add3A_336 = vector.broadcast %add3A_335 : i32 to vector<16xi32>
        %add3A_337 = arith.addi %iota3A, %add3A_336 : vector<16xi32>
        %gather3A_338 = tpu.vector_load_idx %arg31[%add3A_333, %add3A_337] : memref<32x128xf32, #tpu.memory_space<vmem>>[vector<16xi32>, vector<16xi32>], vector<16xf32>,
        %mul3A_339 = arith.mulf %gather3A_338, %gather3A_334 : vector<16xf32>
        tpu.vector_store_idx %arg31[%add3A_333, %add3A_337], %mul3A_339 : memref<32x128xf32, #tpu.memory_space<vmem>>[vector<16xi32>, vector<16xi32>], vector<16xf32>,
        %add3A_340 = arith.constant 16 : i32
        %add3A_341 = vector.broadcast %add3A_340 : i32 to vector<16xi32>
        %add3A_342 = arith.addi %iota3A, %add3A_341 : vector<16xi32>
        %gather3A_343 = tpu.vector_load_idx %arg31[%add3A_333, %add3A_342] : memref<32x128xf32, #tpu.memory_space<vmem>>[vector<16xi32>, vector<16xi32>], vector<16xf32>,
        %mul3A_344 = arith.mulf %gather3A_343, %gather3A_334 : vector<16xf32>
        tpu.vector_store_idx %arg31[%add3A_333, %add3A_342], %mul3A_344 : memref<32x128xf32, #tpu.memory_space<vmem>>[vector<16xi32>, vector<16xi32>], vector<16xf32>,
        %add3A_345 = arith.constant 32 : i32
        %add3A_346 = vector.broadcast %add3A_345 : i32 to vector<16xi32>
        %add3A_347 = arith.addi %iota3A, %add3A_346 : vector<16xi32>
        %gather3A_348 = tpu.vector_load_idx %arg31[%add3A_333, %add3A_347] : memref<32x128xf32, #tpu.memory_space<vmem>>[vector<16xi32>, vector<16xi32>], vector<16xf32>,
        %mul3A_349 = arith.mulf %gather3A_348, %gather3A_334 : vector<16xf32>
        tpu.vector_store_idx %arg31[%add3A_333, %add3A_347], %mul3A_349 : memref<32x128xf32, #tpu.memory_space<vmem>>[vector<16xi32>, vector<16xi32>], vector<16xf32>,
        %add3A_350 = arith.constant 48 : i32
        %add3A_351 = vector.broadcast %add3A_350 : i32 to vector<16xi32>
        %add3A_352 = arith.addi %iota3A, %add3A_351 : vector<16xi32>
        %gather3A_353 = tpu.vector_load_idx %arg31[%add3A_333, %add3A_352] : memref<32x128xf32, #tpu.memory_space<vmem>>[vector<16xi32>, vector<16xi32>], vector<16xf32>,
        %mul3A_354 = arith.mulf %gather3A_353, %gather3A_334 : vector<16xf32>
        tpu.vector_store_idx %arg31[%add3A_333, %add3A_352], %mul3A_354 : memref<32x128xf32, #tpu.memory_space<vmem>>[vector<16xi32>, vector<16xi32>], vector<16xf32>,
        %add3A_355 = arith.constant 64 : i32
        %add3A_356 = vector.broadcast %add3A_355 : i32 to vector<16xi32>
        %add3A_357 = arith.addi %iota3A, %add3A_356 : vector<16xi32>
        %gather3A_358 = tpu.vector_load_idx %arg31[%add3A_333, %add3A_357] : memref<32x128xf32, #tpu.memory_space<vmem>>[vector<16xi32>, vector<16xi32>], vector<16xf32>,
        %mul3A_359 = arith.mulf %gather3A_358, %gather3A_334 : vector<16xf32>
        tpu.vector_store_idx %arg31[%add3A_333, %add3A_357], %mul3A_359 : memref<32x128xf32, #tpu.memory_space<vmem>>[vector<16xi32>, vector<16xi32>], vector<16xf32>,
        %add3A_360 = arith.constant 80 : i32
        %add3A_361 = vector.broadcast %add3A_360 : i32 to vector<16xi32>
        %add3A_362 = arith.addi %iota3A, %add3A_361 : vector<16xi32>
        %gather3A_363 = tpu.vector_load_idx %arg31[%add3A_333, %add3A_362] : memref<32x128xf32, #tpu.memory_space<vmem>>[vector<16xi32>, vector<16xi32>], vector<16xf32>,
        %mul3A_364 = arith.mulf %gather3A_363, %gather3A_334 : vector<16xf32>
        tpu.vector_store_idx %arg31[%add3A_333, %add3A_362], %mul3A_364 : memref<32x128xf32, #tpu.memory_space<vmem>>[vector<16xi32>, vector<16xi32>], vector<16xf32>,
        %add3A_365 = arith.constant 96 : i32
        %add3A_366 = vector.broadcast %add3A_365 : i32 to vector<16xi32>
        %add3A_367 = arith.addi %iota3A, %add3A_366 : vector<16xi32>
        %gather3A_368 = tpu.vector_load_idx %arg31[%add3A_333, %add3A_367] : memref<32x128xf32, #tpu.memory_space<vmem>>[vector<16xi32>, vector<16xi32>], vector<16xf32>,
        %mul3A_369 = arith.mulf %gather3A_368, %gather3A_334 : vector<16xf32>
        tpu.vector_store_idx %arg31[%add3A_333, %add3A_367], %mul3A_369 : memref<32x128xf32, #tpu.memory_space<vmem>>[vector<16xi32>, vector<16xi32>], vector<16xf32>,
        %add3A_370 = arith.constant 112 : i32
        %add3A_371 = vector.broadcast %add3A_370 : i32 to vector<16xi32>
        %add3A_372 = arith.addi %iota3A, %add3A_371 : vector<16xi32>
        %gather3A_373 = tpu.vector_load_idx %arg31[%add3A_333, %add3A_372] : memref<32x128xf32, #tpu.memory_space<vmem>>[vector<16xi32>, vector<16xi32>], vector<16xf32>,
        %mul3A_374 = arith.mulf %gather3A_373, %gather3A_334 : vector<16xf32>
        tpu.vector_store_idx %arg31[%add3A_333, %add3A_372], %mul3A_374 : memref<32x128xf32, #tpu.memory_space<vmem>>[vector<16xi32>, vector<16xi32>], vector<16xf32>,
        %broadcast_in_dim3A_375 = arith.constant 0 : i32
        %broadcast_in_dim3A_376 = vector.broadcast %broadcast_in_dim3A_375 : i32 to vector<16xi32>
        %mul3A_377 = arith.constant 8 : i32
        %mul3A_378 = arith.muli %scan3A_326, %mul3A_377 : i32
        %add3A_379 = arith.constant 1 : i32
        %add3A_380 = arith.addi %mul3A_378, %add3A_379 : i32
        %add3A_381 = vector.broadcast %add3A_380 : i32 to vector<16xi32>
        %add3A_382 = arith.addi %broadcast_in_dim3A_376, %add3A_381 : vector<16xi32>
        %gather3A_383 = tpu.vector_load_idx %arg34[%add3A_382] : memref<32xf32, #tpu.memory_space<vmem>>[vector<16xi32>], vector<16xf32>,
        %add3A_384 = arith.constant 0 : i32
        %add3A_385 = vector.broadcast %add3A_384 : i32 to vector<16xi32>
        %add3A_386 = arith.addi %iota3A, %add3A_385 : vector<16xi32>
        %gather3A_387 = tpu.vector_load_idx %arg31[%add3A_382, %add3A_386] : memref<32x128xf32, #tpu.memory_space<vmem>>[vector<16xi32>, vector<16xi32>], vector<16xf32>,
        %mul3A_388 = arith.mulf %gather3A_387, %gather3A_383 : vector<16xf32>
        tpu.vector_store_idx %arg31[%add3A_382, %add3A_386], %mul3A_388 : memref<32x128xf32, #tpu.memory_space<vmem>>[vector<16xi32>, vector<16xi32>], vector<16xf32>,
        %add3A_389 = arith.constant 16 : i32
        %add3A_390 = vector.broadcast %add3A_389 : i32 to vector<16xi32>
        %add3A_391 = arith.addi %iota3A, %add3A_390 : vector<16xi32>
        %gather3A_392 = tpu.vector_load_idx %arg31[%add3A_382, %add3A_391] : memref<32x128xf32, #tpu.memory_space<vmem>>[vector<16xi32>, vector<16xi32>], vector<16xf32>,
        %mul3A_393 = arith.mulf %gather3A_392, %gather3A_383 : vector<16xf32>
        tpu.vector_store_idx %arg31[%add3A_382, %add3A_391], %mul3A_393 : memref<32x128xf32, #tpu.memory_space<vmem>>[vector<16xi32>, vector<16xi32>], vector<16xf32>,
        %add3A_394 = arith.constant 32 : i32
        %add3A_395 = vector.broadcast %add3A_394 : i32 to vector<16xi32>
        %add3A_396 = arith.addi %iota3A, %add3A_395 : vector<16xi32>
        %gather3A_397 = tpu.vector_load_idx %arg31[%add3A_382, %add3A_396] : memref<32x128xf32, #tpu.memory_space<vmem>>[vector<16xi32>, vector<16xi32>], vector<16xf32>,
        %mul3A_398 = arith.mulf %gather3A_397, %gather3A_383 : vector<16xf32>
        tpu.vector_store_idx %arg31[%add3A_382, %add3A_396], %mul3A_398 : memref<32x128xf32, #tpu.memory_space<vmem>>[vector<16xi32>, vector<16xi32>], vector<16xf32>,
        %add3A_399 = arith.constant 48 : i32
        %add3A_400 = vector.broadcast %add3A_399 : i32 to vector<16xi32>
        %add3A_401 = arith.addi %iota3A, %add3A_400 : vector<16xi32>
        %gather3A_402 = tpu.vector_load_idx %arg31[%add3A_382, %add3A_401] : memref<32x128xf32, #tpu.memory_space<vmem>>[vector<16xi32>, vector<16xi32>], vector<16xf32>,
        %mul3A_403 = arith.mulf %gather3A_402, %gather3A_383 : vector<16xf32>
        tpu.vector_store_idx %arg31[%add3A_382, %add3A_401], %mul3A_403 : memref<32x128xf32, #tpu.memory_space<vmem>>[vector<16xi32>, vector<16xi32>], vector<16xf32>,
        %add3A_404 = arith.constant 64 : i32
        %add3A_405 = vector.broadcast %add3A_404 : i32 to vector<16xi32>
        %add3A_406 = arith.addi %iota3A, %add3A_405 : vector<16xi32>
        %gather3A_407 = tpu.vector_load_idx %arg31[%add3A_382, %add3A_406] : memref<32x128xf32, #tpu.memory_space<vmem>>[vector<16xi32>, vector<16xi32>], vector<16xf32>,
        %mul3A_408 = arith.mulf %gather3A_407, %gather3A_383 : vector<16xf32>
        tpu.vector_store_idx %arg31[%add3A_382, %add3A_406], %mul3A_408 : memref<32x128xf32, #tpu.memory_space<vmem>>[vector<16xi32>, vector<16xi32>], vector<16xf32>,
        %add3A_409 = arith.constant 80 : i32
        %add3A_410 = vector.broadcast %add3A_409 : i32 to vector<16xi32>
        %add3A_411 = arith.addi %iota3A, %add3A_410 : vector<16xi32>
        %gather3A_412 = tpu.vector_load_idx %arg31[%add3A_382, %add3A_411] : memref<32x128xf32, #tpu.memory_space<vmem>>[vector<16xi32>, vector<16xi32>], vector<16xf32>,
        %mul3A_413 = arith.mulf %gather3A_412, %gather3A_383 : vector<16xf32>
        tpu.vector_store_idx %arg31[%add3A_382, %add3A_411], %mul3A_413 : memref<32x128xf32, #tpu.memory_space<vmem>>[vector<16xi32>, vector<16xi32>], vector<16xf32>,
        %add3A_414 = arith.constant 96 : i32
        %add3A_415 = vector.broadcast %add3A_414 : i32 to vector<16xi32>
        %add3A_416 = arith.addi %iota3A, %add3A_415 : vector<16xi32>
        %gather3A_417 = tpu.vector_load_idx %arg31[%add3A_382, %add3A_416] : memref<32x128xf32, #tpu.memory_space<vmem>>[vector<16xi32>, vector<16xi32>], vector<16xf32>,
        %mul3A_418 = arith.mulf %gather3A_417, %gather3A_383 : vector<16xf32>
        tpu.vector_store_idx %arg31[%add3A_382, %add3A_416], %mul3A_418 : memref<32x128xf32, #tpu.memory_space<vmem>>[vector<16xi32>, vector<16xi32>], vector<16xf32>,
        %add3A_419 = arith.constant 112 : i32
        %add3A_420 = vector.broadcast %add3A_419 : i32 to vector<16xi32>
        %add3A_421 = arith.addi %iota3A, %add3A_420 : vector<16xi32>
        %gather3A_422 = tpu.vector_load_idx %arg31[%add3A_382, %add3A_421] : memref<32x128xf32, #tpu.memory_space<vmem>>[vector<16xi32>, vector<16xi32>], vector<16xf32>,
        %mul3A_423 = arith.mulf %gather3A_422, %gather3A_383 : vector<16xf32>
        tpu.vector_store_idx %arg31[%add3A_382, %add3A_421], %mul3A_423 : memref<32x128xf32, #tpu.memory_space<vmem>>[vector<16xi32>, vector<16xi32>], vector<16xf32>,
        %broadcast_in_dim3A_424 = arith.constant 0 : i32
        %broadcast_in_dim3A_425 = vector.broadcast %broadcast_in_dim3A_424 : i32 to vector<16xi32>
        %mul3A_426 = arith.constant 8 : i32
        %mul3A_427 = arith.muli %scan3A_326, %mul3A_426 : i32
        %add3A_428 = arith.constant 2 : i32
        %add3A_429 = arith.addi %mul3A_427, %add3A_428 : i32
        %add3A_430 = vector.broadcast %add3A_429 : i32 to vector<16xi32>
        %add3A_431 = arith.addi %broadcast_in_dim3A_425, %add3A_430 : vector<16xi32>
        %gather3A_432 = tpu.vector_load_idx %arg34[%add3A_431] : memref<32xf32, #tpu.memory_space<vmem>>[vector<16xi32>], vector<16xf32>,
        %add3A_433 = arith.constant 0 : i32
        %add3A_434 = vector.broadcast %add3A_433 : i32 to vector<16xi32>
        %add3A_435 = arith.addi %iota3A, %add3A_434 : vector<16xi32>
        %gather3A_436 = tpu.vector_load_idx %arg31[%add3A_431, %add3A_435] : memref<32x128xf32, #tpu.memory_space<vmem>>[vector<16xi32>, vector<16xi32>], vector<16xf32>,
        %mul3A_437 = arith.mulf %gather3A_436, %gather3A_432 : vector<16xf32>
        tpu.vector_store_idx %arg31[%add3A_431, %add3A_435], %mul3A_437 : memref<32x128xf32, #tpu.memory_space<vmem>>[vector<16xi32>, vector<16xi32>], vector<16xf32>,
        %add3A_438 = arith.constant 16 : i32
        %add3A_439 = vector.broadcast %add3A_438 : i32 to vector<16xi32>
        %add3A_440 = arith.addi %iota3A, %add3A_439 : vector<16xi32>
        %gather3A_441 = tpu.vector_load_idx %arg31[%add3A_431, %add3A_440] : memref<32x128xf32, #tpu.memory_space<vmem>>[vector<16xi32>, vector<16xi32>], vector<16xf32>,
        %mul3A_442 = arith.mulf %gather3A_441, %gather3A_432 : vector<16xf32>
        tpu.vector_store_idx %arg31[%add3A_431, %add3A_440], %mul3A_442 : memref<32x128xf32, #tpu.memory_space<vmem>>[vector<16xi32>, vector<16xi32>], vector<16xf32>,
        %add3A_443 = arith.constant 32 : i32
        %add3A_444 = vector.broadcast %add3A_443 : i32 to vector<16xi32>
        %add3A_445 = arith.addi %iota3A, %add3A_444 : vector<16xi32>
        %gather3A_446 = tpu.vector_load_idx %arg31[%add3A_431, %add3A_445] : memref<32x128xf32, #tpu.memory_space<vmem>>[vector<16xi32>, vector<16xi32>], vector<16xf32>,
        %mul3A_447 = arith.mulf %gather3A_446, %gather3A_432 : vector<16xf32>
        tpu.vector_store_idx %arg31[%add3A_431, %add3A_445], %mul3A_447 : memref<32x128xf32, #tpu.memory_space<vmem>>[vector<16xi32>, vector<16xi32>], vector<16xf32>,
        %add3A_448 = arith.constant 48 : i32
        %add3A_449 = vector.broadcast %add3A_448 : i32 to vector<16xi32>
        %add3A_450 = arith.addi %iota3A, %add3A_449 : vector<16xi32>
        %gather3A_451 = tpu.vector_load_idx %arg31[%add3A_431, %add3A_450] : memref<32x128xf32, #tpu.memory_space<vmem>>[vector<16xi32>, vector<16xi32>], vector<16xf32>,
        %mul3A_452 = arith.mulf %gather3A_451, %gather3A_432 : vector<16xf32>
        tpu.vector_store_idx %arg31[%add3A_431, %add3A_450], %mul3A_452 : memref<32x128xf32, #tpu.memory_space<vmem>>[vector<16xi32>, vector<16xi32>], vector<16xf32>,
        %add3A_453 = arith.constant 64 : i32
        %add3A_454 = vector.broadcast %add3A_453 : i32 to vector<16xi32>
        %add3A_455 = arith.addi %iota3A, %add3A_454 : vector<16xi32>
        %gather3A_456 = tpu.vector_load_idx %arg31[%add3A_431, %add3A_455] : memref<32x128xf32, #tpu.memory_space<vmem>>[vector<16xi32>, vector<16xi32>], vector<16xf32>,
        %mul3A_457 = arith.mulf %gather3A_456, %gather3A_432 : vector<16xf32>
        tpu.vector_store_idx %arg31[%add3A_431, %add3A_455], %mul3A_457 : memref<32x128xf32, #tpu.memory_space<vmem>>[vector<16xi32>, vector<16xi32>], vector<16xf32>,
        %add3A_458 = arith.constant 80 : i32
        %add3A_459 = vector.broadcast %add3A_458 : i32 to vector<16xi32>
        %add3A_460 = arith.addi %iota3A, %add3A_459 : vector<16xi32>
        %gather3A_461 = tpu.vector_load_idx %arg31[%add3A_431, %add3A_460] : memref<32x128xf32, #tpu.memory_space<vmem>>[vector<16xi32>, vector<16xi32>], vector<16xf32>,
        %mul3A_462 = arith.mulf %gather3A_461, %gather3A_432 : vector<16xf32>
        tpu.vector_store_idx %arg31[%add3A_431, %add3A_460], %mul3A_462 : memref<32x128xf32, #tpu.memory_space<vmem>>[vector<16xi32>, vector<16xi32>], vector<16xf32>,
        %add3A_463 = arith.constant 96 : i32
        %add3A_464 = vector.broadcast %add3A_463 : i32 to vector<16xi32>
        %add3A_465 = arith.addi %iota3A, %add3A_464 : vector<16xi32>
        %gather3A_466 = tpu.vector_load_idx %arg31[%add3A_431, %add3A_465] : memref<32x128xf32, #tpu.memory_space<vmem>>[vector<16xi32>, vector<16xi32>], vector<16xf32>,
        %mul3A_467 = arith.mulf %gather3A_466, %gather3A_432 : vector<16xf32>
        tpu.vector_store_idx %arg31[%add3A_431, %add3A_465], %mul3A_467 : memref<32x128xf32, #tpu.memory_space<vmem>>[vector<16xi32>, vector<16xi32>], vector<16xf32>,
        %add3A_468 = arith.constant 112 : i32
        %add3A_469 = vector.broadcast %add3A_468 : i32 to vector<16xi32>
        %add3A_470 = arith.addi %iota3A, %add3A_469 : vector<16xi32>
        %gather3A_471 = tpu.vector_load_idx %arg31[%add3A_431, %add3A_470] : memref<32x128xf32, #tpu.memory_space<vmem>>[vector<16xi32>, vector<16xi32>], vector<16xf32>,
        %mul3A_472 = arith.mulf %gather3A_471, %gather3A_432 : vector<16xf32>
        tpu.vector_store_idx %arg31[%add3A_431, %add3A_470], %mul3A_472 : memref<32x128xf32, #tpu.memory_space<vmem>>[vector<16xi32>, vector<16xi32>], vector<16xf32>,
        %broadcast_in_dim3A_473 = arith.constant 0 : i32
        %broadcast_in_dim3A_474 = vector.broadcast %broadcast_in_dim3A_473 : i32 to vector<16xi32>
        %mul3A_475 = arith.constant 8 : i32
        %mul3A_476 = arith.muli %scan3A_326, %mul3A_475 : i32
        %add3A_477 = arith.constant 3 : i32
        %add3A_478 = arith.addi %mul3A_476, %add3A_477 : i32
        %add3A_479 = vector.broadcast %add3A_478 : i32 to vector<16xi32>
        %add3A_480 = arith.addi %broadcast_in_dim3A_474, %add3A_479 : vector<16xi32>
        %gather3A_481 = tpu.vector_load_idx %arg34[%add3A_480] : memref<32xf32, #tpu.memory_space<vmem>>[vector<16xi32>], vector<16xf32>,
        %add3A_482 = arith.constant 0 : i32
        %add3A_483 = vector.broadcast %add3A_482 : i32 to vector<16xi32>
        %add3A_484 = arith.addi %iota3A, %add3A_483 : vector<16xi32>
        %gather3A_485 = tpu.vector_load_idx %arg31[%add3A_480, %add3A_484] : memref<32x128xf32, #tpu.memory_space<vmem>>[vector<16xi32>, vector<16xi32>], vector<16xf32>,
        %mul3A_486 = arith.mulf %gather3A_485, %gather3A_481 : vector<16xf32>
        tpu.vector_store_idx %arg31[%add3A_480, %add3A_484], %mul3A_486 : memref<32x128xf32, #tpu.memory_space<vmem>>[vector<16xi32>, vector<16xi32>], vector<16xf32>,
        %add3A_487 = arith.constant 16 : i32
        %add3A_488 = vector.broadcast %add3A_487 : i32 to vector<16xi32>
        %add3A_489 = arith.addi %iota3A, %add3A_488 : vector<16xi32>
        %gather3A_490 = tpu.vector_load_idx %arg31[%add3A_480, %add3A_489] : memref<32x128xf32, #tpu.memory_space<vmem>>[vector<16xi32>, vector<16xi32>], vector<16xf32>,
        %mul3A_491 = arith.mulf %gather3A_490, %gather3A_481 : vector<16xf32>
        tpu.vector_store_idx %arg31[%add3A_480, %add3A_489], %mul3A_491 : memref<32x128xf32, #tpu.memory_space<vmem>>[vector<16xi32>, vector<16xi32>], vector<16xf32>,
        %add3A_492 = arith.constant 32 : i32
        %add3A_493 = vector.broadcast %add3A_492 : i32 to vector<16xi32>
        %add3A_494 = arith.addi %iota3A, %add3A_493 : vector<16xi32>
        %gather3A_495 = tpu.vector_load_idx %arg31[%add3A_480, %add3A_494] : memref<32x128xf32, #tpu.memory_space<vmem>>[vector<16xi32>, vector<16xi32>], vector<16xf32>,
        %mul3A_496 = arith.mulf %gather3A_495, %gather3A_481 : vector<16xf32>
        tpu.vector_store_idx %arg31[%add3A_480, %add3A_494], %mul3A_496 : memref<32x128xf32, #tpu.memory_space<vmem>>[vector<16xi32>, vector<16xi32>], vector<16xf32>,
        %add3A_497 = arith.constant 48 : i32
        %add3A_498 = vector.broadcast %add3A_497 : i32 to vector<16xi32>
        %add3A_499 = arith.addi %iota3A, %add3A_498 : vector<16xi32>
        %gather3A_500 = tpu.vector_load_idx %arg31[%add3A_480, %add3A_499] : memref<32x128xf32, #tpu.memory_space<vmem>>[vector<16xi32>, vector<16xi32>], vector<16xf32>,
        %mul3A_501 = arith.mulf %gather3A_500, %gather3A_481 : vector<16xf32>
        tpu.vector_store_idx %arg31[%add3A_480, %add3A_499], %mul3A_501 : memref<32x128xf32, #tpu.memory_space<vmem>>[vector<16xi32>, vector<16xi32>], vector<16xf32>,
        %add3A_502 = arith.constant 64 : i32
        %add3A_503 = vector.broadcast %add3A_502 : i32 to vector<16xi32>
        %add3A_504 = arith.addi %iota3A, %add3A_503 : vector<16xi32>
        %gather3A_505 = tpu.vector_load_idx %arg31[%add3A_480, %add3A_504] : memref<32x128xf32, #tpu.memory_space<vmem>>[vector<16xi32>, vector<16xi32>], vector<16xf32>,
        %mul3A_506 = arith.mulf %gather3A_505, %gather3A_481 : vector<16xf32>
        tpu.vector_store_idx %arg31[%add3A_480, %add3A_504], %mul3A_506 : memref<32x128xf32, #tpu.memory_space<vmem>>[vector<16xi32>, vector<16xi32>], vector<16xf32>,
        %add3A_507 = arith.constant 80 : i32
        %add3A_508 = vector.broadcast %add3A_507 : i32 to vector<16xi32>
        %add3A_509 = arith.addi %iota3A, %add3A_508 : vector<16xi32>
        %gather3A_510 = tpu.vector_load_idx %arg31[%add3A_480, %add3A_509] : memref<32x128xf32, #tpu.memory_space<vmem>>[vector<16xi32>, vector<16xi32>], vector<16xf32>,
        %mul3A_511 = arith.mulf %gather3A_510, %gather3A_481 : vector<16xf32>
        tpu.vector_store_idx %arg31[%add3A_480, %add3A_509], %mul3A_511 : memref<32x128xf32, #tpu.memory_space<vmem>>[vector<16xi32>, vector<16xi32>], vector<16xf32>,
        %add3A_512 = arith.constant 96 : i32
        %add3A_513 = vector.broadcast %add3A_512 : i32 to vector<16xi32>
        %add3A_514 = arith.addi %iota3A, %add3A_513 : vector<16xi32>
        %gather3A_515 = tpu.vector_load_idx %arg31[%add3A_480, %add3A_514] : memref<32x128xf32, #tpu.memory_space<vmem>>[vector<16xi32>, vector<16xi32>], vector<16xf32>,
        %mul3A_516 = arith.mulf %gather3A_515, %gather3A_481 : vector<16xf32>
        tpu.vector_store_idx %arg31[%add3A_480, %add3A_514], %mul3A_516 : memref<32x128xf32, #tpu.memory_space<vmem>>[vector<16xi32>, vector<16xi32>], vector<16xf32>,
        %add3A_517 = arith.constant 112 : i32
        %add3A_518 = vector.broadcast %add3A_517 : i32 to vector<16xi32>
        %add3A_519 = arith.addi %iota3A, %add3A_518 : vector<16xi32>
        %gather3A_520 = tpu.vector_load_idx %arg31[%add3A_480, %add3A_519] : memref<32x128xf32, #tpu.memory_space<vmem>>[vector<16xi32>, vector<16xi32>], vector<16xf32>,
        %mul3A_521 = arith.mulf %gather3A_520, %gather3A_481 : vector<16xf32>
        tpu.vector_store_idx %arg31[%add3A_480, %add3A_519], %mul3A_521 : memref<32x128xf32, #tpu.memory_space<vmem>>[vector<16xi32>, vector<16xi32>], vector<16xf32>,
        %broadcast_in_dim3A_522 = arith.constant 0 : i32
        %broadcast_in_dim3A_523 = vector.broadcast %broadcast_in_dim3A_522 : i32 to vector<16xi32>
        %mul3A_524 = arith.constant 8 : i32
        %mul3A_525 = arith.muli %scan3A_326, %mul3A_524 : i32
        %add3A_526 = arith.constant 4 : i32
        %add3A_527 = arith.addi %mul3A_525, %add3A_526 : i32
        %add3A_528 = vector.broadcast %add3A_527 : i32 to vector<16xi32>
        %add3A_529 = arith.addi %broadcast_in_dim3A_523, %add3A_528 : vector<16xi32>
        %gather3A_530 = tpu.vector_load_idx %arg34[%add3A_529] : memref<32xf32, #tpu.memory_space<vmem>>[vector<16xi32>], vector<16xf32>,
        %add3A_531 = arith.constant 0 : i32
        %add3A_532 = vector.broadcast %add3A_531 : i32 to vector<16xi32>
        %add3A_533 = arith.addi %iota3A, %add3A_532 : vector<16xi32>
        %gather3A_534 = tpu.vector_load_idx %arg31[%add3A_529, %add3A_533] : memref<32x128xf32, #tpu.memory_space<vmem>>[vector<16xi32>, vector<16xi32>], vector<16xf32>,
        %mul3A_535 = arith.mulf %gather3A_534, %gather3A_530 : vector<16xf32>
        tpu.vector_store_idx %arg31[%add3A_529, %add3A_533], %mul3A_535 : memref<32x128xf32, #tpu.memory_space<vmem>>[vector<16xi32>, vector<16xi32>], vector<16xf32>,
        %add3A_536 = arith.constant 16 : i32
        %add3A_537 = vector.broadcast %add3A_536 : i32 to vector<16xi32>
        %add3A_538 = arith.addi %iota3A, %add3A_537 : vector<16xi32>
        %gather3A_539 = tpu.vector_load_idx %arg31[%add3A_529, %add3A_538] : memref<32x128xf32, #tpu.memory_space<vmem>>[vector<16xi32>, vector<16xi32>], vector<16xf32>,
        %mul3A_540 = arith.mulf %gather3A_539, %gather3A_530 : vector<16xf32>
        tpu.vector_store_idx %arg31[%add3A_529, %add3A_538], %mul3A_540 : memref<32x128xf32, #tpu.memory_space<vmem>>[vector<16xi32>, vector<16xi32>], vector<16xf32>,
        %add3A_541 = arith.constant 32 : i32
        %add3A_542 = vector.broadcast %add3A_541 : i32 to vector<16xi32>
        %add3A_543 = arith.addi %iota3A, %add3A_542 : vector<16xi32>
        %gather3A_544 = tpu.vector_load_idx %arg31[%add3A_529, %add3A_543] : memref<32x128xf32, #tpu.memory_space<vmem>>[vector<16xi32>, vector<16xi32>], vector<16xf32>,
        %mul3A_545 = arith.mulf %gather3A_544, %gather3A_530 : vector<16xf32>
        tpu.vector_store_idx %arg31[%add3A_529, %add3A_543], %mul3A_545 : memref<32x128xf32, #tpu.memory_space<vmem>>[vector<16xi32>, vector<16xi32>], vector<16xf32>,
        %add3A_546 = arith.constant 48 : i32
        %add3A_547 = vector.broadcast %add3A_546 : i32 to vector<16xi32>
        %add3A_548 = arith.addi %iota3A, %add3A_547 : vector<16xi32>
        %gather3A_549 = tpu.vector_load_idx %arg31[%add3A_529, %add3A_548] : memref<32x128xf32, #tpu.memory_space<vmem>>[vector<16xi32>, vector<16xi32>], vector<16xf32>,
        %mul3A_550 = arith.mulf %gather3A_549, %gather3A_530 : vector<16xf32>
        tpu.vector_store_idx %arg31[%add3A_529, %add3A_548], %mul3A_550 : memref<32x128xf32, #tpu.memory_space<vmem>>[vector<16xi32>, vector<16xi32>], vector<16xf32>,
        %add3A_551 = arith.constant 64 : i32
        %add3A_552 = vector.broadcast %add3A_551 : i32 to vector<16xi32>
        %add3A_553 = arith.addi %iota3A, %add3A_552 : vector<16xi32>
        %gather3A_554 = tpu.vector_load_idx %arg31[%add3A_529, %add3A_553] : memref<32x128xf32, #tpu.memory_space<vmem>>[vector<16xi32>, vector<16xi32>], vector<16xf32>,
        %mul3A_555 = arith.mulf %gather3A_554, %gather3A_530 : vector<16xf32>
        tpu.vector_store_idx %arg31[%add3A_529, %add3A_553], %mul3A_555 : memref<32x128xf32, #tpu.memory_space<vmem>>[vector<16xi32>, vector<16xi32>], vector<16xf32>,
        %add3A_556 = arith.constant 80 : i32
        %add3A_557 = vector.broadcast %add3A_556 : i32 to vector<16xi32>
        %add3A_558 = arith.addi %iota3A, %add3A_557 : vector<16xi32>
        %gather3A_559 = tpu.vector_load_idx %arg31[%add3A_529, %add3A_558] : memref<32x128xf32, #tpu.memory_space<vmem>>[vector<16xi32>, vector<16xi32>], vector<16xf32>,
        %mul3A_560 = arith.mulf %gather3A_559, %gather3A_530 : vector<16xf32>
        tpu.vector_store_idx %arg31[%add3A_529, %add3A_558], %mul3A_560 : memref<32x128xf32, #tpu.memory_space<vmem>>[vector<16xi32>, vector<16xi32>], vector<16xf32>,
        %add3A_561 = arith.constant 96 : i32
        %add3A_562 = vector.broadcast %add3A_561 : i32 to vector<16xi32>
        %add3A_563 = arith.addi %iota3A, %add3A_562 : vector<16xi32>
        %gather3A_564 = tpu.vector_load_idx %arg31[%add3A_529, %add3A_563] : memref<32x128xf32, #tpu.memory_space<vmem>>[vector<16xi32>, vector<16xi32>], vector<16xf32>,
        %mul3A_565 = arith.mulf %gather3A_564, %gather3A_530 : vector<16xf32>
        tpu.vector_store_idx %arg31[%add3A_529, %add3A_563], %mul3A_565 : memref<32x128xf32, #tpu.memory_space<vmem>>[vector<16xi32>, vector<16xi32>], vector<16xf32>,
        %add3A_566 = arith.constant 112 : i32
        %add3A_567 = vector.broadcast %add3A_566 : i32 to vector<16xi32>
        %add3A_568 = arith.addi %iota3A, %add3A_567 : vector<16xi32>
        %gather3A_569 = tpu.vector_load_idx %arg31[%add3A_529, %add3A_568] : memref<32x128xf32, #tpu.memory_space<vmem>>[vector<16xi32>, vector<16xi32>], vector<16xf32>,
        %mul3A_570 = arith.mulf %gather3A_569, %gather3A_530 : vector<16xf32>
        tpu.vector_store_idx %arg31[%add3A_529, %add3A_568], %mul3A_570 : memref<32x128xf32, #tpu.memory_space<vmem>>[vector<16xi32>, vector<16xi32>], vector<16xf32>,
        %broadcast_in_dim3A_571 = arith.constant 0 : i32
        %broadcast_in_dim3A_572 = vector.broadcast %broadcast_in_dim3A_571 : i32 to vector<16xi32>
        %mul3A_573 = arith.constant 8 : i32
        %mul3A_574 = arith.muli %scan3A_326, %mul3A_573 : i32
        %add3A_575 = arith.constant 5 : i32
        %add3A_576 = arith.addi %mul3A_574, %add3A_575 : i32
        %add3A_577 = vector.broadcast %add3A_576 : i32 to vector<16xi32>
        %add3A_578 = arith.addi %broadcast_in_dim3A_572, %add3A_577 : vector<16xi32>
        %gather3A_579 = tpu.vector_load_idx %arg34[%add3A_578] : memref<32xf32, #tpu.memory_space<vmem>>[vector<16xi32>], vector<16xf32>,
        %add3A_580 = arith.constant 0 : i32
        %add3A_581 = vector.broadcast %add3A_580 : i32 to vector<16xi32>
        %add3A_582 = arith.addi %iota3A, %add3A_581 : vector<16xi32>
        %gather3A_583 = tpu.vector_load_idx %arg31[%add3A_578, %add3A_582] : memref<32x128xf32, #tpu.memory_space<vmem>>[vector<16xi32>, vector<16xi32>], vector<16xf32>,
        %mul3A_584 = arith.mulf %gather3A_583, %gather3A_579 : vector<16xf32>
        tpu.vector_store_idx %arg31[%add3A_578, %add3A_582], %mul3A_584 : memref<32x128xf32, #tpu.memory_space<vmem>>[vector<16xi32>, vector<16xi32>], vector<16xf32>,
        %add3A_585 = arith.constant 16 : i32
        %add3A_586 = vector.broadcast %add3A_585 : i32 to vector<16xi32>
        %add3A_587 = arith.addi %iota3A, %add3A_586 : vector<16xi32>
        %gather3A_588 = tpu.vector_load_idx %arg31[%add3A_578, %add3A_587] : memref<32x128xf32, #tpu.memory_space<vmem>>[vector<16xi32>, vector<16xi32>], vector<16xf32>,
        %mul3A_589 = arith.mulf %gather3A_588, %gather3A_579 : vector<16xf32>
        tpu.vector_store_idx %arg31[%add3A_578, %add3A_587], %mul3A_589 : memref<32x128xf32, #tpu.memory_space<vmem>>[vector<16xi32>, vector<16xi32>], vector<16xf32>,
        %add3A_590 = arith.constant 32 : i32
        %add3A_591 = vector.broadcast %add3A_590 : i32 to vector<16xi32>
        %add3A_592 = arith.addi %iota3A, %add3A_591 : vector<16xi32>
        %gather3A_593 = tpu.vector_load_idx %arg31[%add3A_578, %add3A_592] : memref<32x128xf32, #tpu.memory_space<vmem>>[vector<16xi32>, vector<16xi32>], vector<16xf32>,
        %mul3A_594 = arith.mulf %gather3A_593, %gather3A_579 : vector<16xf32>
        tpu.vector_store_idx %arg31[%add3A_578, %add3A_592], %mul3A_594 : memref<32x128xf32, #tpu.memory_space<vmem>>[vector<16xi32>, vector<16xi32>], vector<16xf32>,
        %add3A_595 = arith.constant 48 : i32
        %add3A_596 = vector.broadcast %add3A_595 : i32 to vector<16xi32>
        %add3A_597 = arith.addi %iota3A, %add3A_596 : vector<16xi32>
        %gather3A_598 = tpu.vector_load_idx %arg31[%add3A_578, %add3A_597] : memref<32x128xf32, #tpu.memory_space<vmem>>[vector<16xi32>, vector<16xi32>], vector<16xf32>,
        %mul3A_599 = arith.mulf %gather3A_598, %gather3A_579 : vector<16xf32>
        tpu.vector_store_idx %arg31[%add3A_578, %add3A_597], %mul3A_599 : memref<32x128xf32, #tpu.memory_space<vmem>>[vector<16xi32>, vector<16xi32>], vector<16xf32>,
        %add3A_600 = arith.constant 64 : i32
        %add3A_601 = vector.broadcast %add3A_600 : i32 to vector<16xi32>
        %add3A_602 = arith.addi %iota3A, %add3A_601 : vector<16xi32>
        %gather3A_603 = tpu.vector_load_idx %arg31[%add3A_578, %add3A_602] : memref<32x128xf32, #tpu.memory_space<vmem>>[vector<16xi32>, vector<16xi32>], vector<16xf32>,
        %mul3A_604 = arith.mulf %gather3A_603, %gather3A_579 : vector<16xf32>
        tpu.vector_store_idx %arg31[%add3A_578, %add3A_602], %mul3A_604 : memref<32x128xf32, #tpu.memory_space<vmem>>[vector<16xi32>, vector<16xi32>], vector<16xf32>,
        %add3A_605 = arith.constant 80 : i32
        %add3A_606 = vector.broadcast %add3A_605 : i32 to vector<16xi32>
        %add3A_607 = arith.addi %iota3A, %add3A_606 : vector<16xi32>
        %gather3A_608 = tpu.vector_load_idx %arg31[%add3A_578, %add3A_607] : memref<32x128xf32, #tpu.memory_space<vmem>>[vector<16xi32>, vector<16xi32>], vector<16xf32>,
        %mul3A_609 = arith.mulf %gather3A_608, %gather3A_579 : vector<16xf32>
        tpu.vector_store_idx %arg31[%add3A_578, %add3A_607], %mul3A_609 : memref<32x128xf32, #tpu.memory_space<vmem>>[vector<16xi32>, vector<16xi32>], vector<16xf32>,
        %add3A_610 = arith.constant 96 : i32
        %add3A_611 = vector.broadcast %add3A_610 : i32 to vector<16xi32>
        %add3A_612 = arith.addi %iota3A, %add3A_611 : vector<16xi32>
        %gather3A_613 = tpu.vector_load_idx %arg31[%add3A_578, %add3A_612] : memref<32x128xf32, #tpu.memory_space<vmem>>[vector<16xi32>, vector<16xi32>], vector<16xf32>,
        %mul3A_614 = arith.mulf %gather3A_613, %gather3A_579 : vector<16xf32>
        tpu.vector_store_idx %arg31[%add3A_578, %add3A_612], %mul3A_614 : memref<32x128xf32, #tpu.memory_space<vmem>>[vector<16xi32>, vector<16xi32>], vector<16xf32>,
        %add3A_615 = arith.constant 112 : i32
        %add3A_616 = vector.broadcast %add3A_615 : i32 to vector<16xi32>
        %add3A_617 = arith.addi %iota3A, %add3A_616 : vector<16xi32>
        %gather3A_618 = tpu.vector_load_idx %arg31[%add3A_578, %add3A_617] : memref<32x128xf32, #tpu.memory_space<vmem>>[vector<16xi32>, vector<16xi32>], vector<16xf32>,
        %mul3A_619 = arith.mulf %gather3A_618, %gather3A_579 : vector<16xf32>
        tpu.vector_store_idx %arg31[%add3A_578, %add3A_617], %mul3A_619 : memref<32x128xf32, #tpu.memory_space<vmem>>[vector<16xi32>, vector<16xi32>], vector<16xf32>,
        %broadcast_in_dim3A_620 = arith.constant 0 : i32
        %broadcast_in_dim3A_621 = vector.broadcast %broadcast_in_dim3A_620 : i32 to vector<16xi32>
        %mul3A_622 = arith.constant 8 : i32
        %mul3A_623 = arith.muli %scan3A_326, %mul3A_622 : i32
        %add3A_624 = arith.constant 6 : i32
        %add3A_625 = arith.addi %mul3A_623, %add3A_624 : i32
        %add3A_626 = vector.broadcast %add3A_625 : i32 to vector<16xi32>
        %add3A_627 = arith.addi %broadcast_in_dim3A_621, %add3A_626 : vector<16xi32>
        %gather3A_628 = tpu.vector_load_idx %arg34[%add3A_627] : memref<32xf32, #tpu.memory_space<vmem>>[vector<16xi32>], vector<16xf32>,
        %add3A_629 = arith.constant 0 : i32
        %add3A_630 = vector.broadcast %add3A_629 : i32 to vector<16xi32>
        %add3A_631 = arith.addi %iota3A, %add3A_630 : vector<16xi32>
        %gather3A_632 = tpu.vector_load_idx %arg31[%add3A_627, %add3A_631] : memref<32x128xf32, #tpu.memory_space<vmem>>[vector<16xi32>, vector<16xi32>], vector<16xf32>,
        %mul3A_633 = arith.mulf %gather3A_632, %gather3A_628 : vector<16xf32>
        tpu.vector_store_idx %arg31[%add3A_627, %add3A_631], %mul3A_633 : memref<32x128xf32, #tpu.memory_space<vmem>>[vector<16xi32>, vector<16xi32>], vector<16xf32>,
        %add3A_634 = arith.constant 16 : i32
        %add3A_635 = vector.broadcast %add3A_634 : i32 to vector<16xi32>
        %add3A_636 = arith.addi %iota3A, %add3A_635 : vector<16xi32>
        %gather3A_637 = tpu.vector_load_idx %arg31[%add3A_627, %add3A_636] : memref<32x128xf32, #tpu.memory_space<vmem>>[vector<16xi32>, vector<16xi32>], vector<16xf32>,
        %mul3A_638 = arith.mulf %gather3A_637, %gather3A_628 : vector<16xf32>
        tpu.vector_store_idx %arg31[%add3A_627, %add3A_636], %mul3A_638 : memref<32x128xf32, #tpu.memory_space<vmem>>[vector<16xi32>, vector<16xi32>], vector<16xf32>,
        %add3A_639 = arith.constant 32 : i32
        %add3A_640 = vector.broadcast %add3A_639 : i32 to vector<16xi32>
        %add3A_641 = arith.addi %iota3A, %add3A_640 : vector<16xi32>
        %gather3A_642 = tpu.vector_load_idx %arg31[%add3A_627, %add3A_641] : memref<32x128xf32, #tpu.memory_space<vmem>>[vector<16xi32>, vector<16xi32>], vector<16xf32>,
        %mul3A_643 = arith.mulf %gather3A_642, %gather3A_628 : vector<16xf32>
        tpu.vector_store_idx %arg31[%add3A_627, %add3A_641], %mul3A_643 : memref<32x128xf32, #tpu.memory_space<vmem>>[vector<16xi32>, vector<16xi32>], vector<16xf32>,
        %add3A_644 = arith.constant 48 : i32
        %add3A_645 = vector.broadcast %add3A_644 : i32 to vector<16xi32>
        %add3A_646 = arith.addi %iota3A, %add3A_645 : vector<16xi32>
        %gather3A_647 = tpu.vector_load_idx %arg31[%add3A_627, %add3A_646] : memref<32x128xf32, #tpu.memory_space<vmem>>[vector<16xi32>, vector<16xi32>], vector<16xf32>,
        %mul3A_648 = arith.mulf %gather3A_647, %gather3A_628 : vector<16xf32>
        tpu.vector_store_idx %arg31[%add3A_627, %add3A_646], %mul3A_648 : memref<32x128xf32, #tpu.memory_space<vmem>>[vector<16xi32>, vector<16xi32>], vector<16xf32>,
        %add3A_649 = arith.constant 64 : i32
        %add3A_650 = vector.broadcast %add3A_649 : i32 to vector<16xi32>
        %add3A_651 = arith.addi %iota3A, %add3A_650 : vector<16xi32>
        %gather3A_652 = tpu.vector_load_idx %arg31[%add3A_627, %add3A_651] : memref<32x128xf32, #tpu.memory_space<vmem>>[vector<16xi32>, vector<16xi32>], vector<16xf32>,
        %mul3A_653 = arith.mulf %gather3A_652, %gather3A_628 : vector<16xf32>
        tpu.vector_store_idx %arg31[%add3A_627, %add3A_651], %mul3A_653 : memref<32x128xf32, #tpu.memory_space<vmem>>[vector<16xi32>, vector<16xi32>], vector<16xf32>,
        %add3A_654 = arith.constant 80 : i32
        %add3A_655 = vector.broadcast %add3A_654 : i32 to vector<16xi32>
        %add3A_656 = arith.addi %iota3A, %add3A_655 : vector<16xi32>
        %gather3A_657 = tpu.vector_load_idx %arg31[%add3A_627, %add3A_656] : memref<32x128xf32, #tpu.memory_space<vmem>>[vector<16xi32>, vector<16xi32>], vector<16xf32>,
        %mul3A_658 = arith.mulf %gather3A_657, %gather3A_628 : vector<16xf32>
        tpu.vector_store_idx %arg31[%add3A_627, %add3A_656], %mul3A_658 : memref<32x128xf32, #tpu.memory_space<vmem>>[vector<16xi32>, vector<16xi32>], vector<16xf32>,
        %add3A_659 = arith.constant 96 : i32
        %add3A_660 = vector.broadcast %add3A_659 : i32 to vector<16xi32>
        %add3A_661 = arith.addi %iota3A, %add3A_660 : vector<16xi32>
        %gather3A_662 = tpu.vector_load_idx %arg31[%add3A_627, %add3A_661] : memref<32x128xf32, #tpu.memory_space<vmem>>[vector<16xi32>, vector<16xi32>], vector<16xf32>,
        %mul3A_663 = arith.mulf %gather3A_662, %gather3A_628 : vector<16xf32>
        tpu.vector_store_idx %arg31[%add3A_627, %add3A_661], %mul3A_663 : memref<32x128xf32, #tpu.memory_space<vmem>>[vector<16xi32>, vector<16xi32>], vector<16xf32>,
        %add3A_664 = arith.constant 112 : i32
        %add3A_665 = vector.broadcast %add3A_664 : i32 to vector<16xi32>
        %add3A_666 = arith.addi %iota3A, %add3A_665 : vector<16xi32>
        %gather3A_667 = tpu.vector_load_idx %arg31[%add3A_627, %add3A_666] : memref<32x128xf32, #tpu.memory_space<vmem>>[vector<16xi32>, vector<16xi32>], vector<16xf32>,
        %mul3A_668 = arith.mulf %gather3A_667, %gather3A_628 : vector<16xf32>
        tpu.vector_store_idx %arg31[%add3A_627, %add3A_666], %mul3A_668 : memref<32x128xf32, #tpu.memory_space<vmem>>[vector<16xi32>, vector<16xi32>], vector<16xf32>,
        %broadcast_in_dim3A_669 = arith.constant 0 : i32
        %broadcast_in_dim3A_670 = vector.broadcast %broadcast_in_dim3A_669 : i32 to vector<16xi32>
        %mul3A_671 = arith.constant 8 : i32
        %mul3A_672 = arith.muli %scan3A_326, %mul3A_671 : i32
        %add3A_673 = arith.constant 7 : i32
        %add3A_674 = arith.addi %mul3A_672, %add3A_673 : i32
        %add3A_675 = vector.broadcast %add3A_674 : i32 to vector<16xi32>
        %add3A_676 = arith.addi %broadcast_in_dim3A_670, %add3A_675 : vector<16xi32>
        %gather3A_677 = tpu.vector_load_idx %arg34[%add3A_676] : memref<32xf32, #tpu.memory_space<vmem>>[vector<16xi32>], vector<16xf32>,
        %add3A_678 = arith.constant 0 : i32
        %add3A_679 = vector.broadcast %add3A_678 : i32 to vector<16xi32>
        %add3A_680 = arith.addi %iota3A, %add3A_679 : vector<16xi32>
        %gather3A_681 = tpu.vector_load_idx %arg31[%add3A_676, %add3A_680] : memref<32x128xf32, #tpu.memory_space<vmem>>[vector<16xi32>, vector<16xi32>], vector<16xf32>,
        %mul3A_682 = arith.mulf %gather3A_681, %gather3A_677 : vector<16xf32>
        tpu.vector_store_idx %arg31[%add3A_676, %add3A_680], %mul3A_682 : memref<32x128xf32, #tpu.memory_space<vmem>>[vector<16xi32>, vector<16xi32>], vector<16xf32>,
        %add3A_683 = arith.constant 16 : i32
        %add3A_684 = vector.broadcast %add3A_683 : i32 to vector<16xi32>
        %add3A_685 = arith.addi %iota3A, %add3A_684 : vector<16xi32>
        %gather3A_686 = tpu.vector_load_idx %arg31[%add3A_676, %add3A_685] : memref<32x128xf32, #tpu.memory_space<vmem>>[vector<16xi32>, vector<16xi32>], vector<16xf32>,
        %mul3A_687 = arith.mulf %gather3A_686, %gather3A_677 : vector<16xf32>
        tpu.vector_store_idx %arg31[%add3A_676, %add3A_685], %mul3A_687 : memref<32x128xf32, #tpu.memory_space<vmem>>[vector<16xi32>, vector<16xi32>], vector<16xf32>,
        %add3A_688 = arith.constant 32 : i32
        %add3A_689 = vector.broadcast %add3A_688 : i32 to vector<16xi32>
        %add3A_690 = arith.addi %iota3A, %add3A_689 : vector<16xi32>
        %gather3A_691 = tpu.vector_load_idx %arg31[%add3A_676, %add3A_690] : memref<32x128xf32, #tpu.memory_space<vmem>>[vector<16xi32>, vector<16xi32>], vector<16xf32>,
        %mul3A_692 = arith.mulf %gather3A_691, %gather3A_677 : vector<16xf32>
        tpu.vector_store_idx %arg31[%add3A_676, %add3A_690], %mul3A_692 : memref<32x128xf32, #tpu.memory_space<vmem>>[vector<16xi32>, vector<16xi32>], vector<16xf32>,
        %add3A_693 = arith.constant 48 : i32
        %add3A_694 = vector.broadcast %add3A_693 : i32 to vector<16xi32>
        %add3A_695 = arith.addi %iota3A, %add3A_694 : vector<16xi32>
        %gather3A_696 = tpu.vector_load_idx %arg31[%add3A_676, %add3A_695] : memref<32x128xf32, #tpu.memory_space<vmem>>[vector<16xi32>, vector<16xi32>], vector<16xf32>,
        %mul3A_697 = arith.mulf %gather3A_696, %gather3A_677 : vector<16xf32>
        tpu.vector_store_idx %arg31[%add3A_676, %add3A_695], %mul3A_697 : memref<32x128xf32, #tpu.memory_space<vmem>>[vector<16xi32>, vector<16xi32>], vector<16xf32>,
        %add3A_698 = arith.constant 64 : i32
        %add3A_699 = vector.broadcast %add3A_698 : i32 to vector<16xi32>
        %add3A_700 = arith.addi %iota3A, %add3A_699 : vector<16xi32>
        %gather3A_701 = tpu.vector_load_idx %arg31[%add3A_676, %add3A_700] : memref<32x128xf32, #tpu.memory_space<vmem>>[vector<16xi32>, vector<16xi32>], vector<16xf32>,
        %mul3A_702 = arith.mulf %gather3A_701, %gather3A_677 : vector<16xf32>
        tpu.vector_store_idx %arg31[%add3A_676, %add3A_700], %mul3A_702 : memref<32x128xf32, #tpu.memory_space<vmem>>[vector<16xi32>, vector<16xi32>], vector<16xf32>,
        %add3A_703 = arith.constant 80 : i32
        %add3A_704 = vector.broadcast %add3A_703 : i32 to vector<16xi32>
        %add3A_705 = arith.addi %iota3A, %add3A_704 : vector<16xi32>
        %gather3A_706 = tpu.vector_load_idx %arg31[%add3A_676, %add3A_705] : memref<32x128xf32, #tpu.memory_space<vmem>>[vector<16xi32>, vector<16xi32>], vector<16xf32>,
        %mul3A_707 = arith.mulf %gather3A_706, %gather3A_677 : vector<16xf32>
        tpu.vector_store_idx %arg31[%add3A_676, %add3A_705], %mul3A_707 : memref<32x128xf32, #tpu.memory_space<vmem>>[vector<16xi32>, vector<16xi32>], vector<16xf32>,
        %add3A_708 = arith.constant 96 : i32
        %add3A_709 = vector.broadcast %add3A_708 : i32 to vector<16xi32>
        %add3A_710 = arith.addi %iota3A, %add3A_709 : vector<16xi32>
        %gather3A_711 = tpu.vector_load_idx %arg31[%add3A_676, %add3A_710] : memref<32x128xf32, #tpu.memory_space<vmem>>[vector<16xi32>, vector<16xi32>], vector<16xf32>,
        %mul3A_712 = arith.mulf %gather3A_711, %gather3A_677 : vector<16xf32>
        tpu.vector_store_idx %arg31[%add3A_676, %add3A_710], %mul3A_712 : memref<32x128xf32, #tpu.memory_space<vmem>>[vector<16xi32>, vector<16xi32>], vector<16xf32>,
        %add3A_713 = arith.constant 112 : i32
        %add3A_714 = vector.broadcast %add3A_713 : i32 to vector<16xi32>
        %add3A_715 = arith.addi %iota3A, %add3A_714 : vector<16xi32>
        %gather3A_716 = tpu.vector_load_idx %arg31[%add3A_676, %add3A_715] : memref<32x128xf32, #tpu.memory_space<vmem>>[vector<16xi32>, vector<16xi32>], vector<16xf32>,
        %mul3A_717 = arith.mulf %gather3A_716, %gather3A_677 : vector<16xf32>
        tpu.vector_store_idx %arg31[%add3A_676, %add3A_715], %mul3A_717 : memref<32x128xf32, #tpu.memory_space<vmem>>[vector<16xi32>, vector<16xi32>], vector<16xf32>,
      }
      %scan3A_159 = arith.constant 4 : i32
      %dma_start3A_160 = arith.constant 0 : i32
      %dma_start3A_161 = arith.constant 0 : i32
      %dma_start3A_162 = tpu.memref_slice %arg36[%dma_start3A_160, %dma_start3A_161] : memref<10240x128xf32, #tpu.memory_space<vmem_shared>> -> memref<10240x128xf32, #tpu.memory_space<vmem_shared>>
      tpu.enqueue_indirect_dma source(%arg31 : memref<32x128xf32, #tpu.memory_space<vmem>>) target(%dma_start3A_162 : memref<10240x128xf32, #tpu.memory_space<vmem_shared>>) offsets(%arg28 : memref<32xi32, #tpu.memory_space<vmem>>) semaphore(%arg47 : memref<!tpu.dma_semaphore, #tpu.memory_space<semaphore_mem>>) {add = true}
      %add3A_163 = arith.constant 2 : i32
      %add3A_164 = arith.addi %add3A_105, %add3A_163 : i32
      %lt3A_165 = arith.constant 168 : i32
      %lt3A_166 = arith.cmpi slt, %add3A_164, %lt3A_165 : i32
      %convert_element_type3A_167 = arith.extui %lt3A_166 : i1 to i32
      %cond3A_168 = arith.constant 0 : i32
      %cond3A_169 = arith.cmpi ne, %convert_element_type3A_167, %cond3A_168 : i32
      scf.if %cond3A_169 {
        %add3A_326 = arith.constant 2 : i32
        %add3A_327 = arith.addi %add3A_105, %add3A_326 : i32
        %mul3A_328 = arith.constant 32 : i32
        %mul3A_329 = arith.muli %add3A_327, %mul3A_328 : i32
        %add3A_330 = arith.addi %mul3A_6, %mul3A_329 : i32
        %dma_wait3A_331 = tpu.memref_slice %arg4[%add3A_330] : memref<172032xi32, #tpu.memory_space<hbm>> -> memref<32xi32, #tpu.memory_space<hbm>>
        %dma_wait3A_332 = tpu.memref_slice %arg4[%add3A_330] : memref<172032xi32, #tpu.memory_space<hbm>> -> memref<32xi32, #tpu.memory_space<hbm>>
        tpu.wait_dma2 semaphore(%arg43 : memref<!tpu.dma_semaphore, #tpu.memory_space<semaphore_mem>>) src(%dma_wait3A_332 : memref<32xi32, #tpu.memory_space<hbm>>) dst(%arg21 : memref<32xi32, #tpu.memory_space<vmem>>)
        %mul3A_333 = arith.constant 32 : i32
        %mul3A_334 = arith.muli %add3A_327, %mul3A_333 : i32
        %add3A_335 = arith.addi %mul3A_6, %mul3A_334 : i32
        %dma_wait3A_336 = tpu.memref_slice %arg5[%add3A_335] : memref<172032xi32, #tpu.memory_space<hbm>> -> memref<32xi32, #tpu.memory_space<hbm>>
        %dma_wait3A_337 = tpu.memref_slice %arg5[%add3A_335] : memref<172032xi32, #tpu.memory_space<hbm>> -> memref<32xi32, #tpu.memory_space<hbm>>
        tpu.wait_dma2 semaphore(%arg43 : memref<!tpu.dma_semaphore, #tpu.memory_space<semaphore_mem>>) src(%dma_wait3A_337 : memref<32xi32, #tpu.memory_space<hbm>>) dst(%arg24 : memref<32xi32, #tpu.memory_space<vmem>>)
        %mul3A_338 = arith.constant 32 : i32
        %mul3A_339 = arith.muli %add3A_327, %mul3A_338 : i32
        %add3A_340 = arith.addi %mul3A_6, %mul3A_339 : i32
        %dma_wait3A_341 = tpu.memref_slice %arg6[%add3A_340] : memref<172032xf32, #tpu.memory_space<hbm>> -> memref<32xf32, #tpu.memory_space<hbm>>
        %dma_wait3A_342 = tpu.memref_slice %arg6[%add3A_340] : memref<172032xf32, #tpu.memory_space<hbm>> -> memref<32xf32, #tpu.memory_space<hbm>>
        tpu.wait_dma2 semaphore(%arg43 : memref<!tpu.dma_semaphore, #tpu.memory_space<semaphore_mem>>) src(%dma_wait3A_342 : memref<32xf32, #tpu.memory_space<hbm>>) dst(%arg27 : memref<32xf32, #tpu.memory_space<vmem>>)
        %add3A_343 = arith.constant 3 : i32
        %add3A_344 = arith.addi %add3A_105, %add3A_343 : i32
        %lt3A_345 = arith.constant 168 : i32
        %lt3A_346 = arith.cmpi slt, %add3A_344, %lt3A_345 : i32
        %convert_element_type3A_347 = arith.extui %lt3A_346 : i1 to i32
        %cond3A_348 = arith.constant 0 : i32
        %cond3A_349 = arith.cmpi ne, %convert_element_type3A_347, %cond3A_348 : i32
        scf.if %cond3A_349 {
          %add3A_350 = arith.constant 3 : i32
          %add3A_351 = arith.addi %add3A_105, %add3A_350 : i32
          %mul3A_352 = arith.constant 32 : i32
          %mul3A_353 = arith.muli %add3A_351, %mul3A_352 : i32
          %add3A_354 = arith.addi %mul3A_6, %mul3A_353 : i32
          %dma_start3A_355 = tpu.memref_slice %arg4[%add3A_354] : memref<172032xi32, #tpu.memory_space<hbm>> -> memref<32xi32, #tpu.memory_space<hbm>>
          %dma_start3A_356 = tpu.memref_slice %arg4[%add3A_354] : memref<172032xi32, #tpu.memory_space<hbm>> -> memref<32xi32, #tpu.memory_space<hbm>>
          tpu.enqueue_dma source(%dma_start3A_356 : memref<32xi32, #tpu.memory_space<hbm>>) target(%arg19 : memref<32xi32, #tpu.memory_space<vmem>>) target_semaphore(%arg41 : memref<!tpu.dma_semaphore, #tpu.memory_space<semaphore_mem>>)
          %mul3A_357 = arith.constant 32 : i32
          %mul3A_358 = arith.muli %add3A_351, %mul3A_357 : i32
          %add3A_359 = arith.addi %mul3A_6, %mul3A_358 : i32
          %dma_start3A_360 = tpu.memref_slice %arg5[%add3A_359] : memref<172032xi32, #tpu.memory_space<hbm>> -> memref<32xi32, #tpu.memory_space<hbm>>
          %dma_start3A_361 = tpu.memref_slice %arg5[%add3A_359] : memref<172032xi32, #tpu.memory_space<hbm>> -> memref<32xi32, #tpu.memory_space<hbm>>
          tpu.enqueue_dma source(%dma_start3A_361 : memref<32xi32, #tpu.memory_space<hbm>>) target(%arg22 : memref<32xi32, #tpu.memory_space<vmem>>) target_semaphore(%arg41 : memref<!tpu.dma_semaphore, #tpu.memory_space<semaphore_mem>>)
          %mul3A_362 = arith.constant 32 : i32
          %mul3A_363 = arith.muli %add3A_351, %mul3A_362 : i32
          %add3A_364 = arith.addi %mul3A_6, %mul3A_363 : i32
          %dma_start3A_365 = tpu.memref_slice %arg6[%add3A_364] : memref<172032xf32, #tpu.memory_space<hbm>> -> memref<32xf32, #tpu.memory_space<hbm>>
          %dma_start3A_366 = tpu.memref_slice %arg6[%add3A_364] : memref<172032xf32, #tpu.memory_space<hbm>> -> memref<32xf32, #tpu.memory_space<hbm>>
          tpu.enqueue_dma source(%dma_start3A_366 : memref<32xf32, #tpu.memory_space<hbm>>) target(%arg25 : memref<32xf32, #tpu.memory_space<vmem>>) target_semaphore(%arg41 : memref<!tpu.dma_semaphore, #tpu.memory_space<semaphore_mem>>)
        } else {
        }
      } else {
      }
      %mul3A_170 = arith.constant 3 : i32
      %mul3A_171 = arith.muli %mul3A_170, %scan3A_101 : i32
      %add3A_172 = arith.constant 1 : i32
      %add3A_173 = arith.addi %mul3A_171, %add3A_172 : i32
      %get3A_174 = arith.constant 0 : index
      %get3A_175 = tpu.vector_load %arg20[%get3A_174] {strides = array<i32>} : memref<32xi32, #tpu.memory_space<vmem>>, vector<16xi32>,
      %get3A_176 = arith.constant 0 : index
      %get3A_177 = tpu.vector_load %arg23[%get3A_176] {strides = array<i32>} : memref<32xi32, #tpu.memory_space<vmem>>, vector<16xi32>,
      %swap3A_178 = arith.constant 0 : index
      %swap3A_179 = tpu.vector_load %arg29[%swap3A_178] {strides = array<i32>} : memref<32xi32, #tpu.memory_space<vmem>>, vector<16xi32>,
      tpu.vector_store %arg29[%swap3A_178], %get3A_177 {strides = array<i32>} : memref<32xi32, #tpu.memory_space<vmem>>, vector<16xi32>,
      %gather3A_180 = tpu.vector_load_idx %arg10[%get3A_175] : memref<10240xf32, #tpu.memory_space<vmem>>[vector<16xi32>], vector<16xf32>,
      %gather3A_181 = tpu.vector_load_idx %arg11[%get3A_177] : memref<10240xf32, #tpu.memory_space<vmem>>[vector<16xi32>], vector<16xf32>,
      %add3A_182 = arith.addf %gather3A_180, %gather3A_181 : vector<16xf32>
      %ge3A_183 = arith.constant 0.000000e+00 : f32
      %ge3A_184 = vector.broadcast %ge3A_183 : f32 to vector<16xf32>
      %ge3A_185 = arith.cmpf oge, %add3A_182, %ge3A_184 : vector<16xf32>
      %mul3A_186 = arith.constant 2.000000e-01 : f32
      %mul3A_187 = vector.broadcast %mul3A_186 : f32 to vector<16xf32>
      %mul3A_188 = arith.mulf %mul3A_187, %add3A_182 : vector<16xf32>
      %select_n3A_189 = arith.select %ge3A_185, %add3A_182, %mul3A_188 : vector<16xi1>, vector<16xf32>
      %exp3A_190 = math.exp %select_n3A_189 : vector<16xf32>
      %get3A_191 = arith.constant 0 : index
      %get3A_192 = tpu.vector_load %arg26[%get3A_191] {strides = array<i32>} : memref<32xf32, #tpu.memory_space<vmem>>, vector<16xf32>,
      %mul3A_193 = arith.mulf %exp3A_190, %get3A_192 : vector<16xf32>
      %gather3A_194 = tpu.vector_load_idx %arg12[%get3A_177] : memref<10240xf32, #tpu.memory_space<vmem>>[vector<16xi32>], vector<16xf32>,
      %div3A_195 = arith.divf %mul3A_193, %gather3A_194 : vector<16xf32>
      %swap3A_196 = arith.constant 0 : index
      %swap3A_197 = tpu.vector_load %arg34[%swap3A_196] {strides = array<i32>} : memref<32xf32, #tpu.memory_space<vmem>>, vector<16xf32>,
      tpu.vector_store %arg34[%swap3A_196], %div3A_195 {strides = array<i32>} : memref<32xf32, #tpu.memory_space<vmem>>, vector<16xf32>,
      %get3A_198 = arith.constant 16 : index
      %get3A_199 = tpu.vector_load %arg20[%get3A_198] {strides = array<i32>} : memref<32xi32, #tpu.memory_space<vmem>>, vector<16xi32>,
      %get3A_200 = arith.constant 16 : index
      %get3A_201 = tpu.vector_load %arg23[%get3A_200] {strides = array<i32>} : memref<32xi32, #tpu.memory_space<vmem>>, vector<16xi32>,
      %swap3A_202 = arith.constant 16 : index
      %swap3A_203 = tpu.vector_load %arg29[%swap3A_202] {strides = array<i32>} : memref<32xi32, #tpu.memory_space<vmem>>, vector<16xi32>,
      tpu.vector_store %arg29[%swap3A_202], %get3A_201 {strides = array<i32>} : memref<32xi32, #tpu.memory_space<vmem>>, vector<16xi32>,
      %gather3A_204 = tpu.vector_load_idx %arg10[%get3A_199] : memref<10240xf32, #tpu.memory_space<vmem>>[vector<16xi32>], vector<16xf32>,
      %gather3A_205 = tpu.vector_load_idx %arg11[%get3A_201] : memref<10240xf32, #tpu.memory_space<vmem>>[vector<16xi32>], vector<16xf32>,
      %add3A_206 = arith.addf %gather3A_204, %gather3A_205 : vector<16xf32>
      %ge3A_207 = arith.constant 0.000000e+00 : f32
      %ge3A_208 = vector.broadcast %ge3A_207 : f32 to vector<16xf32>
      %ge3A_209 = arith.cmpf oge, %add3A_206, %ge3A_208 : vector<16xf32>
      %mul3A_210 = arith.constant 2.000000e-01 : f32
      %mul3A_211 = vector.broadcast %mul3A_210 : f32 to vector<16xf32>
      %mul3A_212 = arith.mulf %mul3A_211, %add3A_206 : vector<16xf32>
      %select_n3A_213 = arith.select %ge3A_209, %add3A_206, %mul3A_212 : vector<16xi1>, vector<16xf32>
      %exp3A_214 = math.exp %select_n3A_213 : vector<16xf32>
      %get3A_215 = arith.constant 16 : index
      %get3A_216 = tpu.vector_load %arg26[%get3A_215] {strides = array<i32>} : memref<32xf32, #tpu.memory_space<vmem>>, vector<16xf32>,
      %mul3A_217 = arith.mulf %exp3A_214, %get3A_216 : vector<16xf32>
      %gather3A_218 = tpu.vector_load_idx %arg12[%get3A_201] : memref<10240xf32, #tpu.memory_space<vmem>>[vector<16xi32>], vector<16xf32>,
      %div3A_219 = arith.divf %mul3A_217, %gather3A_218 : vector<16xf32>
      %swap3A_220 = arith.constant 16 : index
      %swap3A_221 = tpu.vector_load %arg34[%swap3A_220] {strides = array<i32>} : memref<32xf32, #tpu.memory_space<vmem>>, vector<16xf32>,
      tpu.vector_store %arg34[%swap3A_220], %div3A_219 {strides = array<i32>} : memref<32xf32, #tpu.memory_space<vmem>>, vector<16xf32>,
      %add3A_222 = arith.constant 1 : i32
      %add3A_223 = arith.addi %add3A_173, %add3A_222 : i32
      %lt3A_224 = arith.constant 168 : i32
      %lt3A_225 = arith.cmpi slt, %add3A_223, %lt3A_224 : i32
      %convert_element_type3A_226 = arith.extui %lt3A_225 : i1 to i32
      %cond3A_227 = arith.constant 0 : i32
      %cond3A_228 = arith.cmpi ne, %convert_element_type3A_226, %cond3A_227 : i32
      scf.if %cond3A_228 {
        %ge3A_326 = arith.constant 2 : i32
        %ge3A_327 = arith.cmpi sge, %add3A_173, %ge3A_326 : i32
        %convert_element_type3A_328 = arith.extui %ge3A_327 : i1 to i32
        %cond3A_329 = arith.constant 0 : i32
        %cond3A_330 = arith.cmpi ne, %convert_element_type3A_328, %cond3A_329 : i32
        scf.if %cond3A_330 {
          %dma_wait3A_334 = arith.constant 0 : i32
          %dma_wait3A_335 = arith.constant 0 : i32
          %dma_wait3A_336 = tpu.memref_slice %arg36[%dma_wait3A_334, %dma_wait3A_335] : memref<10240x128xf32, #tpu.memory_space<vmem_shared>> -> memref<10240x128xf32, #tpu.memory_space<vmem_shared>>
          tpu.wait_indirect_dma semaphore(%arg49 : memref<!tpu.dma_semaphore, #tpu.memory_space<semaphore_mem>>) src(%arg33 : memref<32x128xf32, #tpu.memory_space<vmem>>) dst(%dma_wait3A_336 : memref<10240x128xf32, #tpu.memory_space<vmem_shared>>)
        } else {
        }
        %dma_start3A_331 = arith.constant 0 : i32
        %dma_start3A_332 = arith.constant 0 : i32
        %dma_start3A_333 = tpu.memref_slice %arg2[%dma_start3A_331, %dma_start3A_332] : memref<10240x128xf32, #tpu.memory_space<hbm>> -> memref<10240x128xf32, #tpu.memory_space<hbm>>
        tpu.enqueue_indirect_dma source(%dma_start3A_333 : memref<10240x128xf32, #tpu.memory_space<hbm>>) target(%arg33 : memref<32x128xf32, #tpu.memory_space<vmem>>) offsets(%arg21 : memref<32xi32, #tpu.memory_space<vmem>>) semaphore(%arg46 : memref<!tpu.dma_semaphore, #tpu.memory_space<semaphore_mem>>)
      } else {
      }
      %dma_wait3A_229 = arith.constant 0 : i32
      %dma_wait3A_230 = arith.constant 0 : i32
      %dma_wait3A_231 = tpu.memref_slice %arg2[%dma_wait3A_229, %dma_wait3A_230] : memref<10240x128xf32, #tpu.memory_space<hbm>> -> memref<10240x128xf32, #tpu.memory_space<hbm>>
      tpu.wait_indirect_dma semaphore(%arg45 : memref<!tpu.dma_semaphore, #tpu.memory_space<semaphore_mem>>) src(%dma_wait3A_231 : memref<10240x128xf32, #tpu.memory_space<hbm>>) dst(%arg32 : memref<32x128xf32, #tpu.memory_space<vmem>>)
      %scan3A_232 = arith.constant 0 : i32
      %scan3A_233 = arith.constant 0 : i32
      %scan3A_234 = arith.constant 4 : i32
      %scan3A_235 = arith.addi %scan3A_233, %scan3A_234 : i32
      %scan3A_236 = arith.constant 1 : i32
      scf.for %scan3A_326 = %scan3A_233 to %scan3A_235 step %scan3A_236  : i32 {
        %broadcast_in_dim3A = arith.constant 0 : i32
        %broadcast_in_dim3A_327 = vector.broadcast %broadcast_in_dim3A : i32 to vector<16xi32>
        %mul3A_328 = arith.constant 8 : i32
        %mul3A_329 = arith.muli %scan3A_326, %mul3A_328 : i32
        %add3A_330 = arith.constant 0 : i32
        %add3A_331 = arith.addi %mul3A_329, %add3A_330 : i32
        %add3A_332 = vector.broadcast %add3A_331 : i32 to vector<16xi32>
        %add3A_333 = arith.addi %broadcast_in_dim3A_327, %add3A_332 : vector<16xi32>
        %gather3A_334 = tpu.vector_load_idx %arg34[%add3A_333] : memref<32xf32, #tpu.memory_space<vmem>>[vector<16xi32>], vector<16xf32>,
        %add3A_335 = arith.constant 0 : i32
        %add3A_336 = vector.broadcast %add3A_335 : i32 to vector<16xi32>
        %add3A_337 = arith.addi %iota3A, %add3A_336 : vector<16xi32>
        %gather3A_338 = tpu.vector_load_idx %arg32[%add3A_333, %add3A_337] : memref<32x128xf32, #tpu.memory_space<vmem>>[vector<16xi32>, vector<16xi32>], vector<16xf32>,
        %mul3A_339 = arith.mulf %gather3A_338, %gather3A_334 : vector<16xf32>
        tpu.vector_store_idx %arg32[%add3A_333, %add3A_337], %mul3A_339 : memref<32x128xf32, #tpu.memory_space<vmem>>[vector<16xi32>, vector<16xi32>], vector<16xf32>,
        %add3A_340 = arith.constant 16 : i32
        %add3A_341 = vector.broadcast %add3A_340 : i32 to vector<16xi32>
        %add3A_342 = arith.addi %iota3A, %add3A_341 : vector<16xi32>
        %gather3A_343 = tpu.vector_load_idx %arg32[%add3A_333, %add3A_342] : memref<32x128xf32, #tpu.memory_space<vmem>>[vector<16xi32>, vector<16xi32>], vector<16xf32>,
        %mul3A_344 = arith.mulf %gather3A_343, %gather3A_334 : vector<16xf32>
        tpu.vector_store_idx %arg32[%add3A_333, %add3A_342], %mul3A_344 : memref<32x128xf32, #tpu.memory_space<vmem>>[vector<16xi32>, vector<16xi32>], vector<16xf32>,
        %add3A_345 = arith.constant 32 : i32
        %add3A_346 = vector.broadcast %add3A_345 : i32 to vector<16xi32>
        %add3A_347 = arith.addi %iota3A, %add3A_346 : vector<16xi32>
        %gather3A_348 = tpu.vector_load_idx %arg32[%add3A_333, %add3A_347] : memref<32x128xf32, #tpu.memory_space<vmem>>[vector<16xi32>, vector<16xi32>], vector<16xf32>,
        %mul3A_349 = arith.mulf %gather3A_348, %gather3A_334 : vector<16xf32>
        tpu.vector_store_idx %arg32[%add3A_333, %add3A_347], %mul3A_349 : memref<32x128xf32, #tpu.memory_space<vmem>>[vector<16xi32>, vector<16xi32>], vector<16xf32>,
        %add3A_350 = arith.constant 48 : i32
        %add3A_351 = vector.broadcast %add3A_350 : i32 to vector<16xi32>
        %add3A_352 = arith.addi %iota3A, %add3A_351 : vector<16xi32>
        %gather3A_353 = tpu.vector_load_idx %arg32[%add3A_333, %add3A_352] : memref<32x128xf32, #tpu.memory_space<vmem>>[vector<16xi32>, vector<16xi32>], vector<16xf32>,
        %mul3A_354 = arith.mulf %gather3A_353, %gather3A_334 : vector<16xf32>
        tpu.vector_store_idx %arg32[%add3A_333, %add3A_352], %mul3A_354 : memref<32x128xf32, #tpu.memory_space<vmem>>[vector<16xi32>, vector<16xi32>], vector<16xf32>,
        %add3A_355 = arith.constant 64 : i32
        %add3A_356 = vector.broadcast %add3A_355 : i32 to vector<16xi32>
        %add3A_357 = arith.addi %iota3A, %add3A_356 : vector<16xi32>
        %gather3A_358 = tpu.vector_load_idx %arg32[%add3A_333, %add3A_357] : memref<32x128xf32, #tpu.memory_space<vmem>>[vector<16xi32>, vector<16xi32>], vector<16xf32>,
        %mul3A_359 = arith.mulf %gather3A_358, %gather3A_334 : vector<16xf32>
        tpu.vector_store_idx %arg32[%add3A_333, %add3A_357], %mul3A_359 : memref<32x128xf32, #tpu.memory_space<vmem>>[vector<16xi32>, vector<16xi32>], vector<16xf32>,
        %add3A_360 = arith.constant 80 : i32
        %add3A_361 = vector.broadcast %add3A_360 : i32 to vector<16xi32>
        %add3A_362 = arith.addi %iota3A, %add3A_361 : vector<16xi32>
        %gather3A_363 = tpu.vector_load_idx %arg32[%add3A_333, %add3A_362] : memref<32x128xf32, #tpu.memory_space<vmem>>[vector<16xi32>, vector<16xi32>], vector<16xf32>,
        %mul3A_364 = arith.mulf %gather3A_363, %gather3A_334 : vector<16xf32>
        tpu.vector_store_idx %arg32[%add3A_333, %add3A_362], %mul3A_364 : memref<32x128xf32, #tpu.memory_space<vmem>>[vector<16xi32>, vector<16xi32>], vector<16xf32>,
        %add3A_365 = arith.constant 96 : i32
        %add3A_366 = vector.broadcast %add3A_365 : i32 to vector<16xi32>
        %add3A_367 = arith.addi %iota3A, %add3A_366 : vector<16xi32>
        %gather3A_368 = tpu.vector_load_idx %arg32[%add3A_333, %add3A_367] : memref<32x128xf32, #tpu.memory_space<vmem>>[vector<16xi32>, vector<16xi32>], vector<16xf32>,
        %mul3A_369 = arith.mulf %gather3A_368, %gather3A_334 : vector<16xf32>
        tpu.vector_store_idx %arg32[%add3A_333, %add3A_367], %mul3A_369 : memref<32x128xf32, #tpu.memory_space<vmem>>[vector<16xi32>, vector<16xi32>], vector<16xf32>,
        %add3A_370 = arith.constant 112 : i32
        %add3A_371 = vector.broadcast %add3A_370 : i32 to vector<16xi32>
        %add3A_372 = arith.addi %iota3A, %add3A_371 : vector<16xi32>
        %gather3A_373 = tpu.vector_load_idx %arg32[%add3A_333, %add3A_372] : memref<32x128xf32, #tpu.memory_space<vmem>>[vector<16xi32>, vector<16xi32>], vector<16xf32>,
        %mul3A_374 = arith.mulf %gather3A_373, %gather3A_334 : vector<16xf32>
        tpu.vector_store_idx %arg32[%add3A_333, %add3A_372], %mul3A_374 : memref<32x128xf32, #tpu.memory_space<vmem>>[vector<16xi32>, vector<16xi32>], vector<16xf32>,
        %broadcast_in_dim3A_375 = arith.constant 0 : i32
        %broadcast_in_dim3A_376 = vector.broadcast %broadcast_in_dim3A_375 : i32 to vector<16xi32>
        %mul3A_377 = arith.constant 8 : i32
        %mul3A_378 = arith.muli %scan3A_326, %mul3A_377 : i32
        %add3A_379 = arith.constant 1 : i32
        %add3A_380 = arith.addi %mul3A_378, %add3A_379 : i32
        %add3A_381 = vector.broadcast %add3A_380 : i32 to vector<16xi32>
        %add3A_382 = arith.addi %broadcast_in_dim3A_376, %add3A_381 : vector<16xi32>
        %gather3A_383 = tpu.vector_load_idx %arg34[%add3A_382] : memref<32xf32, #tpu.memory_space<vmem>>[vector<16xi32>], vector<16xf32>,
        %add3A_384 = arith.constant 0 : i32
        %add3A_385 = vector.broadcast %add3A_384 : i32 to vector<16xi32>
        %add3A_386 = arith.addi %iota3A, %add3A_385 : vector<16xi32>
        %gather3A_387 = tpu.vector_load_idx %arg32[%add3A_382, %add3A_386] : memref<32x128xf32, #tpu.memory_space<vmem>>[vector<16xi32>, vector<16xi32>], vector<16xf32>,
        %mul3A_388 = arith.mulf %gather3A_387, %gather3A_383 : vector<16xf32>
        tpu.vector_store_idx %arg32[%add3A_382, %add3A_386], %mul3A_388 : memref<32x128xf32, #tpu.memory_space<vmem>>[vector<16xi32>, vector<16xi32>], vector<16xf32>,
        %add3A_389 = arith.constant 16 : i32
        %add3A_390 = vector.broadcast %add3A_389 : i32 to vector<16xi32>
        %add3A_391 = arith.addi %iota3A, %add3A_390 : vector<16xi32>
        %gather3A_392 = tpu.vector_load_idx %arg32[%add3A_382, %add3A_391] : memref<32x128xf32, #tpu.memory_space<vmem>>[vector<16xi32>, vector<16xi32>], vector<16xf32>,
        %mul3A_393 = arith.mulf %gather3A_392, %gather3A_383 : vector<16xf32>
        tpu.vector_store_idx %arg32[%add3A_382, %add3A_391], %mul3A_393 : memref<32x128xf32, #tpu.memory_space<vmem>>[vector<16xi32>, vector<16xi32>], vector<16xf32>,
        %add3A_394 = arith.constant 32 : i32
        %add3A_395 = vector.broadcast %add3A_394 : i32 to vector<16xi32>
        %add3A_396 = arith.addi %iota3A, %add3A_395 : vector<16xi32>
        %gather3A_397 = tpu.vector_load_idx %arg32[%add3A_382, %add3A_396] : memref<32x128xf32, #tpu.memory_space<vmem>>[vector<16xi32>, vector<16xi32>], vector<16xf32>,
        %mul3A_398 = arith.mulf %gather3A_397, %gather3A_383 : vector<16xf32>
        tpu.vector_store_idx %arg32[%add3A_382, %add3A_396], %mul3A_398 : memref<32x128xf32, #tpu.memory_space<vmem>>[vector<16xi32>, vector<16xi32>], vector<16xf32>,
        %add3A_399 = arith.constant 48 : i32
        %add3A_400 = vector.broadcast %add3A_399 : i32 to vector<16xi32>
        %add3A_401 = arith.addi %iota3A, %add3A_400 : vector<16xi32>
        %gather3A_402 = tpu.vector_load_idx %arg32[%add3A_382, %add3A_401] : memref<32x128xf32, #tpu.memory_space<vmem>>[vector<16xi32>, vector<16xi32>], vector<16xf32>,
        %mul3A_403 = arith.mulf %gather3A_402, %gather3A_383 : vector<16xf32>
        tpu.vector_store_idx %arg32[%add3A_382, %add3A_401], %mul3A_403 : memref<32x128xf32, #tpu.memory_space<vmem>>[vector<16xi32>, vector<16xi32>], vector<16xf32>,
        %add3A_404 = arith.constant 64 : i32
        %add3A_405 = vector.broadcast %add3A_404 : i32 to vector<16xi32>
        %add3A_406 = arith.addi %iota3A, %add3A_405 : vector<16xi32>
        %gather3A_407 = tpu.vector_load_idx %arg32[%add3A_382, %add3A_406] : memref<32x128xf32, #tpu.memory_space<vmem>>[vector<16xi32>, vector<16xi32>], vector<16xf32>,
        %mul3A_408 = arith.mulf %gather3A_407, %gather3A_383 : vector<16xf32>
        tpu.vector_store_idx %arg32[%add3A_382, %add3A_406], %mul3A_408 : memref<32x128xf32, #tpu.memory_space<vmem>>[vector<16xi32>, vector<16xi32>], vector<16xf32>,
        %add3A_409 = arith.constant 80 : i32
        %add3A_410 = vector.broadcast %add3A_409 : i32 to vector<16xi32>
        %add3A_411 = arith.addi %iota3A, %add3A_410 : vector<16xi32>
        %gather3A_412 = tpu.vector_load_idx %arg32[%add3A_382, %add3A_411] : memref<32x128xf32, #tpu.memory_space<vmem>>[vector<16xi32>, vector<16xi32>], vector<16xf32>,
        %mul3A_413 = arith.mulf %gather3A_412, %gather3A_383 : vector<16xf32>
        tpu.vector_store_idx %arg32[%add3A_382, %add3A_411], %mul3A_413 : memref<32x128xf32, #tpu.memory_space<vmem>>[vector<16xi32>, vector<16xi32>], vector<16xf32>,
        %add3A_414 = arith.constant 96 : i32
        %add3A_415 = vector.broadcast %add3A_414 : i32 to vector<16xi32>
        %add3A_416 = arith.addi %iota3A, %add3A_415 : vector<16xi32>
        %gather3A_417 = tpu.vector_load_idx %arg32[%add3A_382, %add3A_416] : memref<32x128xf32, #tpu.memory_space<vmem>>[vector<16xi32>, vector<16xi32>], vector<16xf32>,
        %mul3A_418 = arith.mulf %gather3A_417, %gather3A_383 : vector<16xf32>
        tpu.vector_store_idx %arg32[%add3A_382, %add3A_416], %mul3A_418 : memref<32x128xf32, #tpu.memory_space<vmem>>[vector<16xi32>, vector<16xi32>], vector<16xf32>,
        %add3A_419 = arith.constant 112 : i32
        %add3A_420 = vector.broadcast %add3A_419 : i32 to vector<16xi32>
        %add3A_421 = arith.addi %iota3A, %add3A_420 : vector<16xi32>
        %gather3A_422 = tpu.vector_load_idx %arg32[%add3A_382, %add3A_421] : memref<32x128xf32, #tpu.memory_space<vmem>>[vector<16xi32>, vector<16xi32>], vector<16xf32>,
        %mul3A_423 = arith.mulf %gather3A_422, %gather3A_383 : vector<16xf32>
        tpu.vector_store_idx %arg32[%add3A_382, %add3A_421], %mul3A_423 : memref<32x128xf32, #tpu.memory_space<vmem>>[vector<16xi32>, vector<16xi32>], vector<16xf32>,
        %broadcast_in_dim3A_424 = arith.constant 0 : i32
        %broadcast_in_dim3A_425 = vector.broadcast %broadcast_in_dim3A_424 : i32 to vector<16xi32>
        %mul3A_426 = arith.constant 8 : i32
        %mul3A_427 = arith.muli %scan3A_326, %mul3A_426 : i32
        %add3A_428 = arith.constant 2 : i32
        %add3A_429 = arith.addi %mul3A_427, %add3A_428 : i32
        %add3A_430 = vector.broadcast %add3A_429 : i32 to vector<16xi32>
        %add3A_431 = arith.addi %broadcast_in_dim3A_425, %add3A_430 : vector<16xi32>
        %gather3A_432 = tpu.vector_load_idx %arg34[%add3A_431] : memref<32xf32, #tpu.memory_space<vmem>>[vector<16xi32>], vector<16xf32>,
        %add3A_433 = arith.constant 0 : i32
        %add3A_434 = vector.broadcast %add3A_433 : i32 to vector<16xi32>
        %add3A_435 = arith.addi %iota3A, %add3A_434 : vector<16xi32>
        %gather3A_436 = tpu.vector_load_idx %arg32[%add3A_431, %add3A_435] : memref<32x128xf32, #tpu.memory_space<vmem>>[vector<16xi32>, vector<16xi32>], vector<16xf32>,
        %mul3A_437 = arith.mulf %gather3A_436, %gather3A_432 : vector<16xf32>
        tpu.vector_store_idx %arg32[%add3A_431, %add3A_435], %mul3A_437 : memref<32x128xf32, #tpu.memory_space<vmem>>[vector<16xi32>, vector<16xi32>], vector<16xf32>,
        %add3A_438 = arith.constant 16 : i32
        %add3A_439 = vector.broadcast %add3A_438 : i32 to vector<16xi32>
        %add3A_440 = arith.addi %iota3A, %add3A_439 : vector<16xi32>
        %gather3A_441 = tpu.vector_load_idx %arg32[%add3A_431, %add3A_440] : memref<32x128xf32, #tpu.memory_space<vmem>>[vector<16xi32>, vector<16xi32>], vector<16xf32>,
        %mul3A_442 = arith.mulf %gather3A_441, %gather3A_432 : vector<16xf32>
        tpu.vector_store_idx %arg32[%add3A_431, %add3A_440], %mul3A_442 : memref<32x128xf32, #tpu.memory_space<vmem>>[vector<16xi32>, vector<16xi32>], vector<16xf32>,
        %add3A_443 = arith.constant 32 : i32
        %add3A_444 = vector.broadcast %add3A_443 : i32 to vector<16xi32>
        %add3A_445 = arith.addi %iota3A, %add3A_444 : vector<16xi32>
        %gather3A_446 = tpu.vector_load_idx %arg32[%add3A_431, %add3A_445] : memref<32x128xf32, #tpu.memory_space<vmem>>[vector<16xi32>, vector<16xi32>], vector<16xf32>,
        %mul3A_447 = arith.mulf %gather3A_446, %gather3A_432 : vector<16xf32>
        tpu.vector_store_idx %arg32[%add3A_431, %add3A_445], %mul3A_447 : memref<32x128xf32, #tpu.memory_space<vmem>>[vector<16xi32>, vector<16xi32>], vector<16xf32>,
        %add3A_448 = arith.constant 48 : i32
        %add3A_449 = vector.broadcast %add3A_448 : i32 to vector<16xi32>
        %add3A_450 = arith.addi %iota3A, %add3A_449 : vector<16xi32>
        %gather3A_451 = tpu.vector_load_idx %arg32[%add3A_431, %add3A_450] : memref<32x128xf32, #tpu.memory_space<vmem>>[vector<16xi32>, vector<16xi32>], vector<16xf32>,
        %mul3A_452 = arith.mulf %gather3A_451, %gather3A_432 : vector<16xf32>
        tpu.vector_store_idx %arg32[%add3A_431, %add3A_450], %mul3A_452 : memref<32x128xf32, #tpu.memory_space<vmem>>[vector<16xi32>, vector<16xi32>], vector<16xf32>,
        %add3A_453 = arith.constant 64 : i32
        %add3A_454 = vector.broadcast %add3A_453 : i32 to vector<16xi32>
        %add3A_455 = arith.addi %iota3A, %add3A_454 : vector<16xi32>
        %gather3A_456 = tpu.vector_load_idx %arg32[%add3A_431, %add3A_455] : memref<32x128xf32, #tpu.memory_space<vmem>>[vector<16xi32>, vector<16xi32>], vector<16xf32>,
        %mul3A_457 = arith.mulf %gather3A_456, %gather3A_432 : vector<16xf32>
        tpu.vector_store_idx %arg32[%add3A_431, %add3A_455], %mul3A_457 : memref<32x128xf32, #tpu.memory_space<vmem>>[vector<16xi32>, vector<16xi32>], vector<16xf32>,
        %add3A_458 = arith.constant 80 : i32
        %add3A_459 = vector.broadcast %add3A_458 : i32 to vector<16xi32>
        %add3A_460 = arith.addi %iota3A, %add3A_459 : vector<16xi32>
        %gather3A_461 = tpu.vector_load_idx %arg32[%add3A_431, %add3A_460] : memref<32x128xf32, #tpu.memory_space<vmem>>[vector<16xi32>, vector<16xi32>], vector<16xf32>,
        %mul3A_462 = arith.mulf %gather3A_461, %gather3A_432 : vector<16xf32>
        tpu.vector_store_idx %arg32[%add3A_431, %add3A_460], %mul3A_462 : memref<32x128xf32, #tpu.memory_space<vmem>>[vector<16xi32>, vector<16xi32>], vector<16xf32>,
        %add3A_463 = arith.constant 96 : i32
        %add3A_464 = vector.broadcast %add3A_463 : i32 to vector<16xi32>
        %add3A_465 = arith.addi %iota3A, %add3A_464 : vector<16xi32>
        %gather3A_466 = tpu.vector_load_idx %arg32[%add3A_431, %add3A_465] : memref<32x128xf32, #tpu.memory_space<vmem>>[vector<16xi32>, vector<16xi32>], vector<16xf32>,
        %mul3A_467 = arith.mulf %gather3A_466, %gather3A_432 : vector<16xf32>
        tpu.vector_store_idx %arg32[%add3A_431, %add3A_465], %mul3A_467 : memref<32x128xf32, #tpu.memory_space<vmem>>[vector<16xi32>, vector<16xi32>], vector<16xf32>,
        %add3A_468 = arith.constant 112 : i32
        %add3A_469 = vector.broadcast %add3A_468 : i32 to vector<16xi32>
        %add3A_470 = arith.addi %iota3A, %add3A_469 : vector<16xi32>
        %gather3A_471 = tpu.vector_load_idx %arg32[%add3A_431, %add3A_470] : memref<32x128xf32, #tpu.memory_space<vmem>>[vector<16xi32>, vector<16xi32>], vector<16xf32>,
        %mul3A_472 = arith.mulf %gather3A_471, %gather3A_432 : vector<16xf32>
        tpu.vector_store_idx %arg32[%add3A_431, %add3A_470], %mul3A_472 : memref<32x128xf32, #tpu.memory_space<vmem>>[vector<16xi32>, vector<16xi32>], vector<16xf32>,
        %broadcast_in_dim3A_473 = arith.constant 0 : i32
        %broadcast_in_dim3A_474 = vector.broadcast %broadcast_in_dim3A_473 : i32 to vector<16xi32>
        %mul3A_475 = arith.constant 8 : i32
        %mul3A_476 = arith.muli %scan3A_326, %mul3A_475 : i32
        %add3A_477 = arith.constant 3 : i32
        %add3A_478 = arith.addi %mul3A_476, %add3A_477 : i32
        %add3A_479 = vector.broadcast %add3A_478 : i32 to vector<16xi32>
        %add3A_480 = arith.addi %broadcast_in_dim3A_474, %add3A_479 : vector<16xi32>
        %gather3A_481 = tpu.vector_load_idx %arg34[%add3A_480] : memref<32xf32, #tpu.memory_space<vmem>>[vector<16xi32>], vector<16xf32>,
        %add3A_482 = arith.constant 0 : i32
        %add3A_483 = vector.broadcast %add3A_482 : i32 to vector<16xi32>
        %add3A_484 = arith.addi %iota3A, %add3A_483 : vector<16xi32>
        %gather3A_485 = tpu.vector_load_idx %arg32[%add3A_480, %add3A_484] : memref<32x128xf32, #tpu.memory_space<vmem>>[vector<16xi32>, vector<16xi32>], vector<16xf32>,
        %mul3A_486 = arith.mulf %gather3A_485, %gather3A_481 : vector<16xf32>
        tpu.vector_store_idx %arg32[%add3A_480, %add3A_484], %mul3A_486 : memref<32x128xf32, #tpu.memory_space<vmem>>[vector<16xi32>, vector<16xi32>], vector<16xf32>,
        %add3A_487 = arith.constant 16 : i32
        %add3A_488 = vector.broadcast %add3A_487 : i32 to vector<16xi32>
        %add3A_489 = arith.addi %iota3A, %add3A_488 : vector<16xi32>
        %gather3A_490 = tpu.vector_load_idx %arg32[%add3A_480, %add3A_489] : memref<32x128xf32, #tpu.memory_space<vmem>>[vector<16xi32>, vector<16xi32>], vector<16xf32>,
        %mul3A_491 = arith.mulf %gather3A_490, %gather3A_481 : vector<16xf32>
        tpu.vector_store_idx %arg32[%add3A_480, %add3A_489], %mul3A_491 : memref<32x128xf32, #tpu.memory_space<vmem>>[vector<16xi32>, vector<16xi32>], vector<16xf32>,
        %add3A_492 = arith.constant 32 : i32
        %add3A_493 = vector.broadcast %add3A_492 : i32 to vector<16xi32>
        %add3A_494 = arith.addi %iota3A, %add3A_493 : vector<16xi32>
        %gather3A_495 = tpu.vector_load_idx %arg32[%add3A_480, %add3A_494] : memref<32x128xf32, #tpu.memory_space<vmem>>[vector<16xi32>, vector<16xi32>], vector<16xf32>,
        %mul3A_496 = arith.mulf %gather3A_495, %gather3A_481 : vector<16xf32>
        tpu.vector_store_idx %arg32[%add3A_480, %add3A_494], %mul3A_496 : memref<32x128xf32, #tpu.memory_space<vmem>>[vector<16xi32>, vector<16xi32>], vector<16xf32>,
        %add3A_497 = arith.constant 48 : i32
        %add3A_498 = vector.broadcast %add3A_497 : i32 to vector<16xi32>
        %add3A_499 = arith.addi %iota3A, %add3A_498 : vector<16xi32>
        %gather3A_500 = tpu.vector_load_idx %arg32[%add3A_480, %add3A_499] : memref<32x128xf32, #tpu.memory_space<vmem>>[vector<16xi32>, vector<16xi32>], vector<16xf32>,
        %mul3A_501 = arith.mulf %gather3A_500, %gather3A_481 : vector<16xf32>
        tpu.vector_store_idx %arg32[%add3A_480, %add3A_499], %mul3A_501 : memref<32x128xf32, #tpu.memory_space<vmem>>[vector<16xi32>, vector<16xi32>], vector<16xf32>,
        %add3A_502 = arith.constant 64 : i32
        %add3A_503 = vector.broadcast %add3A_502 : i32 to vector<16xi32>
        %add3A_504 = arith.addi %iota3A, %add3A_503 : vector<16xi32>
        %gather3A_505 = tpu.vector_load_idx %arg32[%add3A_480, %add3A_504] : memref<32x128xf32, #tpu.memory_space<vmem>>[vector<16xi32>, vector<16xi32>], vector<16xf32>,
        %mul3A_506 = arith.mulf %gather3A_505, %gather3A_481 : vector<16xf32>
        tpu.vector_store_idx %arg32[%add3A_480, %add3A_504], %mul3A_506 : memref<32x128xf32, #tpu.memory_space<vmem>>[vector<16xi32>, vector<16xi32>], vector<16xf32>,
        %add3A_507 = arith.constant 80 : i32
        %add3A_508 = vector.broadcast %add3A_507 : i32 to vector<16xi32>
        %add3A_509 = arith.addi %iota3A, %add3A_508 : vector<16xi32>
        %gather3A_510 = tpu.vector_load_idx %arg32[%add3A_480, %add3A_509] : memref<32x128xf32, #tpu.memory_space<vmem>>[vector<16xi32>, vector<16xi32>], vector<16xf32>,
        %mul3A_511 = arith.mulf %gather3A_510, %gather3A_481 : vector<16xf32>
        tpu.vector_store_idx %arg32[%add3A_480, %add3A_509], %mul3A_511 : memref<32x128xf32, #tpu.memory_space<vmem>>[vector<16xi32>, vector<16xi32>], vector<16xf32>,
        %add3A_512 = arith.constant 96 : i32
        %add3A_513 = vector.broadcast %add3A_512 : i32 to vector<16xi32>
        %add3A_514 = arith.addi %iota3A, %add3A_513 : vector<16xi32>
        %gather3A_515 = tpu.vector_load_idx %arg32[%add3A_480, %add3A_514] : memref<32x128xf32, #tpu.memory_space<vmem>>[vector<16xi32>, vector<16xi32>], vector<16xf32>,
        %mul3A_516 = arith.mulf %gather3A_515, %gather3A_481 : vector<16xf32>
        tpu.vector_store_idx %arg32[%add3A_480, %add3A_514], %mul3A_516 : memref<32x128xf32, #tpu.memory_space<vmem>>[vector<16xi32>, vector<16xi32>], vector<16xf32>,
        %add3A_517 = arith.constant 112 : i32
        %add3A_518 = vector.broadcast %add3A_517 : i32 to vector<16xi32>
        %add3A_519 = arith.addi %iota3A, %add3A_518 : vector<16xi32>
        %gather3A_520 = tpu.vector_load_idx %arg32[%add3A_480, %add3A_519] : memref<32x128xf32, #tpu.memory_space<vmem>>[vector<16xi32>, vector<16xi32>], vector<16xf32>,
        %mul3A_521 = arith.mulf %gather3A_520, %gather3A_481 : vector<16xf32>
        tpu.vector_store_idx %arg32[%add3A_480, %add3A_519], %mul3A_521 : memref<32x128xf32, #tpu.memory_space<vmem>>[vector<16xi32>, vector<16xi32>], vector<16xf32>,
        %broadcast_in_dim3A_522 = arith.constant 0 : i32
        %broadcast_in_dim3A_523 = vector.broadcast %broadcast_in_dim3A_522 : i32 to vector<16xi32>
        %mul3A_524 = arith.constant 8 : i32
        %mul3A_525 = arith.muli %scan3A_326, %mul3A_524 : i32
        %add3A_526 = arith.constant 4 : i32
        %add3A_527 = arith.addi %mul3A_525, %add3A_526 : i32
        %add3A_528 = vector.broadcast %add3A_527 : i32 to vector<16xi32>
        %add3A_529 = arith.addi %broadcast_in_dim3A_523, %add3A_528 : vector<16xi32>
        %gather3A_530 = tpu.vector_load_idx %arg34[%add3A_529] : memref<32xf32, #tpu.memory_space<vmem>>[vector<16xi32>], vector<16xf32>,
        %add3A_531 = arith.constant 0 : i32
        %add3A_532 = vector.broadcast %add3A_531 : i32 to vector<16xi32>
        %add3A_533 = arith.addi %iota3A, %add3A_532 : vector<16xi32>
        %gather3A_534 = tpu.vector_load_idx %arg32[%add3A_529, %add3A_533] : memref<32x128xf32, #tpu.memory_space<vmem>>[vector<16xi32>, vector<16xi32>], vector<16xf32>,
        %mul3A_535 = arith.mulf %gather3A_534, %gather3A_530 : vector<16xf32>
        tpu.vector_store_idx %arg32[%add3A_529, %add3A_533], %mul3A_535 : memref<32x128xf32, #tpu.memory_space<vmem>>[vector<16xi32>, vector<16xi32>], vector<16xf32>,
        %add3A_536 = arith.constant 16 : i32
        %add3A_537 = vector.broadcast %add3A_536 : i32 to vector<16xi32>
        %add3A_538 = arith.addi %iota3A, %add3A_537 : vector<16xi32>
        %gather3A_539 = tpu.vector_load_idx %arg32[%add3A_529, %add3A_538] : memref<32x128xf32, #tpu.memory_space<vmem>>[vector<16xi32>, vector<16xi32>], vector<16xf32>,
        %mul3A_540 = arith.mulf %gather3A_539, %gather3A_530 : vector<16xf32>
        tpu.vector_store_idx %arg32[%add3A_529, %add3A_538], %mul3A_540 : memref<32x128xf32, #tpu.memory_space<vmem>>[vector<16xi32>, vector<16xi32>], vector<16xf32>,
        %add3A_541 = arith.constant 32 : i32
        %add3A_542 = vector.broadcast %add3A_541 : i32 to vector<16xi32>
        %add3A_543 = arith.addi %iota3A, %add3A_542 : vector<16xi32>
        %gather3A_544 = tpu.vector_load_idx %arg32[%add3A_529, %add3A_543] : memref<32x128xf32, #tpu.memory_space<vmem>>[vector<16xi32>, vector<16xi32>], vector<16xf32>,
        %mul3A_545 = arith.mulf %gather3A_544, %gather3A_530 : vector<16xf32>
        tpu.vector_store_idx %arg32[%add3A_529, %add3A_543], %mul3A_545 : memref<32x128xf32, #tpu.memory_space<vmem>>[vector<16xi32>, vector<16xi32>], vector<16xf32>,
        %add3A_546 = arith.constant 48 : i32
        %add3A_547 = vector.broadcast %add3A_546 : i32 to vector<16xi32>
        %add3A_548 = arith.addi %iota3A, %add3A_547 : vector<16xi32>
        %gather3A_549 = tpu.vector_load_idx %arg32[%add3A_529, %add3A_548] : memref<32x128xf32, #tpu.memory_space<vmem>>[vector<16xi32>, vector<16xi32>], vector<16xf32>,
        %mul3A_550 = arith.mulf %gather3A_549, %gather3A_530 : vector<16xf32>
        tpu.vector_store_idx %arg32[%add3A_529, %add3A_548], %mul3A_550 : memref<32x128xf32, #tpu.memory_space<vmem>>[vector<16xi32>, vector<16xi32>], vector<16xf32>,
        %add3A_551 = arith.constant 64 : i32
        %add3A_552 = vector.broadcast %add3A_551 : i32 to vector<16xi32>
        %add3A_553 = arith.addi %iota3A, %add3A_552 : vector<16xi32>
        %gather3A_554 = tpu.vector_load_idx %arg32[%add3A_529, %add3A_553] : memref<32x128xf32, #tpu.memory_space<vmem>>[vector<16xi32>, vector<16xi32>], vector<16xf32>,
        %mul3A_555 = arith.mulf %gather3A_554, %gather3A_530 : vector<16xf32>
        tpu.vector_store_idx %arg32[%add3A_529, %add3A_553], %mul3A_555 : memref<32x128xf32, #tpu.memory_space<vmem>>[vector<16xi32>, vector<16xi32>], vector<16xf32>,
        %add3A_556 = arith.constant 80 : i32
        %add3A_557 = vector.broadcast %add3A_556 : i32 to vector<16xi32>
        %add3A_558 = arith.addi %iota3A, %add3A_557 : vector<16xi32>
        %gather3A_559 = tpu.vector_load_idx %arg32[%add3A_529, %add3A_558] : memref<32x128xf32, #tpu.memory_space<vmem>>[vector<16xi32>, vector<16xi32>], vector<16xf32>,
        %mul3A_560 = arith.mulf %gather3A_559, %gather3A_530 : vector<16xf32>
        tpu.vector_store_idx %arg32[%add3A_529, %add3A_558], %mul3A_560 : memref<32x128xf32, #tpu.memory_space<vmem>>[vector<16xi32>, vector<16xi32>], vector<16xf32>,
        %add3A_561 = arith.constant 96 : i32
        %add3A_562 = vector.broadcast %add3A_561 : i32 to vector<16xi32>
        %add3A_563 = arith.addi %iota3A, %add3A_562 : vector<16xi32>
        %gather3A_564 = tpu.vector_load_idx %arg32[%add3A_529, %add3A_563] : memref<32x128xf32, #tpu.memory_space<vmem>>[vector<16xi32>, vector<16xi32>], vector<16xf32>,
        %mul3A_565 = arith.mulf %gather3A_564, %gather3A_530 : vector<16xf32>
        tpu.vector_store_idx %arg32[%add3A_529, %add3A_563], %mul3A_565 : memref<32x128xf32, #tpu.memory_space<vmem>>[vector<16xi32>, vector<16xi32>], vector<16xf32>,
        %add3A_566 = arith.constant 112 : i32
        %add3A_567 = vector.broadcast %add3A_566 : i32 to vector<16xi32>
        %add3A_568 = arith.addi %iota3A, %add3A_567 : vector<16xi32>
        %gather3A_569 = tpu.vector_load_idx %arg32[%add3A_529, %add3A_568] : memref<32x128xf32, #tpu.memory_space<vmem>>[vector<16xi32>, vector<16xi32>], vector<16xf32>,
        %mul3A_570 = arith.mulf %gather3A_569, %gather3A_530 : vector<16xf32>
        tpu.vector_store_idx %arg32[%add3A_529, %add3A_568], %mul3A_570 : memref<32x128xf32, #tpu.memory_space<vmem>>[vector<16xi32>, vector<16xi32>], vector<16xf32>,
        %broadcast_in_dim3A_571 = arith.constant 0 : i32
        %broadcast_in_dim3A_572 = vector.broadcast %broadcast_in_dim3A_571 : i32 to vector<16xi32>
        %mul3A_573 = arith.constant 8 : i32
        %mul3A_574 = arith.muli %scan3A_326, %mul3A_573 : i32
        %add3A_575 = arith.constant 5 : i32
        %add3A_576 = arith.addi %mul3A_574, %add3A_575 : i32
        %add3A_577 = vector.broadcast %add3A_576 : i32 to vector<16xi32>
        %add3A_578 = arith.addi %broadcast_in_dim3A_572, %add3A_577 : vector<16xi32>
        %gather3A_579 = tpu.vector_load_idx %arg34[%add3A_578] : memref<32xf32, #tpu.memory_space<vmem>>[vector<16xi32>], vector<16xf32>,
        %add3A_580 = arith.constant 0 : i32
        %add3A_581 = vector.broadcast %add3A_580 : i32 to vector<16xi32>
        %add3A_582 = arith.addi %iota3A, %add3A_581 : vector<16xi32>
        %gather3A_583 = tpu.vector_load_idx %arg32[%add3A_578, %add3A_582] : memref<32x128xf32, #tpu.memory_space<vmem>>[vector<16xi32>, vector<16xi32>], vector<16xf32>,
        %mul3A_584 = arith.mulf %gather3A_583, %gather3A_579 : vector<16xf32>
        tpu.vector_store_idx %arg32[%add3A_578, %add3A_582], %mul3A_584 : memref<32x128xf32, #tpu.memory_space<vmem>>[vector<16xi32>, vector<16xi32>], vector<16xf32>,
        %add3A_585 = arith.constant 16 : i32
        %add3A_586 = vector.broadcast %add3A_585 : i32 to vector<16xi32>
        %add3A_587 = arith.addi %iota3A, %add3A_586 : vector<16xi32>
        %gather3A_588 = tpu.vector_load_idx %arg32[%add3A_578, %add3A_587] : memref<32x128xf32, #tpu.memory_space<vmem>>[vector<16xi32>, vector<16xi32>], vector<16xf32>,
        %mul3A_589 = arith.mulf %gather3A_588, %gather3A_579 : vector<16xf32>
        tpu.vector_store_idx %arg32[%add3A_578, %add3A_587], %mul3A_589 : memref<32x128xf32, #tpu.memory_space<vmem>>[vector<16xi32>, vector<16xi32>], vector<16xf32>,
        %add3A_590 = arith.constant 32 : i32
        %add3A_591 = vector.broadcast %add3A_590 : i32 to vector<16xi32>
        %add3A_592 = arith.addi %iota3A, %add3A_591 : vector<16xi32>
        %gather3A_593 = tpu.vector_load_idx %arg32[%add3A_578, %add3A_592] : memref<32x128xf32, #tpu.memory_space<vmem>>[vector<16xi32>, vector<16xi32>], vector<16xf32>,
        %mul3A_594 = arith.mulf %gather3A_593, %gather3A_579 : vector<16xf32>
        tpu.vector_store_idx %arg32[%add3A_578, %add3A_592], %mul3A_594 : memref<32x128xf32, #tpu.memory_space<vmem>>[vector<16xi32>, vector<16xi32>], vector<16xf32>,
        %add3A_595 = arith.constant 48 : i32
        %add3A_596 = vector.broadcast %add3A_595 : i32 to vector<16xi32>
        %add3A_597 = arith.addi %iota3A, %add3A_596 : vector<16xi32>
        %gather3A_598 = tpu.vector_load_idx %arg32[%add3A_578, %add3A_597] : memref<32x128xf32, #tpu.memory_space<vmem>>[vector<16xi32>, vector<16xi32>], vector<16xf32>,
        %mul3A_599 = arith.mulf %gather3A_598, %gather3A_579 : vector<16xf32>
        tpu.vector_store_idx %arg32[%add3A_578, %add3A_597], %mul3A_599 : memref<32x128xf32, #tpu.memory_space<vmem>>[vector<16xi32>, vector<16xi32>], vector<16xf32>,
        %add3A_600 = arith.constant 64 : i32
        %add3A_601 = vector.broadcast %add3A_600 : i32 to vector<16xi32>
        %add3A_602 = arith.addi %iota3A, %add3A_601 : vector<16xi32>
        %gather3A_603 = tpu.vector_load_idx %arg32[%add3A_578, %add3A_602] : memref<32x128xf32, #tpu.memory_space<vmem>>[vector<16xi32>, vector<16xi32>], vector<16xf32>,
        %mul3A_604 = arith.mulf %gather3A_603, %gather3A_579 : vector<16xf32>
        tpu.vector_store_idx %arg32[%add3A_578, %add3A_602], %mul3A_604 : memref<32x128xf32, #tpu.memory_space<vmem>>[vector<16xi32>, vector<16xi32>], vector<16xf32>,
        %add3A_605 = arith.constant 80 : i32
        %add3A_606 = vector.broadcast %add3A_605 : i32 to vector<16xi32>
        %add3A_607 = arith.addi %iota3A, %add3A_606 : vector<16xi32>
        %gather3A_608 = tpu.vector_load_idx %arg32[%add3A_578, %add3A_607] : memref<32x128xf32, #tpu.memory_space<vmem>>[vector<16xi32>, vector<16xi32>], vector<16xf32>,
        %mul3A_609 = arith.mulf %gather3A_608, %gather3A_579 : vector<16xf32>
        tpu.vector_store_idx %arg32[%add3A_578, %add3A_607], %mul3A_609 : memref<32x128xf32, #tpu.memory_space<vmem>>[vector<16xi32>, vector<16xi32>], vector<16xf32>,
        %add3A_610 = arith.constant 96 : i32
        %add3A_611 = vector.broadcast %add3A_610 : i32 to vector<16xi32>
        %add3A_612 = arith.addi %iota3A, %add3A_611 : vector<16xi32>
        %gather3A_613 = tpu.vector_load_idx %arg32[%add3A_578, %add3A_612] : memref<32x128xf32, #tpu.memory_space<vmem>>[vector<16xi32>, vector<16xi32>], vector<16xf32>,
        %mul3A_614 = arith.mulf %gather3A_613, %gather3A_579 : vector<16xf32>
        tpu.vector_store_idx %arg32[%add3A_578, %add3A_612], %mul3A_614 : memref<32x128xf32, #tpu.memory_space<vmem>>[vector<16xi32>, vector<16xi32>], vector<16xf32>,
        %add3A_615 = arith.constant 112 : i32
        %add3A_616 = vector.broadcast %add3A_615 : i32 to vector<16xi32>
        %add3A_617 = arith.addi %iota3A, %add3A_616 : vector<16xi32>
        %gather3A_618 = tpu.vector_load_idx %arg32[%add3A_578, %add3A_617] : memref<32x128xf32, #tpu.memory_space<vmem>>[vector<16xi32>, vector<16xi32>], vector<16xf32>,
        %mul3A_619 = arith.mulf %gather3A_618, %gather3A_579 : vector<16xf32>
        tpu.vector_store_idx %arg32[%add3A_578, %add3A_617], %mul3A_619 : memref<32x128xf32, #tpu.memory_space<vmem>>[vector<16xi32>, vector<16xi32>], vector<16xf32>,
        %broadcast_in_dim3A_620 = arith.constant 0 : i32
        %broadcast_in_dim3A_621 = vector.broadcast %broadcast_in_dim3A_620 : i32 to vector<16xi32>
        %mul3A_622 = arith.constant 8 : i32
        %mul3A_623 = arith.muli %scan3A_326, %mul3A_622 : i32
        %add3A_624 = arith.constant 6 : i32
        %add3A_625 = arith.addi %mul3A_623, %add3A_624 : i32
        %add3A_626 = vector.broadcast %add3A_625 : i32 to vector<16xi32>
        %add3A_627 = arith.addi %broadcast_in_dim3A_621, %add3A_626 : vector<16xi32>
        %gather3A_628 = tpu.vector_load_idx %arg34[%add3A_627] : memref<32xf32, #tpu.memory_space<vmem>>[vector<16xi32>], vector<16xf32>,
        %add3A_629 = arith.constant 0 : i32
        %add3A_630 = vector.broadcast %add3A_629 : i32 to vector<16xi32>
        %add3A_631 = arith.addi %iota3A, %add3A_630 : vector<16xi32>
        %gather3A_632 = tpu.vector_load_idx %arg32[%add3A_627, %add3A_631] : memref<32x128xf32, #tpu.memory_space<vmem>>[vector<16xi32>, vector<16xi32>], vector<16xf32>,
        %mul3A_633 = arith.mulf %gather3A_632, %gather3A_628 : vector<16xf32>
        tpu.vector_store_idx %arg32[%add3A_627, %add3A_631], %mul3A_633 : memref<32x128xf32, #tpu.memory_space<vmem>>[vector<16xi32>, vector<16xi32>], vector<16xf32>,
        %add3A_634 = arith.constant 16 : i32
        %add3A_635 = vector.broadcast %add3A_634 : i32 to vector<16xi32>
        %add3A_636 = arith.addi %iota3A, %add3A_635 : vector<16xi32>
        %gather3A_637 = tpu.vector_load_idx %arg32[%add3A_627, %add3A_636] : memref<32x128xf32, #tpu.memory_space<vmem>>[vector<16xi32>, vector<16xi32>], vector<16xf32>,
        %mul3A_638 = arith.mulf %gather3A_637, %gather3A_628 : vector<16xf32>
        tpu.vector_store_idx %arg32[%add3A_627, %add3A_636], %mul3A_638 : memref<32x128xf32, #tpu.memory_space<vmem>>[vector<16xi32>, vector<16xi32>], vector<16xf32>,
        %add3A_639 = arith.constant 32 : i32
        %add3A_640 = vector.broadcast %add3A_639 : i32 to vector<16xi32>
        %add3A_641 = arith.addi %iota3A, %add3A_640 : vector<16xi32>
        %gather3A_642 = tpu.vector_load_idx %arg32[%add3A_627, %add3A_641] : memref<32x128xf32, #tpu.memory_space<vmem>>[vector<16xi32>, vector<16xi32>], vector<16xf32>,
        %mul3A_643 = arith.mulf %gather3A_642, %gather3A_628 : vector<16xf32>
        tpu.vector_store_idx %arg32[%add3A_627, %add3A_641], %mul3A_643 : memref<32x128xf32, #tpu.memory_space<vmem>>[vector<16xi32>, vector<16xi32>], vector<16xf32>,
        %add3A_644 = arith.constant 48 : i32
        %add3A_645 = vector.broadcast %add3A_644 : i32 to vector<16xi32>
        %add3A_646 = arith.addi %iota3A, %add3A_645 : vector<16xi32>
        %gather3A_647 = tpu.vector_load_idx %arg32[%add3A_627, %add3A_646] : memref<32x128xf32, #tpu.memory_space<vmem>>[vector<16xi32>, vector<16xi32>], vector<16xf32>,
        %mul3A_648 = arith.mulf %gather3A_647, %gather3A_628 : vector<16xf32>
        tpu.vector_store_idx %arg32[%add3A_627, %add3A_646], %mul3A_648 : memref<32x128xf32, #tpu.memory_space<vmem>>[vector<16xi32>, vector<16xi32>], vector<16xf32>,
        %add3A_649 = arith.constant 64 : i32
        %add3A_650 = vector.broadcast %add3A_649 : i32 to vector<16xi32>
        %add3A_651 = arith.addi %iota3A, %add3A_650 : vector<16xi32>
        %gather3A_652 = tpu.vector_load_idx %arg32[%add3A_627, %add3A_651] : memref<32x128xf32, #tpu.memory_space<vmem>>[vector<16xi32>, vector<16xi32>], vector<16xf32>,
        %mul3A_653 = arith.mulf %gather3A_652, %gather3A_628 : vector<16xf32>
        tpu.vector_store_idx %arg32[%add3A_627, %add3A_651], %mul3A_653 : memref<32x128xf32, #tpu.memory_space<vmem>>[vector<16xi32>, vector<16xi32>], vector<16xf32>,
        %add3A_654 = arith.constant 80 : i32
        %add3A_655 = vector.broadcast %add3A_654 : i32 to vector<16xi32>
        %add3A_656 = arith.addi %iota3A, %add3A_655 : vector<16xi32>
        %gather3A_657 = tpu.vector_load_idx %arg32[%add3A_627, %add3A_656] : memref<32x128xf32, #tpu.memory_space<vmem>>[vector<16xi32>, vector<16xi32>], vector<16xf32>,
        %mul3A_658 = arith.mulf %gather3A_657, %gather3A_628 : vector<16xf32>
        tpu.vector_store_idx %arg32[%add3A_627, %add3A_656], %mul3A_658 : memref<32x128xf32, #tpu.memory_space<vmem>>[vector<16xi32>, vector<16xi32>], vector<16xf32>,
        %add3A_659 = arith.constant 96 : i32
        %add3A_660 = vector.broadcast %add3A_659 : i32 to vector<16xi32>
        %add3A_661 = arith.addi %iota3A, %add3A_660 : vector<16xi32>
        %gather3A_662 = tpu.vector_load_idx %arg32[%add3A_627, %add3A_661] : memref<32x128xf32, #tpu.memory_space<vmem>>[vector<16xi32>, vector<16xi32>], vector<16xf32>,
        %mul3A_663 = arith.mulf %gather3A_662, %gather3A_628 : vector<16xf32>
        tpu.vector_store_idx %arg32[%add3A_627, %add3A_661], %mul3A_663 : memref<32x128xf32, #tpu.memory_space<vmem>>[vector<16xi32>, vector<16xi32>], vector<16xf32>,
        %add3A_664 = arith.constant 112 : i32
        %add3A_665 = vector.broadcast %add3A_664 : i32 to vector<16xi32>
        %add3A_666 = arith.addi %iota3A, %add3A_665 : vector<16xi32>
        %gather3A_667 = tpu.vector_load_idx %arg32[%add3A_627, %add3A_666] : memref<32x128xf32, #tpu.memory_space<vmem>>[vector<16xi32>, vector<16xi32>], vector<16xf32>,
        %mul3A_668 = arith.mulf %gather3A_667, %gather3A_628 : vector<16xf32>
        tpu.vector_store_idx %arg32[%add3A_627, %add3A_666], %mul3A_668 : memref<32x128xf32, #tpu.memory_space<vmem>>[vector<16xi32>, vector<16xi32>], vector<16xf32>,
        %broadcast_in_dim3A_669 = arith.constant 0 : i32
        %broadcast_in_dim3A_670 = vector.broadcast %broadcast_in_dim3A_669 : i32 to vector<16xi32>
        %mul3A_671 = arith.constant 8 : i32
        %mul3A_672 = arith.muli %scan3A_326, %mul3A_671 : i32
        %add3A_673 = arith.constant 7 : i32
        %add3A_674 = arith.addi %mul3A_672, %add3A_673 : i32
        %add3A_675 = vector.broadcast %add3A_674 : i32 to vector<16xi32>
        %add3A_676 = arith.addi %broadcast_in_dim3A_670, %add3A_675 : vector<16xi32>
        %gather3A_677 = tpu.vector_load_idx %arg34[%add3A_676] : memref<32xf32, #tpu.memory_space<vmem>>[vector<16xi32>], vector<16xf32>,
        %add3A_678 = arith.constant 0 : i32
        %add3A_679 = vector.broadcast %add3A_678 : i32 to vector<16xi32>
        %add3A_680 = arith.addi %iota3A, %add3A_679 : vector<16xi32>
        %gather3A_681 = tpu.vector_load_idx %arg32[%add3A_676, %add3A_680] : memref<32x128xf32, #tpu.memory_space<vmem>>[vector<16xi32>, vector<16xi32>], vector<16xf32>,
        %mul3A_682 = arith.mulf %gather3A_681, %gather3A_677 : vector<16xf32>
        tpu.vector_store_idx %arg32[%add3A_676, %add3A_680], %mul3A_682 : memref<32x128xf32, #tpu.memory_space<vmem>>[vector<16xi32>, vector<16xi32>], vector<16xf32>,
        %add3A_683 = arith.constant 16 : i32
        %add3A_684 = vector.broadcast %add3A_683 : i32 to vector<16xi32>
        %add3A_685 = arith.addi %iota3A, %add3A_684 : vector<16xi32>
        %gather3A_686 = tpu.vector_load_idx %arg32[%add3A_676, %add3A_685] : memref<32x128xf32, #tpu.memory_space<vmem>>[vector<16xi32>, vector<16xi32>], vector<16xf32>,
        %mul3A_687 = arith.mulf %gather3A_686, %gather3A_677 : vector<16xf32>
        tpu.vector_store_idx %arg32[%add3A_676, %add3A_685], %mul3A_687 : memref<32x128xf32, #tpu.memory_space<vmem>>[vector<16xi32>, vector<16xi32>], vector<16xf32>,
        %add3A_688 = arith.constant 32 : i32
        %add3A_689 = vector.broadcast %add3A_688 : i32 to vector<16xi32>
        %add3A_690 = arith.addi %iota3A, %add3A_689 : vector<16xi32>
        %gather3A_691 = tpu.vector_load_idx %arg32[%add3A_676, %add3A_690] : memref<32x128xf32, #tpu.memory_space<vmem>>[vector<16xi32>, vector<16xi32>], vector<16xf32>,
        %mul3A_692 = arith.mulf %gather3A_691, %gather3A_677 : vector<16xf32>
        tpu.vector_store_idx %arg32[%add3A_676, %add3A_690], %mul3A_692 : memref<32x128xf32, #tpu.memory_space<vmem>>[vector<16xi32>, vector<16xi32>], vector<16xf32>,
        %add3A_693 = arith.constant 48 : i32
        %add3A_694 = vector.broadcast %add3A_693 : i32 to vector<16xi32>
        %add3A_695 = arith.addi %iota3A, %add3A_694 : vector<16xi32>
        %gather3A_696 = tpu.vector_load_idx %arg32[%add3A_676, %add3A_695] : memref<32x128xf32, #tpu.memory_space<vmem>>[vector<16xi32>, vector<16xi32>], vector<16xf32>,
        %mul3A_697 = arith.mulf %gather3A_696, %gather3A_677 : vector<16xf32>
        tpu.vector_store_idx %arg32[%add3A_676, %add3A_695], %mul3A_697 : memref<32x128xf32, #tpu.memory_space<vmem>>[vector<16xi32>, vector<16xi32>], vector<16xf32>,
        %add3A_698 = arith.constant 64 : i32
        %add3A_699 = vector.broadcast %add3A_698 : i32 to vector<16xi32>
        %add3A_700 = arith.addi %iota3A, %add3A_699 : vector<16xi32>
        %gather3A_701 = tpu.vector_load_idx %arg32[%add3A_676, %add3A_700] : memref<32x128xf32, #tpu.memory_space<vmem>>[vector<16xi32>, vector<16xi32>], vector<16xf32>,
        %mul3A_702 = arith.mulf %gather3A_701, %gather3A_677 : vector<16xf32>
        tpu.vector_store_idx %arg32[%add3A_676, %add3A_700], %mul3A_702 : memref<32x128xf32, #tpu.memory_space<vmem>>[vector<16xi32>, vector<16xi32>], vector<16xf32>,
        %add3A_703 = arith.constant 80 : i32
        %add3A_704 = vector.broadcast %add3A_703 : i32 to vector<16xi32>
        %add3A_705 = arith.addi %iota3A, %add3A_704 : vector<16xi32>
        %gather3A_706 = tpu.vector_load_idx %arg32[%add3A_676, %add3A_705] : memref<32x128xf32, #tpu.memory_space<vmem>>[vector<16xi32>, vector<16xi32>], vector<16xf32>,
        %mul3A_707 = arith.mulf %gather3A_706, %gather3A_677 : vector<16xf32>
        tpu.vector_store_idx %arg32[%add3A_676, %add3A_705], %mul3A_707 : memref<32x128xf32, #tpu.memory_space<vmem>>[vector<16xi32>, vector<16xi32>], vector<16xf32>,
        %add3A_708 = arith.constant 96 : i32
        %add3A_709 = vector.broadcast %add3A_708 : i32 to vector<16xi32>
        %add3A_710 = arith.addi %iota3A, %add3A_709 : vector<16xi32>
        %gather3A_711 = tpu.vector_load_idx %arg32[%add3A_676, %add3A_710] : memref<32x128xf32, #tpu.memory_space<vmem>>[vector<16xi32>, vector<16xi32>], vector<16xf32>,
        %mul3A_712 = arith.mulf %gather3A_711, %gather3A_677 : vector<16xf32>
        tpu.vector_store_idx %arg32[%add3A_676, %add3A_710], %mul3A_712 : memref<32x128xf32, #tpu.memory_space<vmem>>[vector<16xi32>, vector<16xi32>], vector<16xf32>,
        %add3A_713 = arith.constant 112 : i32
        %add3A_714 = vector.broadcast %add3A_713 : i32 to vector<16xi32>
        %add3A_715 = arith.addi %iota3A, %add3A_714 : vector<16xi32>
        %gather3A_716 = tpu.vector_load_idx %arg32[%add3A_676, %add3A_715] : memref<32x128xf32, #tpu.memory_space<vmem>>[vector<16xi32>, vector<16xi32>], vector<16xf32>,
        %mul3A_717 = arith.mulf %gather3A_716, %gather3A_677 : vector<16xf32>
        tpu.vector_store_idx %arg32[%add3A_676, %add3A_715], %mul3A_717 : memref<32x128xf32, #tpu.memory_space<vmem>>[vector<16xi32>, vector<16xi32>], vector<16xf32>,
      }
      %scan3A_237 = arith.constant 4 : i32
      %dma_start3A_238 = arith.constant 0 : i32
      %dma_start3A_239 = arith.constant 0 : i32
      %dma_start3A_240 = tpu.memref_slice %arg36[%dma_start3A_238, %dma_start3A_239] : memref<10240x128xf32, #tpu.memory_space<vmem_shared>> -> memref<10240x128xf32, #tpu.memory_space<vmem_shared>>
      tpu.enqueue_indirect_dma source(%arg32 : memref<32x128xf32, #tpu.memory_space<vmem>>) target(%dma_start3A_240 : memref<10240x128xf32, #tpu.memory_space<vmem_shared>>) offsets(%arg29 : memref<32xi32, #tpu.memory_space<vmem>>) semaphore(%arg48 : memref<!tpu.dma_semaphore, #tpu.memory_space<semaphore_mem>>) {add = true}
      %add3A_241 = arith.constant 2 : i32
      %add3A_242 = arith.addi %add3A_173, %add3A_241 : i32
      %lt3A_243 = arith.constant 168 : i32
      %lt3A_244 = arith.cmpi slt, %add3A_242, %lt3A_243 : i32
      %convert_element_type3A_245 = arith.extui %lt3A_244 : i1 to i32
      %cond3A_246 = arith.constant 0 : i32
      %cond3A_247 = arith.cmpi ne, %convert_element_type3A_245, %cond3A_246 : i32
      scf.if %cond3A_247 {
        %add3A_326 = arith.constant 2 : i32
        %add3A_327 = arith.addi %add3A_173, %add3A_326 : i32
        %mul3A_328 = arith.constant 32 : i32
        %mul3A_329 = arith.muli %add3A_327, %mul3A_328 : i32
        %add3A_330 = arith.addi %mul3A_6, %mul3A_329 : i32
        %dma_wait3A_331 = tpu.memref_slice %arg4[%add3A_330] : memref<172032xi32, #tpu.memory_space<hbm>> -> memref<32xi32, #tpu.memory_space<hbm>>
        %dma_wait3A_332 = tpu.memref_slice %arg4[%add3A_330] : memref<172032xi32, #tpu.memory_space<hbm>> -> memref<32xi32, #tpu.memory_space<hbm>>
        tpu.wait_dma2 semaphore(%arg41 : memref<!tpu.dma_semaphore, #tpu.memory_space<semaphore_mem>>) src(%dma_wait3A_332 : memref<32xi32, #tpu.memory_space<hbm>>) dst(%arg19 : memref<32xi32, #tpu.memory_space<vmem>>)
        %mul3A_333 = arith.constant 32 : i32
        %mul3A_334 = arith.muli %add3A_327, %mul3A_333 : i32
        %add3A_335 = arith.addi %mul3A_6, %mul3A_334 : i32
        %dma_wait3A_336 = tpu.memref_slice %arg5[%add3A_335] : memref<172032xi32, #tpu.memory_space<hbm>> -> memref<32xi32, #tpu.memory_space<hbm>>
        %dma_wait3A_337 = tpu.memref_slice %arg5[%add3A_335] : memref<172032xi32, #tpu.memory_space<hbm>> -> memref<32xi32, #tpu.memory_space<hbm>>
        tpu.wait_dma2 semaphore(%arg41 : memref<!tpu.dma_semaphore, #tpu.memory_space<semaphore_mem>>) src(%dma_wait3A_337 : memref<32xi32, #tpu.memory_space<hbm>>) dst(%arg22 : memref<32xi32, #tpu.memory_space<vmem>>)
        %mul3A_338 = arith.constant 32 : i32
        %mul3A_339 = arith.muli %add3A_327, %mul3A_338 : i32
        %add3A_340 = arith.addi %mul3A_6, %mul3A_339 : i32
        %dma_wait3A_341 = tpu.memref_slice %arg6[%add3A_340] : memref<172032xf32, #tpu.memory_space<hbm>> -> memref<32xf32, #tpu.memory_space<hbm>>
        %dma_wait3A_342 = tpu.memref_slice %arg6[%add3A_340] : memref<172032xf32, #tpu.memory_space<hbm>> -> memref<32xf32, #tpu.memory_space<hbm>>
        tpu.wait_dma2 semaphore(%arg41 : memref<!tpu.dma_semaphore, #tpu.memory_space<semaphore_mem>>) src(%dma_wait3A_342 : memref<32xf32, #tpu.memory_space<hbm>>) dst(%arg25 : memref<32xf32, #tpu.memory_space<vmem>>)
        %add3A_343 = arith.constant 3 : i32
        %add3A_344 = arith.addi %add3A_173, %add3A_343 : i32
        %lt3A_345 = arith.constant 168 : i32
        %lt3A_346 = arith.cmpi slt, %add3A_344, %lt3A_345 : i32
        %convert_element_type3A_347 = arith.extui %lt3A_346 : i1 to i32
        %cond3A_348 = arith.constant 0 : i32
        %cond3A_349 = arith.cmpi ne, %convert_element_type3A_347, %cond3A_348 : i32
        scf.if %cond3A_349 {
          %add3A_350 = arith.constant 3 : i32
          %add3A_351 = arith.addi %add3A_173, %add3A_350 : i32
          %mul3A_352 = arith.constant 32 : i32
          %mul3A_353 = arith.muli %add3A_351, %mul3A_352 : i32
          %add3A_354 = arith.addi %mul3A_6, %mul3A_353 : i32
          %dma_start3A_355 = tpu.memref_slice %arg4[%add3A_354] : memref<172032xi32, #tpu.memory_space<hbm>> -> memref<32xi32, #tpu.memory_space<hbm>>
          %dma_start3A_356 = tpu.memref_slice %arg4[%add3A_354] : memref<172032xi32, #tpu.memory_space<hbm>> -> memref<32xi32, #tpu.memory_space<hbm>>
          tpu.enqueue_dma source(%dma_start3A_356 : memref<32xi32, #tpu.memory_space<hbm>>) target(%arg20 : memref<32xi32, #tpu.memory_space<vmem>>) target_semaphore(%arg42 : memref<!tpu.dma_semaphore, #tpu.memory_space<semaphore_mem>>)
          %mul3A_357 = arith.constant 32 : i32
          %mul3A_358 = arith.muli %add3A_351, %mul3A_357 : i32
          %add3A_359 = arith.addi %mul3A_6, %mul3A_358 : i32
          %dma_start3A_360 = tpu.memref_slice %arg5[%add3A_359] : memref<172032xi32, #tpu.memory_space<hbm>> -> memref<32xi32, #tpu.memory_space<hbm>>
          %dma_start3A_361 = tpu.memref_slice %arg5[%add3A_359] : memref<172032xi32, #tpu.memory_space<hbm>> -> memref<32xi32, #tpu.memory_space<hbm>>
          tpu.enqueue_dma source(%dma_start3A_361 : memref<32xi32, #tpu.memory_space<hbm>>) target(%arg23 : memref<32xi32, #tpu.memory_space<vmem>>) target_semaphore(%arg42 : memref<!tpu.dma_semaphore, #tpu.memory_space<semaphore_mem>>)
          %mul3A_362 = arith.constant 32 : i32
          %mul3A_363 = arith.muli %add3A_351, %mul3A_362 : i32
          %add3A_364 = arith.addi %mul3A_6, %mul3A_363 : i32
          %dma_start3A_365 = tpu.memref_slice %arg6[%add3A_364] : memref<172032xf32, #tpu.memory_space<hbm>> -> memref<32xf32, #tpu.memory_space<hbm>>
          %dma_start3A_366 = tpu.memref_slice %arg6[%add3A_364] : memref<172032xf32, #tpu.memory_space<hbm>> -> memref<32xf32, #tpu.memory_space<hbm>>
          tpu.enqueue_dma source(%dma_start3A_366 : memref<32xf32, #tpu.memory_space<hbm>>) target(%arg26 : memref<32xf32, #tpu.memory_space<vmem>>) target_semaphore(%arg42 : memref<!tpu.dma_semaphore, #tpu.memory_space<semaphore_mem>>)
        } else {
        }
      } else {
      }
      %mul3A_248 = arith.constant 3 : i32
      %mul3A_249 = arith.muli %mul3A_248, %scan3A_101 : i32
      %add3A_250 = arith.constant 2 : i32
      %add3A_251 = arith.addi %mul3A_249, %add3A_250 : i32
      %get3A_252 = arith.constant 0 : index
      %get3A_253 = tpu.vector_load %arg21[%get3A_252] {strides = array<i32>} : memref<32xi32, #tpu.memory_space<vmem>>, vector<16xi32>,
      %get3A_254 = arith.constant 0 : index
      %get3A_255 = tpu.vector_load %arg24[%get3A_254] {strides = array<i32>} : memref<32xi32, #tpu.memory_space<vmem>>, vector<16xi32>,
      %swap3A_256 = arith.constant 0 : index
      %swap3A_257 = tpu.vector_load %arg30[%swap3A_256] {strides = array<i32>} : memref<32xi32, #tpu.memory_space<vmem>>, vector<16xi32>,
      tpu.vector_store %arg30[%swap3A_256], %get3A_255 {strides = array<i32>} : memref<32xi32, #tpu.memory_space<vmem>>, vector<16xi32>,
      %gather3A_258 = tpu.vector_load_idx %arg10[%get3A_253] : memref<10240xf32, #tpu.memory_space<vmem>>[vector<16xi32>], vector<16xf32>,
      %gather3A_259 = tpu.vector_load_idx %arg11[%get3A_255] : memref<10240xf32, #tpu.memory_space<vmem>>[vector<16xi32>], vector<16xf32>,
      %add3A_260 = arith.addf %gather3A_258, %gather3A_259 : vector<16xf32>
      %ge3A_261 = arith.constant 0.000000e+00 : f32
      %ge3A_262 = vector.broadcast %ge3A_261 : f32 to vector<16xf32>
      %ge3A_263 = arith.cmpf oge, %add3A_260, %ge3A_262 : vector<16xf32>
      %mul3A_264 = arith.constant 2.000000e-01 : f32
      %mul3A_265 = vector.broadcast %mul3A_264 : f32 to vector<16xf32>
      %mul3A_266 = arith.mulf %mul3A_265, %add3A_260 : vector<16xf32>
      %select_n3A_267 = arith.select %ge3A_263, %add3A_260, %mul3A_266 : vector<16xi1>, vector<16xf32>
      %exp3A_268 = math.exp %select_n3A_267 : vector<16xf32>
      %get3A_269 = arith.constant 0 : index
      %get3A_270 = tpu.vector_load %arg27[%get3A_269] {strides = array<i32>} : memref<32xf32, #tpu.memory_space<vmem>>, vector<16xf32>,
      %mul3A_271 = arith.mulf %exp3A_268, %get3A_270 : vector<16xf32>
      %gather3A_272 = tpu.vector_load_idx %arg12[%get3A_255] : memref<10240xf32, #tpu.memory_space<vmem>>[vector<16xi32>], vector<16xf32>,
      %div3A_273 = arith.divf %mul3A_271, %gather3A_272 : vector<16xf32>
      %swap3A_274 = arith.constant 0 : index
      %swap3A_275 = tpu.vector_load %arg34[%swap3A_274] {strides = array<i32>} : memref<32xf32, #tpu.memory_space<vmem>>, vector<16xf32>,
      tpu.vector_store %arg34[%swap3A_274], %div3A_273 {strides = array<i32>} : memref<32xf32, #tpu.memory_space<vmem>>, vector<16xf32>,
      %get3A_276 = arith.constant 16 : index
      %get3A_277 = tpu.vector_load %arg21[%get3A_276] {strides = array<i32>} : memref<32xi32, #tpu.memory_space<vmem>>, vector<16xi32>,
      %get3A_278 = arith.constant 16 : index
      %get3A_279 = tpu.vector_load %arg24[%get3A_278] {strides = array<i32>} : memref<32xi32, #tpu.memory_space<vmem>>, vector<16xi32>,
      %swap3A_280 = arith.constant 16 : index
      %swap3A_281 = tpu.vector_load %arg30[%swap3A_280] {strides = array<i32>} : memref<32xi32, #tpu.memory_space<vmem>>, vector<16xi32>,
      tpu.vector_store %arg30[%swap3A_280], %get3A_279 {strides = array<i32>} : memref<32xi32, #tpu.memory_space<vmem>>, vector<16xi32>,
      %gather3A_282 = tpu.vector_load_idx %arg10[%get3A_277] : memref<10240xf32, #tpu.memory_space<vmem>>[vector<16xi32>], vector<16xf32>,
      %gather3A_283 = tpu.vector_load_idx %arg11[%get3A_279] : memref<10240xf32, #tpu.memory_space<vmem>>[vector<16xi32>], vector<16xf32>,
      %add3A_284 = arith.addf %gather3A_282, %gather3A_283 : vector<16xf32>
      %ge3A_285 = arith.constant 0.000000e+00 : f32
      %ge3A_286 = vector.broadcast %ge3A_285 : f32 to vector<16xf32>
      %ge3A_287 = arith.cmpf oge, %add3A_284, %ge3A_286 : vector<16xf32>
      %mul3A_288 = arith.constant 2.000000e-01 : f32
      %mul3A_289 = vector.broadcast %mul3A_288 : f32 to vector<16xf32>
      %mul3A_290 = arith.mulf %mul3A_289, %add3A_284 : vector<16xf32>
      %select_n3A_291 = arith.select %ge3A_287, %add3A_284, %mul3A_290 : vector<16xi1>, vector<16xf32>
      %exp3A_292 = math.exp %select_n3A_291 : vector<16xf32>
      %get3A_293 = arith.constant 16 : index
      %get3A_294 = tpu.vector_load %arg27[%get3A_293] {strides = array<i32>} : memref<32xf32, #tpu.memory_space<vmem>>, vector<16xf32>,
      %mul3A_295 = arith.mulf %exp3A_292, %get3A_294 : vector<16xf32>
      %gather3A_296 = tpu.vector_load_idx %arg12[%get3A_279] : memref<10240xf32, #tpu.memory_space<vmem>>[vector<16xi32>], vector<16xf32>,
      %div3A_297 = arith.divf %mul3A_295, %gather3A_296 : vector<16xf32>
      %swap3A_298 = arith.constant 16 : index
      %swap3A_299 = tpu.vector_load %arg34[%swap3A_298] {strides = array<i32>} : memref<32xf32, #tpu.memory_space<vmem>>, vector<16xf32>,
      tpu.vector_store %arg34[%swap3A_298], %div3A_297 {strides = array<i32>} : memref<32xf32, #tpu.memory_space<vmem>>, vector<16xf32>,
      %add3A_300 = arith.constant 1 : i32
      %add3A_301 = arith.addi %add3A_251, %add3A_300 : i32
      %lt3A_302 = arith.constant 168 : i32
      %lt3A_303 = arith.cmpi slt, %add3A_301, %lt3A_302 : i32
      %convert_element_type3A_304 = arith.extui %lt3A_303 : i1 to i32
      %cond3A_305 = arith.constant 0 : i32
      %cond3A_306 = arith.cmpi ne, %convert_element_type3A_304, %cond3A_305 : i32
      scf.if %cond3A_306 {
        %ge3A_326 = arith.constant 2 : i32
        %ge3A_327 = arith.cmpi sge, %add3A_251, %ge3A_326 : i32
        %convert_element_type3A_328 = arith.extui %ge3A_327 : i1 to i32
        %cond3A_329 = arith.constant 0 : i32
        %cond3A_330 = arith.cmpi ne, %convert_element_type3A_328, %cond3A_329 : i32
        scf.if %cond3A_330 {
          %dma_wait3A_334 = arith.constant 0 : i32
          %dma_wait3A_335 = arith.constant 0 : i32
          %dma_wait3A_336 = tpu.memref_slice %arg36[%dma_wait3A_334, %dma_wait3A_335] : memref<10240x128xf32, #tpu.memory_space<vmem_shared>> -> memref<10240x128xf32, #tpu.memory_space<vmem_shared>>
          tpu.wait_indirect_dma semaphore(%arg47 : memref<!tpu.dma_semaphore, #tpu.memory_space<semaphore_mem>>) src(%arg31 : memref<32x128xf32, #tpu.memory_space<vmem>>) dst(%dma_wait3A_336 : memref<10240x128xf32, #tpu.memory_space<vmem_shared>>)
        } else {
        }
        %dma_start3A_331 = arith.constant 0 : i32
        %dma_start3A_332 = arith.constant 0 : i32
        %dma_start3A_333 = tpu.memref_slice %arg2[%dma_start3A_331, %dma_start3A_332] : memref<10240x128xf32, #tpu.memory_space<hbm>> -> memref<10240x128xf32, #tpu.memory_space<hbm>>
        tpu.enqueue_indirect_dma source(%dma_start3A_333 : memref<10240x128xf32, #tpu.memory_space<hbm>>) target(%arg31 : memref<32x128xf32, #tpu.memory_space<vmem>>) offsets(%arg19 : memref<32xi32, #tpu.memory_space<vmem>>) semaphore(%arg44 : memref<!tpu.dma_semaphore, #tpu.memory_space<semaphore_mem>>)
      } else {
      }
      %dma_wait3A_307 = arith.constant 0 : i32
      %dma_wait3A_308 = arith.constant 0 : i32
      %dma_wait3A_309 = tpu.memref_slice %arg2[%dma_wait3A_307, %dma_wait3A_308] : memref<10240x128xf32, #tpu.memory_space<hbm>> -> memref<10240x128xf32, #tpu.memory_space<hbm>>
      tpu.wait_indirect_dma semaphore(%arg46 : memref<!tpu.dma_semaphore, #tpu.memory_space<semaphore_mem>>) src(%dma_wait3A_309 : memref<10240x128xf32, #tpu.memory_space<hbm>>) dst(%arg33 : memref<32x128xf32, #tpu.memory_space<vmem>>)
      %scan3A_310 = arith.constant 0 : i32
      %scan3A_311 = arith.constant 0 : i32
      %scan3A_312 = arith.constant 4 : i32
      %scan3A_313 = arith.addi %scan3A_311, %scan3A_312 : i32
      %scan3A_314 = arith.constant 1 : i32
      scf.for %scan3A_326 = %scan3A_311 to %scan3A_313 step %scan3A_314  : i32 {
        %broadcast_in_dim3A = arith.constant 0 : i32
        %broadcast_in_dim3A_327 = vector.broadcast %broadcast_in_dim3A : i32 to vector<16xi32>
        %mul3A_328 = arith.constant 8 : i32
        %mul3A_329 = arith.muli %scan3A_326, %mul3A_328 : i32
        %add3A_330 = arith.constant 0 : i32
        %add3A_331 = arith.addi %mul3A_329, %add3A_330 : i32
        %add3A_332 = vector.broadcast %add3A_331 : i32 to vector<16xi32>
        %add3A_333 = arith.addi %broadcast_in_dim3A_327, %add3A_332 : vector<16xi32>
        %gather3A_334 = tpu.vector_load_idx %arg34[%add3A_333] : memref<32xf32, #tpu.memory_space<vmem>>[vector<16xi32>], vector<16xf32>,
        %add3A_335 = arith.constant 0 : i32
        %add3A_336 = vector.broadcast %add3A_335 : i32 to vector<16xi32>
        %add3A_337 = arith.addi %iota3A, %add3A_336 : vector<16xi32>
        %gather3A_338 = tpu.vector_load_idx %arg33[%add3A_333, %add3A_337] : memref<32x128xf32, #tpu.memory_space<vmem>>[vector<16xi32>, vector<16xi32>], vector<16xf32>,
        %mul3A_339 = arith.mulf %gather3A_338, %gather3A_334 : vector<16xf32>
        tpu.vector_store_idx %arg33[%add3A_333, %add3A_337], %mul3A_339 : memref<32x128xf32, #tpu.memory_space<vmem>>[vector<16xi32>, vector<16xi32>], vector<16xf32>,
        %add3A_340 = arith.constant 16 : i32
        %add3A_341 = vector.broadcast %add3A_340 : i32 to vector<16xi32>
        %add3A_342 = arith.addi %iota3A, %add3A_341 : vector<16xi32>
        %gather3A_343 = tpu.vector_load_idx %arg33[%add3A_333, %add3A_342] : memref<32x128xf32, #tpu.memory_space<vmem>>[vector<16xi32>, vector<16xi32>], vector<16xf32>,
        %mul3A_344 = arith.mulf %gather3A_343, %gather3A_334 : vector<16xf32>
        tpu.vector_store_idx %arg33[%add3A_333, %add3A_342], %mul3A_344 : memref<32x128xf32, #tpu.memory_space<vmem>>[vector<16xi32>, vector<16xi32>], vector<16xf32>,
        %add3A_345 = arith.constant 32 : i32
        %add3A_346 = vector.broadcast %add3A_345 : i32 to vector<16xi32>
        %add3A_347 = arith.addi %iota3A, %add3A_346 : vector<16xi32>
        %gather3A_348 = tpu.vector_load_idx %arg33[%add3A_333, %add3A_347] : memref<32x128xf32, #tpu.memory_space<vmem>>[vector<16xi32>, vector<16xi32>], vector<16xf32>,
        %mul3A_349 = arith.mulf %gather3A_348, %gather3A_334 : vector<16xf32>
        tpu.vector_store_idx %arg33[%add3A_333, %add3A_347], %mul3A_349 : memref<32x128xf32, #tpu.memory_space<vmem>>[vector<16xi32>, vector<16xi32>], vector<16xf32>,
        %add3A_350 = arith.constant 48 : i32
        %add3A_351 = vector.broadcast %add3A_350 : i32 to vector<16xi32>
        %add3A_352 = arith.addi %iota3A, %add3A_351 : vector<16xi32>
        %gather3A_353 = tpu.vector_load_idx %arg33[%add3A_333, %add3A_352] : memref<32x128xf32, #tpu.memory_space<vmem>>[vector<16xi32>, vector<16xi32>], vector<16xf32>,
        %mul3A_354 = arith.mulf %gather3A_353, %gather3A_334 : vector<16xf32>
        tpu.vector_store_idx %arg33[%add3A_333, %add3A_352], %mul3A_354 : memref<32x128xf32, #tpu.memory_space<vmem>>[vector<16xi32>, vector<16xi32>], vector<16xf32>,
        %add3A_355 = arith.constant 64 : i32
        %add3A_356 = vector.broadcast %add3A_355 : i32 to vector<16xi32>
        %add3A_357 = arith.addi %iota3A, %add3A_356 : vector<16xi32>
        %gather3A_358 = tpu.vector_load_idx %arg33[%add3A_333, %add3A_357] : memref<32x128xf32, #tpu.memory_space<vmem>>[vector<16xi32>, vector<16xi32>], vector<16xf32>,
        %mul3A_359 = arith.mulf %gather3A_358, %gather3A_334 : vector<16xf32>
        tpu.vector_store_idx %arg33[%add3A_333, %add3A_357], %mul3A_359 : memref<32x128xf32, #tpu.memory_space<vmem>>[vector<16xi32>, vector<16xi32>], vector<16xf32>,
        %add3A_360 = arith.constant 80 : i32
        %add3A_361 = vector.broadcast %add3A_360 : i32 to vector<16xi32>
        %add3A_362 = arith.addi %iota3A, %add3A_361 : vector<16xi32>
        %gather3A_363 = tpu.vector_load_idx %arg33[%add3A_333, %add3A_362] : memref<32x128xf32, #tpu.memory_space<vmem>>[vector<16xi32>, vector<16xi32>], vector<16xf32>,
        %mul3A_364 = arith.mulf %gather3A_363, %gather3A_334 : vector<16xf32>
        tpu.vector_store_idx %arg33[%add3A_333, %add3A_362], %mul3A_364 : memref<32x128xf32, #tpu.memory_space<vmem>>[vector<16xi32>, vector<16xi32>], vector<16xf32>,
        %add3A_365 = arith.constant 96 : i32
        %add3A_366 = vector.broadcast %add3A_365 : i32 to vector<16xi32>
        %add3A_367 = arith.addi %iota3A, %add3A_366 : vector<16xi32>
        %gather3A_368 = tpu.vector_load_idx %arg33[%add3A_333, %add3A_367] : memref<32x128xf32, #tpu.memory_space<vmem>>[vector<16xi32>, vector<16xi32>], vector<16xf32>,
        %mul3A_369 = arith.mulf %gather3A_368, %gather3A_334 : vector<16xf32>
        tpu.vector_store_idx %arg33[%add3A_333, %add3A_367], %mul3A_369 : memref<32x128xf32, #tpu.memory_space<vmem>>[vector<16xi32>, vector<16xi32>], vector<16xf32>,
        %add3A_370 = arith.constant 112 : i32
        %add3A_371 = vector.broadcast %add3A_370 : i32 to vector<16xi32>
        %add3A_372 = arith.addi %iota3A, %add3A_371 : vector<16xi32>
        %gather3A_373 = tpu.vector_load_idx %arg33[%add3A_333, %add3A_372] : memref<32x128xf32, #tpu.memory_space<vmem>>[vector<16xi32>, vector<16xi32>], vector<16xf32>,
        %mul3A_374 = arith.mulf %gather3A_373, %gather3A_334 : vector<16xf32>
        tpu.vector_store_idx %arg33[%add3A_333, %add3A_372], %mul3A_374 : memref<32x128xf32, #tpu.memory_space<vmem>>[vector<16xi32>, vector<16xi32>], vector<16xf32>,
        %broadcast_in_dim3A_375 = arith.constant 0 : i32
        %broadcast_in_dim3A_376 = vector.broadcast %broadcast_in_dim3A_375 : i32 to vector<16xi32>
        %mul3A_377 = arith.constant 8 : i32
        %mul3A_378 = arith.muli %scan3A_326, %mul3A_377 : i32
        %add3A_379 = arith.constant 1 : i32
        %add3A_380 = arith.addi %mul3A_378, %add3A_379 : i32
        %add3A_381 = vector.broadcast %add3A_380 : i32 to vector<16xi32>
        %add3A_382 = arith.addi %broadcast_in_dim3A_376, %add3A_381 : vector<16xi32>
        %gather3A_383 = tpu.vector_load_idx %arg34[%add3A_382] : memref<32xf32, #tpu.memory_space<vmem>>[vector<16xi32>], vector<16xf32>,
        %add3A_384 = arith.constant 0 : i32
        %add3A_385 = vector.broadcast %add3A_384 : i32 to vector<16xi32>
        %add3A_386 = arith.addi %iota3A, %add3A_385 : vector<16xi32>
        %gather3A_387 = tpu.vector_load_idx %arg33[%add3A_382, %add3A_386] : memref<32x128xf32, #tpu.memory_space<vmem>>[vector<16xi32>, vector<16xi32>], vector<16xf32>,
        %mul3A_388 = arith.mulf %gather3A_387, %gather3A_383 : vector<16xf32>
        tpu.vector_store_idx %arg33[%add3A_382, %add3A_386], %mul3A_388 : memref<32x128xf32, #tpu.memory_space<vmem>>[vector<16xi32>, vector<16xi32>], vector<16xf32>,
        %add3A_389 = arith.constant 16 : i32
        %add3A_390 = vector.broadcast %add3A_389 : i32 to vector<16xi32>
        %add3A_391 = arith.addi %iota3A, %add3A_390 : vector<16xi32>
        %gather3A_392 = tpu.vector_load_idx %arg33[%add3A_382, %add3A_391] : memref<32x128xf32, #tpu.memory_space<vmem>>[vector<16xi32>, vector<16xi32>], vector<16xf32>,
        %mul3A_393 = arith.mulf %gather3A_392, %gather3A_383 : vector<16xf32>
        tpu.vector_store_idx %arg33[%add3A_382, %add3A_391], %mul3A_393 : memref<32x128xf32, #tpu.memory_space<vmem>>[vector<16xi32>, vector<16xi32>], vector<16xf32>,
        %add3A_394 = arith.constant 32 : i32
        %add3A_395 = vector.broadcast %add3A_394 : i32 to vector<16xi32>
        %add3A_396 = arith.addi %iota3A, %add3A_395 : vector<16xi32>
        %gather3A_397 = tpu.vector_load_idx %arg33[%add3A_382, %add3A_396] : memref<32x128xf32, #tpu.memory_space<vmem>>[vector<16xi32>, vector<16xi32>], vector<16xf32>,
        %mul3A_398 = arith.mulf %gather3A_397, %gather3A_383 : vector<16xf32>
        tpu.vector_store_idx %arg33[%add3A_382, %add3A_396], %mul3A_398 : memref<32x128xf32, #tpu.memory_space<vmem>>[vector<16xi32>, vector<16xi32>], vector<16xf32>,
        %add3A_399 = arith.constant 48 : i32
        %add3A_400 = vector.broadcast %add3A_399 : i32 to vector<16xi32>
        %add3A_401 = arith.addi %iota3A, %add3A_400 : vector<16xi32>
        %gather3A_402 = tpu.vector_load_idx %arg33[%add3A_382, %add3A_401] : memref<32x128xf32, #tpu.memory_space<vmem>>[vector<16xi32>, vector<16xi32>], vector<16xf32>,
        %mul3A_403 = arith.mulf %gather3A_402, %gather3A_383 : vector<16xf32>
        tpu.vector_store_idx %arg33[%add3A_382, %add3A_401], %mul3A_403 : memref<32x128xf32, #tpu.memory_space<vmem>>[vector<16xi32>, vector<16xi32>], vector<16xf32>,
        %add3A_404 = arith.constant 64 : i32
        %add3A_405 = vector.broadcast %add3A_404 : i32 to vector<16xi32>
        %add3A_406 = arith.addi %iota3A, %add3A_405 : vector<16xi32>
        %gather3A_407 = tpu.vector_load_idx %arg33[%add3A_382, %add3A_406] : memref<32x128xf32, #tpu.memory_space<vmem>>[vector<16xi32>, vector<16xi32>], vector<16xf32>,
        %mul3A_408 = arith.mulf %gather3A_407, %gather3A_383 : vector<16xf32>
        tpu.vector_store_idx %arg33[%add3A_382, %add3A_406], %mul3A_408 : memref<32x128xf32, #tpu.memory_space<vmem>>[vector<16xi32>, vector<16xi32>], vector<16xf32>,
        %add3A_409 = arith.constant 80 : i32
        %add3A_410 = vector.broadcast %add3A_409 : i32 to vector<16xi32>
        %add3A_411 = arith.addi %iota3A, %add3A_410 : vector<16xi32>
        %gather3A_412 = tpu.vector_load_idx %arg33[%add3A_382, %add3A_411] : memref<32x128xf32, #tpu.memory_space<vmem>>[vector<16xi32>, vector<16xi32>], vector<16xf32>,
        %mul3A_413 = arith.mulf %gather3A_412, %gather3A_383 : vector<16xf32>
        tpu.vector_store_idx %arg33[%add3A_382, %add3A_411], %mul3A_413 : memref<32x128xf32, #tpu.memory_space<vmem>>[vector<16xi32>, vector<16xi32>], vector<16xf32>,
        %add3A_414 = arith.constant 96 : i32
        %add3A_415 = vector.broadcast %add3A_414 : i32 to vector<16xi32>
        %add3A_416 = arith.addi %iota3A, %add3A_415 : vector<16xi32>
        %gather3A_417 = tpu.vector_load_idx %arg33[%add3A_382, %add3A_416] : memref<32x128xf32, #tpu.memory_space<vmem>>[vector<16xi32>, vector<16xi32>], vector<16xf32>,
        %mul3A_418 = arith.mulf %gather3A_417, %gather3A_383 : vector<16xf32>
        tpu.vector_store_idx %arg33[%add3A_382, %add3A_416], %mul3A_418 : memref<32x128xf32, #tpu.memory_space<vmem>>[vector<16xi32>, vector<16xi32>], vector<16xf32>,
        %add3A_419 = arith.constant 112 : i32
        %add3A_420 = vector.broadcast %add3A_419 : i32 to vector<16xi32>
        %add3A_421 = arith.addi %iota3A, %add3A_420 : vector<16xi32>
        %gather3A_422 = tpu.vector_load_idx %arg33[%add3A_382, %add3A_421] : memref<32x128xf32, #tpu.memory_space<vmem>>[vector<16xi32>, vector<16xi32>], vector<16xf32>,
        %mul3A_423 = arith.mulf %gather3A_422, %gather3A_383 : vector<16xf32>
        tpu.vector_store_idx %arg33[%add3A_382, %add3A_421], %mul3A_423 : memref<32x128xf32, #tpu.memory_space<vmem>>[vector<16xi32>, vector<16xi32>], vector<16xf32>,
        %broadcast_in_dim3A_424 = arith.constant 0 : i32
        %broadcast_in_dim3A_425 = vector.broadcast %broadcast_in_dim3A_424 : i32 to vector<16xi32>
        %mul3A_426 = arith.constant 8 : i32
        %mul3A_427 = arith.muli %scan3A_326, %mul3A_426 : i32
        %add3A_428 = arith.constant 2 : i32
        %add3A_429 = arith.addi %mul3A_427, %add3A_428 : i32
        %add3A_430 = vector.broadcast %add3A_429 : i32 to vector<16xi32>
        %add3A_431 = arith.addi %broadcast_in_dim3A_425, %add3A_430 : vector<16xi32>
        %gather3A_432 = tpu.vector_load_idx %arg34[%add3A_431] : memref<32xf32, #tpu.memory_space<vmem>>[vector<16xi32>], vector<16xf32>,
        %add3A_433 = arith.constant 0 : i32
        %add3A_434 = vector.broadcast %add3A_433 : i32 to vector<16xi32>
        %add3A_435 = arith.addi %iota3A, %add3A_434 : vector<16xi32>
        %gather3A_436 = tpu.vector_load_idx %arg33[%add3A_431, %add3A_435] : memref<32x128xf32, #tpu.memory_space<vmem>>[vector<16xi32>, vector<16xi32>], vector<16xf32>,
        %mul3A_437 = arith.mulf %gather3A_436, %gather3A_432 : vector<16xf32>
        tpu.vector_store_idx %arg33[%add3A_431, %add3A_435], %mul3A_437 : memref<32x128xf32, #tpu.memory_space<vmem>>[vector<16xi32>, vector<16xi32>], vector<16xf32>,
        %add3A_438 = arith.constant 16 : i32
        %add3A_439 = vector.broadcast %add3A_438 : i32 to vector<16xi32>
        %add3A_440 = arith.addi %iota3A, %add3A_439 : vector<16xi32>
        %gather3A_441 = tpu.vector_load_idx %arg33[%add3A_431, %add3A_440] : memref<32x128xf32, #tpu.memory_space<vmem>>[vector<16xi32>, vector<16xi32>], vector<16xf32>,
        %mul3A_442 = arith.mulf %gather3A_441, %gather3A_432 : vector<16xf32>
        tpu.vector_store_idx %arg33[%add3A_431, %add3A_440], %mul3A_442 : memref<32x128xf32, #tpu.memory_space<vmem>>[vector<16xi32>, vector<16xi32>], vector<16xf32>,
        %add3A_443 = arith.constant 32 : i32
        %add3A_444 = vector.broadcast %add3A_443 : i32 to vector<16xi32>
        %add3A_445 = arith.addi %iota3A, %add3A_444 : vector<16xi32>
        %gather3A_446 = tpu.vector_load_idx %arg33[%add3A_431, %add3A_445] : memref<32x128xf32, #tpu.memory_space<vmem>>[vector<16xi32>, vector<16xi32>], vector<16xf32>,
        %mul3A_447 = arith.mulf %gather3A_446, %gather3A_432 : vector<16xf32>
        tpu.vector_store_idx %arg33[%add3A_431, %add3A_445], %mul3A_447 : memref<32x128xf32, #tpu.memory_space<vmem>>[vector<16xi32>, vector<16xi32>], vector<16xf32>,
        %add3A_448 = arith.constant 48 : i32
        %add3A_449 = vector.broadcast %add3A_448 : i32 to vector<16xi32>
        %add3A_450 = arith.addi %iota3A, %add3A_449 : vector<16xi32>
        %gather3A_451 = tpu.vector_load_idx %arg33[%add3A_431, %add3A_450] : memref<32x128xf32, #tpu.memory_space<vmem>>[vector<16xi32>, vector<16xi32>], vector<16xf32>,
        %mul3A_452 = arith.mulf %gather3A_451, %gather3A_432 : vector<16xf32>
        tpu.vector_store_idx %arg33[%add3A_431, %add3A_450], %mul3A_452 : memref<32x128xf32, #tpu.memory_space<vmem>>[vector<16xi32>, vector<16xi32>], vector<16xf32>,
        %add3A_453 = arith.constant 64 : i32
        %add3A_454 = vector.broadcast %add3A_453 : i32 to vector<16xi32>
        %add3A_455 = arith.addi %iota3A, %add3A_454 : vector<16xi32>
        %gather3A_456 = tpu.vector_load_idx %arg33[%add3A_431, %add3A_455] : memref<32x128xf32, #tpu.memory_space<vmem>>[vector<16xi32>, vector<16xi32>], vector<16xf32>,
        %mul3A_457 = arith.mulf %gather3A_456, %gather3A_432 : vector<16xf32>
        tpu.vector_store_idx %arg33[%add3A_431, %add3A_455], %mul3A_457 : memref<32x128xf32, #tpu.memory_space<vmem>>[vector<16xi32>, vector<16xi32>], vector<16xf32>,
        %add3A_458 = arith.constant 80 : i32
        %add3A_459 = vector.broadcast %add3A_458 : i32 to vector<16xi32>
        %add3A_460 = arith.addi %iota3A, %add3A_459 : vector<16xi32>
        %gather3A_461 = tpu.vector_load_idx %arg33[%add3A_431, %add3A_460] : memref<32x128xf32, #tpu.memory_space<vmem>>[vector<16xi32>, vector<16xi32>], vector<16xf32>,
        %mul3A_462 = arith.mulf %gather3A_461, %gather3A_432 : vector<16xf32>
        tpu.vector_store_idx %arg33[%add3A_431, %add3A_460], %mul3A_462 : memref<32x128xf32, #tpu.memory_space<vmem>>[vector<16xi32>, vector<16xi32>], vector<16xf32>,
        %add3A_463 = arith.constant 96 : i32
        %add3A_464 = vector.broadcast %add3A_463 : i32 to vector<16xi32>
        %add3A_465 = arith.addi %iota3A, %add3A_464 : vector<16xi32>
        %gather3A_466 = tpu.vector_load_idx %arg33[%add3A_431, %add3A_465] : memref<32x128xf32, #tpu.memory_space<vmem>>[vector<16xi32>, vector<16xi32>], vector<16xf32>,
        %mul3A_467 = arith.mulf %gather3A_466, %gather3A_432 : vector<16xf32>
        tpu.vector_store_idx %arg33[%add3A_431, %add3A_465], %mul3A_467 : memref<32x128xf32, #tpu.memory_space<vmem>>[vector<16xi32>, vector<16xi32>], vector<16xf32>,
        %add3A_468 = arith.constant 112 : i32
        %add3A_469 = vector.broadcast %add3A_468 : i32 to vector<16xi32>
        %add3A_470 = arith.addi %iota3A, %add3A_469 : vector<16xi32>
        %gather3A_471 = tpu.vector_load_idx %arg33[%add3A_431, %add3A_470] : memref<32x128xf32, #tpu.memory_space<vmem>>[vector<16xi32>, vector<16xi32>], vector<16xf32>,
        %mul3A_472 = arith.mulf %gather3A_471, %gather3A_432 : vector<16xf32>
        tpu.vector_store_idx %arg33[%add3A_431, %add3A_470], %mul3A_472 : memref<32x128xf32, #tpu.memory_space<vmem>>[vector<16xi32>, vector<16xi32>], vector<16xf32>,
        %broadcast_in_dim3A_473 = arith.constant 0 : i32
        %broadcast_in_dim3A_474 = vector.broadcast %broadcast_in_dim3A_473 : i32 to vector<16xi32>
        %mul3A_475 = arith.constant 8 : i32
        %mul3A_476 = arith.muli %scan3A_326, %mul3A_475 : i32
        %add3A_477 = arith.constant 3 : i32
        %add3A_478 = arith.addi %mul3A_476, %add3A_477 : i32
        %add3A_479 = vector.broadcast %add3A_478 : i32 to vector<16xi32>
        %add3A_480 = arith.addi %broadcast_in_dim3A_474, %add3A_479 : vector<16xi32>
        %gather3A_481 = tpu.vector_load_idx %arg34[%add3A_480] : memref<32xf32, #tpu.memory_space<vmem>>[vector<16xi32>], vector<16xf32>,
        %add3A_482 = arith.constant 0 : i32
        %add3A_483 = vector.broadcast %add3A_482 : i32 to vector<16xi32>
        %add3A_484 = arith.addi %iota3A, %add3A_483 : vector<16xi32>
        %gather3A_485 = tpu.vector_load_idx %arg33[%add3A_480, %add3A_484] : memref<32x128xf32, #tpu.memory_space<vmem>>[vector<16xi32>, vector<16xi32>], vector<16xf32>,
        %mul3A_486 = arith.mulf %gather3A_485, %gather3A_481 : vector<16xf32>
        tpu.vector_store_idx %arg33[%add3A_480, %add3A_484], %mul3A_486 : memref<32x128xf32, #tpu.memory_space<vmem>>[vector<16xi32>, vector<16xi32>], vector<16xf32>,
        %add3A_487 = arith.constant 16 : i32
        %add3A_488 = vector.broadcast %add3A_487 : i32 to vector<16xi32>
        %add3A_489 = arith.addi %iota3A, %add3A_488 : vector<16xi32>
        %gather3A_490 = tpu.vector_load_idx %arg33[%add3A_480, %add3A_489] : memref<32x128xf32, #tpu.memory_space<vmem>>[vector<16xi32>, vector<16xi32>], vector<16xf32>,
        %mul3A_491 = arith.mulf %gather3A_490, %gather3A_481 : vector<16xf32>
        tpu.vector_store_idx %arg33[%add3A_480, %add3A_489], %mul3A_491 : memref<32x128xf32, #tpu.memory_space<vmem>>[vector<16xi32>, vector<16xi32>], vector<16xf32>,
        %add3A_492 = arith.constant 32 : i32
        %add3A_493 = vector.broadcast %add3A_492 : i32 to vector<16xi32>
        %add3A_494 = arith.addi %iota3A, %add3A_493 : vector<16xi32>
        %gather3A_495 = tpu.vector_load_idx %arg33[%add3A_480, %add3A_494] : memref<32x128xf32, #tpu.memory_space<vmem>>[vector<16xi32>, vector<16xi32>], vector<16xf32>,
        %mul3A_496 = arith.mulf %gather3A_495, %gather3A_481 : vector<16xf32>
        tpu.vector_store_idx %arg33[%add3A_480, %add3A_494], %mul3A_496 : memref<32x128xf32, #tpu.memory_space<vmem>>[vector<16xi32>, vector<16xi32>], vector<16xf32>,
        %add3A_497 = arith.constant 48 : i32
        %add3A_498 = vector.broadcast %add3A_497 : i32 to vector<16xi32>
        %add3A_499 = arith.addi %iota3A, %add3A_498 : vector<16xi32>
        %gather3A_500 = tpu.vector_load_idx %arg33[%add3A_480, %add3A_499] : memref<32x128xf32, #tpu.memory_space<vmem>>[vector<16xi32>, vector<16xi32>], vector<16xf32>,
        %mul3A_501 = arith.mulf %gather3A_500, %gather3A_481 : vector<16xf32>
        tpu.vector_store_idx %arg33[%add3A_480, %add3A_499], %mul3A_501 : memref<32x128xf32, #tpu.memory_space<vmem>>[vector<16xi32>, vector<16xi32>], vector<16xf32>,
        %add3A_502 = arith.constant 64 : i32
        %add3A_503 = vector.broadcast %add3A_502 : i32 to vector<16xi32>
        %add3A_504 = arith.addi %iota3A, %add3A_503 : vector<16xi32>
        %gather3A_505 = tpu.vector_load_idx %arg33[%add3A_480, %add3A_504] : memref<32x128xf32, #tpu.memory_space<vmem>>[vector<16xi32>, vector<16xi32>], vector<16xf32>,
        %mul3A_506 = arith.mulf %gather3A_505, %gather3A_481 : vector<16xf32>
        tpu.vector_store_idx %arg33[%add3A_480, %add3A_504], %mul3A_506 : memref<32x128xf32, #tpu.memory_space<vmem>>[vector<16xi32>, vector<16xi32>], vector<16xf32>,
        %add3A_507 = arith.constant 80 : i32
        %add3A_508 = vector.broadcast %add3A_507 : i32 to vector<16xi32>
        %add3A_509 = arith.addi %iota3A, %add3A_508 : vector<16xi32>
        %gather3A_510 = tpu.vector_load_idx %arg33[%add3A_480, %add3A_509] : memref<32x128xf32, #tpu.memory_space<vmem>>[vector<16xi32>, vector<16xi32>], vector<16xf32>,
        %mul3A_511 = arith.mulf %gather3A_510, %gather3A_481 : vector<16xf32>
        tpu.vector_store_idx %arg33[%add3A_480, %add3A_509], %mul3A_511 : memref<32x128xf32, #tpu.memory_space<vmem>>[vector<16xi32>, vector<16xi32>], vector<16xf32>,
        %add3A_512 = arith.constant 96 : i32
        %add3A_513 = vector.broadcast %add3A_512 : i32 to vector<16xi32>
        %add3A_514 = arith.addi %iota3A, %add3A_513 : vector<16xi32>
        %gather3A_515 = tpu.vector_load_idx %arg33[%add3A_480, %add3A_514] : memref<32x128xf32, #tpu.memory_space<vmem>>[vector<16xi32>, vector<16xi32>], vector<16xf32>,
        %mul3A_516 = arith.mulf %gather3A_515, %gather3A_481 : vector<16xf32>
        tpu.vector_store_idx %arg33[%add3A_480, %add3A_514], %mul3A_516 : memref<32x128xf32, #tpu.memory_space<vmem>>[vector<16xi32>, vector<16xi32>], vector<16xf32>,
        %add3A_517 = arith.constant 112 : i32
        %add3A_518 = vector.broadcast %add3A_517 : i32 to vector<16xi32>
        %add3A_519 = arith.addi %iota3A, %add3A_518 : vector<16xi32>
        %gather3A_520 = tpu.vector_load_idx %arg33[%add3A_480, %add3A_519] : memref<32x128xf32, #tpu.memory_space<vmem>>[vector<16xi32>, vector<16xi32>], vector<16xf32>,
        %mul3A_521 = arith.mulf %gather3A_520, %gather3A_481 : vector<16xf32>
        tpu.vector_store_idx %arg33[%add3A_480, %add3A_519], %mul3A_521 : memref<32x128xf32, #tpu.memory_space<vmem>>[vector<16xi32>, vector<16xi32>], vector<16xf32>,
        %broadcast_in_dim3A_522 = arith.constant 0 : i32
        %broadcast_in_dim3A_523 = vector.broadcast %broadcast_in_dim3A_522 : i32 to vector<16xi32>
        %mul3A_524 = arith.constant 8 : i32
        %mul3A_525 = arith.muli %scan3A_326, %mul3A_524 : i32
        %add3A_526 = arith.constant 4 : i32
        %add3A_527 = arith.addi %mul3A_525, %add3A_526 : i32
        %add3A_528 = vector.broadcast %add3A_527 : i32 to vector<16xi32>
        %add3A_529 = arith.addi %broadcast_in_dim3A_523, %add3A_528 : vector<16xi32>
        %gather3A_530 = tpu.vector_load_idx %arg34[%add3A_529] : memref<32xf32, #tpu.memory_space<vmem>>[vector<16xi32>], vector<16xf32>,
        %add3A_531 = arith.constant 0 : i32
        %add3A_532 = vector.broadcast %add3A_531 : i32 to vector<16xi32>
        %add3A_533 = arith.addi %iota3A, %add3A_532 : vector<16xi32>
        %gather3A_534 = tpu.vector_load_idx %arg33[%add3A_529, %add3A_533] : memref<32x128xf32, #tpu.memory_space<vmem>>[vector<16xi32>, vector<16xi32>], vector<16xf32>,
        %mul3A_535 = arith.mulf %gather3A_534, %gather3A_530 : vector<16xf32>
        tpu.vector_store_idx %arg33[%add3A_529, %add3A_533], %mul3A_535 : memref<32x128xf32, #tpu.memory_space<vmem>>[vector<16xi32>, vector<16xi32>], vector<16xf32>,
        %add3A_536 = arith.constant 16 : i32
        %add3A_537 = vector.broadcast %add3A_536 : i32 to vector<16xi32>
        %add3A_538 = arith.addi %iota3A, %add3A_537 : vector<16xi32>
        %gather3A_539 = tpu.vector_load_idx %arg33[%add3A_529, %add3A_538] : memref<32x128xf32, #tpu.memory_space<vmem>>[vector<16xi32>, vector<16xi32>], vector<16xf32>,
        %mul3A_540 = arith.mulf %gather3A_539, %gather3A_530 : vector<16xf32>
        tpu.vector_store_idx %arg33[%add3A_529, %add3A_538], %mul3A_540 : memref<32x128xf32, #tpu.memory_space<vmem>>[vector<16xi32>, vector<16xi32>], vector<16xf32>,
        %add3A_541 = arith.constant 32 : i32
        %add3A_542 = vector.broadcast %add3A_541 : i32 to vector<16xi32>
        %add3A_543 = arith.addi %iota3A, %add3A_542 : vector<16xi32>
        %gather3A_544 = tpu.vector_load_idx %arg33[%add3A_529, %add3A_543] : memref<32x128xf32, #tpu.memory_space<vmem>>[vector<16xi32>, vector<16xi32>], vector<16xf32>,
        %mul3A_545 = arith.mulf %gather3A_544, %gather3A_530 : vector<16xf32>
        tpu.vector_store_idx %arg33[%add3A_529, %add3A_543], %mul3A_545 : memref<32x128xf32, #tpu.memory_space<vmem>>[vector<16xi32>, vector<16xi32>], vector<16xf32>,
        %add3A_546 = arith.constant 48 : i32
        %add3A_547 = vector.broadcast %add3A_546 : i32 to vector<16xi32>
        %add3A_548 = arith.addi %iota3A, %add3A_547 : vector<16xi32>
        %gather3A_549 = tpu.vector_load_idx %arg33[%add3A_529, %add3A_548] : memref<32x128xf32, #tpu.memory_space<vmem>>[vector<16xi32>, vector<16xi32>], vector<16xf32>,
        %mul3A_550 = arith.mulf %gather3A_549, %gather3A_530 : vector<16xf32>
        tpu.vector_store_idx %arg33[%add3A_529, %add3A_548], %mul3A_550 : memref<32x128xf32, #tpu.memory_space<vmem>>[vector<16xi32>, vector<16xi32>], vector<16xf32>,
        %add3A_551 = arith.constant 64 : i32
        %add3A_552 = vector.broadcast %add3A_551 : i32 to vector<16xi32>
        %add3A_553 = arith.addi %iota3A, %add3A_552 : vector<16xi32>
        %gather3A_554 = tpu.vector_load_idx %arg33[%add3A_529, %add3A_553] : memref<32x128xf32, #tpu.memory_space<vmem>>[vector<16xi32>, vector<16xi32>], vector<16xf32>,
        %mul3A_555 = arith.mulf %gather3A_554, %gather3A_530 : vector<16xf32>
        tpu.vector_store_idx %arg33[%add3A_529, %add3A_553], %mul3A_555 : memref<32x128xf32, #tpu.memory_space<vmem>>[vector<16xi32>, vector<16xi32>], vector<16xf32>,
        %add3A_556 = arith.constant 80 : i32
        %add3A_557 = vector.broadcast %add3A_556 : i32 to vector<16xi32>
        %add3A_558 = arith.addi %iota3A, %add3A_557 : vector<16xi32>
        %gather3A_559 = tpu.vector_load_idx %arg33[%add3A_529, %add3A_558] : memref<32x128xf32, #tpu.memory_space<vmem>>[vector<16xi32>, vector<16xi32>], vector<16xf32>,
        %mul3A_560 = arith.mulf %gather3A_559, %gather3A_530 : vector<16xf32>
        tpu.vector_store_idx %arg33[%add3A_529, %add3A_558], %mul3A_560 : memref<32x128xf32, #tpu.memory_space<vmem>>[vector<16xi32>, vector<16xi32>], vector<16xf32>,
        %add3A_561 = arith.constant 96 : i32
        %add3A_562 = vector.broadcast %add3A_561 : i32 to vector<16xi32>
        %add3A_563 = arith.addi %iota3A, %add3A_562 : vector<16xi32>
        %gather3A_564 = tpu.vector_load_idx %arg33[%add3A_529, %add3A_563] : memref<32x128xf32, #tpu.memory_space<vmem>>[vector<16xi32>, vector<16xi32>], vector<16xf32>,
        %mul3A_565 = arith.mulf %gather3A_564, %gather3A_530 : vector<16xf32>
        tpu.vector_store_idx %arg33[%add3A_529, %add3A_563], %mul3A_565 : memref<32x128xf32, #tpu.memory_space<vmem>>[vector<16xi32>, vector<16xi32>], vector<16xf32>,
        %add3A_566 = arith.constant 112 : i32
        %add3A_567 = vector.broadcast %add3A_566 : i32 to vector<16xi32>
        %add3A_568 = arith.addi %iota3A, %add3A_567 : vector<16xi32>
        %gather3A_569 = tpu.vector_load_idx %arg33[%add3A_529, %add3A_568] : memref<32x128xf32, #tpu.memory_space<vmem>>[vector<16xi32>, vector<16xi32>], vector<16xf32>,
        %mul3A_570 = arith.mulf %gather3A_569, %gather3A_530 : vector<16xf32>
        tpu.vector_store_idx %arg33[%add3A_529, %add3A_568], %mul3A_570 : memref<32x128xf32, #tpu.memory_space<vmem>>[vector<16xi32>, vector<16xi32>], vector<16xf32>,
        %broadcast_in_dim3A_571 = arith.constant 0 : i32
        %broadcast_in_dim3A_572 = vector.broadcast %broadcast_in_dim3A_571 : i32 to vector<16xi32>
        %mul3A_573 = arith.constant 8 : i32
        %mul3A_574 = arith.muli %scan3A_326, %mul3A_573 : i32
        %add3A_575 = arith.constant 5 : i32
        %add3A_576 = arith.addi %mul3A_574, %add3A_575 : i32
        %add3A_577 = vector.broadcast %add3A_576 : i32 to vector<16xi32>
        %add3A_578 = arith.addi %broadcast_in_dim3A_572, %add3A_577 : vector<16xi32>
        %gather3A_579 = tpu.vector_load_idx %arg34[%add3A_578] : memref<32xf32, #tpu.memory_space<vmem>>[vector<16xi32>], vector<16xf32>,
        %add3A_580 = arith.constant 0 : i32
        %add3A_581 = vector.broadcast %add3A_580 : i32 to vector<16xi32>
        %add3A_582 = arith.addi %iota3A, %add3A_581 : vector<16xi32>
        %gather3A_583 = tpu.vector_load_idx %arg33[%add3A_578, %add3A_582] : memref<32x128xf32, #tpu.memory_space<vmem>>[vector<16xi32>, vector<16xi32>], vector<16xf32>,
        %mul3A_584 = arith.mulf %gather3A_583, %gather3A_579 : vector<16xf32>
        tpu.vector_store_idx %arg33[%add3A_578, %add3A_582], %mul3A_584 : memref<32x128xf32, #tpu.memory_space<vmem>>[vector<16xi32>, vector<16xi32>], vector<16xf32>,
        %add3A_585 = arith.constant 16 : i32
        %add3A_586 = vector.broadcast %add3A_585 : i32 to vector<16xi32>
        %add3A_587 = arith.addi %iota3A, %add3A_586 : vector<16xi32>
        %gather3A_588 = tpu.vector_load_idx %arg33[%add3A_578, %add3A_587] : memref<32x128xf32, #tpu.memory_space<vmem>>[vector<16xi32>, vector<16xi32>], vector<16xf32>,
        %mul3A_589 = arith.mulf %gather3A_588, %gather3A_579 : vector<16xf32>
        tpu.vector_store_idx %arg33[%add3A_578, %add3A_587], %mul3A_589 : memref<32x128xf32, #tpu.memory_space<vmem>>[vector<16xi32>, vector<16xi32>], vector<16xf32>,
        %add3A_590 = arith.constant 32 : i32
        %add3A_591 = vector.broadcast %add3A_590 : i32 to vector<16xi32>
        %add3A_592 = arith.addi %iota3A, %add3A_591 : vector<16xi32>
        %gather3A_593 = tpu.vector_load_idx %arg33[%add3A_578, %add3A_592] : memref<32x128xf32, #tpu.memory_space<vmem>>[vector<16xi32>, vector<16xi32>], vector<16xf32>,
        %mul3A_594 = arith.mulf %gather3A_593, %gather3A_579 : vector<16xf32>
        tpu.vector_store_idx %arg33[%add3A_578, %add3A_592], %mul3A_594 : memref<32x128xf32, #tpu.memory_space<vmem>>[vector<16xi32>, vector<16xi32>], vector<16xf32>,
        %add3A_595 = arith.constant 48 : i32
        %add3A_596 = vector.broadcast %add3A_595 : i32 to vector<16xi32>
        %add3A_597 = arith.addi %iota3A, %add3A_596 : vector<16xi32>
        %gather3A_598 = tpu.vector_load_idx %arg33[%add3A_578, %add3A_597] : memref<32x128xf32, #tpu.memory_space<vmem>>[vector<16xi32>, vector<16xi32>], vector<16xf32>,
        %mul3A_599 = arith.mulf %gather3A_598, %gather3A_579 : vector<16xf32>
        tpu.vector_store_idx %arg33[%add3A_578, %add3A_597], %mul3A_599 : memref<32x128xf32, #tpu.memory_space<vmem>>[vector<16xi32>, vector<16xi32>], vector<16xf32>,
        %add3A_600 = arith.constant 64 : i32
        %add3A_601 = vector.broadcast %add3A_600 : i32 to vector<16xi32>
        %add3A_602 = arith.addi %iota3A, %add3A_601 : vector<16xi32>
        %gather3A_603 = tpu.vector_load_idx %arg33[%add3A_578, %add3A_602] : memref<32x128xf32, #tpu.memory_space<vmem>>[vector<16xi32>, vector<16xi32>], vector<16xf32>,
        %mul3A_604 = arith.mulf %gather3A_603, %gather3A_579 : vector<16xf32>
        tpu.vector_store_idx %arg33[%add3A_578, %add3A_602], %mul3A_604 : memref<32x128xf32, #tpu.memory_space<vmem>>[vector<16xi32>, vector<16xi32>], vector<16xf32>,
        %add3A_605 = arith.constant 80 : i32
        %add3A_606 = vector.broadcast %add3A_605 : i32 to vector<16xi32>
        %add3A_607 = arith.addi %iota3A, %add3A_606 : vector<16xi32>
        %gather3A_608 = tpu.vector_load_idx %arg33[%add3A_578, %add3A_607] : memref<32x128xf32, #tpu.memory_space<vmem>>[vector<16xi32>, vector<16xi32>], vector<16xf32>,
        %mul3A_609 = arith.mulf %gather3A_608, %gather3A_579 : vector<16xf32>
        tpu.vector_store_idx %arg33[%add3A_578, %add3A_607], %mul3A_609 : memref<32x128xf32, #tpu.memory_space<vmem>>[vector<16xi32>, vector<16xi32>], vector<16xf32>,
        %add3A_610 = arith.constant 96 : i32
        %add3A_611 = vector.broadcast %add3A_610 : i32 to vector<16xi32>
        %add3A_612 = arith.addi %iota3A, %add3A_611 : vector<16xi32>
        %gather3A_613 = tpu.vector_load_idx %arg33[%add3A_578, %add3A_612] : memref<32x128xf32, #tpu.memory_space<vmem>>[vector<16xi32>, vector<16xi32>], vector<16xf32>,
        %mul3A_614 = arith.mulf %gather3A_613, %gather3A_579 : vector<16xf32>
        tpu.vector_store_idx %arg33[%add3A_578, %add3A_612], %mul3A_614 : memref<32x128xf32, #tpu.memory_space<vmem>>[vector<16xi32>, vector<16xi32>], vector<16xf32>,
        %add3A_615 = arith.constant 112 : i32
        %add3A_616 = vector.broadcast %add3A_615 : i32 to vector<16xi32>
        %add3A_617 = arith.addi %iota3A, %add3A_616 : vector<16xi32>
        %gather3A_618 = tpu.vector_load_idx %arg33[%add3A_578, %add3A_617] : memref<32x128xf32, #tpu.memory_space<vmem>>[vector<16xi32>, vector<16xi32>], vector<16xf32>,
        %mul3A_619 = arith.mulf %gather3A_618, %gather3A_579 : vector<16xf32>
        tpu.vector_store_idx %arg33[%add3A_578, %add3A_617], %mul3A_619 : memref<32x128xf32, #tpu.memory_space<vmem>>[vector<16xi32>, vector<16xi32>], vector<16xf32>,
        %broadcast_in_dim3A_620 = arith.constant 0 : i32
        %broadcast_in_dim3A_621 = vector.broadcast %broadcast_in_dim3A_620 : i32 to vector<16xi32>
        %mul3A_622 = arith.constant 8 : i32
        %mul3A_623 = arith.muli %scan3A_326, %mul3A_622 : i32
        %add3A_624 = arith.constant 6 : i32
        %add3A_625 = arith.addi %mul3A_623, %add3A_624 : i32
        %add3A_626 = vector.broadcast %add3A_625 : i32 to vector<16xi32>
        %add3A_627 = arith.addi %broadcast_in_dim3A_621, %add3A_626 : vector<16xi32>
        %gather3A_628 = tpu.vector_load_idx %arg34[%add3A_627] : memref<32xf32, #tpu.memory_space<vmem>>[vector<16xi32>], vector<16xf32>,
        %add3A_629 = arith.constant 0 : i32
        %add3A_630 = vector.broadcast %add3A_629 : i32 to vector<16xi32>
        %add3A_631 = arith.addi %iota3A, %add3A_630 : vector<16xi32>
        %gather3A_632 = tpu.vector_load_idx %arg33[%add3A_627, %add3A_631] : memref<32x128xf32, #tpu.memory_space<vmem>>[vector<16xi32>, vector<16xi32>], vector<16xf32>,
        %mul3A_633 = arith.mulf %gather3A_632, %gather3A_628 : vector<16xf32>
        tpu.vector_store_idx %arg33[%add3A_627, %add3A_631], %mul3A_633 : memref<32x128xf32, #tpu.memory_space<vmem>>[vector<16xi32>, vector<16xi32>], vector<16xf32>,
        %add3A_634 = arith.constant 16 : i32
        %add3A_635 = vector.broadcast %add3A_634 : i32 to vector<16xi32>
        %add3A_636 = arith.addi %iota3A, %add3A_635 : vector<16xi32>
        %gather3A_637 = tpu.vector_load_idx %arg33[%add3A_627, %add3A_636] : memref<32x128xf32, #tpu.memory_space<vmem>>[vector<16xi32>, vector<16xi32>], vector<16xf32>,
        %mul3A_638 = arith.mulf %gather3A_637, %gather3A_628 : vector<16xf32>
        tpu.vector_store_idx %arg33[%add3A_627, %add3A_636], %mul3A_638 : memref<32x128xf32, #tpu.memory_space<vmem>>[vector<16xi32>, vector<16xi32>], vector<16xf32>,
        %add3A_639 = arith.constant 32 : i32
        %add3A_640 = vector.broadcast %add3A_639 : i32 to vector<16xi32>
        %add3A_641 = arith.addi %iota3A, %add3A_640 : vector<16xi32>
        %gather3A_642 = tpu.vector_load_idx %arg33[%add3A_627, %add3A_641] : memref<32x128xf32, #tpu.memory_space<vmem>>[vector<16xi32>, vector<16xi32>], vector<16xf32>,
        %mul3A_643 = arith.mulf %gather3A_642, %gather3A_628 : vector<16xf32>
        tpu.vector_store_idx %arg33[%add3A_627, %add3A_641], %mul3A_643 : memref<32x128xf32, #tpu.memory_space<vmem>>[vector<16xi32>, vector<16xi32>], vector<16xf32>,
        %add3A_644 = arith.constant 48 : i32
        %add3A_645 = vector.broadcast %add3A_644 : i32 to vector<16xi32>
        %add3A_646 = arith.addi %iota3A, %add3A_645 : vector<16xi32>
        %gather3A_647 = tpu.vector_load_idx %arg33[%add3A_627, %add3A_646] : memref<32x128xf32, #tpu.memory_space<vmem>>[vector<16xi32>, vector<16xi32>], vector<16xf32>,
        %mul3A_648 = arith.mulf %gather3A_647, %gather3A_628 : vector<16xf32>
        tpu.vector_store_idx %arg33[%add3A_627, %add3A_646], %mul3A_648 : memref<32x128xf32, #tpu.memory_space<vmem>>[vector<16xi32>, vector<16xi32>], vector<16xf32>,
        %add3A_649 = arith.constant 64 : i32
        %add3A_650 = vector.broadcast %add3A_649 : i32 to vector<16xi32>
        %add3A_651 = arith.addi %iota3A, %add3A_650 : vector<16xi32>
        %gather3A_652 = tpu.vector_load_idx %arg33[%add3A_627, %add3A_651] : memref<32x128xf32, #tpu.memory_space<vmem>>[vector<16xi32>, vector<16xi32>], vector<16xf32>,
        %mul3A_653 = arith.mulf %gather3A_652, %gather3A_628 : vector<16xf32>
        tpu.vector_store_idx %arg33[%add3A_627, %add3A_651], %mul3A_653 : memref<32x128xf32, #tpu.memory_space<vmem>>[vector<16xi32>, vector<16xi32>], vector<16xf32>,
        %add3A_654 = arith.constant 80 : i32
        %add3A_655 = vector.broadcast %add3A_654 : i32 to vector<16xi32>
        %add3A_656 = arith.addi %iota3A, %add3A_655 : vector<16xi32>
        %gather3A_657 = tpu.vector_load_idx %arg33[%add3A_627, %add3A_656] : memref<32x128xf32, #tpu.memory_space<vmem>>[vector<16xi32>, vector<16xi32>], vector<16xf32>,
        %mul3A_658 = arith.mulf %gather3A_657, %gather3A_628 : vector<16xf32>
        tpu.vector_store_idx %arg33[%add3A_627, %add3A_656], %mul3A_658 : memref<32x128xf32, #tpu.memory_space<vmem>>[vector<16xi32>, vector<16xi32>], vector<16xf32>,
        %add3A_659 = arith.constant 96 : i32
        %add3A_660 = vector.broadcast %add3A_659 : i32 to vector<16xi32>
        %add3A_661 = arith.addi %iota3A, %add3A_660 : vector<16xi32>
        %gather3A_662 = tpu.vector_load_idx %arg33[%add3A_627, %add3A_661] : memref<32x128xf32, #tpu.memory_space<vmem>>[vector<16xi32>, vector<16xi32>], vector<16xf32>,
        %mul3A_663 = arith.mulf %gather3A_662, %gather3A_628 : vector<16xf32>
        tpu.vector_store_idx %arg33[%add3A_627, %add3A_661], %mul3A_663 : memref<32x128xf32, #tpu.memory_space<vmem>>[vector<16xi32>, vector<16xi32>], vector<16xf32>,
        %add3A_664 = arith.constant 112 : i32
        %add3A_665 = vector.broadcast %add3A_664 : i32 to vector<16xi32>
        %add3A_666 = arith.addi %iota3A, %add3A_665 : vector<16xi32>
        %gather3A_667 = tpu.vector_load_idx %arg33[%add3A_627, %add3A_666] : memref<32x128xf32, #tpu.memory_space<vmem>>[vector<16xi32>, vector<16xi32>], vector<16xf32>,
        %mul3A_668 = arith.mulf %gather3A_667, %gather3A_628 : vector<16xf32>
        tpu.vector_store_idx %arg33[%add3A_627, %add3A_666], %mul3A_668 : memref<32x128xf32, #tpu.memory_space<vmem>>[vector<16xi32>, vector<16xi32>], vector<16xf32>,
        %broadcast_in_dim3A_669 = arith.constant 0 : i32
        %broadcast_in_dim3A_670 = vector.broadcast %broadcast_in_dim3A_669 : i32 to vector<16xi32>
        %mul3A_671 = arith.constant 8 : i32
        %mul3A_672 = arith.muli %scan3A_326, %mul3A_671 : i32
        %add3A_673 = arith.constant 7 : i32
        %add3A_674 = arith.addi %mul3A_672, %add3A_673 : i32
        %add3A_675 = vector.broadcast %add3A_674 : i32 to vector<16xi32>
        %add3A_676 = arith.addi %broadcast_in_dim3A_670, %add3A_675 : vector<16xi32>
        %gather3A_677 = tpu.vector_load_idx %arg34[%add3A_676] : memref<32xf32, #tpu.memory_space<vmem>>[vector<16xi32>], vector<16xf32>,
        %add3A_678 = arith.constant 0 : i32
        %add3A_679 = vector.broadcast %add3A_678 : i32 to vector<16xi32>
        %add3A_680 = arith.addi %iota3A, %add3A_679 : vector<16xi32>
        %gather3A_681 = tpu.vector_load_idx %arg33[%add3A_676, %add3A_680] : memref<32x128xf32, #tpu.memory_space<vmem>>[vector<16xi32>, vector<16xi32>], vector<16xf32>,
        %mul3A_682 = arith.mulf %gather3A_681, %gather3A_677 : vector<16xf32>
        tpu.vector_store_idx %arg33[%add3A_676, %add3A_680], %mul3A_682 : memref<32x128xf32, #tpu.memory_space<vmem>>[vector<16xi32>, vector<16xi32>], vector<16xf32>,
        %add3A_683 = arith.constant 16 : i32
        %add3A_684 = vector.broadcast %add3A_683 : i32 to vector<16xi32>
        %add3A_685 = arith.addi %iota3A, %add3A_684 : vector<16xi32>
        %gather3A_686 = tpu.vector_load_idx %arg33[%add3A_676, %add3A_685] : memref<32x128xf32, #tpu.memory_space<vmem>>[vector<16xi32>, vector<16xi32>], vector<16xf32>,
        %mul3A_687 = arith.mulf %gather3A_686, %gather3A_677 : vector<16xf32>
        tpu.vector_store_idx %arg33[%add3A_676, %add3A_685], %mul3A_687 : memref<32x128xf32, #tpu.memory_space<vmem>>[vector<16xi32>, vector<16xi32>], vector<16xf32>,
        %add3A_688 = arith.constant 32 : i32
        %add3A_689 = vector.broadcast %add3A_688 : i32 to vector<16xi32>
        %add3A_690 = arith.addi %iota3A, %add3A_689 : vector<16xi32>
        %gather3A_691 = tpu.vector_load_idx %arg33[%add3A_676, %add3A_690] : memref<32x128xf32, #tpu.memory_space<vmem>>[vector<16xi32>, vector<16xi32>], vector<16xf32>,
        %mul3A_692 = arith.mulf %gather3A_691, %gather3A_677 : vector<16xf32>
        tpu.vector_store_idx %arg33[%add3A_676, %add3A_690], %mul3A_692 : memref<32x128xf32, #tpu.memory_space<vmem>>[vector<16xi32>, vector<16xi32>], vector<16xf32>,
        %add3A_693 = arith.constant 48 : i32
        %add3A_694 = vector.broadcast %add3A_693 : i32 to vector<16xi32>
        %add3A_695 = arith.addi %iota3A, %add3A_694 : vector<16xi32>
        %gather3A_696 = tpu.vector_load_idx %arg33[%add3A_676, %add3A_695] : memref<32x128xf32, #tpu.memory_space<vmem>>[vector<16xi32>, vector<16xi32>], vector<16xf32>,
        %mul3A_697 = arith.mulf %gather3A_696, %gather3A_677 : vector<16xf32>
        tpu.vector_store_idx %arg33[%add3A_676, %add3A_695], %mul3A_697 : memref<32x128xf32, #tpu.memory_space<vmem>>[vector<16xi32>, vector<16xi32>], vector<16xf32>,
        %add3A_698 = arith.constant 64 : i32
        %add3A_699 = vector.broadcast %add3A_698 : i32 to vector<16xi32>
        %add3A_700 = arith.addi %iota3A, %add3A_699 : vector<16xi32>
        %gather3A_701 = tpu.vector_load_idx %arg33[%add3A_676, %add3A_700] : memref<32x128xf32, #tpu.memory_space<vmem>>[vector<16xi32>, vector<16xi32>], vector<16xf32>,
        %mul3A_702 = arith.mulf %gather3A_701, %gather3A_677 : vector<16xf32>
        tpu.vector_store_idx %arg33[%add3A_676, %add3A_700], %mul3A_702 : memref<32x128xf32, #tpu.memory_space<vmem>>[vector<16xi32>, vector<16xi32>], vector<16xf32>,
        %add3A_703 = arith.constant 80 : i32
        %add3A_704 = vector.broadcast %add3A_703 : i32 to vector<16xi32>
        %add3A_705 = arith.addi %iota3A, %add3A_704 : vector<16xi32>
        %gather3A_706 = tpu.vector_load_idx %arg33[%add3A_676, %add3A_705] : memref<32x128xf32, #tpu.memory_space<vmem>>[vector<16xi32>, vector<16xi32>], vector<16xf32>,
        %mul3A_707 = arith.mulf %gather3A_706, %gather3A_677 : vector<16xf32>
        tpu.vector_store_idx %arg33[%add3A_676, %add3A_705], %mul3A_707 : memref<32x128xf32, #tpu.memory_space<vmem>>[vector<16xi32>, vector<16xi32>], vector<16xf32>,
        %add3A_708 = arith.constant 96 : i32
        %add3A_709 = vector.broadcast %add3A_708 : i32 to vector<16xi32>
        %add3A_710 = arith.addi %iota3A, %add3A_709 : vector<16xi32>
        %gather3A_711 = tpu.vector_load_idx %arg33[%add3A_676, %add3A_710] : memref<32x128xf32, #tpu.memory_space<vmem>>[vector<16xi32>, vector<16xi32>], vector<16xf32>,
        %mul3A_712 = arith.mulf %gather3A_711, %gather3A_677 : vector<16xf32>
        tpu.vector_store_idx %arg33[%add3A_676, %add3A_710], %mul3A_712 : memref<32x128xf32, #tpu.memory_space<vmem>>[vector<16xi32>, vector<16xi32>], vector<16xf32>,
        %add3A_713 = arith.constant 112 : i32
        %add3A_714 = vector.broadcast %add3A_713 : i32 to vector<16xi32>
        %add3A_715 = arith.addi %iota3A, %add3A_714 : vector<16xi32>
        %gather3A_716 = tpu.vector_load_idx %arg33[%add3A_676, %add3A_715] : memref<32x128xf32, #tpu.memory_space<vmem>>[vector<16xi32>, vector<16xi32>], vector<16xf32>,
        %mul3A_717 = arith.mulf %gather3A_716, %gather3A_677 : vector<16xf32>
        tpu.vector_store_idx %arg33[%add3A_676, %add3A_715], %mul3A_717 : memref<32x128xf32, #tpu.memory_space<vmem>>[vector<16xi32>, vector<16xi32>], vector<16xf32>,
      }
      %scan3A_315 = arith.constant 4 : i32
      %dma_start3A_316 = arith.constant 0 : i32
      %dma_start3A_317 = arith.constant 0 : i32
      %dma_start3A_318 = tpu.memref_slice %arg36[%dma_start3A_316, %dma_start3A_317] : memref<10240x128xf32, #tpu.memory_space<vmem_shared>> -> memref<10240x128xf32, #tpu.memory_space<vmem_shared>>
      tpu.enqueue_indirect_dma source(%arg33 : memref<32x128xf32, #tpu.memory_space<vmem>>) target(%dma_start3A_318 : memref<10240x128xf32, #tpu.memory_space<vmem_shared>>) offsets(%arg30 : memref<32xi32, #tpu.memory_space<vmem>>) semaphore(%arg49 : memref<!tpu.dma_semaphore, #tpu.memory_space<semaphore_mem>>) {add = true}
      %add3A_319 = arith.constant 2 : i32
      %add3A_320 = arith.addi %add3A_251, %add3A_319 : i32
      %lt3A_321 = arith.constant 168 : i32
      %lt3A_322 = arith.cmpi slt, %add3A_320, %lt3A_321 : i32
      %convert_element_type3A_323 = arith.extui %lt3A_322 : i1 to i32
      %cond3A_324 = arith.constant 0 : i32
      %cond3A_325 = arith.cmpi ne, %convert_element_type3A_323, %cond3A_324 : i32
      scf.if %cond3A_325 {
        %add3A_326 = arith.constant 2 : i32
        %add3A_327 = arith.addi %add3A_251, %add3A_326 : i32
        %mul3A_328 = arith.constant 32 : i32
        %mul3A_329 = arith.muli %add3A_327, %mul3A_328 : i32
        %add3A_330 = arith.addi %mul3A_6, %mul3A_329 : i32
        %dma_wait3A_331 = tpu.memref_slice %arg4[%add3A_330] : memref<172032xi32, #tpu.memory_space<hbm>> -> memref<32xi32, #tpu.memory_space<hbm>>
        %dma_wait3A_332 = tpu.memref_slice %arg4[%add3A_330] : memref<172032xi32, #tpu.memory_space<hbm>> -> memref<32xi32, #tpu.memory_space<hbm>>
        tpu.wait_dma2 semaphore(%arg42 : memref<!tpu.dma_semaphore, #tpu.memory_space<semaphore_mem>>) src(%dma_wait3A_332 : memref<32xi32, #tpu.memory_space<hbm>>) dst(%arg20 : memref<32xi32, #tpu.memory_space<vmem>>)
        %mul3A_333 = arith.constant 32 : i32
        %mul3A_334 = arith.muli %add3A_327, %mul3A_333 : i32
        %add3A_335 = arith.addi %mul3A_6, %mul3A_334 : i32
        %dma_wait3A_336 = tpu.memref_slice %arg5[%add3A_335] : memref<172032xi32, #tpu.memory_space<hbm>> -> memref<32xi32, #tpu.memory_space<hbm>>
        %dma_wait3A_337 = tpu.memref_slice %arg5[%add3A_335] : memref<172032xi32, #tpu.memory_space<hbm>> -> memref<32xi32, #tpu.memory_space<hbm>>
        tpu.wait_dma2 semaphore(%arg42 : memref<!tpu.dma_semaphore, #tpu.memory_space<semaphore_mem>>) src(%dma_wait3A_337 : memref<32xi32, #tpu.memory_space<hbm>>) dst(%arg23 : memref<32xi32, #tpu.memory_space<vmem>>)
        %mul3A_338 = arith.constant 32 : i32
        %mul3A_339 = arith.muli %add3A_327, %mul3A_338 : i32
        %add3A_340 = arith.addi %mul3A_6, %mul3A_339 : i32
        %dma_wait3A_341 = tpu.memref_slice %arg6[%add3A_340] : memref<172032xf32, #tpu.memory_space<hbm>> -> memref<32xf32, #tpu.memory_space<hbm>>
        %dma_wait3A_342 = tpu.memref_slice %arg6[%add3A_340] : memref<172032xf32, #tpu.memory_space<hbm>> -> memref<32xf32, #tpu.memory_space<hbm>>
        tpu.wait_dma2 semaphore(%arg42 : memref<!tpu.dma_semaphore, #tpu.memory_space<semaphore_mem>>) src(%dma_wait3A_342 : memref<32xf32, #tpu.memory_space<hbm>>) dst(%arg26 : memref<32xf32, #tpu.memory_space<vmem>>)
        %add3A_343 = arith.constant 3 : i32
        %add3A_344 = arith.addi %add3A_251, %add3A_343 : i32
        %lt3A_345 = arith.constant 168 : i32
        %lt3A_346 = arith.cmpi slt, %add3A_344, %lt3A_345 : i32
        %convert_element_type3A_347 = arith.extui %lt3A_346 : i1 to i32
        %cond3A_348 = arith.constant 0 : i32
        %cond3A_349 = arith.cmpi ne, %convert_element_type3A_347, %cond3A_348 : i32
        scf.if %cond3A_349 {
          %add3A_350 = arith.constant 3 : i32
          %add3A_351 = arith.addi %add3A_251, %add3A_350 : i32
          %mul3A_352 = arith.constant 32 : i32
          %mul3A_353 = arith.muli %add3A_351, %mul3A_352 : i32
          %add3A_354 = arith.addi %mul3A_6, %mul3A_353 : i32
          %dma_start3A_355 = tpu.memref_slice %arg4[%add3A_354] : memref<172032xi32, #tpu.memory_space<hbm>> -> memref<32xi32, #tpu.memory_space<hbm>>
          %dma_start3A_356 = tpu.memref_slice %arg4[%add3A_354] : memref<172032xi32, #tpu.memory_space<hbm>> -> memref<32xi32, #tpu.memory_space<hbm>>
          tpu.enqueue_dma source(%dma_start3A_356 : memref<32xi32, #tpu.memory_space<hbm>>) target(%arg21 : memref<32xi32, #tpu.memory_space<vmem>>) target_semaphore(%arg43 : memref<!tpu.dma_semaphore, #tpu.memory_space<semaphore_mem>>)
          %mul3A_357 = arith.constant 32 : i32
          %mul3A_358 = arith.muli %add3A_351, %mul3A_357 : i32
          %add3A_359 = arith.addi %mul3A_6, %mul3A_358 : i32
          %dma_start3A_360 = tpu.memref_slice %arg5[%add3A_359] : memref<172032xi32, #tpu.memory_space<hbm>> -> memref<32xi32, #tpu.memory_space<hbm>>
          %dma_start3A_361 = tpu.memref_slice %arg5[%add3A_359] : memref<172032xi32, #tpu.memory_space<hbm>> -> memref<32xi32, #tpu.memory_space<hbm>>
          tpu.enqueue_dma source(%dma_start3A_361 : memref<32xi32, #tpu.memory_space<hbm>>) target(%arg24 : memref<32xi32, #tpu.memory_space<vmem>>) target_semaphore(%arg43 : memref<!tpu.dma_semaphore, #tpu.memory_space<semaphore_mem>>)
          %mul3A_362 = arith.constant 32 : i32
          %mul3A_363 = arith.muli %add3A_351, %mul3A_362 : i32
          %add3A_364 = arith.addi %mul3A_6, %mul3A_363 : i32
          %dma_start3A_365 = tpu.memref_slice %arg6[%add3A_364] : memref<172032xf32, #tpu.memory_space<hbm>> -> memref<32xf32, #tpu.memory_space<hbm>>
          %dma_start3A_366 = tpu.memref_slice %arg6[%add3A_364] : memref<172032xf32, #tpu.memory_space<hbm>> -> memref<32xf32, #tpu.memory_space<hbm>>
          tpu.enqueue_dma source(%dma_start3A_366 : memref<32xf32, #tpu.memory_space<hbm>>) target(%arg27 : memref<32xf32, #tpu.memory_space<vmem>>) target_semaphore(%arg43 : memref<!tpu.dma_semaphore, #tpu.memory_space<semaphore_mem>>)
        } else {
        }
      } else {
      }
    }
    %scan3A_90 = arith.constant 56 : i32
    %dma_wait3A_91 = arith.constant 0 : i32
    %dma_wait3A_92 = arith.constant 0 : i32
    %dma_wait3A_93 = tpu.memref_slice %arg36[%dma_wait3A_91, %dma_wait3A_92] : memref<10240x128xf32, #tpu.memory_space<vmem_shared>> -> memref<10240x128xf32, #tpu.memory_space<vmem_shared>>
    tpu.wait_indirect_dma semaphore(%arg47 : memref<!tpu.dma_semaphore, #tpu.memory_space<semaphore_mem>>) src(%arg31 : memref<32x128xf32, #tpu.memory_space<vmem>>) dst(%dma_wait3A_93 : memref<10240x128xf32, #tpu.memory_space<vmem_shared>>)
    %dma_wait3A_94 = arith.constant 0 : i32
    %dma_wait3A_95 = arith.constant 0 : i32
    %dma_wait3A_96 = tpu.memref_slice %arg36[%dma_wait3A_94, %dma_wait3A_95] : memref<10240x128xf32, #tpu.memory_space<vmem_shared>> -> memref<10240x128xf32, #tpu.memory_space<vmem_shared>>
    tpu.wait_indirect_dma semaphore(%arg48 : memref<!tpu.dma_semaphore, #tpu.memory_space<semaphore_mem>>) src(%arg32 : memref<32x128xf32, #tpu.memory_space<vmem>>) dst(%dma_wait3A_96 : memref<10240x128xf32, #tpu.memory_space<vmem_shared>>)
    %dma_wait3A_97 = arith.constant 0 : i32
    %dma_wait3A_98 = arith.constant 0 : i32
    %dma_wait3A_99 = tpu.memref_slice %arg36[%dma_wait3A_97, %dma_wait3A_98] : memref<10240x128xf32, #tpu.memory_space<vmem_shared>> -> memref<10240x128xf32, #tpu.memory_space<vmem_shared>>
    tpu.wait_indirect_dma semaphore(%arg49 : memref<!tpu.dma_semaphore, #tpu.memory_space<semaphore_mem>>) src(%arg33 : memref<32x128xf32, #tpu.memory_space<vmem>>) dst(%dma_wait3A_99 : memref<10240x128xf32, #tpu.memory_space<vmem_shared>>)
    "tpu.trace_stop"() : () -> ()
    "tpu.trace_start"() <{level = 10 : i32, message = "sc_writeout"}> : () -> ()
    %barrier3A_100 = arith.constant 0 : index
    tpu.barrier barrier_id(%barrier3A_100)
    "tpu.region"() ({
      %run_scoped3A_101 = tpu.sem_alloc : memref<!tpu.dma_semaphore, #tpu.memory_space<semaphore_mem>>
      %dma_start3A_102 = arith.constant 0 : i32
      %dma_start3A_103 = tpu.memref_slice %arg9[%arg0, %mul3A_2, %dma_start3A_102] : memref<2x10240x128xf32, #tpu.memory_space<hbm>> -> memref<1x640x128xf32, #tpu.memory_space<hbm>>
      %dma_start3A_104 = tpu.memref_squeeze %dma_start3A_103 : memref<1x640x128xf32, #tpu.memory_space<hbm>> -> memref<640x128xf32, #tpu.memory_space<hbm>>
      %dma_start3A_105 = arith.constant 0 : i32
      %dma_start3A_106 = tpu.memref_slice %arg36[%mul3A_2, %dma_start3A_105] : memref<10240x128xf32, #tpu.memory_space<vmem_shared>> -> memref<640x128xf32, #tpu.memory_space<vmem_shared>>
      tpu.enqueue_dma source(%dma_start3A_106 : memref<640x128xf32, #tpu.memory_space<vmem_shared>>) target(%dma_start3A_104 : memref<640x128xf32, #tpu.memory_space<hbm>>) target_semaphore(%run_scoped3A_101 : memref<!tpu.dma_semaphore, #tpu.memory_space<semaphore_mem>>)
      %dma_wait3A_107 = arith.constant 0 : i32
      %dma_wait3A_108 = tpu.memref_slice %arg9[%arg0, %mul3A_2, %dma_wait3A_107] : memref<2x10240x128xf32, #tpu.memory_space<hbm>> -> memref<1x640x128xf32, #tpu.memory_space<hbm>>
      %dma_wait3A_109 = tpu.memref_squeeze %dma_wait3A_108 : memref<1x640x128xf32, #tpu.memory_space<hbm>> -> memref<640x128xf32, #tpu.memory_space<hbm>>
      %dma_wait3A_110 = arith.constant 0 : i32
      %dma_wait3A_111 = tpu.memref_slice %arg36[%mul3A_2, %dma_wait3A_110] : memref<10240x128xf32, #tpu.memory_space<vmem_shared>> -> memref<640x128xf32, #tpu.memory_space<vmem_shared>>
      tpu.wait_dma2 semaphore(%run_scoped3A_101 : memref<!tpu.dma_semaphore, #tpu.memory_space<semaphore_mem>>) src(%dma_wait3A_111 : memref<640x128xf32, #tpu.memory_space<vmem_shared>>) dst(%dma_wait3A_109 : memref<640x128xf32, #tpu.memory_space<hbm>>)
      tpu.yield
    }) : () -> ()
    "tpu.trace_stop"() : () -> ()
    return
  }
}

module attributes {stable_mosaic.version = 14 : i64} {
  func.func @_mm_body(%arg0: memref<10240x128xf32, #tpu.memory_space<vmem>>, %arg1: memref<128x128xf32, #tpu.memory_space<vmem>>, %arg2: memref<1x128xf32, #tpu.memory_space<vmem>>, %arg3: memref<1x128xf32, #tpu.memory_space<vmem>>, %arg4: memref<10240x128xf32, #tpu.memory_space<vmem>>, %arg5: memref<2x10240xf32, #tpu.memory_space<vmem>>) attributes {dimension_semantics = [], scalar_prefetch = 0 : i64, scratch_operands = 0 : i64, tpu.core_type = #tpu.core_type<tc>} {
    %get3A = arith.constant 0 : index
    %get3A_0 = arith.constant 0 : index
    %get3A_1 = vector.load %arg0[%get3A, %get3A_0] : memref<10240x128xf32, #tpu.memory_space<vmem>>, vector<10240x128xf32>
    %get3A_2 = arith.constant 0 : index
    %get3A_3 = arith.constant 0 : index
    %get3A_4 = vector.load %arg1[%get3A_2, %get3A_3] : memref<128x128xf32, #tpu.memory_space<vmem>>, vector<128x128xf32>
    %dot_general3A = arith.constant dense<0.000000e+00> : vector<10240x128xf32>
    %dot_general3A_5 = tpu.matmul %get3A_1, %get3A_4, %dot_general3A {dimension_numbers = #tpu.dot_dimension_numbers<[1], [0], [0], [1], [0, 0, 1, 1], [], []>, transpose_lhs_hint = false} : vector<10240x128xf32>, vector<128x128xf32>, vector<10240x128xf32> -> vector<10240x128xf32>
    %swap3A = arith.constant 0 : index
    %swap3A_6 = arith.constant 0 : index
    %swap3A_7 = vector.load %arg4[%swap3A, %swap3A_6] : memref<10240x128xf32, #tpu.memory_space<vmem>>, vector<10240x128xf32>
    tpu.vector_store %arg4[%swap3A, %swap3A_6], %dot_general3A_5 {strides = array<i32>} : memref<10240x128xf32, #tpu.memory_space<vmem>>, vector<10240x128xf32>,
    %get3A_8 = arith.constant 0 : index
    %get3A_9 = arith.constant 0 : index
    %get3A_10 = vector.load %arg2[%get3A_8, %get3A_9] : memref<1x128xf32, #tpu.memory_space<vmem>>, vector<1x128xf32>
    %mul3A = vector.broadcast %get3A_10 : vector<1x128xf32> to vector<10240x128xf32>
    %mul3A_11 = arith.mulf %dot_general3A_5, %mul3A : vector<10240x128xf32>
    %reduce_sum3A = arith.constant dense<0.000000e+00> : vector<10240xf32>
    %reduce_sum3A_12 = vector.multi_reduction <add>, %mul3A_11, %reduce_sum3A [1] : vector<10240x128xf32> to vector<10240xf32>
    %get3A_13 = arith.constant 0 : index
    %get3A_14 = arith.constant 0 : index
    %get3A_15 = vector.load %arg3[%get3A_13, %get3A_14] : memref<1x128xf32, #tpu.memory_space<vmem>>, vector<1x128xf32>
    %mul3A_16 = vector.broadcast %get3A_15 : vector<1x128xf32> to vector<10240x128xf32>
    %mul3A_17 = arith.mulf %dot_general3A_5, %mul3A_16 : vector<10240x128xf32>
    %reduce_sum3A_18 = arith.constant dense<0.000000e+00> : vector<10240xf32>
    %reduce_sum3A_19 = vector.multi_reduction <add>, %mul3A_17, %reduce_sum3A_18 [1] : vector<10240x128xf32> to vector<10240xf32>
    %stack3A = vector.shape_cast %reduce_sum3A_12 : vector<10240xf32> to vector<1x10240xf32>
    %stack3A_20 = vector.shape_cast %reduce_sum3A_19 : vector<10240xf32> to vector<1x10240xf32>
    %stack3A_21 = tpu.concatenate %stack3A, %stack3A_20 in 0 : vector<1x10240xf32>, vector<1x10240xf32> -> vector<2x10240xf32>
    %swap3A_22 = arith.constant 0 : index
    %swap3A_23 = arith.constant 0 : index
    %swap3A_24 = vector.load %arg5[%swap3A_22, %swap3A_23] : memref<2x10240xf32, #tpu.memory_space<vmem>>, vector<2x10240xf32>
    tpu.vector_store %arg5[%swap3A_22, %swap3A_23], %stack3A_21 {strides = array<i32>} : memref<2x10240xf32, #tpu.memory_space<vmem>>, vector<2x10240xf32>,
    return
  }
}

module attributes {stable_mosaic.version = 14 : i64} {
  func.func @_comb_body(%arg0: i32, %arg1: memref<2x2000x128xf32, #tpu.memory_space<vmem>>, %arg2: memref<1x128xf32, #tpu.memory_space<vmem>>, %arg3: memref<2000x128xf32, #tpu.memory_space<vmem>>) attributes {dimension_semantics = [#tpu.dimension_semantics<arbitrary>], iteration_bounds = array<i64: 5>, scalar_prefetch = 0 : i64, scratch_operands = 0 : i64, tpu.core_type = #tpu.core_type<tc>, window_params = [{transform_indices = @transform_0, window_bounds = array<i64: 2, 2000, 128>}, {pipeline_mode = #tpu.pipeline_mode<synchronous>, transform_indices = @transform_1, window_bounds = array<i64: 1, 128>}, {transform_indices = @transform_2, window_bounds = array<i64: 2000, 128>}]} {
    %get3A = arith.constant 0 : index
    %get3A_0 = arith.constant 0 : index
    %get3A_1 = arith.constant 0 : index
    %get3A_2 = vector.load %arg1[%get3A, %get3A_0, %get3A_1] : memref<2x2000x128xf32, #tpu.memory_space<vmem>>, vector<1x2000x128xf32>
    %get3A_3 = vector.shape_cast %get3A_2 : vector<1x2000x128xf32> to vector<2000x128xf32>
    %get3A_4 = arith.constant 1 : index
    %get3A_5 = arith.constant 0 : index
    %get3A_6 = arith.constant 0 : index
    %get3A_7 = vector.load %arg1[%get3A_4, %get3A_5, %get3A_6] : memref<2x2000x128xf32, #tpu.memory_space<vmem>>, vector<1x2000x128xf32>
    %get3A_8 = vector.shape_cast %get3A_7 : vector<1x2000x128xf32> to vector<2000x128xf32>
    %add3A = arith.addf %get3A_3, %get3A_8 : vector<2000x128xf32>
    %get3A_9 = arith.constant 0 : index
    %get3A_10 = arith.constant 0 : index
    %get3A_11 = vector.load %arg2[%get3A_9, %get3A_10] : memref<1x128xf32, #tpu.memory_space<vmem>>, vector<1x128xf32>
    %add3A_12 = vector.broadcast %get3A_11 : vector<1x128xf32> to vector<2000x128xf32>
    %add3A_13 = arith.addf %add3A, %add3A_12 : vector<2000x128xf32>
    %max3A = arith.constant 0.000000e+00 : f32
    %max3A_14 = vector.broadcast %max3A : f32 to vector<2000x128xf32>
    %max3A_15 = arith.maximumf %add3A_13, %max3A_14 : vector<2000x128xf32>
    %swap3A = arith.constant 0 : index
    %swap3A_16 = arith.constant 0 : index
    %swap3A_17 = vector.load %arg3[%swap3A, %swap3A_16] : memref<2000x128xf32, #tpu.memory_space<vmem>>, vector<2000x128xf32>
    tpu.vector_store %arg3[%swap3A, %swap3A_16], %max3A_15 {strides = array<i32>} : memref<2000x128xf32, #tpu.memory_space<vmem>>, vector<2000x128xf32>,
    return
  }
  func.func @transform_0(%arg0: i32) -> (i32, i32, i32) {
    %c0_i32 = arith.constant 0 : i32
    %c0_i32_0 = arith.constant 0 : i32
    %c0_i32_1 = arith.constant 0 : i32
    return %c0_i32, %arg0, %c0_i32_0 : i32, i32, i32
  }
  func.func @transform_1(%arg0: i32) -> (i32, i32) {
    %c0_i32 = arith.constant 0 : i32
    %c0_i32_0 = arith.constant 0 : i32
    %c0_i32_1 = arith.constant 0 : i32
    return %c0_i32, %c0_i32_0 : i32, i32
  }
  func.func @transform_2(%arg0: i32) -> (i32, i32) {
    %c0_i32 = arith.constant 0 : i32
    %c0_i32_0 = arith.constant 0 : i32
    return %arg0, %c0_i32 : i32, i32
  }
}

</mosaic_0001>

<sc_bundles>
// kernel: kernel.5.cloned.1.call-start
scs
__scs_entry_jumppad:
0x0: {  	(pc) =	sbr.rel $0x88, $3  }
0x1: {  	(tag) =	ssettag $0x0;
	lr =	simm.s32 $0x1  }
0x2: {  	[smem:$0x3F9A] =	sst lr;
	_ =	strace $0xD0000000  }
0x3: {  	_ = 	snop  }
0x4: {  	_ = 	snop  }
0x5: {  	_ = 	snop  }
0x6: {  	_ = 	snop  }
0x7: {  	_ = 	snop  }
__scs_overlays_trampoline_lowered:
0x8: {  	[smem:$0x3FA9] =	sst s0  }
0x9: {  	[smem:$0x3FAA] =	sst s1  }
0xa: {  	[smem:$0x3FAB] =	sst s2  }
0xb: {  	[smem:$0x3FAC] =	sst s3  }
0xc: {  	[smem:$0x3FAD] =	sst s4  }
0xd: {  	[smem:$0x3FAE] =	sst s5  }
0xe: {  	[smem:$0x3FAF] =	sst s6  }
0xf: {  	[smem:$0x3FB0] =	sst s7  }
0x10: {  	[smem:$0x3FB1] =	sst s8  }
0x11: {  	[smem:$0x3FB2] =	sst s9;
	s0 =	simm.s32 @!p0 $0x0  }
0x12: {  	s1 =	sld [smem:$0x3F98];
	s0 =	simm.s32 @p0 $0x1  }
0x13: {  	[smem:$0x3FB3] =	sst s0;
	s0 =	simm.s32 @!p1 $0x0  }
0x14: {  	s2 =	sld [smem:$0x3F97];
	s0 =	simm.s32 @p1 $0x1  }
0x15: {  	[smem:$0x3FB4] =	sst s0;
	s0 =	simm.s32 @!p2 $0x0  }
0x16: {  	s3 =	sld [smem:$0x3FDB];
	s0 =	simm.s32 @p2 $0x1  }
0x17: {  	s4 =	simm.s32 $0x1BF5;
	[smem:$0x3FB6] =	sst s0  }
0x18: {  	s0 =	sld [smem:$0x3F99];
	_ =	swait.ge [sflag:s4], $0x0  }
0x19: {  	s7 =	sld [smem:$0x3F9A]  }
0x1a: {  	s8 =	sadd.s32 $0xFFFFE003, lr  }
0x1b: {  	s9 =	sadd.s32 $0xFFFFFEF7, lr;
	s5 =	simm.s32 $0xFFFFFFFF;
	p2 =	slt.u32 s8, $0xFFFFF086  }
0x1c: {  	p1 =	slt.u32 s9, $0xF7A;
	s5 =	simm.s32 @!p2 $0x0  }
0x1d: {  	s5 =	simm.s32 @p1 $0x1;
	p0 =	seq.s32 s7, s2  }
0x1e: {  	s7 =	smul.u32 @!p0 $0xF7A, s2;
	p2 =	seq.s32 @!p0 s5, $0x0  }
0x1f: {  	s9 =	smul.u32 $0xF7A, s1;
	s8 =	simm.s32 @!p0 $0x1BF5;
	p2 =	por !p2, p0  }
0x20: {  	[sflag:s8] =	ssyncset.s32 @!p0 $0xFFFFF086;
	s6 =	sadd.s32 @!p0 s3, s7;
	s7 =	simm.s32 @!p0 $0x108  }
0x21: {  	s3 =	sadd.s32 s3, s9;
	s6 =	sadd.s32 @!p0 $0x88, s6;
	s7 =	simm.s32 @p2 $0x1082  }
0x22: {  	[simem:s7], [sflag:s8] =	dma.local @!p0 [hbm:s6], $0xF7A  }
0x23: {  	s9 =	sor.u32 $0xD0000000, s2;
	s6 =	simm.s32 $0x108;
	_ =	swait.ge @!p0 [sflag:s8], $0x0  }
0x24: {  	s3 =	sadd.s32 $0x88, s3;
	s6 =	simm.s32 @!p1 $0x1082;
	[sflag:s4] =	ssyncset.s32 $0xFFFFF086  }
0x25: {  	[simem:s6], [sflag:s4] =	dma.local [hbm:s3], $0xF7A  }
0x26: {  	[smem:$0x3F9A] =	sst s1;
	(tag) =	ssettag s2;
	_ =	strace s9  }
0x27: {  	s1 =	sld [smem:$0x3FAA]  }
0x28: {  	s2 =	sld [smem:$0x3FAB]  }
0x29: {  	s4 =	sld [smem:$0x3FAD]  }
0x2a: {  	p0 =	seq.s32 s5, $0x0;
	s5 =	sld [smem:$0x3FAE]  }
0x2b: {  	s6 =	sld [smem:$0x3FAF]  }
0x2c: {  	s7 =	sld [smem:$0x3FB0]  }
0x2d: {  	s3 =	simm.s32 $0x108;
	s8 =	sld [smem:$0x3FB1]  }
0x2e: {  	s3 =	simm.s32 @!p0 $0x1082;
	s9 =	sld [smem:$0x3FB2]  }
0x2f: {  	lr =	sadd.s32 s0, s3;
	s0 =	sld [smem:$0x3FA9]  }
0x30: {  	s3 =	sld [smem:$0x3FAC]  }
0x31: {  	[smem:$0x3FB5] =	sst s10  }
0x32: {  	s10 =	sld [smem:$0x3FB3];
	_ =	sdelay $0x3  }
0x33: {  	p0 =	seq.s32 s10, $0x1;
	s10 =	sld [smem:$0x3FB5];
	_ =	sdelay $0x3  }
0x34: {  	[smem:$0x3FB5] =	sst s10  }
0x35: {  	s10 =	sld [smem:$0x3FB4];
	_ =	sdelay $0x3  }
0x36: {  	p1 =	seq.s32 s10, $0x1;
	s10 =	sld [smem:$0x3FB5];
	_ =	sdelay $0x3  }
0x37: {  	[smem:$0x3FB5] =	sst s10  }
0x38: {  	s10 =	sld [smem:$0x3FB6]  }
0x39: {  	_ = 	snop;
	(pc) =	sbr.ind lr, $3  }
0x3a: {  	_ = 	snop  }
0x3b: {  	_ = 	snop  }
0x3c: {  	p2 =	seq.s32 s10, $0x1;
	s10 =	sld [smem:$0x3FB5]  }
0x3d: {  	_ =	shalt  }
0x3e: {  	_ =	shalt  }
0x3f: {  	_ =	shalt  }
0x40: {  	_ =	shalt  }
0x41: {  	_ =	shalt  }
0x42: {  	_ =	shalt  }
0x43: {  	_ =	shalt  }
0x44: {  	_ =	shalt  }
0x45: {  	_ =	shalt  }
0x46: {  	_ =	shalt  }
0x47: {  	_ =	shalt  }
0x48: {  	_ =	shalt  }
0x49: {  	_ =	shalt  }
0x4a: {  	_ =	shalt  }
0x4b: {  	_ =	shalt  }
0x4c: {  	_ =	shalt  }
0x4d: {  	_ =	shalt  }
0x4e: {  	_ =	shalt  }
0x4f: {  	_ =	shalt  }
0x50: {  	_ =	shalt  }
0x51: {  	_ =	shalt  }
0x52: {  	_ =	shalt  }
0x53: {  	_ =	shalt  }
0x54: {  	_ =	shalt  }
0x55: {  	_ =	shalt  }
0x56: {  	_ =	shalt  }
0x57: {  	_ =	shalt  }
0x58: {  	_ =	shalt  }
0x59: {  	_ =	shalt  }
0x5a: {  	_ =	shalt  }
0x5b: {  	_ =	shalt  }
0x5c: {  	_ =	shalt  }
0x5d: {  	_ =	shalt  }
0x5e: {  	_ =	shalt  }
0x5f: {  	_ =	shalt  }
0x60: {  	_ =	shalt  }
0x61: {  	_ =	shalt  }
0x62: {  	_ =	shalt  }
0x63: {  	_ =	shalt  }
0x64: {  	_ =	shalt  }
0x65: {  	_ =	shalt  }
0x66: {  	_ =	shalt  }
0x67: {  	_ =	shalt  }
0x68: {  	_ =	shalt  }
0x69: {  	_ =	shalt  }
0x6a: {  	_ =	shalt  }
0x6b: {  	_ =	shalt  }
0x6c: {  	_ =	shalt  }
0x6d: {  	_ =	shalt  }
0x6e: {  	_ =	shalt  }
0x6f: {  	_ =	shalt  }
0x70: {  	_ =	shalt  }
0x71: {  	_ =	shalt  }
0x72: {  	_ =	shalt  }
0x73: {  	_ =	shalt  }
0x74: {  	_ =	shalt  }
0x75: {  	_ =	shalt  }
0x76: {  	_ =	shalt  }
0x77: {  	_ =	shalt  }
0x78: {  	_ =	shalt  }
0x79: {  	_ =	shalt  }
0x7a: {  	_ =	shalt  }
0x7b: {  	_ =	shalt  }
0x7c: {  	_ =	shalt  }
0x7d: {  	_ =	shalt  }
0x7e: {  	_ =	shalt  }
0x7f: {  	_ =	shalt  }
0x80: {  	_ =	shalt  }
0x81: {  	_ =	shalt  }
0x82: {  	_ =	shalt  }
0x83: {  	_ =	shalt  }
0x84: {  	_ =	shalt  }
0x85: {  	_ =	shalt  }
0x86: {  	_ =	shalt  }
0x87: {  	_ =	shalt  }
.Lfunc_end0:
.L_simem_size_0:
called_computation_lowered:
.L_overlay_start_0:
0x88: {  	s2 =	sld [smem:$0x3FD9]  }
0x89: {  	s3 =	sld [smem:$0x3FFE];
	_ =	sdelay $0x1  }
0x8a: {  	s1 =	srdreg.scid  }
0x8b: {  	s0 =	sand.u32 $0x1, s1  }
0x8c: {  	s17 =	sshll.u32 s0, $0xA;
	s2 =	sadd.s32 s3, s2  }
0x8d: {  	s2 =	sadd.s32 s2, s17  }
0x8e: {  	[smem:$0x3FC1] =	sst s2  }
0x8f: {  	_ = 	snop  }
0x90: {  	s2 =	sld [smem:$0x3FD0];
	(tm) =	ssettm $0x1  }
0x91: {  	s18 =	sld [smem:$0x3FFB];
	_ =	sdelay $0x3  }
0x92: {  	_ =	strace s18  }
0x93: {  	s3 =	sld [smem:$0x3FFC];
	_ =	sdelay $0x3  }
0x94: {  	_ =	strace s3  }
0x95: {  	s3 =	sld [smem:$0x3FFD];
	_ =	sdelay $0x3  }
0x96: {  	_ =	strace s3  }
0x97: {  	_ =	strace $0x8FFFFFFF  }
0x98: {  	s19 =	sld [smem:$0x3FDB];
	_ =	sdelay $0x1  }
0x99: {  	s4 =	simm.s32 $_scs_section_size  }
0x9a: {  	s5 =	simm.s32 $_size__tile_overlayer_lowered;
	s6 =	simm.s32 $_tile_overlayer_lowered  }
0x9b: {  	s22 =	simm.s32 $0x1BFF;
	s21 =	sshll.u32 s6, $0x1;
	s3 =	sadd.s32 s4, s19  }
0x9c: {  	s7 =	simm.s32 $0x0;
	s20 =	sshll.u32 s5, $0x1;
	s5 =	sadd.s32 s21, s3  }
0x9d: {  	[timem:s7], [sflag:s22] =	dma.local [hbm:s5], s20  }
0x9e: {  	_ =	swait.ge [sflag:s22], s20  }
0x9f: {  	s4 =	ssub.s32 $0x0, s20;
	[sflag:s22] =	ssyncset.done $0x0  }
0xa0: {  	[sflag:s22] =	ssyncadd.s32 s4;
	_ =	sdelay $0x1  }
0xa1: {  	s23 =	simm.s32 $0x1B8B  }
0xa2: {  	_ =	swait.ge [sflag:s23], $0x1  }
0xa3: {  	[sflag:s23] =	ssyncset.done $0x0  }
0xa4: {  	s25 =	simm.s32 $0x1B8E;
	s24 =	sld [smem:$0x3FFE];
	[sflag:s23] =	ssyncadd.s32 $0xFFFFFFFF  }
0xa5: {  	s26 =	simm.s32 $execute0_lowered;
	[smem:$0x3FD2] =	sst s25  }
0xa6: {  	s5 =	sshll.u32 s26, $0x1;
	_ =	strace $0x80000046;
	[dreg:$0x1] =	wrdreg $0xFFFFFFFF  }
0xa7: {  	s28 =	simm.s32 $_size_execute0_lowered;
	s3 =	sadd.s32 s3, s5;
	[dreg:$0x0] =	wrdreg $0x0  }
0xa8: {  	s5 =	sshll.u32 s28, $0x1;
	[dreg:$0x2] =	wrdreg s3  }
0xa9: {  	[dreg:$0x3] =	wrdreg s5  }
0xaa: {  	[dreg:$0x4] =	wrdreg $0xC0  }
0xab: {  	_ =	task [dreg:s7], $0x5FFFF  }
0xac: {  	[dreg:$0x1] =	wrdreg $0xFFFFFFFF  }
0xad: {  	[dreg:$0x0] =	wrdreg $0x60  }
0xae: {  	[dreg:$0x2] =	wrdreg s24  }
0xaf: {  	[dreg:$0x3] =	wrdreg s2  }
0xb0: {  	[dreg:$0x4] =	wrdreg $0xB7000  }
0xb1: {  	[dreg:$0x5] =	wrdreg $0xB4800  }
0xb2: {  	[dreg:$0x6] =	wrdreg $0x9  }
0xb3: {  	_ =	task.clear_ibuf [dreg:s7], $0x7FFFF;
	_ =	strace $0x90000046  }
0xb4: {  	s29 =	simm.s32 $0x9;
	_ =	strace $0x8000004C  }
0xb5: {  	_ =	swait.ge [sflag:s29], $0x1  }
0xb6: {  	[sflag:s29] =	ssyncadd.s32 $0xFFFFFFFF  }
0xb7: {  	_ =	strace $0x9000004C  }
0xb8: {  	_ =	sfence  }
0xb9: {  	s30 =	sld [smem:$0x0];
	_ =	sdelay $0x2  }
0xba: {  	s31 =	sshll.u32 s1, $0xD;
	s1 =	sshrl.u32 s1, $0x2  }
0xbb: {  	s3 =	sand.u32 $0x4000, s31;
	s1 =	sadd.s32 s1, s30  }
0xbc: {  	s0 =	sor.u32 s3, s0;
	s1 =	sshll.u32 s1, $0x11  }
0xbd: {  	s0 =	sor.u32 s1, s0  }
0xbe: {  	s0 =	sadd.s32 $0x8F2B, s0  }
0xbf: {  	[sflag:s0] =	ssyncadd.remote.s32 $0x1  }
0xc0: {  	_ =	sfence.sel $0xFFFF  }
0xc1: {  	[dreg:$0x0] =	wrdreg $0xFFFFFFFF;
	(pc) =	sbr.abs _section_cstart, $3  }
0xc2: {  	[dreg:$0x1] =	wrdreg $0xFFFFFFFF  }
0xc3: {  	_ =	task.clear_ibuf [dreg:s7], $0x2FFFF;
	_ =	strace $0x9FFFFFFF  }
0xc4: {  	(tm) =	ssettm $0x7FFFFFFF  }
0xc5: {  	_ =	shalt  }
tec
execute0_lowered:
.L_overlay_start_1:
0x0: {  	(tag) =	ssettag $0x1  }
0x1: {  	s0 =	rddreg [dreg:$0x0]  }
0x2: {  	s1 =	rddreg [dreg:$0x1]  }
0x3: {  	s3 =	rddreg [dreg:$0x2]  }
0x4: {  	s17 =	rddreg [dreg:$0x3]  }
0x5: {  	s5 =	simm.s32 $0x0;
	s16 =	stileid.u32;
	s2 =	srdreg.scid  }
0x6: {  	s23 =	simm.s32 $0x7900;
	s30 =	simm.s32 $0x6;
	s4 =	smul.u32 $0x14000, s16  }
0x7: {  	s31 =	simm.s32 $0x20;
	[smem:$0x7FF] =	sst s5;
	s11 =	smul.u32 $0x280, s16  }
0x8: {  	s2 =	sand.u32 $0x1, s2;
	s6 =	sadd.s32 $0xC200, s0;
	s15 =	smul.u32 $0x50000, s16  }
0x9: {  	s8 =	sadd.s32 $0xB800, s0;
	s9 =	sadd.s32 $0x6400, s0;
	s26 =	smul.u32 $0x2A00, s16  }
0xa: {  	s14 =	sshll.u32 s16, $0x1;
	_ =	strace $0x80000047;
	s7 =	smul.u32 $0x140000, s2  }
0xb: {  	[dreg:$0x8] =	wrdreg s8;
	s8 =	sadd.s32 $0x1000, s0;
	s29 =	ssub.s32 $0x2, s2  }
0xc: {  	s2 =	sor.u32 s2, s14;
	[dreg:$0x5] =	wrdreg s23;
	s10 =	sshrl.u32 s4, $0x3  }
0xd: {  	s28 =	sshrl.u32 s11, $0x3;
	s13 =	sshrl.u32 s29, $0x1;
	s19 =	sshrl.u32 s26, $0x3  }
0xe: {  	s2 =	smul.u32 $0x1500, s2;
	s25 =	sadd.s32 s10, s0;
	s21 =	sadd.s32 s1, s19  }
0xf: {  	s13 =	ssub.s32 s29, s13;
	s29 =	simm.s32 $0x7D00;
	[dreg:$0xd] =	wrdreg s21  }
0x10: {  	s12 =	sadd.s32 s28, s0;
	s18 =	sadd.s32 $0x34800, s25;
	[dreg:$0x7] =	wrdreg s29  }
0x11: {  	s15 =	sshrl.u32 s15, $0x2;
	s20 =	sadd.s32 $0x34200, s12;
	[dreg:$0xb] =	wrdreg s18  }
0x12: {  	s4 =	sadd.s32 s4, s7;
	s25 =	simm.s32 $0x7C00;
	[dreg:$0xc] =	wrdreg s20  }
0x13: {  	s10 =	smov.u32 s17;
	s21 =	sor.u32 $0x60, s2;
	[dreg:$0x6] =	wrdreg s25  }
0x14: {  	s7 =	sadd.s32 s11, s17;
	s23 =	sor.u32 $0x80, s2;
	[dreg:$0x18] =	wrdreg s21  }
0x15: {  	s22 =	sshrl.u32 s2, $0x3;
	s2 =	sor.u32 $0xA0, s2;
	[dreg:$0x19] =	wrdreg s23  }
0x16: {  	s4 =	sshrl.u32 s4, $0x3;
	s29 =	sshrl.u32 s7, $0x3;
	[dreg:$0x1a] =	wrdreg s2  }
0x17: {  	s4 =	sadd.s32 s4, s0;
	s0 =	sadd.s32 $0xB810, s0;
	[dreg:$0x1f] =	wrdreg s29  }
0x18: {  	s12 =	simm.s32 $0x100;
	s24 =	sadd.s32 s1, s22;
	[dreg:$0x9] =	wrdreg s0  }
0x19: {  	s7 =	simm.s32 $0x8400;
	s28 =	sadd.s32 s8, s22;
	[dreg:$0xf] =	wrdreg s24  }
0x1a: {  	s14 =	sadd.s32 s9, s22;
	s25 =	smax.u32 s13, $0x1;
	[dreg:$0x10] =	wrdreg s28  }
0x1b: {  	s21 =	simm.s32 $0x7A00;
	s13 =	simm.s32 $0x7;
	[dreg:$0x11] =	wrdreg s14  }
0x1c: {  	s23 =	simm.s32 $0xA400;
	s0 =	sadd.s32 s15, s3;
	[dreg:$0x1c] =	wrdreg s25  }
0x1d: {  	s15 =	sor.u32 $0x4, s22;
	s24 =	sadd.s32 $0x5C800, s4;
	[dreg:$0xa] =	wrdreg s0  }
0x1e: {  	s14 =	simm.s32 $0x2800;
	s0 =	sadd.s32 s8, s19;
	[dreg:$0x1b] =	wrdreg s24  }
0x1f: {  	s25 =	simm.s32 $0xA;
	s17 =	sadd.s32 s1, s15;
	[dreg:$0xe] =	wrdreg s0  }
0x20: {  	s18 =	sadd.s32 s8, s15;
	s11 =	sadd.s32 s9, s15;
	[dreg:$0x12] =	wrdreg s17  }
0x21: {  	s15 =	simm.s32 $0xE;
	s24 =	simm.s32 $0x9;
	[dreg:$0x13] =	wrdreg s18  }
0x22: {  	s0 =	sor.u32 $0x8, s22;
	[dreg:$0x14] =	wrdreg s11;
	s22 =	smul.u32 $0x540, s16  }
0x23: {  	s16 =	simm.s32 $0x1;
	s17 =	simm.s32 $0x2;
	s19 =	sadd.s32 s1, s0  }
0x24: {  	s18 =	simm.s32 $0x3;
	s20 =	sadd.s32 s8, s0;
	[dreg:$0x15] =	wrdreg s19  }
.Ltmp0:
0x25: {  	s0 =	sadd.s32 s9, s0;
	[dreg:$0x16] =	wrdreg s20;
	(pc) =	sbr.rel .LBB2_1-.Ltmp0, $4  }
0x26: {  	v0 =	vlaneseq.u32;
	[dreg:$0x17] =	wrdreg s0;
	s28 =	sadd.s32 s22, s8;
	s0 =	sadd.s32 s22, s1  }
0x27: {  	v1 =	vor.u32 $0x10, v0;
	s20 =	simm.s32 $0x5000;
	s19 =	simm.s32 $0xB400;
	s2 =	sadd.s32 $0x40, s28  }
0x28: {  	v2 =	vor.u32 $0x20, v0;
	v3 =	vor.u32 $0x30, v0;
	v4 =	vor.u32 $0x40, v0;
	s1 =	simm.s32 $0x0;
	s0 =	sadd.s32 $0x40, s0;
	[dreg:$0x1d] =	wrdreg s2  }
0x29: {  	v5 =	vor.u32 $0x50, v0;
	v6 =	vor.u32 $0x60, v0;
	v7 =	vor.u32 $0x70, v0;
	[dreg:$0x1e] =	wrdreg s0;
	s0 =	simm.s32 $0x9400;
	s2 =	simm.s32 $0x8  }
.LBB2_12:
0x2a: {  	s1 =	simm.s32 $0xB  }
0x2b: {  	_ =	swait.ge [sflag:s1], $0x1000  }
0x2c: {  	[sflag:s1] =	ssyncset.done $0x0  }
0x2d: {  	s26 =	smov.u32 s11;
	s11 =	simm.s32 $0xC;
	[sflag:s1] =	ssyncadd.s32 $0xFFFFF000  }
0x2e: {  	_ =	swait.ge [sflag:s11], $0x1000  }
0x2f: {  	[sflag:s11] =	ssyncset.done $0x0  }
0x30: {  	s15 =	simm.s32 $0xD;
	[sflag:s11] =	ssyncadd.s32 $0xFFFFF000  }
0x31: {  	_ =	swait.ge [sflag:s15], $0x1000  }
0x32: {  	[sflag:s15] =	ssyncset.done $0x0  }
0x33: {  	[sflag:s15] =	ssyncadd.s32 $0xFFFFF000  }
0x34: {  	_ =	strace $0x9000004A  }
0x35: {  	_ =	strace $0x8000004B  }
0x36: {  	[bflag:$0x0] =	sbarrier.arrive $0xFFFF  }
0x37: {  	s21 =	sld [smem:$0x7FD]  }
0x38: {  	s10 =	sld [smem:$0x7FC];
	_ =	sdelay $0x1  }
0x39: {  	s15 =	simm.s32 $0xE;
	s4 =	rddreg [dreg:$0x1b]  }
0x3a: {  	[hbm:s4], [sflag:s21] =	dma.local [spmem:s10], $0x2800  }
0x3b: {  	_ =	swait.ge [sflag:s15], $0x2800  }
0x3c: {  	s22 =	sld [smem:$0x7FB];
	_ =	sdelay $0x2  }
0x3d: {  	s29 =	rddreg [dreg:$0x1c];
	s1 =	sadd.s32 $0x1, s22  }
0x3e: {  	p0 =	sne.s32 s1, s29  }
.Ltmp1:
0x3f: {  	_ = 	snop;
	(pc) =	sbr.rel @!p0 .LBB2_13-.Ltmp1, $4  }
0x40: {  	_ = 	snop  }
0x41: {  	[sflag:s15] =	ssyncset.done $0x0  }
0x42: {  	[sflag:s15] =	ssyncadd.s32 $0xFFFFD800  }
0x43: {  	s10 =	smov.u32 s28;
	s21 =	simm.s32 $0x7A00;
	_ =	strace $0x9000004B  }
.LBB2_1:
0x44: {  	[smem:$0x7FB] =	sst s1  }
0x45: {  	_ =	strace $0x80000048  }
0x46: {  	s11 =	simm.s32 $0x80;
	s4 =	rddreg [dreg:$0x8]  }
0x47: {  	[tilespmem:s5], [sflag:$0xE] =	stream.strided.gather [hbm4b:s4+s11], $0x2800, s12, s11, $0x200038;
	[tilespmem:$0x1F700] =	vst v63  }
0x48: {  	_ =	swait.ge [sflag:s15], $0x2800  }
0x49: {  	[sflag:s15] =	ssyncset.done $0x0  }
0x4a: {  	s1 =	rddreg [dreg:$0x9];
	[sflag:s15] =	ssyncadd.s32 $0xFFFFD800  }
0x4b: {  	[tilespmem:s14], [sflag:$0xE] =	stream.strided.gather [hbm4b:s1+s11], $0x2800, s12, s11, $0x200038;
	[tilespmem:$0x1F700] =	vst v63  }
0x4c: {  	s11 =	stileid.u32;
	_ =	swait.ge [sflag:s15], $0x2800  }
0x4d: {  	s4 =	sshll.u32 s11, $0x6;
	s12 =	rddreg [dreg:$0xa]  }
0x4e: {  	[sflag:s15] =	ssyncset.done $0x0;
	s28 =	rddreg [dreg:$0xb];
	s22 =	sshrl.u32 s12, $0x3  }
0x4f: {  	s1 =	sor.u32 $0x1C0E, s4;
	[sflag:s15] =	ssyncadd.s32 $0xFFFFD800;
	[smem:$0x7FC] =	sst s22  }
0x50: {  	[spmem:s22], [sflag:s1] =	dma.local [hbm:s28], $0x2800  }
0x51: {  	_ =	swait.ge [sflag:s15], $0x2800  }
0x52: {  	s11 =	rddreg [dreg:$0xc]  }
0x53: {  	[sflag:s15] =	ssyncset.done $0x0;
	s12 =	rddreg [dreg:$0x1f]  }
0x54: {  	[smem:$0x7FD] =	sst s1;
	[sflag:s15] =	ssyncadd.s32 $0xFFFFD800  }
0x55: {  	[spmem:s12], [sflag:s1] =	dma.local [hbm:s11], $0x50  }
0x56: {  	_ =	swait.ge [sflag:s15], $0x50  }
0x57: {  	[sflag:s15] =	ssyncset.done $0x0  }
0x58: {  	[sflag:s15] =	ssyncadd.s32 $0xFFFFFFB0  }
0x59: {  	_ =	strace $0x90000048  }
0x5a: {  	_ =	strace $0x80000049  }
0x5b: {  	[bflag:$0x0] =	sbarrier.arrive $0xFFFF  }
0x5c: {  	s15 =	rddreg [dreg:$0xd]  }
0x5d: {  	s22 =	simm.s32 $0x7800;
	s28 =	rddreg [dreg:$0xe]  }
0x5e: {  	[tilespmem:s22], [sflag:$0x1] =	stream.linear.gather [hbm4b:s15+s5], $0x100, $0x200038;
	[tilespmem:$0x1F700] =	vst v63  }
0x5f: {  	s29 =	simm.s32 $0x0;
	s1 =	simm.s32 $0x100;
	s15 =	rddreg [dreg:$0x1e]  }
0x60: {  	[tilespmem:s21], [sflag:$0x1] =	stream.linear.gather [hbm4b:s28+s5], $0x100, $0x200038;
	[tilespmem:$0x1F700] =	vst v63  }
0x61: {  	s12 =	simm.s32 $0x7B00;
	s22 =	simm.s32 $0x7A00;
	s21 =	rddreg [dreg:$0x1d]  }
.LBB2_2:
0x62: {  	_ =	swait.ge [sflag:s16], $0x100  }
0x63: {  	[sflag:s16] =	ssyncset.done $0x0  }
0x64: {  	[sflag:s16] =	ssyncadd.s32 $0xFFFFFF00  }
0x65: {  	_ =	swait.ge [sflag:s16], $0x100  }
0x66: {  	p0 =	seq.s32 s29, $0x0;
	[sflag:s16] =	ssyncset.done $0x0  }
0x67: {  	s4 =	simm.s32 @!p0 $0x4;
	[sflag:s16] =	ssyncadd.s32 $0xFFFFFF00  }
0x68: {  	_ =	swait.ge @!p0 [sflag:s4], $0x100  }
0x69: {  	s28 =	smov.u32 s10;
	[sflag:s4] =	ssyncset.done @!p0 $0x0  }
0x6a: {  	s11 =	sadd.s32 $0xFFFFFFE0, s15;
	s10 =	rddreg [dreg:$0x5];
	[sflag:s4] =	ssyncadd.s32 @!p0 $0xFFFFFF00  }
0x6b: {  	[tilespmem:s10], [sflag:$0x2] =	stream.linear.gather [hbm4b:s11+s5], $0x100, $0x200038;
	[tilespmem:$0x1F700] =	vst v63  }
0x6c: {  	s10 =	sadd.s32 $0xFFFFFFE0, s21  }
0x6d: {  	[tilespmem:s12], [sflag:$0x2] =	stream.linear.gather [hbm4b:s10+s5], $0x100, $0x200038;
	[tilespmem:$0x1F700] =	vst v63  }
0x6e: {  	v8 =	vld [tilespmem:$0x7800]  }
0x6f: {  	v9 =	vld [tilespmem:$0x7A00];
	_ =	sdelay $0x6  }
0x70: {  	v8 =	vld.idx.msk [tilespmem:v8+s5+$0x0], $0xffff  }
0x71: {  	v9 =	vld.idx.msk [tilespmem:v9+s14+$0x0], $0xffff;
	_ =	sdelay $0x4  }
0x72: {  	v8 =	vadd.f32 v9, v8;
	_ =	sdelay $0x1  }
0x73: {  	v9 =	vmul.f32 $2.000000030e-01, v8  }
0x74: {  	vm0 =	vge.f32 v8, $0.0e+00  }
0x75: {  	v8 =	vsel vm0, v8, v9  }
0x76: {  	v8 =	vmul.f32 $1.442695020e+00, v8;
	_ =	sdelay $0x1  }
0x77: {  	(erf) = vpow2.f32 v8;
	_ =	sdelay $0x3  }
0x78: {  	v8 =	vld [tilespmem:$0x7810]  }
0x79: {  	v56 =	vld [tilespmem:$0x7A10];
	_ =	sdelay $0x2  }
0x7a: {  	s4 =	sadd.s32 s29, s26  }
0x7b: {  	p5 =	slt.u32 s4, $0x29810;
	v10 =	vpop (erf)  }
0x7c: {  	v10 =	vpsel !p5, $0x0, v10  }
0x7d: {  	[tilespmem:$0x7C00] =	vst v10  }
0x7e: {  	v8 =	vld.idx.msk [tilespmem:v8+s5+$0x0], $0xffff  }
0x7f: {  	v9 =	vld.idx.msk [tilespmem:v56+s14+$0x0], $0xffff;
	_ =	sdelay $0x4  }
0x80: {  	v8 =	vadd.f32 v9, v8;
	_ =	sdelay $0x1  }
0x81: {  	v9 =	vmul.f32 $2.000000030e-01, v8  }
0x82: {  	vm9 =	vge.f32 v8, $0.0e+00  }
0x83: {  	v8 =	vsel vm9, v8, v9  }
0x84: {  	v8 =	vmul.f32 $1.442695020e+00, v8;
	_ =	sdelay $0x1  }
0x85: {  	(erf) = vpow2.f32 v8;
	_ =	sdelay $0x3  }
0x86: {  	v8 =	vld [tilespmem:$0x7820]  }
0x87: {  	v57 =	vld [tilespmem:$0x7A20];
	_ =	sdelay $0x2  }
0x88: {  	s11 =	sadd.s32 $0x10, s4  }
0x89: {  	p6 =	slt.u32 s11, $0x29810;
	v58 =	vpop (erf)  }
0x8a: {  	v10 =	vpsel !p6, $0x0, v58  }
0x8b: {  	[tilespmem:$0x7C10] =	vst v10  }
0x8c: {  	v8 =	vld.idx.msk [tilespmem:v8+s5+$0x0], $0xffff  }
0x8d: {  	v9 =	vld.idx.msk [tilespmem:v57+s14+$0x0], $0xffff;
	_ =	sdelay $0x4  }
0x8e: {  	v8 =	vadd.f32 v9, v8;
	_ =	sdelay $0x1  }
0x8f: {  	v9 =	vmul.f32 $2.000000030e-01, v8  }
0x90: {  	vm10 =	vge.f32 v8, $0.0e+00  }
0x91: {  	v8 =	vsel vm10, v8, v9  }
0x92: {  	v8 =	vmul.f32 $1.442695020e+00, v8;
	_ =	sdelay $0x1  }
0x93: {  	(erf) = vpow2.f32 v8;
	_ =	sdelay $0x3  }
0x94: {  	v8 =	vld [tilespmem:$0x7830]  }
0x95: {  	v59 =	vld [tilespmem:$0x7A30];
	_ =	sdelay $0x2  }
0x96: {  	s11 =	sadd.s32 $0x20, s4  }
0x97: {  	p1 =	slt.u32 s11, $0x29810;
	v60 =	vpop (erf)  }
0x98: {  	v10 =	vpsel !p1, $0x0, v60  }
0x99: {  	[tilespmem:$0x7C20] =	vst v10  }
0x9a: {  	v8 =	vld.idx.msk [tilespmem:v8+s5+$0x0], $0xffff  }
0x9b: {  	v9 =	vld.idx.msk [tilespmem:v59+s14+$0x0], $0xffff;
	_ =	sdelay $0x4  }
0x9c: {  	v8 =	vadd.f32 v9, v8;
	_ =	sdelay $0x1  }
0x9d: {  	v9 =	vmul.f32 $2.000000030e-01, v8  }
0x9e: {  	vm11 =	vge.f32 v8, $0.0e+00  }
0x9f: {  	v8 =	vsel vm11, v8, v9  }
0xa0: {  	v8 =	vmul.f32 $1.442695020e+00, v8;
	_ =	sdelay $0x1  }
0xa1: {  	(erf) = vpow2.f32 v8;
	_ =	sdelay $0x3  }
0xa2: {  	v8 =	vld [tilespmem:$0x7840]  }
0xa3: {  	v61 =	vld [tilespmem:$0x7A40];
	_ =	sdelay $0x2  }
0xa4: {  	s11 =	sadd.s32 $0x30, s4  }
0xa5: {  	p2 =	slt.u32 s11, $0x29810;
	v62 =	vpop (erf)  }
0xa6: {  	v10 =	vpsel !p2, $0x0, v62  }
0xa7: {  	[tilespmem:$0x7C30] =	vst v10  }
0xa8: {  	v8 =	vld.idx.msk [tilespmem:v8+s5+$0x0], $0xffff  }
0xa9: {  	v9 =	vld.idx.msk [tilespmem:v61+s14+$0x0], $0xffff;
	_ =	sdelay $0x4  }
0xaa: {  	v8 =	vadd.f32 v9, v8;
	_ =	sdelay $0x1  }
0xab: {  	v9 =	vmul.f32 $2.000000030e-01, v8  }
0xac: {  	vm12 =	vge.f32 v8, $0.0e+00  }
0xad: {  	v8 =	vsel vm12, v8, v9  }
0xae: {  	v8 =	vmul.f32 $1.442695020e+00, v8;
	_ =	sdelay $0x1  }
0xaf: {  	(erf) = vpow2.f32 v8;
	_ =	sdelay $0x3  }
0xb0: {  	v8 =	vld [tilespmem:$0x7850]  }
0xb1: {  	v63 =	vld [tilespmem:$0x7A50];
	_ =	sdelay $0x2  }
0xb2: {  	s11 =	sadd.s32 $0x40, s4  }
0xb3: {  	p3 =	slt.u32 s11, $0x29810;
	v12 =	vpop (erf)  }
0xb4: {  	v10 =	vpsel !p3, $0x0, v12  }
0xb5: {  	[tilespmem:$0x7C40] =	vst v10  }
0xb6: {  	v8 =	vld.idx.msk [tilespmem:v8+s5+$0x0], $0xffff  }
0xb7: {  	v9 =	vld.idx.msk [tilespmem:v63+s14+$0x0], $0xffff;
	_ =	sdelay $0x4  }
0xb8: {  	v8 =	vadd.f32 v9, v8;
	_ =	sdelay $0x1  }
0xb9: {  	v9 =	vmul.f32 $2.000000030e-01, v8  }
0xba: {  	vm13 =	vge.f32 v8, $0.0e+00  }
0xbb: {  	v8 =	vsel vm13, v8, v9  }
0xbc: {  	v8 =	vmul.f32 $1.442695020e+00, v8;
	_ =	sdelay $0x1  }
0xbd: {  	(erf) = vpow2.f32 v8;
	_ =	sdelay $0x3  }
0xbe: {  	v8 =	vld [tilespmem:$0x7860]  }
0xbf: {  	v13 =	vld [tilespmem:$0x7A60];
	_ =	sdelay $0x2  }
0xc0: {  	s11 =	sadd.s32 $0x50, s4  }
0xc1: {  	p4 =	slt.u32 s11, $0x29810;
	v14 =	vpop (erf)  }
0xc2: {  	v10 =	vpsel !p4, $0x0, v14  }
0xc3: {  	[tilespmem:$0x7C50] =	vst v10  }
0xc4: {  	v8 =	vld.idx.msk [tilespmem:v8+s5+$0x0], $0xffff  }
0xc5: {  	v9 =	vld.idx.msk [tilespmem:v13+s14+$0x0], $0xffff;
	_ =	sdelay $0x4  }
0xc6: {  	v8 =	vadd.f32 v9, v8;
	_ =	sdelay $0x1  }
0xc7: {  	v9 =	vmul.f32 $2.000000030e-01, v8  }
0xc8: {  	vm14 =	vge.f32 v8, $0.0e+00  }
0xc9: {  	v8 =	vsel vm14, v8, v9  }
0xca: {  	v8 =	vmul.f32 $1.442695020e+00, v8;
	_ =	sdelay $0x1  }
0xcb: {  	(erf) = vpow2.f32 v8;
	_ =	sdelay $0x3  }
0xcc: {  	v8 =	vld [tilespmem:$0x7870]  }
0xcd: {  	v15 =	vld [tilespmem:$0x7A70];
	_ =	sdelay $0x2  }
0xce: {  	s11 =	sadd.s32 $0x60, s4  }
0xcf: {  	p5 =	slt.u32 s11, $0x29810;
	v16 =	vpop (erf)  }
0xd0: {  	v10 =	vpsel !p5, $0x0, v16  }
0xd1: {  	[tilespmem:$0x7C60] =	vst v10  }
0xd2: {  	v8 =	vld.idx.msk [tilespmem:v8+s5+$0x0], $0xffff  }
0xd3: {  	v9 =	vld.idx.msk [tilespmem:v15+s14+$0x0], $0xffff;
	_ =	sdelay $0x4  }
0xd4: {  	v8 =	vadd.f32 v9, v8;
	_ =	sdelay $0x1  }
0xd5: {  	v9 =	vmul.f32 $2.000000030e-01, v8  }
0xd6: {  	vm15 =	vge.f32 v8, $0.0e+00  }
0xd7: {  	v8 =	vsel vm15, v8, v9  }
0xd8: {  	v8 =	vmul.f32 $1.442695020e+00, v8;
	_ =	sdelay $0x1  }
0xd9: {  	(erf) = vpow2.f32 v8;
	_ =	sdelay $0x3  }
0xda: {  	v8 =	vld [tilespmem:$0x7880]  }
0xdb: {  	v17 =	vld [tilespmem:$0x7A80];
	_ =	sdelay $0x2  }
0xdc: {  	s11 =	sadd.s32 $0x70, s4  }
0xdd: {  	p6 =	slt.u32 s11, $0x29810;
	v18 =	vpop (erf)  }
0xde: {  	v10 =	vpsel !p6, $0x0, v18  }
0xdf: {  	[tilespmem:$0x7C70] =	vst v10  }
0xe0: {  	v8 =	vld.idx.msk [tilespmem:v8+s5+$0x0], $0xffff  }
0xe1: {  	v9 =	vld.idx.msk [tilespmem:v17+s14+$0x0], $0xffff;
	_ =	sdelay $0x4  }
0xe2: {  	v8 =	vadd.f32 v9, v8;
	_ =	sdelay $0x1  }
0xe3: {  	v9 =	vmul.f32 $2.000000030e-01, v8  }
0xe4: {  	vm4 =	vge.f32 v8, $0.0e+00  }
0xe5: {  	v8 =	vsel vm4, v8, v9  }
0xe6: {  	v8 =	vmul.f32 $1.442695020e+00, v8;
	_ =	sdelay $0x1  }
0xe7: {  	(erf) = vpow2.f32 v8;
	_ =	sdelay $0x3  }
0xe8: {  	v8 =	vld [tilespmem:$0x7890]  }
0xe9: {  	v19 =	vld [tilespmem:$0x7A90];
	_ =	sdelay $0x2  }
0xea: {  	s11 =	sadd.s32 $0x80, s4  }
0xeb: {  	p1 =	slt.u32 s11, $0x29810;
	v20 =	vpop (erf)  }
0xec: {  	v10 =	vpsel !p1, $0x0, v20  }
0xed: {  	[tilespmem:$0x7C80] =	vst v10  }
0xee: {  	v8 =	vld.idx.msk [tilespmem:v8+s5+$0x0], $0xffff  }
0xef: {  	v9 =	vld.idx.msk [tilespmem:v19+s14+$0x0], $0xffff;
	_ =	sdelay $0x4  }
0xf0: {  	v8 =	vadd.f32 v9, v8;
	_ =	sdelay $0x1  }
0xf1: {  	v9 =	vmul.f32 $2.000000030e-01, v8  }
0xf2: {  	vm5 =	vge.f32 v8, $0.0e+00  }
0xf3: {  	v8 =	vsel vm5, v8, v9  }
0xf4: {  	v8 =	vmul.f32 $1.442695020e+00, v8;
	_ =	sdelay $0x1  }
0xf5: {  	(erf) = vpow2.f32 v8;
	_ =	sdelay $0x3  }
0xf6: {  	v8 =	vld [tilespmem:$0x78A0]  }
0xf7: {  	v21 =	vld [tilespmem:$0x7AA0];
	_ =	sdelay $0x2  }
0xf8: {  	s11 =	sadd.s32 $0x90, s4  }
0xf9: {  	p2 =	slt.u32 s11, $0x29810;
	v22 =	vpop (erf)  }
0xfa: {  	v10 =	vpsel !p2, $0x0, v22  }
0xfb: {  	[tilespmem:$0x7C90] =	vst v10  }
0xfc: {  	v8 =	vld.idx.msk [tilespmem:v8+s5+$0x0], $0xffff  }
0xfd: {  	v9 =	vld.idx.msk [tilespmem:v21+s14+$0x0], $0xffff;
	_ =	sdelay $0x4  }
0xfe: {  	v8 =	vadd.f32 v9, v8;
	_ =	sdelay $0x1  }
0xff: {  	v9 =	vmul.f32 $2.000000030e-01, v8  }
0x100: {  	vm6 =	vge.f32 v8, $0.0e+00  }
0x101: {  	v8 =	vsel vm6, v8, v9  }
0x102: {  	v8 =	vmul.f32 $1.442695020e+00, v8;
	_ =	sdelay $0x1  }
0x103: {  	(erf) = vpow2.f32 v8;
	_ =	sdelay $0x3  }
0x104: {  	v8 =	vld [tilespmem:$0x78B0]  }
0x105: {  	v23 =	vld [tilespmem:$0x7AB0];
	_ =	sdelay $0x2  }
0x106: {  	s11 =	sadd.s32 $0xA0, s4  }
0x107: {  	p3 =	slt.u32 s11, $0x29810;
	v24 =	vpop (erf)  }
0x108: {  	v10 =	vpsel !p3, $0x0, v24  }
0x109: {  	[tilespmem:$0x7CA0] =	vst v10  }
0x10a: {  	v8 =	vld.idx.msk [tilespmem:v8+s5+$0x0], $0xffff  }
0x10b: {  	v9 =	vld.idx.msk [tilespmem:v23+s14+$0x0], $0xffff;
	_ =	sdelay $0x4  }
0x10c: {  	v8 =	vadd.f32 v9, v8;
	_ =	sdelay $0x1  }
0x10d: {  	v9 =	vmul.f32 $2.000000030e-01, v8  }
0x10e: {  	vm7 =	vge.f32 v8, $0.0e+00  }
0x10f: {  	v8 =	vsel vm7, v8, v9  }
0x110: {  	v8 =	vmul.f32 $1.442695020e+00, v8;
	_ =	sdelay $0x1  }
0x111: {  	(erf) = vpow2.f32 v8;
	_ =	sdelay $0x3  }
0x112: {  	v8 =	vld [tilespmem:$0x78C0]  }
0x113: {  	v25 =	vld [tilespmem:$0x7AC0];
	_ =	sdelay $0x2  }
0x114: {  	s11 =	sadd.s32 $0xB0, s4  }
0x115: {  	p4 =	slt.u32 s11, $0x29810;
	v26 =	vpop (erf)  }
0x116: {  	v10 =	vpsel !p4, $0x0, v26  }
0x117: {  	[tilespmem:$0x7CB0] =	vst v10  }
0x118: {  	v8 =	vld.idx.msk [tilespmem:v8+s5+$0x0], $0xffff  }
0x119: {  	v9 =	vld.idx.msk [tilespmem:v25+s14+$0x0], $0xffff;
	_ =	sdelay $0x4  }
0x11a: {  	v8 =	vadd.f32 v9, v8;
	_ =	sdelay $0x1  }
0x11b: {  	v9 =	vmul.f32 $2.000000030e-01, v8  }
0x11c: {  	vm8 =	vge.f32 v8, $0.0e+00  }
0x11d: {  	v8 =	vsel vm8, v8, v9  }
0x11e: {  	v8 =	vmul.f32 $1.442695020e+00, v8;
	_ =	sdelay $0x1  }
0x11f: {  	(erf) = vpow2.f32 v8;
	_ =	sdelay $0x3  }
0x120: {  	v8 =	vld [tilespmem:$0x78D0]  }
0x121: {  	v27 =	vld [tilespmem:$0x7AD0];
	_ =	sdelay $0x2  }
0x122: {  	s11 =	sadd.s32 $0xC0, s4  }
0x123: {  	p5 =	slt.u32 s11, $0x29810;
	v28 =	vpop (erf)  }
0x124: {  	v10 =	vpsel !p5, $0x0, v28  }
0x125: {  	[tilespmem:$0x7CC0] =	vst v10  }
0x126: {  	v8 =	vld.idx.msk [tilespmem:v8+s5+$0x0], $0xffff  }
0x127: {  	v9 =	vld.idx.msk [tilespmem:v27+s14+$0x0], $0xffff;
	_ =	sdelay $0x4  }
0x128: {  	v8 =	vadd.f32 v9, v8;
	_ =	sdelay $0x1  }
0x129: {  	v9 =	vmul.f32 $2.000000030e-01, v8  }
0x12a: {  	vm9 =	vge.f32 v8, $0.0e+00  }
0x12b: {  	v8 =	vsel vm9, v8, v9  }
0x12c: {  	v8 =	vmul.f32 $1.442695020e+00, v8;
	_ =	sdelay $0x1  }
0x12d: {  	(erf) = vpow2.f32 v8;
	_ =	sdelay $0x3  }
0x12e: {  	v8 =	vld [tilespmem:$0x78E0]  }
0x12f: {  	v29 =	vld [tilespmem:$0x7AE0];
	_ =	sdelay $0x2  }
0x130: {  	s11 =	sadd.s32 $0xD0, s4  }
0x131: {  	p6 =	slt.u32 s11, $0x29810;
	v30 =	vpop (erf)  }
0x132: {  	v10 =	vpsel !p6, $0x0, v30  }
0x133: {  	[tilespmem:$0x7CD0] =	vst v10  }
0x134: {  	v8 =	vld.idx.msk [tilespmem:v8+s5+$0x0], $0xffff  }
0x135: {  	v9 =	vld.idx.msk [tilespmem:v29+s14+$0x0], $0xffff;
	_ =	sdelay $0x4  }
0x136: {  	v8 =	vadd.f32 v9, v8;
	_ =	sdelay $0x1  }
0x137: {  	v9 =	vmul.f32 $2.000000030e-01, v8  }
0x138: {  	vm10 =	vge.f32 v8, $0.0e+00  }
0x139: {  	v8 =	vsel vm10, v8, v9  }
0x13a: {  	v8 =	vmul.f32 $1.442695020e+00, v8;
	_ =	sdelay $0x1  }
0x13b: {  	(erf) = vpow2.f32 v8;
	_ =	sdelay $0x3  }
0x13c: {  	v8 =	vld [tilespmem:$0x78F0]  }
0x13d: {  	v31 =	vld [tilespmem:$0x7AF0];
	_ =	sdelay $0x2  }
0x13e: {  	s11 =	sadd.s32 $0xE0, s4  }
0x13f: {  	p1 =	slt.u32 s11, $0x29810;
	v32 =	vpop (erf)  }
0x140: {  	v10 =	vpsel !p1, $0x0, v32  }
0x141: {  	[tilespmem:$0x7CE0] =	vst v10  }
0x142: {  	v8 =	vld.idx.msk [tilespmem:v8+s5+$0x0], $0xffff  }
0x143: {  	v9 =	vld.idx.msk [tilespmem:v31+s14+$0x0], $0xffff;
	_ =	sdelay $0x4  }
0x144: {  	v8 =	vadd.f32 v9, v8;
	_ =	sdelay $0x1  }
0x145: {  	v9 =	vmul.f32 $2.000000030e-01, v8  }
0x146: {  	vm11 =	vge.f32 v8, $0.0e+00  }
0x147: {  	v8 =	vsel vm11, v8, v9  }
0x148: {  	v8 =	vmul.f32 $1.442695020e+00, v8;
	_ =	sdelay $0x1  }
0x149: {  	(erf) = vpow2.f32 v8;
	_ =	sdelay $0x7  }
0x14a: {  	s11 =	sadd.s32 $0xF0, s4  }
0x14b: {  	p2 =	slt.u32 s11, $0x29810;
	v8 =	vpop (erf)  }
0x14c: {  	v8 =	vpsel !p2, $0x0, v8  }
0x14d: {  	s11 =	rddreg [dreg:$0x6];
	[tilespmem:$0x7CF0] =	vst v8  }
0x14e: {  	[spmem:s28] =	stream.indirect.scatter.add.f32 [tilespmem:s11], [sflag:$0x3], $0x1, s22, s1, $0x2000b8;
	[tilespmem:$0x1F700] =	vst v63  }
0x14f: {  	_ =	swait.ge [sflag:s17], $0x100  }
0x150: {  	[sflag:s17] =	ssyncset.done $0x0  }
0x151: {  	[sflag:s17] =	ssyncadd.s32 $0xFFFFFF00  }
0x152: {  	_ =	swait.ge [sflag:s17], $0x100  }
0x153: {  	[sflag:s17] =	ssyncset.done $0x0  }
0x154: {  	[sflag:s17] =	ssyncadd.s32 $0xFFFFFF00  }
0x155: {  	p0 =	seq.s32 s29, $0x2800;
	_ =	swait.ge [sflag:s18], $0x100  }
0x156: {  	s10 =	simm.s32 @!p0 $0x0;
	[sflag:s18] =	ssyncset.done $0x0  }
0x157: {  	s11 =	smov.u32 s26;
	s26 =	simm.s32 @!p0 $0x7800;
	[sflag:s18] =	ssyncadd.s32 $0xFFFFFF00  }
0x158: {  	[tilespmem:s26], [sflag:$0x1] =	stream.linear.gather @!p0 [hbm4b:s15+s10], $0x100, $0x200038;
	[tilespmem:$0x1F700] =	vst v63  }
0x159: {  	s26 =	simm.s32 @!p0 $0x7A00  }
0x15a: {  	[tilespmem:s26], [sflag:$0x1] =	stream.linear.gather @!p0 [hbm4b:s21+s10], $0x100, $0x200038;
	[tilespmem:$0x1F700] =	vst v63  }
0x15b: {  	v8 =	vld [tilespmem:$0x7900]  }
0x15c: {  	v33 =	vld [tilespmem:$0x7B00];
	_ =	sdelay $0x6  }
0x15d: {  	v8 =	vld.idx.msk [tilespmem:v8+s5+$0x0], $0xffff  }
0x15e: {  	v9 =	vld.idx.msk [tilespmem:v33+s14+$0x0], $0xffff;
	_ =	sdelay $0x4  }
0x15f: {  	v8 =	vadd.f32 v9, v8;
	_ =	sdelay $0x1  }
0x160: {  	v9 =	vmul.f32 $2.000000030e-01, v8  }
0x161: {  	vm12 =	vge.f32 v8, $0.0e+00  }
0x162: {  	v8 =	vsel vm12, v8, v9  }
0x163: {  	v8 =	vmul.f32 $1.442695020e+00, v8;
	_ =	sdelay $0x1  }
0x164: {  	(erf) = vpow2.f32 v8;
	_ =	sdelay $0x3  }
0x165: {  	v8 =	vld [tilespmem:$0x7910]  }
0x166: {  	v34 =	vld [tilespmem:$0x7B10];
	_ =	sdelay $0x2  }
0x167: {  	s10 =	sadd.s32 $0x100, s4  }
0x168: {  	p3 =	slt.u32 s10, $0x29810;
	v35 =	vpop (erf)  }
0x169: {  	v10 =	vpsel !p3, $0x0, v35  }
0x16a: {  	[tilespmem:$0x7D00] =	vst v10  }
0x16b: {  	v8 =	vld.idx.msk [tilespmem:v8+s5+$0x0], $0xffff  }
0x16c: {  	v9 =	vld.idx.msk [tilespmem:v34+s14+$0x0], $0xffff;
	_ =	sdelay $0x4  }
0x16d: {  	v8 =	vadd.f32 v9, v8;
	_ =	sdelay $0x1  }
0x16e: {  	v9 =	vmul.f32 $2.000000030e-01, v8  }
0x16f: {  	vm13 =	vge.f32 v8, $0.0e+00  }
0x170: {  	v8 =	vsel vm13, v8, v9  }
0x171: {  	v8 =	vmul.f32 $1.442695020e+00, v8;
	_ =	sdelay $0x1  }
0x172: {  	(erf) = vpow2.f32 v8;
	_ =	sdelay $0x3  }
0x173: {  	v8 =	vld [tilespmem:$0x7920]  }
0x174: {  	v36 =	vld [tilespmem:$0x7B20];
	_ =	sdelay $0x2  }
0x175: {  	s10 =	sadd.s32 $0x110, s4  }
0x176: {  	p4 =	slt.u32 s10, $0x29810;
	v37 =	vpop (erf)  }
0x177: {  	v10 =	vpsel !p4, $0x0, v37  }
0x178: {  	[tilespmem:$0x7D10] =	vst v10  }
0x179: {  	v8 =	vld.idx.msk [tilespmem:v8+s5+$0x0], $0xffff  }
0x17a: {  	v9 =	vld.idx.msk [tilespmem:v36+s14+$0x0], $0xffff;
	_ =	sdelay $0x4  }
0x17b: {  	v8 =	vadd.f32 v9, v8;
	_ =	sdelay $0x1  }
0x17c: {  	v9 =	vmul.f32 $2.000000030e-01, v8  }
0x17d: {  	vm14 =	vge.f32 v8, $0.0e+00  }
0x17e: {  	v8 =	vsel vm14, v8, v9  }
0x17f: {  	v8 =	vmul.f32 $1.442695020e+00, v8;
	_ =	sdelay $0x1  }
0x180: {  	(erf) = vpow2.f32 v8;
	_ =	sdelay $0x3  }
0x181: {  	v8 =	vld [tilespmem:$0x7930]  }
0x182: {  	v38 =	vld [tilespmem:$0x7B30];
	_ =	sdelay $0x2  }
0x183: {  	s10 =	sadd.s32 $0x120, s4  }
0x184: {  	p5 =	slt.u32 s10, $0x29810;
	v39 =	vpop (erf)  }
0x185: {  	v10 =	vpsel !p5, $0x0, v39  }
0x186: {  	[tilespmem:$0x7D20] =	vst v10  }
0x187: {  	v8 =	vld.idx.msk [tilespmem:v8+s5+$0x0], $0xffff  }
0x188: {  	v9 =	vld.idx.msk [tilespmem:v38+s14+$0x0], $0xffff;
	_ =	sdelay $0x4  }
0x189: {  	v8 =	vadd.f32 v9, v8;
	_ =	sdelay $0x1  }
0x18a: {  	v9 =	vmul.f32 $2.000000030e-01, v8  }
0x18b: {  	vm15 =	vge.f32 v8, $0.0e+00  }
0x18c: {  	v8 =	vsel vm15, v8, v9  }
0x18d: {  	v8 =	vmul.f32 $1.442695020e+00, v8;
	_ =	sdelay $0x1  }
0x18e: {  	(erf) = vpow2.f32 v8;
	_ =	sdelay $0x3  }
0x18f: {  	v8 =	vld [tilespmem:$0x7940]  }
0x190: {  	v40 =	vld [tilespmem:$0x7B40];
	_ =	sdelay $0x2  }
0x191: {  	s10 =	sadd.s32 $0x130, s4  }
0x192: {  	p6 =	slt.u32 s10, $0x29810;
	v41 =	vpop (erf)  }
0x193: {  	v10 =	vpsel !p6, $0x0, v41  }
0x194: {  	[tilespmem:$0x7D30] =	vst v10  }
0x195: {  	v8 =	vld.idx.msk [tilespmem:v8+s5+$0x0], $0xffff  }
0x196: {  	v9 =	vld.idx.msk [tilespmem:v40+s14+$0x0], $0xffff;
	_ =	sdelay $0x4  }
0x197: {  	v8 =	vadd.f32 v9, v8;
	_ =	sdelay $0x1  }
0x198: {  	v9 =	vmul.f32 $2.000000030e-01, v8  }
0x199: {  	vm4 =	vge.f32 v8, $0.0e+00  }
0x19a: {  	v8 =	vsel vm4, v8, v9  }
0x19b: {  	v8 =	vmul.f32 $1.442695020e+00, v8;
	_ =	sdelay $0x1  }
0x19c: {  	(erf) = vpow2.f32 v8;
	_ =	sdelay $0x3  }
0x19d: {  	v8 =	vld [tilespmem:$0x7950]  }
0x19e: {  	v42 =	vld [tilespmem:$0x7B50];
	_ =	sdelay $0x2  }
0x19f: {  	s10 =	sadd.s32 $0x140, s4  }
0x1a0: {  	p1 =	slt.u32 s10, $0x29810;
	v43 =	vpop (erf)  }
0x1a1: {  	v10 =	vpsel !p1, $0x0, v43  }
0x1a2: {  	[tilespmem:$0x7D40] =	vst v10  }
0x1a3: {  	v8 =	vld.idx.msk [tilespmem:v8+s5+$0x0], $0xffff  }
0x1a4: {  	v9 =	vld.idx.msk [tilespmem:v42+s14+$0x0], $0xffff;
	_ =	sdelay $0x4  }
0x1a5: {  	v8 =	vadd.f32 v9, v8;
	_ =	sdelay $0x1  }
0x1a6: {  	v9 =	vmul.f32 $2.000000030e-01, v8  }
0x1a7: {  	vm5 =	vge.f32 v8, $0.0e+00  }
0x1a8: {  	v8 =	vsel vm5, v8, v9  }
0x1a9: {  	v8 =	vmul.f32 $1.442695020e+00, v8;
	_ =	sdelay $0x1  }
0x1aa: {  	(erf) = vpow2.f32 v8;
	_ =	sdelay $0x3  }
0x1ab: {  	v8 =	vld [tilespmem:$0x7960]  }
0x1ac: {  	v44 =	vld [tilespmem:$0x7B60];
	_ =	sdelay $0x2  }
0x1ad: {  	s10 =	sadd.s32 $0x150, s4  }
0x1ae: {  	p2 =	slt.u32 s10, $0x29810;
	v45 =	vpop (erf)  }
0x1af: {  	v10 =	vpsel !p2, $0x0, v45  }
0x1b0: {  	[tilespmem:$0x7D50] =	vst v10  }
0x1b1: {  	v8 =	vld.idx.msk [tilespmem:v8+s5+$0x0], $0xffff  }
0x1b2: {  	v9 =	vld.idx.msk [tilespmem:v44+s14+$0x0], $0xffff;
	_ =	sdelay $0x4  }
0x1b3: {  	v8 =	vadd.f32 v9, v8;
	_ =	sdelay $0x1  }
0x1b4: {  	v9 =	vmul.f32 $2.000000030e-01, v8  }
0x1b5: {  	vm6 =	vge.f32 v8, $0.0e+00  }
0x1b6: {  	v8 =	vsel vm6, v8, v9  }
0x1b7: {  	v8 =	vmul.f32 $1.442695020e+00, v8;
	_ =	sdelay $0x1  }
0x1b8: {  	(erf) = vpow2.f32 v8;
	_ =	sdelay $0x3  }
0x1b9: {  	v8 =	vld [tilespmem:$0x7970]  }
0x1ba: {  	v46 =	vld [tilespmem:$0x7B70];
	_ =	sdelay $0x2  }
0x1bb: {  	s10 =	sadd.s32 $0x160, s4  }
0x1bc: {  	p3 =	slt.u32 s10, $0x29810;
	v47 =	vpop (erf)  }
0x1bd: {  	v10 =	vpsel !p3, $0x0, v47  }
0x1be: {  	[tilespmem:$0x7D60] =	vst v10  }
0x1bf: {  	v8 =	vld.idx.msk [tilespmem:v8+s5+$0x0], $0xffff  }
0x1c0: {  	v9 =	vld.idx.msk [tilespmem:v46+s14+$0x0], $0xffff;
	_ =	sdelay $0x4  }
0x1c1: {  	v8 =	vadd.f32 v9, v8;
	_ =	sdelay $0x1  }
0x1c2: {  	v9 =	vmul.f32 $2.000000030e-01, v8  }
0x1c3: {  	vm7 =	vge.f32 v8, $0.0e+00  }
0x1c4: {  	v8 =	vsel vm7, v8, v9  }
0x1c5: {  	v8 =	vmul.f32 $1.442695020e+00, v8;
	_ =	sdelay $0x1  }
0x1c6: {  	(erf) = vpow2.f32 v8;
	_ =	sdelay $0x3  }
0x1c7: {  	v8 =	vld [tilespmem:$0x7980]  }
0x1c8: {  	v48 =	vld [tilespmem:$0x7B80];
	_ =	sdelay $0x2  }
0x1c9: {  	s10 =	sadd.s32 $0x170, s4  }
0x1ca: {  	p4 =	slt.u32 s10, $0x29810;
	v49 =	vpop (erf)  }
0x1cb: {  	v10 =	vpsel !p4, $0x0, v49  }
0x1cc: {  	[tilespmem:$0x7D70] =	vst v10  }
0x1cd: {  	v8 =	vld.idx.msk [tilespmem:v8+s5+$0x0], $0xffff  }
0x1ce: {  	v9 =	vld.idx.msk [tilespmem:v48+s14+$0x0], $0xffff;
	_ =	sdelay $0x4  }
0x1cf: {  	v8 =	vadd.f32 v9, v8;
	_ =	sdelay $0x1  }
0x1d0: {  	v9 =	vmul.f32 $2.000000030e-01, v8  }
0x1d1: {  	vm8 =	vge.f32 v8, $0.0e+00  }
0x1d2: {  	v8 =	vsel vm8, v8, v9  }
0x1d3: {  	v8 =	vmul.f32 $1.442695020e+00, v8;
	_ =	sdelay $0x1  }
0x1d4: {  	(erf) = vpow2.f32 v8;
	_ =	sdelay $0x3  }
0x1d5: {  	v8 =	vld [tilespmem:$0x7990]  }
0x1d6: {  	v50 =	vld [tilespmem:$0x7B90];
	_ =	sdelay $0x2  }
0x1d7: {  	s10 =	sadd.s32 $0x180, s4  }
0x1d8: {  	p5 =	slt.u32 s10, $0x29810;
	v51 =	vpop (erf)  }
0x1d9: {  	v10 =	vpsel !p5, $0x0, v51  }
0x1da: {  	[tilespmem:$0x7D80] =	vst v10  }
0x1db: {  	v8 =	vld.idx.msk [tilespmem:v8+s5+$0x0], $0xffff  }
0x1dc: {  	v9 =	vld.idx.msk [tilespmem:v50+s14+$0x0], $0xffff;
	_ =	sdelay $0x4  }
0x1dd: {  	v8 =	vadd.f32 v9, v8;
	_ =	sdelay $0x1  }
0x1de: {  	v9 =	vmul.f32 $2.000000030e-01, v8  }
0x1df: {  	vm9 =	vge.f32 v8, $0.0e+00  }
0x1e0: {  	v8 =	vsel vm9, v8, v9  }
0x1e1: {  	v8 =	vmul.f32 $1.442695020e+00, v8;
	_ =	sdelay $0x1  }
0x1e2: {  	(erf) = vpow2.f32 v8;
	_ =	sdelay $0x3  }
0x1e3: {  	v8 =	vld [tilespmem:$0x79A0]  }
0x1e4: {  	v52 =	vld [tilespmem:$0x7BA0];
	_ =	sdelay $0x2  }
0x1e5: {  	s10 =	sadd.s32 $0x190, s4  }
0x1e6: {  	p6 =	slt.u32 s10, $0x29810;
	v53 =	vpop (erf)  }
0x1e7: {  	v10 =	vpsel !p6, $0x0, v53  }
0x1e8: {  	[tilespmem:$0x7D90] =	vst v10  }
0x1e9: {  	v8 =	vld.idx.msk [tilespmem:v8+s5+$0x0], $0xffff  }
0x1ea: {  	v9 =	vld.idx.msk [tilespmem:v52+s14+$0x0], $0xffff;
	_ =	sdelay $0x4  }
0x1eb: {  	v8 =	vadd.f32 v9, v8;
	_ =	sdelay $0x1  }
0x1ec: {  	v9 =	vmul.f32 $2.000000030e-01, v8  }
0x1ed: {  	vm10 =	vge.f32 v8, $0.0e+00  }
0x1ee: {  	v8 =	vsel vm10, v8, v9  }
0x1ef: {  	v8 =	vmul.f32 $1.442695020e+00, v8;
	_ =	sdelay $0x1  }
0x1f0: {  	(erf) = vpow2.f32 v8;
	_ =	sdelay $0x3  }
0x1f1: {  	v8 =	vld [tilespmem:$0x79B0]  }
0x1f2: {  	v54 =	vld [tilespmem:$0x7BB0];
	_ =	sdelay $0x2  }
0x1f3: {  	s10 =	sadd.s32 $0x1A0, s4  }
0x1f4: {  	p1 =	slt.u32 s10, $0x29810;
	v55 =	vpop (erf)  }
0x1f5: {  	v10 =	vpsel !p1, $0x0, v55  }
0x1f6: {  	[tilespmem:$0x7DA0] =	vst v10  }
0x1f7: {  	v8 =	vld.idx.msk [tilespmem:v8+s5+$0x0], $0xffff  }
0x1f8: {  	v9 =	vld.idx.msk [tilespmem:v54+s14+$0x0], $0xffff;
	_ =	sdelay $0x4  }
0x1f9: {  	v8 =	vadd.f32 v9, v8;
	_ =	sdelay $0x1  }
0x1fa: {  	v9 =	vmul.f32 $2.000000030e-01, v8  }
0x1fb: {  	vm11 =	vge.f32 v8, $0.0e+00  }
0x1fc: {  	v8 =	vsel vm11, v8, v9  }
0x1fd: {  	v8 =	vmul.f32 $1.442695020e+00, v8;
	_ =	sdelay $0x1  }
0x1fe: {  	(erf) = vpow2.f32 v8;
	_ =	sdelay $0x3  }
0x1ff: {  	v8 =	vld [tilespmem:$0x79C0]  }
0x200: {  	v56 =	vld [tilespmem:$0x7BC0];
	_ =	sdelay $0x2  }
0x201: {  	s10 =	sadd.s32 $0x1B0, s4  }
0x202: {  	p2 =	slt.u32 s10, $0x29810;
	v57 =	vpop (erf)  }
0x203: {  	v10 =	vpsel !p2, $0x0, v57  }
0x204: {  	[tilespmem:$0x7DB0] =	vst v10  }
0x205: {  	v8 =	vld.idx.msk [tilespmem:v8+s5+$0x0], $0xffff  }
0x206: {  	v9 =	vld.idx.msk [tilespmem:v56+s14+$0x0], $0xffff;
	_ =	sdelay $0x4  }
0x207: {  	v8 =	vadd.f32 v9, v8;
	_ =	sdelay $0x1  }
0x208: {  	v9 =	vmul.f32 $2.000000030e-01, v8  }
0x209: {  	vm12 =	vge.f32 v8, $0.0e+00  }
0x20a: {  	v8 =	vsel vm12, v8, v9  }
0x20b: {  	v8 =	vmul.f32 $1.442695020e+00, v8;
	_ =	sdelay $0x1  }
0x20c: {  	(erf) = vpow2.f32 v8;
	_ =	sdelay $0x3  }
0x20d: {  	v8 =	vld [tilespmem:$0x79D0]  }
0x20e: {  	v58 =	vld [tilespmem:$0x7BD0];
	_ =	sdelay $0x2  }
0x20f: {  	s10 =	sadd.s32 $0x1C0, s4  }
0x210: {  	p3 =	slt.u32 s10, $0x29810;
	v59 =	vpop (erf)  }
0x211: {  	v10 =	vpsel !p3, $0x0, v59  }
0x212: {  	[tilespmem:$0x7DC0] =	vst v10  }
0x213: {  	v8 =	vld.idx.msk [tilespmem:v8+s5+$0x0], $0xffff  }
0x214: {  	v9 =	vld.idx.msk [tilespmem:v58+s14+$0x0], $0xffff;
	_ =	sdelay $0x4  }
0x215: {  	v8 =	vadd.f32 v9, v8;
	_ =	sdelay $0x1  }
0x216: {  	v9 =	vmul.f32 $2.000000030e-01, v8  }
0x217: {  	vm13 =	vge.f32 v8, $0.0e+00  }
0x218: {  	v8 =	vsel vm13, v8, v9  }
0x219: {  	v8 =	vmul.f32 $1.442695020e+00, v8;
	_ =	sdelay $0x1  }
0x21a: {  	(erf) = vpow2.f32 v8;
	_ =	sdelay $0x3  }
0x21b: {  	v8 =	vld [tilespmem:$0x79E0]  }
0x21c: {  	v60 =	vld [tilespmem:$0x7BE0];
	_ =	sdelay $0x2  }
0x21d: {  	s10 =	sadd.s32 $0x1D0, s4  }
0x21e: {  	p4 =	slt.u32 s10, $0x29810;
	v61 =	vpop (erf)  }
0x21f: {  	v10 =	vpsel !p4, $0x0, v61  }
0x220: {  	[tilespmem:$0x7DD0] =	vst v10  }
0x221: {  	v8 =	vld.idx.msk [tilespmem:v8+s5+$0x0], $0xffff  }
0x222: {  	v9 =	vld.idx.msk [tilespmem:v60+s14+$0x0], $0xffff;
	_ =	sdelay $0x4  }
0x223: {  	v8 =	vadd.f32 v9, v8;
	_ =	sdelay $0x1  }
0x224: {  	v9 =	vmul.f32 $2.000000030e-01, v8  }
0x225: {  	vm14 =	vge.f32 v8, $0.0e+00  }
0x226: {  	v8 =	vsel vm14, v8, v9  }
0x227: {  	v8 =	vmul.f32 $1.442695020e+00, v8;
	_ =	sdelay $0x1  }
0x228: {  	(erf) = vpow2.f32 v8;
	_ =	sdelay $0x3  }
0x229: {  	v8 =	vld [tilespmem:$0x79F0]  }
0x22a: {  	v62 =	vld [tilespmem:$0x7BF0];
	_ =	sdelay $0x2  }
0x22b: {  	s10 =	sadd.s32 $0x1E0, s4  }
0x22c: {  	p5 =	slt.u32 s10, $0x29810;
	v63 =	vpop (erf)  }
0x22d: {  	v10 =	vpsel !p5, $0x0, v63  }
0x22e: {  	[tilespmem:$0x7DE0] =	vst v10  }
0x22f: {  	v8 =	vld.idx.msk [tilespmem:v8+s5+$0x0], $0xffff  }
0x230: {  	v9 =	vld.idx.msk [tilespmem:v62+s14+$0x0], $0xffff;
	_ =	sdelay $0x4  }
0x231: {  	v8 =	vadd.f32 v9, v8;
	_ =	sdelay $0x1  }
0x232: {  	v9 =	vmul.f32 $2.000000030e-01, v8  }
0x233: {  	vm15 =	vge.f32 v8, $0.0e+00  }
0x234: {  	v8 =	vsel vm15, v8, v9  }
0x235: {  	v8 =	vmul.f32 $1.442695020e+00, v8;
	_ =	sdelay $0x1  }
0x236: {  	(erf) = vpow2.f32 v8;
	_ =	sdelay $0x5  }
0x237: {  	s29 =	sadd.s32 $0x200, s29  }
0x238: {  	p0 =	sne.s32 s29, $0x2A00  }
.Ltmp2:
0x239: {  	s4 =	sadd.s32 $0x1F0, s4;
	(pc) =	sbr.rel @p0 .LBB2_2-.Ltmp2, $4  }
0x23a: {  	p6 =	slt.u32 s4, $0x29810;
	v8 =	vpop (erf)  }
0x23b: {  	s15 =	sadd.s32 $0x40, s15;
	s26 =	smov.u32 s11;
	v8 =	vpsel !p6, $0x0, v8  }
0x23c: {  	s21 =	sadd.s32 $0x40, s21;
	s10 =	smov.u32 s28;
	s4 =	rddreg [dreg:$0x7];
	[tilespmem:$0x7DF0] =	vst v8  }
0x23d: {  	[spmem:s28] =	stream.indirect.scatter.add.f32 [tilespmem:s4], [sflag:$0x4], $0x1, s12, s1, $0x2000b8;
	[tilespmem:$0x1F700] =	vst v63  }
0x23e: {  	s1 =	simm.s32 $0x4  }
0x23f: {  	_ =	swait.ge [sflag:s1], $0x100  }
0x240: {  	[sflag:s1] =	ssyncset.done $0x0  }
0x241: {  	[sflag:s1] =	ssyncadd.s32 $0xFFFFFF00  }
0x242: {  	s4 =	simm.s32 $0xE;
	[bflag:$0x0] =	sbarrier.arrive $0xFFFF  }
0x243: {  	[tilespmem:s20], [sflag:$0xE] =	stream.linear.gather [spmem:s10], $0x2800, $0x200038;
	[tilespmem:$0x1F700] =	vst v63  }
0x244: {  	_ =	swait.ge [sflag:s4], $0x2800  }
0x245: {  	[sflag:s4] =	ssyncset.done $0x0  }
0x246: {  	[sflag:s4] =	ssyncadd.s32 $0xFFFFD800  }
0x247: {  	_ =	strace $0x90000049  }
0x248: {  	_ =	strace $0x8000004A  }
0x249: {  	s15 =	simm.s32 $0x0;
	s1 =	simm.s32 $0x7E00;
	s22 =	rddreg [dreg:$0xf]  }
0x24a: {  	[tilespmem:s1], [sflag:$0x5] =	stream.linear.gather [hbm4b:s22+s15], $0x20, $0x200038;
	[tilespmem:$0x1F700] =	vst v63  }
0x24b: {  	s29 =	simm.s32 $0x7F80;
	s26 =	rddreg [dreg:$0x10]  }
0x24c: {  	[tilespmem:s29], [sflag:$0x5] =	stream.linear.gather [hbm4b:s26+s15], $0x20, $0x200038;
	[tilespmem:$0x1F700] =	vst v63  }
0x24d: {  	s12 =	simm.s32 $0x8100;
	s10 =	rddreg [dreg:$0x11]  }
0x24e: {  	[tilespmem:s12], [sflag:$0x5] =	stream.linear.gather [hbm4b:s10+s15], $0x20, $0x200038;
	[tilespmem:$0x1F700] =	vst v63  }
0x24f: {  	s21 =	rddreg [dreg:$0x12];
	s22 =	simm.s32 $0x7E80  }
0x250: {  	[tilespmem:s22], [sflag:$0x6] =	stream.linear.gather [hbm4b:s21+s15], $0x20, $0x200038;
	[tilespmem:$0x1F700] =	vst v63  }
0x251: {  	s26 =	rddreg [dreg:$0x13];
	s29 =	simm.s32 $0x8000  }
0x252: {  	[tilespmem:s29], [sflag:$0x6] =	stream.linear.gather [hbm4b:s26+s15], $0x20, $0x200038;
	[tilespmem:$0x1F700] =	vst v63  }
0x253: {  	s12 =	rddreg [dreg:$0x14];
	s21 =	simm.s32 $0x8180  }
0x254: {  	[tilespmem:s21], [sflag:$0x6] =	stream.linear.gather [hbm4b:s12+s15], $0x20, $0x200038;
	[tilespmem:$0x1F700] =	vst v63  }
0x255: {  	s26 =	rddreg [dreg:$0x15];
	s29 =	simm.s32 $0x7F00  }
0x256: {  	[tilespmem:s29], [sflag:$0x7] =	stream.linear.gather [hbm4b:s26+s15], $0x20, $0x200038;
	[tilespmem:$0x1F700] =	vst v63  }
0x257: {  	s10 =	rddreg [dreg:$0x16];
	s12 =	simm.s32 $0x8080  }
0x258: {  	[tilespmem:s12], [sflag:$0x7] =	stream.linear.gather [hbm4b:s10+s15], $0x20, $0x200038;
	[tilespmem:$0x1F700] =	vst v63  }
0x259: {  	s21 =	rddreg [dreg:$0x17];
	s26 =	simm.s32 $0x8200;
	s29 =	simm.s32 $0x5  }
0x25a: {  	[tilespmem:s26], [sflag:$0x7] =	stream.linear.gather [hbm4b:s21+s15], $0x20, $0x200038;
	[tilespmem:$0x1F700] =	vst v63  }
0x25b: {  	_ =	swait.ge [sflag:s29], $0x20  }
0x25c: {  	[sflag:s29] =	ssyncset.done $0x0  }
0x25d: {  	[sflag:s29] =	ssyncadd.s32 $0xFFFFFFE0  }
0x25e: {  	_ =	swait.ge [sflag:s29], $0x20  }
0x25f: {  	[sflag:s29] =	ssyncset.done $0x0  }
0x260: {  	[sflag:s29] =	ssyncadd.s32 $0xFFFFFFE0  }
0x261: {  	_ =	swait.ge [sflag:s29], $0x20  }
0x262: {  	[sflag:s29] =	ssyncset.done $0x0  }
0x263: {  	[sflag:s29] =	ssyncadd.s32 $0xFFFFFFE0  }
0x264: {  	_ =	swait.ge [sflag:s30], $0x20  }
0x265: {  	[sflag:s30] =	ssyncset.done $0x0  }
0x266: {  	[sflag:s30] =	ssyncadd.s32 $0xFFFFFFE0  }
0x267: {  	_ =	swait.ge [sflag:s30], $0x20  }
0x268: {  	[sflag:s30] =	ssyncset.done $0x0  }
0x269: {  	[sflag:s30] =	ssyncadd.s32 $0xFFFFFFE0  }
0x26a: {  	_ =	swait.ge [sflag:s30], $0x20  }
0x26b: {  	[sflag:s30] =	ssyncset.done $0x0  }
0x26c: {  	[sflag:s30] =	ssyncadd.s32 $0xFFFFFFE0  }
0x26d: {  	[tilespmem:s7], [sflag:$0x8] =	stream.indirect.gather [hbm4b:s6+s31], $0x80, s1, s31, $0x2000b8;
	[tilespmem:$0x1F700] =	vst v63  }
0x26e: {  	s12 =	simm.s32 $0x100;
	s1 =	rddreg [dreg:$0x1]  }
.LBB2_4:
0x26f: {  	v8 =	vld [tilespmem:$0x7E00]  }
0x270: {  	v9 =	vld [tilespmem:$0x7F80];
	_ =	sdelay $0x5  }
0x271: {  	[tilespmem:$0x8280] =	vst v9  }
0x272: {  	v8 =	vld.idx.msk [tilespmem:v8+s5+$0x0], $0xffff  }
0x273: {  	v10 =	vld.idx.msk [tilespmem:v9+s14+$0x0], $0xffff;
	_ =	sdelay $0x4  }
0x274: {  	v8 =	vadd.f32 v10, v8;
	_ =	sdelay $0x1  }
0x275: {  	v10 =	vmul.f32 $2.000000030e-01, v8  }
0x276: {  	vm0 =	vge.f32 v8, $0.0e+00  }
0x277: {  	v9 =	vld.idx.msk [tilespmem:v9+s20+$0x0], $0xffff;
	v8 =	vsel vm0, v8, v10  }
0x278: {  	v8 =	vmul.f32 $1.442695020e+00, v8;
	_ =	sdelay $0x1  }
0x279: {  	(erf) = vpow2.f32 v8;
	_ =	sdelay $0x1  }
0x27a: {  	(erf) = vrcp.f32 v9;
	_ =	sdelay $0x2  }
0x27b: {  	v8 =	vld [tilespmem:$0x8100];
	_ =	sdelay $0x1  }
0x27c: {  	v57 =	vld [tilespmem:$0x7E10]  }
0x27d: {  	v11 =	vld [tilespmem:$0x7F90]  }
0x27e: {  	v58 =	vpop (erf)  }
0x27f: {  	v8 =	vmul.f32 v58, v8  }
0x280: {  	v59 =	vpop (erf)  }
0x281: {  	v8 =	vmul.f32 v8, v59  }
0x282: {  	[tilespmem:$0x8290] =	vst v11  }
0x283: {  	[tilespmem:$0xB400] =	vst v8  }
0x284: {  	v8 =	vld.idx.msk [tilespmem:v57+s5+$0x0], $0xffff  }
0x285: {  	v60 =	vld.idx.msk [tilespmem:v11+s14+$0x0], $0xffff;
	_ =	sdelay $0x4  }
0x286: {  	v8 =	vadd.f32 v60, v8;
	_ =	sdelay $0x1  }
0x287: {  	v9 =	vmul.f32 $2.000000030e-01, v8  }
0x288: {  	vm15 =	vge.f32 v8, $0.0e+00  }
0x289: {  	v61 =	vld.idx.msk [tilespmem:v11+s20+$0x0], $0xffff;
	v8 =	vsel vm15, v8, v9  }
0x28a: {  	v8 =	vmul.f32 $1.442695020e+00, v8;
	_ =	sdelay $0x1  }
0x28b: {  	(erf) = vpow2.f32 v8;
	_ =	sdelay $0x1  }
0x28c: {  	(erf) = vrcp.f32 v61;
	_ =	sdelay $0x2  }
0x28d: {  	v8 =	vld [tilespmem:$0x8110];
	_ =	sdelay $0x3  }
0x28e: {  	v62 =	vpop (erf)  }
0x28f: {  	v8 =	vmul.f32 v62, v8  }
0x290: {  	v63 =	vpop (erf)  }
0x291: {  	v8 =	vmul.f32 v8, v63  }
0x292: {  	p1 =	seq.s32 s15, $0x0  }
0x293: {  	s4 =	simm.s32 @!p1 $0xC;
	[tilespmem:$0xB410] =	vst v8  }
0x294: {  	_ =	swait.ge @!p1 [sflag:s4], $0x1000  }
0x295: {  	[sflag:s4] =	ssyncset.done @!p1 $0x0  }
0x296: {  	[sflag:s4] =	ssyncadd.s32 @!p1 $0xFFFFF000  }
0x297: {  	[tilespmem:s0], [sflag:$0x9] =	stream.indirect.gather [hbm4b:s6+s31], $0x80, s22, s31, $0x2000b8;
	[tilespmem:$0x1F700] =	vst v63  }
0x298: {  	_ =	swait.ge [sflag:s2], $0x1000  }
0x299: {  	[sflag:s2] =	ssyncset.done $0x0  }
0x29a: {  	s4 =	simm.s32 $0x7;
	[sflag:s2] =	ssyncadd.s32 $0xFFFFF000  }
.LBB2_5:
0x29b: {  	s10 =	sadd.s32 $0xFFFFFFF9, s4  }
0x29c: {  	v8 =	vmov s10  }
0x29d: {  	v9 =	vshll.u32 v8, $0x7  }
0x29e: {  	v10 =	vor.u32 v0, v9;
	_ =	sdelay $0x3  }
0x29f: {  	v8 =	vld.idx.msk [tilespmem:v8+s19+$0x0], $0xffff  }
0x2a0: {  	v11 =	vld.idx.msk [tilespmem:v10+s7+$0x0], $0xffff;
	_ =	sdelay $0x2  }
0x2a1: {  	v12 =	vor.u32 v1, v9;
	_ =	sdelay $0x1  }
0x2a2: {  	v11 =	vmul.f32 v11, v8;
	_ =	sdelay $0x1  }
0x2a3: {  	[tilespmem:v10+s7+$0x0] =	vst.idx.msk $0xffff, v11  }
0x2a4: {  	v10 =	vld.idx.msk [tilespmem:v12+s7+$0x0], $0xffff;
	_ =	sdelay $0x2  }
0x2a5: {  	v34 =	vor.u32 v2, v9;
	_ =	sdelay $0x1  }
0x2a6: {  	v10 =	vmul.f32 v10, v8;
	_ =	sdelay $0x1  }
0x2a7: {  	[tilespmem:v12+s7+$0x0] =	vst.idx.msk $0xffff, v10  }
0x2a8: {  	v10 =	vld.idx.msk [tilespmem:v34+s7+$0x0], $0xffff;
	_ =	sdelay $0x2  }
0x2a9: {  	v35 =	vor.u32 v3, v9;
	_ =	sdelay $0x1  }
0x2aa: {  	v10 =	vmul.f32 v10, v8;
	_ =	sdelay $0x1  }
0x2ab: {  	[tilespmem:v34+s7+$0x0] =	vst.idx.msk $0xffff, v10  }
0x2ac: {  	v10 =	vld.idx.msk [tilespmem:v35+s7+$0x0], $0xffff;
	_ =	sdelay $0x2  }
0x2ad: {  	v36 =	vor.u32 v4, v9;
	_ =	sdelay $0x1  }
0x2ae: {  	v10 =	vmul.f32 v10, v8;
	_ =	sdelay $0x1  }
0x2af: {  	[tilespmem:v35+s7+$0x0] =	vst.idx.msk $0xffff, v10  }
0x2b0: {  	v10 =	vld.idx.msk [tilespmem:v36+s7+$0x0], $0xffff;
	_ =	sdelay $0x2  }
0x2b1: {  	v37 =	vor.u32 v5, v9;
	_ =	sdelay $0x1  }
0x2b2: {  	v10 =	vmul.f32 v10, v8;
	_ =	sdelay $0x1  }
0x2b3: {  	[tilespmem:v36+s7+$0x0] =	vst.idx.msk $0xffff, v10  }
0x2b4: {  	v10 =	vld.idx.msk [tilespmem:v37+s7+$0x0], $0xffff;
	_ =	sdelay $0x2  }
0x2b5: {  	v38 =	vor.u32 v6, v9;
	_ =	sdelay $0x1  }
0x2b6: {  	v10 =	vmul.f32 v10, v8;
	_ =	sdelay $0x1  }
0x2b7: {  	[tilespmem:v37+s7+$0x0] =	vst.idx.msk $0xffff, v10  }
0x2b8: {  	v10 =	vld.idx.msk [tilespmem:v38+s7+$0x0], $0xffff;
	_ =	sdelay $0x2  }
0x2b9: {  	v9 =	vor.u32 v7, v9;
	_ =	sdelay $0x1  }
0x2ba: {  	v10 =	vmul.f32 v10, v8;
	_ =	sdelay $0x1  }
0x2bb: {  	[tilespmem:v38+s7+$0x0] =	vst.idx.msk $0xffff, v10  }
0x2bc: {  	v10 =	vld.idx.msk [tilespmem:v9+s7+$0x0], $0xffff  }
0x2bd: {  	s21 =	sadd.s32 $0xFFFFFFFA, s4  }
0x2be: {  	v39 =	vmov s21  }
0x2bf: {  	v40 =	vshll.u32 v39, $0x7  }
0x2c0: {  	v13 =	vor.u32 v0, v40  }
0x2c1: {  	v8 =	vmul.f32 v10, v8;
	_ =	sdelay $0x1  }
0x2c2: {  	[tilespmem:v9+s7+$0x0] =	vst.idx.msk $0xffff, v8  }
0x2c3: {  	v8 =	vld.idx.msk [tilespmem:v39+s19+$0x0], $0xffff  }
0x2c4: {  	v9 =	vld.idx.msk [tilespmem:v13+s7+$0x0], $0xffff;
	_ =	sdelay $0x2  }
0x2c5: {  	v41 =	vor.u32 v1, v40;
	_ =	sdelay $0x1  }
0x2c6: {  	v9 =	vmul.f32 v9, v8;
	_ =	sdelay $0x1  }
0x2c7: {  	[tilespmem:v13+s7+$0x0] =	vst.idx.msk $0xffff, v9  }
0x2c8: {  	v9 =	vld.idx.msk [tilespmem:v41+s7+$0x0], $0xffff;
	_ =	sdelay $0x2  }
0x2c9: {  	v42 =	vor.u32 v2, v40;
	_ =	sdelay $0x1  }
0x2ca: {  	v9 =	vmul.f32 v9, v8;
	_ =	sdelay $0x1  }
0x2cb: {  	[tilespmem:v41+s7+$0x0] =	vst.idx.msk $0xffff, v9  }
0x2cc: {  	v9 =	vld.idx.msk [tilespmem:v42+s7+$0x0], $0xffff;
	_ =	sdelay $0x2  }
0x2cd: {  	v43 =	vor.u32 v3, v40;
	_ =	sdelay $0x1  }
0x2ce: {  	v9 =	vmul.f32 v9, v8;
	_ =	sdelay $0x1  }
0x2cf: {  	[tilespmem:v42+s7+$0x0] =	vst.idx.msk $0xffff, v9  }
0x2d0: {  	v9 =	vld.idx.msk [tilespmem:v43+s7+$0x0], $0xffff;
	_ =	sdelay $0x2  }
0x2d1: {  	v44 =	vor.u32 v4, v40;
	_ =	sdelay $0x1  }
0x2d2: {  	v9 =	vmul.f32 v9, v8;
	_ =	sdelay $0x1  }
0x2d3: {  	[tilespmem:v43+s7+$0x0] =	vst.idx.msk $0xffff, v9  }
0x2d4: {  	v9 =	vld.idx.msk [tilespmem:v44+s7+$0x0], $0xffff;
	_ =	sdelay $0x2  }
0x2d5: {  	v45 =	vor.u32 v5, v40;
	_ =	sdelay $0x1  }
0x2d6: {  	v9 =	vmul.f32 v9, v8;
	_ =	sdelay $0x1  }
0x2d7: {  	[tilespmem:v44+s7+$0x0] =	vst.idx.msk $0xffff, v9  }
0x2d8: {  	v9 =	vld.idx.msk [tilespmem:v45+s7+$0x0], $0xffff;
	_ =	sdelay $0x2  }
0x2d9: {  	v46 =	vor.u32 v6, v40;
	_ =	sdelay $0x1  }
0x2da: {  	v9 =	vmul.f32 v9, v8;
	_ =	sdelay $0x1  }
0x2db: {  	[tilespmem:v45+s7+$0x0] =	vst.idx.msk $0xffff, v9  }
0x2dc: {  	v9 =	vld.idx.msk [tilespmem:v46+s7+$0x0], $0xffff;
	_ =	sdelay $0x2  }
0x2dd: {  	v47 =	vor.u32 v7, v40;
	_ =	sdelay $0x1  }
0x2de: {  	v9 =	vmul.f32 v9, v8;
	_ =	sdelay $0x1  }
0x2df: {  	[tilespmem:v46+s7+$0x0] =	vst.idx.msk $0xffff, v9  }
0x2e0: {  	v9 =	vld.idx.msk [tilespmem:v47+s7+$0x0], $0xffff  }
0x2e1: {  	s26 =	sadd.s32 $0xFFFFFFFB, s4  }
0x2e2: {  	v48 =	vmov s26  }
0x2e3: {  	v49 =	vshll.u32 v48, $0x7  }
0x2e4: {  	v50 =	vor.u32 v0, v49  }
0x2e5: {  	v8 =	vmul.f32 v9, v8;
	_ =	sdelay $0x1  }
0x2e6: {  	[tilespmem:v47+s7+$0x0] =	vst.idx.msk $0xffff, v8  }
0x2e7: {  	v8 =	vld.idx.msk [tilespmem:v48+s19+$0x0], $0xffff  }
0x2e8: {  	v51 =	vld.idx.msk [tilespmem:v50+s7+$0x0], $0xffff;
	_ =	sdelay $0x2  }
0x2e9: {  	v52 =	vor.u32 v1, v49;
	_ =	sdelay $0x1  }
0x2ea: {  	v9 =	vmul.f32 v51, v8;
	_ =	sdelay $0x1  }
0x2eb: {  	[tilespmem:v50+s7+$0x0] =	vst.idx.msk $0xffff, v9  }
0x2ec: {  	v9 =	vld.idx.msk [tilespmem:v52+s7+$0x0], $0xffff;
	_ =	sdelay $0x2  }
0x2ed: {  	v53 =	vor.u32 v2, v49;
	_ =	sdelay $0x1  }
0x2ee: {  	v9 =	vmul.f32 v9, v8;
	_ =	sdelay $0x1  }
0x2ef: {  	[tilespmem:v52+s7+$0x0] =	vst.idx.msk $0xffff, v9  }
0x2f0: {  	v9 =	vld.idx.msk [tilespmem:v53+s7+$0x0], $0xffff;
	_ =	sdelay $0x2  }
0x2f1: {  	v54 =	vor.u32 v3, v49;
	_ =	sdelay $0x1  }
0x2f2: {  	v9 =	vmul.f32 v9, v8;
	_ =	sdelay $0x1  }
0x2f3: {  	[tilespmem:v53+s7+$0x0] =	vst.idx.msk $0xffff, v9  }
0x2f4: {  	v9 =	vld.idx.msk [tilespmem:v54+s7+$0x0], $0xffff;
	_ =	sdelay $0x2  }
0x2f5: {  	v55 =	vor.u32 v4, v49;
	_ =	sdelay $0x1  }
0x2f6: {  	v9 =	vmul.f32 v9, v8;
	_ =	sdelay $0x1  }
0x2f7: {  	[tilespmem:v54+s7+$0x0] =	vst.idx.msk $0xffff, v9  }
0x2f8: {  	v9 =	vld.idx.msk [tilespmem:v55+s7+$0x0], $0xffff;
	_ =	sdelay $0x2  }
0x2f9: {  	v56 =	vor.u32 v5, v49;
	_ =	sdelay $0x1  }
0x2fa: {  	v9 =	vmul.f32 v9, v8;
	_ =	sdelay $0x1  }
0x2fb: {  	[tilespmem:v55+s7+$0x0] =	vst.idx.msk $0xffff, v9  }
0x2fc: {  	v9 =	vld.idx.msk [tilespmem:v56+s7+$0x0], $0xffff;
	_ =	sdelay $0x2  }
0x2fd: {  	v57 =	vor.u32 v6, v49;
	_ =	sdelay $0x1  }
0x2fe: {  	v9 =	vmul.f32 v9, v8;
	_ =	sdelay $0x1  }
0x2ff: {  	[tilespmem:v56+s7+$0x0] =	vst.idx.msk $0xffff, v9  }
0x300: {  	v9 =	vld.idx.msk [tilespmem:v57+s7+$0x0], $0xffff;
	_ =	sdelay $0x2  }
0x301: {  	v58 =	vor.u32 v7, v49;
	_ =	sdelay $0x1  }
0x302: {  	v9 =	vmul.f32 v9, v8;
	_ =	sdelay $0x1  }
0x303: {  	[tilespmem:v57+s7+$0x0] =	vst.idx.msk $0xffff, v9  }
0x304: {  	v9 =	vld.idx.msk [tilespmem:v58+s7+$0x0], $0xffff  }
0x305: {  	s29 =	sadd.s32 $0xFFFFFFFC, s4  }
0x306: {  	v59 =	vmov s29  }
0x307: {  	v60 =	vshll.u32 v59, $0x7  }
0x308: {  	v61 =	vor.u32 v0, v60  }
0x309: {  	v8 =	vmul.f32 v9, v8;
	_ =	sdelay $0x1  }
0x30a: {  	[tilespmem:v58+s7+$0x0] =	vst.idx.msk $0xffff, v8  }
0x30b: {  	v8 =	vld.idx.msk [tilespmem:v59+s19+$0x0], $0xffff  }
0x30c: {  	v62 =	vld.idx.msk [tilespmem:v61+s7+$0x0], $0xffff;
	_ =	sdelay $0x2  }
0x30d: {  	v63 =	vor.u32 v1, v60;
	_ =	sdelay $0x1  }
0x30e: {  	v9 =	vmul.f32 v62, v8;
	_ =	sdelay $0x1  }
0x30f: {  	[tilespmem:v61+s7+$0x0] =	vst.idx.msk $0xffff, v9  }
0x310: {  	v9 =	vld.idx.msk [tilespmem:v63+s7+$0x0], $0xffff;
	_ =	sdelay $0x2  }
0x311: {  	v14 =	vor.u32 v2, v60;
	_ =	sdelay $0x1  }
0x312: {  	v9 =	vmul.f32 v9, v8;
	_ =	sdelay $0x1  }
0x313: {  	[tilespmem:v63+s7+$0x0] =	vst.idx.msk $0xffff, v9  }
0x314: {  	v9 =	vld.idx.msk [tilespmem:v14+s7+$0x0], $0xffff;
	_ =	sdelay $0x2  }
0x315: {  	v15 =	vor.u32 v3, v60;
	_ =	sdelay $0x1  }
0x316: {  	v9 =	vmul.f32 v9, v8;
	_ =	sdelay $0x1  }
0x317: {  	[tilespmem:v14+s7+$0x0] =	vst.idx.msk $0xffff, v9  }
0x318: {  	v9 =	vld.idx.msk [tilespmem:v15+s7+$0x0], $0xffff;
	_ =	sdelay $0x2  }
0x319: {  	v16 =	vor.u32 v4, v60;
	_ =	sdelay $0x1  }
0x31a: {  	v9 =	vmul.f32 v9, v8;
	_ =	sdelay $0x1  }
0x31b: {  	[tilespmem:v15+s7+$0x0] =	vst.idx.msk $0xffff, v9  }
0x31c: {  	v9 =	vld.idx.msk [tilespmem:v16+s7+$0x0], $0xffff;
	_ =	sdelay $0x2  }
0x31d: {  	v17 =	vor.u32 v5, v60;
	_ =	sdelay $0x1  }
0x31e: {  	v9 =	vmul.f32 v9, v8;
	_ =	sdelay $0x1  }
0x31f: {  	[tilespmem:v16+s7+$0x0] =	vst.idx.msk $0xffff, v9  }
0x320: {  	v9 =	vld.idx.msk [tilespmem:v17+s7+$0x0], $0xffff;
	_ =	sdelay $0x2  }
0x321: {  	v18 =	vor.u32 v6, v60;
	_ =	sdelay $0x1  }
0x322: {  	v9 =	vmul.f32 v9, v8;
	_ =	sdelay $0x1  }
0x323: {  	[tilespmem:v17+s7+$0x0] =	vst.idx.msk $0xffff, v9  }
0x324: {  	v9 =	vld.idx.msk [tilespmem:v18+s7+$0x0], $0xffff;
	_ =	sdelay $0x2  }
0x325: {  	v19 =	vor.u32 v7, v60;
	_ =	sdelay $0x1  }
0x326: {  	v9 =	vmul.f32 v9, v8;
	_ =	sdelay $0x1  }
0x327: {  	[tilespmem:v18+s7+$0x0] =	vst.idx.msk $0xffff, v9  }
0x328: {  	v9 =	vld.idx.msk [tilespmem:v19+s7+$0x0], $0xffff  }
0x329: {  	s21 =	sadd.s32 $0xFFFFFFFD, s4  }
0x32a: {  	v20 =	vmov s21  }
0x32b: {  	v21 =	vshll.u32 v20, $0x7  }
0x32c: {  	v22 =	vor.u32 v0, v21  }
0x32d: {  	v8 =	vmul.f32 v9, v8;
	_ =	sdelay $0x1  }
0x32e: {  	[tilespmem:v19+s7+$0x0] =	vst.idx.msk $0xffff, v8  }
0x32f: {  	v8 =	vld.idx.msk [tilespmem:v20+s19+$0x0], $0xffff  }
0x330: {  	v23 =	vld.idx.msk [tilespmem:v22+s7+$0x0], $0xffff;
	_ =	sdelay $0x2  }
0x331: {  	v24 =	vor.u32 v1, v21;
	_ =	sdelay $0x1  }
0x332: {  	v9 =	vmul.f32 v23, v8;
	_ =	sdelay $0x1  }
0x333: {  	[tilespmem:v22+s7+$0x0] =	vst.idx.msk $0xffff, v9  }
0x334: {  	v9 =	vld.idx.msk [tilespmem:v24+s7+$0x0], $0xffff;
	_ =	sdelay $0x2  }
0x335: {  	v25 =	vor.u32 v2, v21;
	_ =	sdelay $0x1  }
0x336: {  	v9 =	vmul.f32 v9, v8;
	_ =	sdelay $0x1  }
0x337: {  	[tilespmem:v24+s7+$0x0] =	vst.idx.msk $0xffff, v9  }
0x338: {  	v9 =	vld.idx.msk [tilespmem:v25+s7+$0x0], $0xffff;
	_ =	sdelay $0x2  }
0x339: {  	v26 =	vor.u32 v3, v21;
	_ =	sdelay $0x1  }
0x33a: {  	v9 =	vmul.f32 v9, v8;
	_ =	sdelay $0x1  }
0x33b: {  	[tilespmem:v25+s7+$0x0] =	vst.idx.msk $0xffff, v9  }
0x33c: {  	v9 =	vld.idx.msk [tilespmem:v26+s7+$0x0], $0xffff;
	_ =	sdelay $0x2  }
0x33d: {  	v27 =	vor.u32 v4, v21;
	_ =	sdelay $0x1  }
0x33e: {  	v9 =	vmul.f32 v9, v8;
	_ =	sdelay $0x1  }
0x33f: {  	[tilespmem:v26+s7+$0x0] =	vst.idx.msk $0xffff, v9  }
0x340: {  	v9 =	vld.idx.msk [tilespmem:v27+s7+$0x0], $0xffff;
	_ =	sdelay $0x2  }
0x341: {  	v28 =	vor.u32 v5, v21;
	_ =	sdelay $0x1  }
0x342: {  	v9 =	vmul.f32 v9, v8;
	_ =	sdelay $0x1  }
0x343: {  	[tilespmem:v27+s7+$0x0] =	vst.idx.msk $0xffff, v9  }
0x344: {  	v9 =	vld.idx.msk [tilespmem:v28+s7+$0x0], $0xffff;
	_ =	sdelay $0x2  }
0x345: {  	v29 =	vor.u32 v6, v21;
	_ =	sdelay $0x1  }
0x346: {  	v9 =	vmul.f32 v9, v8;
	_ =	sdelay $0x1  }
0x347: {  	[tilespmem:v28+s7+$0x0] =	vst.idx.msk $0xffff, v9  }
0x348: {  	v9 =	vld.idx.msk [tilespmem:v29+s7+$0x0], $0xffff;
	_ =	sdelay $0x2  }
0x349: {  	v30 =	vor.u32 v7, v21;
	_ =	sdelay $0x1  }
0x34a: {  	v9 =	vmul.f32 v9, v8;
	_ =	sdelay $0x1  }
0x34b: {  	[tilespmem:v29+s7+$0x0] =	vst.idx.msk $0xffff, v9  }
0x34c: {  	v9 =	vld.idx.msk [tilespmem:v30+s7+$0x0], $0xffff  }
0x34d: {  	s26 =	sadd.s32 $0xFFFFFFFE, s4  }
0x34e: {  	v31 =	vmov s26  }
0x34f: {  	v32 =	vshll.u32 v31, $0x7  }
0x350: {  	v33 =	vor.u32 v0, v32  }
0x351: {  	v8 =	vmul.f32 v9, v8;
	_ =	sdelay $0x1  }
0x352: {  	[tilespmem:v30+s7+$0x0] =	vst.idx.msk $0xffff, v8  }
0x353: {  	v8 =	vld.idx.msk [tilespmem:v31+s19+$0x0], $0xffff  }
0x354: {  	v34 =	vld.idx.msk [tilespmem:v33+s7+$0x0], $0xffff;
	_ =	sdelay $0x2  }
0x355: {  	v35 =	vor.u32 v1, v32;
	_ =	sdelay $0x1  }
0x356: {  	v9 =	vmul.f32 v34, v8;
	_ =	sdelay $0x1  }
0x357: {  	[tilespmem:v33+s7+$0x0] =	vst.idx.msk $0xffff, v9  }
0x358: {  	v9 =	vld.idx.msk [tilespmem:v35+s7+$0x0], $0xffff;
	_ =	sdelay $0x2  }
0x359: {  	v36 =	vor.u32 v2, v32;
	_ =	sdelay $0x1  }
0x35a: {  	v9 =	vmul.f32 v9, v8;
	_ =	sdelay $0x1  }
0x35b: {  	[tilespmem:v35+s7+$0x0] =	vst.idx.msk $0xffff, v9  }
0x35c: {  	v9 =	vld.idx.msk [tilespmem:v36+s7+$0x0], $0xffff;
	_ =	sdelay $0x2  }
0x35d: {  	v37 =	vor.u32 v3, v32;
	_ =	sdelay $0x1  }
0x35e: {  	v9 =	vmul.f32 v9, v8;
	_ =	sdelay $0x1  }
0x35f: {  	[tilespmem:v36+s7+$0x0] =	vst.idx.msk $0xffff, v9  }
0x360: {  	v9 =	vld.idx.msk [tilespmem:v37+s7+$0x0], $0xffff;
	_ =	sdelay $0x2  }
0x361: {  	v38 =	vor.u32 v4, v32;
	_ =	sdelay $0x1  }
0x362: {  	v9 =	vmul.f32 v9, v8;
	_ =	sdelay $0x1  }
0x363: {  	[tilespmem:v37+s7+$0x0] =	vst.idx.msk $0xffff, v9  }
0x364: {  	v9 =	vld.idx.msk [tilespmem:v38+s7+$0x0], $0xffff;
	_ =	sdelay $0x2  }
0x365: {  	v39 =	vor.u32 v5, v32;
	_ =	sdelay $0x1  }
0x366: {  	v9 =	vmul.f32 v9, v8;
	_ =	sdelay $0x1  }
0x367: {  	[tilespmem:v38+s7+$0x0] =	vst.idx.msk $0xffff, v9  }
0x368: {  	v9 =	vld.idx.msk [tilespmem:v39+s7+$0x0], $0xffff;
	_ =	sdelay $0x2  }
0x369: {  	v40 =	vor.u32 v6, v32;
	_ =	sdelay $0x1  }
0x36a: {  	v9 =	vmul.f32 v9, v8;
	_ =	sdelay $0x1  }
0x36b: {  	[tilespmem:v39+s7+$0x0] =	vst.idx.msk $0xffff, v9  }
0x36c: {  	v9 =	vld.idx.msk [tilespmem:v40+s7+$0x0], $0xffff;
	_ =	sdelay $0x2  }
0x36d: {  	v41 =	vor.u32 v7, v32;
	_ =	sdelay $0x1  }
0x36e: {  	v9 =	vmul.f32 v9, v8;
	_ =	sdelay $0x1  }
0x36f: {  	[tilespmem:v40+s7+$0x0] =	vst.idx.msk $0xffff, v9  }
0x370: {  	v9 =	vld.idx.msk [tilespmem:v41+s7+$0x0], $0xffff  }
0x371: {  	s29 =	sadd.s32 $0xFFFFFFFF, s4  }
0x372: {  	v42 =	vmov s29  }
0x373: {  	v43 =	vshll.u32 v42, $0x7  }
0x374: {  	v44 =	vor.u32 v0, v43  }
0x375: {  	v8 =	vmul.f32 v9, v8;
	_ =	sdelay $0x1  }
0x376: {  	[tilespmem:v41+s7+$0x0] =	vst.idx.msk $0xffff, v8  }
0x377: {  	v8 =	vld.idx.msk [tilespmem:v42+s19+$0x0], $0xffff  }
0x378: {  	v45 =	vld.idx.msk [tilespmem:v44+s7+$0x0], $0xffff;
	_ =	sdelay $0x2  }
0x379: {  	v46 =	vor.u32 v1, v43;
	_ =	sdelay $0x1  }
0x37a: {  	v9 =	vmul.f32 v45, v8;
	_ =	sdelay $0x1  }
0x37b: {  	[tilespmem:v44+s7+$0x0] =	vst.idx.msk $0xffff, v9  }
0x37c: {  	v9 =	vld.idx.msk [tilespmem:v46+s7+$0x0], $0xffff;
	_ =	sdelay $0x2  }
0x37d: {  	v47 =	vor.u32 v2, v43;
	_ =	sdelay $0x1  }
0x37e: {  	v9 =	vmul.f32 v9, v8;
	_ =	sdelay $0x1  }
0x37f: {  	[tilespmem:v46+s7+$0x0] =	vst.idx.msk $0xffff, v9  }
0x380: {  	v9 =	vld.idx.msk [tilespmem:v47+s7+$0x0], $0xffff;
	_ =	sdelay $0x2  }
0x381: {  	v48 =	vor.u32 v3, v43;
	_ =	sdelay $0x1  }
0x382: {  	v9 =	vmul.f32 v9, v8;
	_ =	sdelay $0x1  }
0x383: {  	[tilespmem:v47+s7+$0x0] =	vst.idx.msk $0xffff, v9  }
0x384: {  	v9 =	vld.idx.msk [tilespmem:v48+s7+$0x0], $0xffff;
	_ =	sdelay $0x2  }
0x385: {  	v49 =	vor.u32 v4, v43;
	_ =	sdelay $0x1  }
0x386: {  	v9 =	vmul.f32 v9, v8;
	_ =	sdelay $0x1  }
0x387: {  	[tilespmem:v48+s7+$0x0] =	vst.idx.msk $0xffff, v9  }
0x388: {  	v9 =	vld.idx.msk [tilespmem:v49+s7+$0x0], $0xffff;
	_ =	sdelay $0x2  }
0x389: {  	v50 =	vor.u32 v5, v43;
	_ =	sdelay $0x1  }
0x38a: {  	v9 =	vmul.f32 v9, v8;
	_ =	sdelay $0x1  }
0x38b: {  	[tilespmem:v49+s7+$0x0] =	vst.idx.msk $0xffff, v9  }
0x38c: {  	v9 =	vld.idx.msk [tilespmem:v50+s7+$0x0], $0xffff;
	_ =	sdelay $0x2  }
0x38d: {  	v51 =	vor.u32 v6, v43;
	_ =	sdelay $0x1  }
0x38e: {  	v9 =	vmul.f32 v9, v8;
	_ =	sdelay $0x1  }
0x38f: {  	[tilespmem:v50+s7+$0x0] =	vst.idx.msk $0xffff, v9  }
0x390: {  	v9 =	vld.idx.msk [tilespmem:v51+s7+$0x0], $0xffff;
	_ =	sdelay $0x2  }
0x391: {  	v52 =	vor.u32 v7, v43;
	_ =	sdelay $0x1  }
0x392: {  	v9 =	vmul.f32 v9, v8;
	_ =	sdelay $0x1  }
0x393: {  	[tilespmem:v51+s7+$0x0] =	vst.idx.msk $0xffff, v9  }
0x394: {  	v9 =	vld.idx.msk [tilespmem:v52+s7+$0x0], $0xffff;
	_ =	sdelay $0x1  }
0x395: {  	v53 =	vmov s4  }
0x396: {  	v54 =	vshll.u32 v53, $0x7  }
0x397: {  	v55 =	vor.u32 v0, v54  }
0x398: {  	v8 =	vmul.f32 v9, v8;
	_ =	sdelay $0x1  }
0x399: {  	[tilespmem:v52+s7+$0x0] =	vst.idx.msk $0xffff, v8  }
0x39a: {  	v8 =	vld.idx.msk [tilespmem:v53+s19+$0x0], $0xffff  }
0x39b: {  	v56 =	vld.idx.msk [tilespmem:v55+s7+$0x0], $0xffff;
	_ =	sdelay $0x2  }
0x39c: {  	v57 =	vor.u32 v1, v54;
	_ =	sdelay $0x1  }
0x39d: {  	v9 =	vmul.f32 v56, v8;
	_ =	sdelay $0x1  }
0x39e: {  	[tilespmem:v55+s7+$0x0] =	vst.idx.msk $0xffff, v9  }
0x39f: {  	v9 =	vld.idx.msk [tilespmem:v57+s7+$0x0], $0xffff;
	_ =	sdelay $0x2  }
0x3a0: {  	v58 =	vor.u32 v2, v54;
	_ =	sdelay $0x1  }
0x3a1: {  	v9 =	vmul.f32 v9, v8;
	_ =	sdelay $0x1  }
0x3a2: {  	[tilespmem:v57+s7+$0x0] =	vst.idx.msk $0xffff, v9  }
0x3a3: {  	v9 =	vld.idx.msk [tilespmem:v58+s7+$0x0], $0xffff;
	_ =	sdelay $0x2  }
0x3a4: {  	v59 =	vor.u32 v3, v54;
	_ =	sdelay $0x1  }
0x3a5: {  	v9 =	vmul.f32 v9, v8;
	_ =	sdelay $0x1  }
0x3a6: {  	[tilespmem:v58+s7+$0x0] =	vst.idx.msk $0xffff, v9  }
0x3a7: {  	v9 =	vld.idx.msk [tilespmem:v59+s7+$0x0], $0xffff;
	_ =	sdelay $0x2  }
0x3a8: {  	v60 =	vor.u32 v4, v54;
	_ =	sdelay $0x1  }
0x3a9: {  	v9 =	vmul.f32 v9, v8;
	_ =	sdelay $0x1  }
0x3aa: {  	[tilespmem:v59+s7+$0x0] =	vst.idx.msk $0xffff, v9  }
0x3ab: {  	v9 =	vld.idx.msk [tilespmem:v60+s7+$0x0], $0xffff;
	_ =	sdelay $0x2  }
0x3ac: {  	v61 =	vor.u32 v5, v54;
	_ =	sdelay $0x1  }
0x3ad: {  	v9 =	vmul.f32 v9, v8;
	_ =	sdelay $0x1  }
0x3ae: {  	[tilespmem:v60+s7+$0x0] =	vst.idx.msk $0xffff, v9  }
0x3af: {  	v9 =	vld.idx.msk [tilespmem:v61+s7+$0x0], $0xffff;
	_ =	sdelay $0x2  }
0x3b0: {  	v62 =	vor.u32 v6, v54;
	_ =	sdelay $0x1  }
0x3b1: {  	v9 =	vmul.f32 v9, v8;
	_ =	sdelay $0x1  }
0x3b2: {  	[tilespmem:v61+s7+$0x0] =	vst.idx.msk $0xffff, v9  }
0x3b3: {  	v9 =	vld.idx.msk [tilespmem:v62+s7+$0x0], $0xffff;
	_ =	sdelay $0x2  }
0x3b4: {  	v63 =	vor.u32 v7, v54;
	_ =	sdelay $0x1  }
0x3b5: {  	v9 =	vmul.f32 v9, v8;
	_ =	sdelay $0x1  }
0x3b6: {  	[tilespmem:v62+s7+$0x0] =	vst.idx.msk $0xffff, v9  }
0x3b7: {  	v9 =	vld.idx.msk [tilespmem:v63+s7+$0x0], $0xffff;
	_ =	sdelay $0x1  }
0x3b8: {  	p0 =	sne.s32 s4, $0x1F  }
.Ltmp3:
0x3b9: {  	_ = 	snop;
	(pc) =	sbr.rel @p0 .LBB2_5-.Ltmp3, $3  }
0x3ba: {  	_ = 	snop  }
0x3bb: {  	v8 =	vmul.f32 v9, v8;
	_ =	sdelay $0x1  }
0x3bc: {  	s4 =	sadd.s32 $0x8, s4;
	[tilespmem:v63+s7+$0x0] =	vst.idx.msk $0xffff, v8  }
0x3bd: {  	s4 =	simm.s32 $0x8280  }
0x3be: {  	[spmem:s3] =	stream.indirect.scatter.add.f32 [tilespmem:s7], [sflag:$0xB], $0x80, s4, s31, $0x2000b8;
	[tilespmem:$0x1F700] =	vst v63  }
0x3bf: {  	_ =	swait.ge [sflag:s13], $0x20  }
0x3c0: {  	[sflag:s13] =	ssyncset.done $0x0  }
0x3c1: {  	[sflag:s13] =	ssyncadd.s32 $0xFFFFFFE0  }
0x3c2: {  	_ =	swait.ge [sflag:s13], $0x20  }
0x3c3: {  	[sflag:s13] =	ssyncset.done $0x0  }
0x3c4: {  	p0 =	seq.s32 s15, $0x37;
	[sflag:s13] =	ssyncadd.s32 $0xFFFFFFE0  }
0x3c5: {  	s4 =	smul.u32 @!p0 $0x60, s15;
	_ =	swait.ge [sflag:s13], $0x20  }
0x3c6: {  	s10 =	rddreg [dreg:$0x18]  }
0x3c7: {  	s10 =	sadd.s32 @!p0 s4, s10  }
0x3c8: {  	s26 =	simm.s32 @!p0 $0x0;
	[sflag:s13] =	ssyncset.done $0x0;
	s10 =	sshrl.u32 @!p0 s10, $0x3  }
0x3c9: {  	s29 =	simm.s32 @!p0 $0x7E00;
	[sflag:s13] =	ssyncadd.s32 $0xFFFFFFE0;
	s21 =	sadd.s32 @!p0 s1, s10  }
0x3ca: {  	[tilespmem:s29], [sflag:$0x5] =	stream.linear.gather @!p0 [hbm4b:s21+s26], $0x20, $0x200038;
	[tilespmem:$0x1F700] =	vst v63  }
0x3cb: {  	s21 =	sadd.s32 @!p0 s8, s10;
	s29 =	simm.s32 @!p0 $0x7F80  }
0x3cc: {  	[tilespmem:s29], [sflag:$0x5] =	stream.linear.gather @!p0 [hbm4b:s21+s26], $0x20, $0x200038;
	[tilespmem:$0x1F700] =	vst v63  }
0x3cd: {  	s10 =	sadd.s32 @!p0 s9, s10;
	s21 =	simm.s32 @!p0 $0x8100  }
0x3ce: {  	[tilespmem:s21], [sflag:$0x5] =	stream.linear.gather @!p0 [hbm4b:s10+s26], $0x20, $0x200038;
	[tilespmem:$0x1F700] =	vst v63  }
0x3cf: {  	v8 =	vld [tilespmem:$0x7E80]  }
0x3d0: {  	v9 =	vld [tilespmem:$0x8000];
	_ =	sdelay $0x5  }
0x3d1: {  	[tilespmem:$0x8300] =	vst v9  }
0x3d2: {  	v8 =	vld.idx.msk [tilespmem:v8+s5+$0x0], $0xffff  }
0x3d3: {  	v10 =	vld.idx.msk [tilespmem:v9+s14+$0x0], $0xffff;
	_ =	sdelay $0x4  }
0x3d4: {  	v8 =	vadd.f32 v10, v8;
	_ =	sdelay $0x1  }
0x3d5: {  	v10 =	vmul.f32 $2.000000030e-01, v8  }
0x3d6: {  	vm0 =	vge.f32 v8, $0.0e+00  }
0x3d7: {  	v9 =	vld.idx.msk [tilespmem:v9+s20+$0x0], $0xffff;
	v8 =	vsel vm0, v8, v10  }
0x3d8: {  	v8 =	vmul.f32 $1.442695020e+00, v8;
	_ =	sdelay $0x1  }
0x3d9: {  	(erf) = vpow2.f32 v8;
	_ =	sdelay $0x1  }
0x3da: {  	(erf) = vrcp.f32 v9;
	_ =	sdelay $0x2  }
0x3db: {  	v8 =	vld [tilespmem:$0x8180];
	_ =	sdelay $0x1  }
0x3dc: {  	v57 =	vld [tilespmem:$0x7E90]  }
0x3dd: {  	v11 =	vld [tilespmem:$0x8010]  }
0x3de: {  	v58 =	vpop (erf)  }
0x3df: {  	v8 =	vmul.f32 v58, v8  }
0x3e0: {  	v59 =	vpop (erf)  }
0x3e1: {  	v8 =	vmul.f32 v8, v59  }
0x3e2: {  	[tilespmem:$0x8310] =	vst v11  }
0x3e3: {  	[tilespmem:$0xB400] =	vst v8  }
0x3e4: {  	v8 =	vld.idx.msk [tilespmem:v57+s5+$0x0], $0xffff  }
0x3e5: {  	v60 =	vld.idx.msk [tilespmem:v11+s14+$0x0], $0xffff;
	_ =	sdelay $0x4  }
0x3e6: {  	v8 =	vadd.f32 v60, v8;
	_ =	sdelay $0x1  }
0x3e7: {  	v9 =	vmul.f32 $2.000000030e-01, v8  }
0x3e8: {  	vm15 =	vge.f32 v8, $0.0e+00  }
0x3e9: {  	v61 =	vld.idx.msk [tilespmem:v11+s20+$0x0], $0xffff;
	v8 =	vsel vm15, v8, v9  }
0x3ea: {  	v8 =	vmul.f32 $1.442695020e+00, v8;
	_ =	sdelay $0x1  }
0x3eb: {  	(erf) = vpow2.f32 v8;
	_ =	sdelay $0x1  }
0x3ec: {  	(erf) = vrcp.f32 v61;
	_ =	sdelay $0x2  }
0x3ed: {  	v8 =	vld [tilespmem:$0x8190];
	_ =	sdelay $0x3  }
0x3ee: {  	v62 =	vpop (erf)  }
0x3ef: {  	v8 =	vmul.f32 v62, v8  }
0x3f0: {  	v63 =	vpop (erf)  }
0x3f1: {  	v8 =	vmul.f32 v8, v63;
	_ =	sdelay $0x1  }
0x3f2: {  	s10 =	simm.s32 @!p1 $0xD;
	[tilespmem:$0xB410] =	vst v8  }
0x3f3: {  	_ =	swait.ge @!p1 [sflag:s10], $0x1000  }
0x3f4: {  	[sflag:s10] =	ssyncset.done @!p1 $0x0  }
0x3f5: {  	s29 =	simm.s32 $0x7F00;
	[sflag:s10] =	ssyncadd.s32 @!p1 $0xFFFFF000  }
0x3f6: {  	[tilespmem:s23], [sflag:$0xA] =	stream.indirect.gather [hbm4b:s6+s31], $0x80, s29, s31, $0x2000b8;
	[tilespmem:$0x1F700] =	vst v63  }
0x3f7: {  	_ =	swait.ge [sflag:s24], $0x1000  }
0x3f8: {  	[sflag:s24] =	ssyncset.done $0x0  }
0x3f9: {  	s21 =	simm.s32 $0x7;
	[sflag:s24] =	ssyncadd.s32 $0xFFFFF000  }
.LBB2_7:
0x3fa: {  	s10 =	sadd.s32 $0xFFFFFFF9, s21  }
0x3fb: {  	v8 =	vmov s10  }
0x3fc: {  	v9 =	vshll.u32 v8, $0x7  }
0x3fd: {  	v10 =	vor.u32 v0, v9;
	_ =	sdelay $0x3  }
0x3fe: {  	v8 =	vld.idx.msk [tilespmem:v8+s19+$0x0], $0xffff  }
0x3ff: {  	v11 =	vld.idx.msk [tilespmem:v10+s0+$0x0], $0xffff;
	_ =	sdelay $0x2  }
0x400: {  	v12 =	vor.u32 v1, v9;
	_ =	sdelay $0x1  }
0x401: {  	v11 =	vmul.f32 v11, v8;
	_ =	sdelay $0x1  }
0x402: {  	[tilespmem:v10+s0+$0x0] =	vst.idx.msk $0xffff, v11  }
0x403: {  	v10 =	vld.idx.msk [tilespmem:v12+s0+$0x0], $0xffff;
	_ =	sdelay $0x2  }
0x404: {  	v34 =	vor.u32 v2, v9;
	_ =	sdelay $0x1  }
0x405: {  	v10 =	vmul.f32 v10, v8;
	_ =	sdelay $0x1  }
0x406: {  	[tilespmem:v12+s0+$0x0] =	vst.idx.msk $0xffff, v10  }
0x407: {  	v10 =	vld.idx.msk [tilespmem:v34+s0+$0x0], $0xffff;
	_ =	sdelay $0x2  }
0x408: {  	v35 =	vor.u32 v3, v9;
	_ =	sdelay $0x1  }
0x409: {  	v10 =	vmul.f32 v10, v8;
	_ =	sdelay $0x1  }
0x40a: {  	[tilespmem:v34+s0+$0x0] =	vst.idx.msk $0xffff, v10  }
0x40b: {  	v10 =	vld.idx.msk [tilespmem:v35+s0+$0x0], $0xffff;
	_ =	sdelay $0x2  }
0x40c: {  	v36 =	vor.u32 v4, v9;
	_ =	sdelay $0x1  }
0x40d: {  	v10 =	vmul.f32 v10, v8;
	_ =	sdelay $0x1  }
0x40e: {  	[tilespmem:v35+s0+$0x0] =	vst.idx.msk $0xffff, v10  }
0x40f: {  	v10 =	vld.idx.msk [tilespmem:v36+s0+$0x0], $0xffff;
	_ =	sdelay $0x2  }
0x410: {  	v37 =	vor.u32 v5, v9;
	_ =	sdelay $0x1  }
0x411: {  	v10 =	vmul.f32 v10, v8;
	_ =	sdelay $0x1  }
0x412: {  	[tilespmem:v36+s0+$0x0] =	vst.idx.msk $0xffff, v10  }
0x413: {  	v10 =	vld.idx.msk [tilespmem:v37+s0+$0x0], $0xffff;
	_ =	sdelay $0x2  }
0x414: {  	v38 =	vor.u32 v6, v9;
	_ =	sdelay $0x1  }
0x415: {  	v10 =	vmul.f32 v10, v8;
	_ =	sdelay $0x1  }
0x416: {  	[tilespmem:v37+s0+$0x0] =	vst.idx.msk $0xffff, v10  }
0x417: {  	v10 =	vld.idx.msk [tilespmem:v38+s0+$0x0], $0xffff;
	_ =	sdelay $0x2  }
0x418: {  	v9 =	vor.u32 v7, v9;
	_ =	sdelay $0x1  }
0x419: {  	v10 =	vmul.f32 v10, v8;
	_ =	sdelay $0x1  }
0x41a: {  	[tilespmem:v38+s0+$0x0] =	vst.idx.msk $0xffff, v10  }
0x41b: {  	v10 =	vld.idx.msk [tilespmem:v9+s0+$0x0], $0xffff  }
0x41c: {  	s26 =	sadd.s32 $0xFFFFFFFA, s21  }
0x41d: {  	v39 =	vmov s26  }
0x41e: {  	v40 =	vshll.u32 v39, $0x7  }
0x41f: {  	v13 =	vor.u32 v0, v40  }
0x420: {  	v8 =	vmul.f32 v10, v8;
	_ =	sdelay $0x1  }
0x421: {  	[tilespmem:v9+s0+$0x0] =	vst.idx.msk $0xffff, v8  }
0x422: {  	v8 =	vld.idx.msk [tilespmem:v39+s19+$0x0], $0xffff  }
0x423: {  	v9 =	vld.idx.msk [tilespmem:v13+s0+$0x0], $0xffff;
	_ =	sdelay $0x2  }
0x424: {  	v41 =	vor.u32 v1, v40;
	_ =	sdelay $0x1  }
0x425: {  	v9 =	vmul.f32 v9, v8;
	_ =	sdelay $0x1  }
0x426: {  	[tilespmem:v13+s0+$0x0] =	vst.idx.msk $0xffff, v9  }
0x427: {  	v9 =	vld.idx.msk [tilespmem:v41+s0+$0x0], $0xffff;
	_ =	sdelay $0x2  }
0x428: {  	v42 =	vor.u32 v2, v40;
	_ =	sdelay $0x1  }
0x429: {  	v9 =	vmul.f32 v9, v8;
	_ =	sdelay $0x1  }
0x42a: {  	[tilespmem:v41+s0+$0x0] =	vst.idx.msk $0xffff, v9  }
0x42b: {  	v9 =	vld.idx.msk [tilespmem:v42+s0+$0x0], $0xffff;
	_ =	sdelay $0x2  }
0x42c: {  	v43 =	vor.u32 v3, v40;
	_ =	sdelay $0x1  }
0x42d: {  	v9 =	vmul.f32 v9, v8;
	_ =	sdelay $0x1  }
0x42e: {  	[tilespmem:v42+s0+$0x0] =	vst.idx.msk $0xffff, v9  }
0x42f: {  	v9 =	vld.idx.msk [tilespmem:v43+s0+$0x0], $0xffff;
	_ =	sdelay $0x2  }
0x430: {  	v44 =	vor.u32 v4, v40;
	_ =	sdelay $0x1  }
0x431: {  	v9 =	vmul.f32 v9, v8;
	_ =	sdelay $0x1  }
0x432: {  	[tilespmem:v43+s0+$0x0] =	vst.idx.msk $0xffff, v9  }
0x433: {  	v9 =	vld.idx.msk [tilespmem:v44+s0+$0x0], $0xffff;
	_ =	sdelay $0x2  }
0x434: {  	v45 =	vor.u32 v5, v40;
	_ =	sdelay $0x1  }
0x435: {  	v9 =	vmul.f32 v9, v8;
	_ =	sdelay $0x1  }
0x436: {  	[tilespmem:v44+s0+$0x0] =	vst.idx.msk $0xffff, v9  }
0x437: {  	v9 =	vld.idx.msk [tilespmem:v45+s0+$0x0], $0xffff;
	_ =	sdelay $0x2  }
0x438: {  	v46 =	vor.u32 v6, v40;
	_ =	sdelay $0x1  }
0x439: {  	v9 =	vmul.f32 v9, v8;
	_ =	sdelay $0x1  }
0x43a: {  	[tilespmem:v45+s0+$0x0] =	vst.idx.msk $0xffff, v9  }
0x43b: {  	v9 =	vld.idx.msk [tilespmem:v46+s0+$0x0], $0xffff;
	_ =	sdelay $0x2  }
0x43c: {  	v47 =	vor.u32 v7, v40;
	_ =	sdelay $0x1  }
0x43d: {  	v9 =	vmul.f32 v9, v8;
	_ =	sdelay $0x1  }
0x43e: {  	[tilespmem:v46+s0+$0x0] =	vst.idx.msk $0xffff, v9  }
0x43f: {  	v9 =	vld.idx.msk [tilespmem:v47+s0+$0x0], $0xffff  }
0x440: {  	s29 =	sadd.s32 $0xFFFFFFFB, s21  }
0x441: {  	v48 =	vmov s29  }
0x442: {  	v49 =	vshll.u32 v48, $0x7  }
0x443: {  	v50 =	vor.u32 v0, v49  }
0x444: {  	v8 =	vmul.f32 v9, v8;
	_ =	sdelay $0x1  }
0x445: {  	[tilespmem:v47+s0+$0x0] =	vst.idx.msk $0xffff, v8  }
0x446: {  	v8 =	vld.idx.msk [tilespmem:v48+s19+$0x0], $0xffff  }
0x447: {  	v51 =	vld.idx.msk [tilespmem:v50+s0+$0x0], $0xffff;
	_ =	sdelay $0x2  }
0x448: {  	v52 =	vor.u32 v1, v49;
	_ =	sdelay $0x1  }
0x449: {  	v9 =	vmul.f32 v51, v8;
	_ =	sdelay $0x1  }
0x44a: {  	[tilespmem:v50+s0+$0x0] =	vst.idx.msk $0xffff, v9  }
0x44b: {  	v9 =	vld.idx.msk [tilespmem:v52+s0+$0x0], $0xffff;
	_ =	sdelay $0x2  }
0x44c: {  	v53 =	vor.u32 v2, v49;
	_ =	sdelay $0x1  }
0x44d: {  	v9 =	vmul.f32 v9, v8;
	_ =	sdelay $0x1  }
0x44e: {  	[tilespmem:v52+s0+$0x0] =	vst.idx.msk $0xffff, v9  }
0x44f: {  	v9 =	vld.idx.msk [tilespmem:v53+s0+$0x0], $0xffff;
	_ =	sdelay $0x2  }
0x450: {  	v54 =	vor.u32 v3, v49;
	_ =	sdelay $0x1  }
0x451: {  	v9 =	vmul.f32 v9, v8;
	_ =	sdelay $0x1  }
0x452: {  	[tilespmem:v53+s0+$0x0] =	vst.idx.msk $0xffff, v9  }
0x453: {  	v9 =	vld.idx.msk [tilespmem:v54+s0+$0x0], $0xffff;
	_ =	sdelay $0x2  }
0x454: {  	v55 =	vor.u32 v4, v49;
	_ =	sdelay $0x1  }
0x455: {  	v9 =	vmul.f32 v9, v8;
	_ =	sdelay $0x1  }
0x456: {  	[tilespmem:v54+s0+$0x0] =	vst.idx.msk $0xffff, v9  }
0x457: {  	v9 =	vld.idx.msk [tilespmem:v55+s0+$0x0], $0xffff;
	_ =	sdelay $0x2  }
0x458: {  	v56 =	vor.u32 v5, v49;
	_ =	sdelay $0x1  }
0x459: {  	v9 =	vmul.f32 v9, v8;
	_ =	sdelay $0x1  }
0x45a: {  	[tilespmem:v55+s0+$0x0] =	vst.idx.msk $0xffff, v9  }
0x45b: {  	v9 =	vld.idx.msk [tilespmem:v56+s0+$0x0], $0xffff;
	_ =	sdelay $0x2  }
0x45c: {  	v57 =	vor.u32 v6, v49;
	_ =	sdelay $0x1  }
0x45d: {  	v9 =	vmul.f32 v9, v8;
	_ =	sdelay $0x1  }
0x45e: {  	[tilespmem:v56+s0+$0x0] =	vst.idx.msk $0xffff, v9  }
0x45f: {  	v9 =	vld.idx.msk [tilespmem:v57+s0+$0x0], $0xffff;
	_ =	sdelay $0x2  }
0x460: {  	v58 =	vor.u32 v7, v49;
	_ =	sdelay $0x1  }
0x461: {  	v9 =	vmul.f32 v9, v8;
	_ =	sdelay $0x1  }
0x462: {  	[tilespmem:v57+s0+$0x0] =	vst.idx.msk $0xffff, v9  }
0x463: {  	v9 =	vld.idx.msk [tilespmem:v58+s0+$0x0], $0xffff  }
0x464: {  	s26 =	sadd.s32 $0xFFFFFFFC, s21  }
0x465: {  	v59 =	vmov s26  }
0x466: {  	v60 =	vshll.u32 v59, $0x7  }
0x467: {  	v61 =	vor.u32 v0, v60  }
0x468: {  	v8 =	vmul.f32 v9, v8;
	_ =	sdelay $0x1  }
0x469: {  	[tilespmem:v58+s0+$0x0] =	vst.idx.msk $0xffff, v8  }
0x46a: {  	v8 =	vld.idx.msk [tilespmem:v59+s19+$0x0], $0xffff  }
0x46b: {  	v62 =	vld.idx.msk [tilespmem:v61+s0+$0x0], $0xffff;
	_ =	sdelay $0x2  }
0x46c: {  	v63 =	vor.u32 v1, v60;
	_ =	sdelay $0x1  }
0x46d: {  	v9 =	vmul.f32 v62, v8;
	_ =	sdelay $0x1  }
0x46e: {  	[tilespmem:v61+s0+$0x0] =	vst.idx.msk $0xffff, v9  }
0x46f: {  	v9 =	vld.idx.msk [tilespmem:v63+s0+$0x0], $0xffff;
	_ =	sdelay $0x2  }
0x470: {  	v14 =	vor.u32 v2, v60;
	_ =	sdelay $0x1  }
0x471: {  	v9 =	vmul.f32 v9, v8;
	_ =	sdelay $0x1  }
0x472: {  	[tilespmem:v63+s0+$0x0] =	vst.idx.msk $0xffff, v9  }
0x473: {  	v9 =	vld.idx.msk [tilespmem:v14+s0+$0x0], $0xffff;
	_ =	sdelay $0x2  }
0x474: {  	v15 =	vor.u32 v3, v60;
	_ =	sdelay $0x1  }
0x475: {  	v9 =	vmul.f32 v9, v8;
	_ =	sdelay $0x1  }
0x476: {  	[tilespmem:v14+s0+$0x0] =	vst.idx.msk $0xffff, v9  }
0x477: {  	v9 =	vld.idx.msk [tilespmem:v15+s0+$0x0], $0xffff;
	_ =	sdelay $0x2  }
0x478: {  	v16 =	vor.u32 v4, v60;
	_ =	sdelay $0x1  }
0x479: {  	v9 =	vmul.f32 v9, v8;
	_ =	sdelay $0x1  }
0x47a: {  	[tilespmem:v15+s0+$0x0] =	vst.idx.msk $0xffff, v9  }
0x47b: {  	v9 =	vld.idx.msk [tilespmem:v16+s0+$0x0], $0xffff;
	_ =	sdelay $0x2  }
0x47c: {  	v17 =	vor.u32 v5, v60;
	_ =	sdelay $0x1  }
0x47d: {  	v9 =	vmul.f32 v9, v8;
	_ =	sdelay $0x1  }
0x47e: {  	[tilespmem:v16+s0+$0x0] =	vst.idx.msk $0xffff, v9  }
0x47f: {  	v9 =	vld.idx.msk [tilespmem:v17+s0+$0x0], $0xffff;
	_ =	sdelay $0x2  }
0x480: {  	v18 =	vor.u32 v6, v60;
	_ =	sdelay $0x1  }
0x481: {  	v9 =	vmul.f32 v9, v8;
	_ =	sdelay $0x1  }
0x482: {  	[tilespmem:v17+s0+$0x0] =	vst.idx.msk $0xffff, v9  }
0x483: {  	v9 =	vld.idx.msk [tilespmem:v18+s0+$0x0], $0xffff;
	_ =	sdelay $0x2  }
0x484: {  	v19 =	vor.u32 v7, v60;
	_ =	sdelay $0x1  }
0x485: {  	v9 =	vmul.f32 v9, v8;
	_ =	sdelay $0x1  }
0x486: {  	[tilespmem:v18+s0+$0x0] =	vst.idx.msk $0xffff, v9  }
0x487: {  	v9 =	vld.idx.msk [tilespmem:v19+s0+$0x0], $0xffff  }
0x488: {  	s29 =	sadd.s32 $0xFFFFFFFD, s21  }
0x489: {  	v20 =	vmov s29  }
0x48a: {  	v21 =	vshll.u32 v20, $0x7  }
0x48b: {  	v22 =	vor.u32 v0, v21  }
0x48c: {  	v8 =	vmul.f32 v9, v8;
	_ =	sdelay $0x1  }
0x48d: {  	[tilespmem:v19+s0+$0x0] =	vst.idx.msk $0xffff, v8  }
0x48e: {  	v8 =	vld.idx.msk [tilespmem:v20+s19+$0x0], $0xffff  }
0x48f: {  	v23 =	vld.idx.msk [tilespmem:v22+s0+$0x0], $0xffff;
	_ =	sdelay $0x2  }
0x490: {  	v24 =	vor.u32 v1, v21;
	_ =	sdelay $0x1  }
0x491: {  	v9 =	vmul.f32 v23, v8;
	_ =	sdelay $0x1  }
0x492: {  	[tilespmem:v22+s0+$0x0] =	vst.idx.msk $0xffff, v9  }
0x493: {  	v9 =	vld.idx.msk [tilespmem:v24+s0+$0x0], $0xffff;
	_ =	sdelay $0x2  }
0x494: {  	v25 =	vor.u32 v2, v21;
	_ =	sdelay $0x1  }
0x495: {  	v9 =	vmul.f32 v9, v8;
	_ =	sdelay $0x1  }
0x496: {  	[tilespmem:v24+s0+$0x0] =	vst.idx.msk $0xffff, v9  }
0x497: {  	v9 =	vld.idx.msk [tilespmem:v25+s0+$0x0], $0xffff;
	_ =	sdelay $0x2  }
0x498: {  	v26 =	vor.u32 v3, v21;
	_ =	sdelay $0x1  }
0x499: {  	v9 =	vmul.f32 v9, v8;
	_ =	sdelay $0x1  }
0x49a: {  	[tilespmem:v25+s0+$0x0] =	vst.idx.msk $0xffff, v9  }
0x49b: {  	v9 =	vld.idx.msk [tilespmem:v26+s0+$0x0], $0xffff;
	_ =	sdelay $0x2  }
0x49c: {  	v27 =	vor.u32 v4, v21;
	_ =	sdelay $0x1  }
0x49d: {  	v9 =	vmul.f32 v9, v8;
	_ =	sdelay $0x1  }
0x49e: {  	[tilespmem:v26+s0+$0x0] =	vst.idx.msk $0xffff, v9  }
0x49f: {  	v9 =	vld.idx.msk [tilespmem:v27+s0+$0x0], $0xffff;
	_ =	sdelay $0x2  }
0x4a0: {  	v28 =	vor.u32 v5, v21;
	_ =	sdelay $0x1  }
0x4a1: {  	v9 =	vmul.f32 v9, v8;
	_ =	sdelay $0x1  }
0x4a2: {  	[tilespmem:v27+s0+$0x0] =	vst.idx.msk $0xffff, v9  }
0x4a3: {  	v9 =	vld.idx.msk [tilespmem:v28+s0+$0x0], $0xffff;
	_ =	sdelay $0x2  }
0x4a4: {  	v29 =	vor.u32 v6, v21;
	_ =	sdelay $0x1  }
0x4a5: {  	v9 =	vmul.f32 v9, v8;
	_ =	sdelay $0x1  }
0x4a6: {  	[tilespmem:v28+s0+$0x0] =	vst.idx.msk $0xffff, v9  }
0x4a7: {  	v9 =	vld.idx.msk [tilespmem:v29+s0+$0x0], $0xffff;
	_ =	sdelay $0x2  }
0x4a8: {  	v30 =	vor.u32 v7, v21;
	_ =	sdelay $0x1  }
0x4a9: {  	v9 =	vmul.f32 v9, v8;
	_ =	sdelay $0x1  }
0x4aa: {  	[tilespmem:v29+s0+$0x0] =	vst.idx.msk $0xffff, v9  }
0x4ab: {  	v9 =	vld.idx.msk [tilespmem:v30+s0+$0x0], $0xffff  }
0x4ac: {  	s26 =	sadd.s32 $0xFFFFFFFE, s21  }
0x4ad: {  	v31 =	vmov s26  }
0x4ae: {  	v32 =	vshll.u32 v31, $0x7  }
0x4af: {  	v33 =	vor.u32 v0, v32  }
0x4b0: {  	v8 =	vmul.f32 v9, v8;
	_ =	sdelay $0x1  }
0x4b1: {  	[tilespmem:v30+s0+$0x0] =	vst.idx.msk $0xffff, v8  }
0x4b2: {  	v8 =	vld.idx.msk [tilespmem:v31+s19+$0x0], $0xffff  }
0x4b3: {  	v34 =	vld.idx.msk [tilespmem:v33+s0+$0x0], $0xffff;
	_ =	sdelay $0x2  }
0x4b4: {  	v35 =	vor.u32 v1, v32;
	_ =	sdelay $0x1  }
0x4b5: {  	v9 =	vmul.f32 v34, v8;
	_ =	sdelay $0x1  }
0x4b6: {  	[tilespmem:v33+s0+$0x0] =	vst.idx.msk $0xffff, v9  }
0x4b7: {  	v9 =	vld.idx.msk [tilespmem:v35+s0+$0x0], $0xffff;
	_ =	sdelay $0x2  }
0x4b8: {  	v36 =	vor.u32 v2, v32;
	_ =	sdelay $0x1  }
0x4b9: {  	v9 =	vmul.f32 v9, v8;
	_ =	sdelay $0x1  }
0x4ba: {  	[tilespmem:v35+s0+$0x0] =	vst.idx.msk $0xffff, v9  }
0x4bb: {  	v9 =	vld.idx.msk [tilespmem:v36+s0+$0x0], $0xffff;
	_ =	sdelay $0x2  }
0x4bc: {  	v37 =	vor.u32 v3, v32;
	_ =	sdelay $0x1  }
0x4bd: {  	v9 =	vmul.f32 v9, v8;
	_ =	sdelay $0x1  }
0x4be: {  	[tilespmem:v36+s0+$0x0] =	vst.idx.msk $0xffff, v9  }
0x4bf: {  	v9 =	vld.idx.msk [tilespmem:v37+s0+$0x0], $0xffff;
	_ =	sdelay $0x2  }
0x4c0: {  	v38 =	vor.u32 v4, v32;
	_ =	sdelay $0x1  }
0x4c1: {  	v9 =	vmul.f32 v9, v8;
	_ =	sdelay $0x1  }
0x4c2: {  	[tilespmem:v37+s0+$0x0] =	vst.idx.msk $0xffff, v9  }
0x4c3: {  	v9 =	vld.idx.msk [tilespmem:v38+s0+$0x0], $0xffff;
	_ =	sdelay $0x2  }
0x4c4: {  	v39 =	vor.u32 v5, v32;
	_ =	sdelay $0x1  }
0x4c5: {  	v9 =	vmul.f32 v9, v8;
	_ =	sdelay $0x1  }
0x4c6: {  	[tilespmem:v38+s0+$0x0] =	vst.idx.msk $0xffff, v9  }
0x4c7: {  	v9 =	vld.idx.msk [tilespmem:v39+s0+$0x0], $0xffff;
	_ =	sdelay $0x2  }
0x4c8: {  	v40 =	vor.u32 v6, v32;
	_ =	sdelay $0x1  }
0x4c9: {  	v9 =	vmul.f32 v9, v8;
	_ =	sdelay $0x1  }
0x4ca: {  	[tilespmem:v39+s0+$0x0] =	vst.idx.msk $0xffff, v9  }
0x4cb: {  	v9 =	vld.idx.msk [tilespmem:v40+s0+$0x0], $0xffff;
	_ =	sdelay $0x2  }
0x4cc: {  	v41 =	vor.u32 v7, v32;
	_ =	sdelay $0x1  }
0x4cd: {  	v9 =	vmul.f32 v9, v8;
	_ =	sdelay $0x1  }
0x4ce: {  	[tilespmem:v40+s0+$0x0] =	vst.idx.msk $0xffff, v9  }
0x4cf: {  	v9 =	vld.idx.msk [tilespmem:v41+s0+$0x0], $0xffff  }
0x4d0: {  	s29 =	sadd.s32 $0xFFFFFFFF, s21  }
0x4d1: {  	v42 =	vmov s29  }
0x4d2: {  	v43 =	vshll.u32 v42, $0x7  }
0x4d3: {  	v44 =	vor.u32 v0, v43  }
0x4d4: {  	v8 =	vmul.f32 v9, v8;
	_ =	sdelay $0x1  }
0x4d5: {  	[tilespmem:v41+s0+$0x0] =	vst.idx.msk $0xffff, v8  }
0x4d6: {  	v8 =	vld.idx.msk [tilespmem:v42+s19+$0x0], $0xffff  }
0x4d7: {  	v45 =	vld.idx.msk [tilespmem:v44+s0+$0x0], $0xffff;
	_ =	sdelay $0x2  }
0x4d8: {  	v46 =	vor.u32 v1, v43;
	_ =	sdelay $0x1  }
0x4d9: {  	v9 =	vmul.f32 v45, v8;
	_ =	sdelay $0x1  }
0x4da: {  	[tilespmem:v44+s0+$0x0] =	vst.idx.msk $0xffff, v9  }
0x4db: {  	v9 =	vld.idx.msk [tilespmem:v46+s0+$0x0], $0xffff;
	_ =	sdelay $0x2  }
0x4dc: {  	v47 =	vor.u32 v2, v43;
	_ =	sdelay $0x1  }
0x4dd: {  	v9 =	vmul.f32 v9, v8;
	_ =	sdelay $0x1  }
0x4de: {  	[tilespmem:v46+s0+$0x0] =	vst.idx.msk $0xffff, v9  }
0x4df: {  	v9 =	vld.idx.msk [tilespmem:v47+s0+$0x0], $0xffff;
	_ =	sdelay $0x2  }
0x4e0: {  	v48 =	vor.u32 v3, v43;
	_ =	sdelay $0x1  }
0x4e1: {  	v9 =	vmul.f32 v9, v8;
	_ =	sdelay $0x1  }
0x4e2: {  	[tilespmem:v47+s0+$0x0] =	vst.idx.msk $0xffff, v9  }
0x4e3: {  	v9 =	vld.idx.msk [tilespmem:v48+s0+$0x0], $0xffff;
	_ =	sdelay $0x2  }
0x4e4: {  	v49 =	vor.u32 v4, v43;
	_ =	sdelay $0x1  }
0x4e5: {  	v9 =	vmul.f32 v9, v8;
	_ =	sdelay $0x1  }
0x4e6: {  	[tilespmem:v48+s0+$0x0] =	vst.idx.msk $0xffff, v9  }
0x4e7: {  	v9 =	vld.idx.msk [tilespmem:v49+s0+$0x0], $0xffff;
	_ =	sdelay $0x2  }
0x4e8: {  	v50 =	vor.u32 v5, v43;
	_ =	sdelay $0x1  }
0x4e9: {  	v9 =	vmul.f32 v9, v8;
	_ =	sdelay $0x1  }
0x4ea: {  	[tilespmem:v49+s0+$0x0] =	vst.idx.msk $0xffff, v9  }
0x4eb: {  	v9 =	vld.idx.msk [tilespmem:v50+s0+$0x0], $0xffff;
	_ =	sdelay $0x2  }
0x4ec: {  	v51 =	vor.u32 v6, v43;
	_ =	sdelay $0x1  }
0x4ed: {  	v9 =	vmul.f32 v9, v8;
	_ =	sdelay $0x1  }
0x4ee: {  	[tilespmem:v50+s0+$0x0] =	vst.idx.msk $0xffff, v9  }
0x4ef: {  	v9 =	vld.idx.msk [tilespmem:v51+s0+$0x0], $0xffff;
	_ =	sdelay $0x2  }
0x4f0: {  	v52 =	vor.u32 v7, v43;
	_ =	sdelay $0x1  }
0x4f1: {  	v9 =	vmul.f32 v9, v8;
	_ =	sdelay $0x1  }
0x4f2: {  	[tilespmem:v51+s0+$0x0] =	vst.idx.msk $0xffff, v9  }
0x4f3: {  	v9 =	vld.idx.msk [tilespmem:v52+s0+$0x0], $0xffff;
	_ =	sdelay $0x1  }
0x4f4: {  	v53 =	vmov s21  }
0x4f5: {  	v54 =	vshll.u32 v53, $0x7  }
0x4f6: {  	v55 =	vor.u32 v0, v54  }
0x4f7: {  	v8 =	vmul.f32 v9, v8;
	_ =	sdelay $0x1  }
0x4f8: {  	[tilespmem:v52+s0+$0x0] =	vst.idx.msk $0xffff, v8  }
0x4f9: {  	v8 =	vld.idx.msk [tilespmem:v53+s19+$0x0], $0xffff  }
0x4fa: {  	v56 =	vld.idx.msk [tilespmem:v55+s0+$0x0], $0xffff;
	_ =	sdelay $0x2  }
0x4fb: {  	v57 =	vor.u32 v1, v54;
	_ =	sdelay $0x1  }
0x4fc: {  	v9 =	vmul.f32 v56, v8;
	_ =	sdelay $0x1  }
0x4fd: {  	[tilespmem:v55+s0+$0x0] =	vst.idx.msk $0xffff, v9  }
0x4fe: {  	v9 =	vld.idx.msk [tilespmem:v57+s0+$0x0], $0xffff;
	_ =	sdelay $0x2  }
0x4ff: {  	v58 =	vor.u32 v2, v54;
	_ =	sdelay $0x1  }
0x500: {  	v9 =	vmul.f32 v9, v8;
	_ =	sdelay $0x1  }
0x501: {  	[tilespmem:v57+s0+$0x0] =	vst.idx.msk $0xffff, v9  }
0x502: {  	v9 =	vld.idx.msk [tilespmem:v58+s0+$0x0], $0xffff;
	_ =	sdelay $0x2  }
0x503: {  	v59 =	vor.u32 v3, v54;
	_ =	sdelay $0x1  }
0x504: {  	v9 =	vmul.f32 v9, v8;
	_ =	sdelay $0x1  }
0x505: {  	[tilespmem:v58+s0+$0x0] =	vst.idx.msk $0xffff, v9  }
0x506: {  	v9 =	vld.idx.msk [tilespmem:v59+s0+$0x0], $0xffff;
	_ =	sdelay $0x2  }
0x507: {  	v60 =	vor.u32 v4, v54;
	_ =	sdelay $0x1  }
0x508: {  	v9 =	vmul.f32 v9, v8;
	_ =	sdelay $0x1  }
0x509: {  	[tilespmem:v59+s0+$0x0] =	vst.idx.msk $0xffff, v9  }
0x50a: {  	v9 =	vld.idx.msk [tilespmem:v60+s0+$0x0], $0xffff;
	_ =	sdelay $0x2  }
0x50b: {  	v61 =	vor.u32 v5, v54;
	_ =	sdelay $0x1  }
0x50c: {  	v9 =	vmul.f32 v9, v8;
	_ =	sdelay $0x1  }
0x50d: {  	[tilespmem:v60+s0+$0x0] =	vst.idx.msk $0xffff, v9  }
0x50e: {  	v9 =	vld.idx.msk [tilespmem:v61+s0+$0x0], $0xffff;
	_ =	sdelay $0x2  }
0x50f: {  	v62 =	vor.u32 v6, v54;
	_ =	sdelay $0x1  }
0x510: {  	v9 =	vmul.f32 v9, v8;
	_ =	sdelay $0x1  }
0x511: {  	[tilespmem:v61+s0+$0x0] =	vst.idx.msk $0xffff, v9  }
0x512: {  	v9 =	vld.idx.msk [tilespmem:v62+s0+$0x0], $0xffff;
	_ =	sdelay $0x2  }
0x513: {  	v63 =	vor.u32 v7, v54;
	_ =	sdelay $0x1  }
0x514: {  	v9 =	vmul.f32 v9, v8;
	_ =	sdelay $0x1  }
0x515: {  	[tilespmem:v62+s0+$0x0] =	vst.idx.msk $0xffff, v9  }
0x516: {  	v9 =	vld.idx.msk [tilespmem:v63+s0+$0x0], $0xffff;
	_ =	sdelay $0x1  }
0x517: {  	p1 =	sne.s32 s21, $0x1F  }
.Ltmp4:
0x518: {  	_ = 	snop;
	(pc) =	sbr.rel @p1 .LBB2_7-.Ltmp4, $3  }
0x519: {  	_ = 	snop  }
0x51a: {  	v8 =	vmul.f32 v9, v8;
	_ =	sdelay $0x1  }
0x51b: {  	s21 =	sadd.s32 $0x8, s21;
	[tilespmem:v63+s0+$0x0] =	vst.idx.msk $0xffff, v8  }
0x51c: {  	s10 =	simm.s32 $0x8300  }
0x51d: {  	[spmem:s3] =	stream.indirect.scatter.add.f32 [tilespmem:s0], [sflag:$0xC], $0x80, s10, s31, $0x2000b8;
	[tilespmem:$0x1F700] =	vst v63  }
0x51e: {  	s10 =	simm.s32 @!p0 $0x5  }
0x51f: {  	_ =	swait.ge @!p0 [sflag:s10], $0x20  }
0x520: {  	[sflag:s10] =	ssyncset.done @!p0 $0x0  }
0x521: {  	[sflag:s10] =	ssyncadd.s32 @!p0 $0xFFFFFFE0  }
0x522: {  	_ =	swait.ge @!p0 [sflag:s10], $0x20  }
0x523: {  	[sflag:s10] =	ssyncset.done @!p0 $0x0  }
0x524: {  	[sflag:s10] =	ssyncadd.s32 @!p0 $0xFFFFFFE0  }
0x525: {  	_ =	swait.ge @!p0 [sflag:s10], $0x20  }
0x526: {  	s21 =	rddreg [dreg:$0x19]  }
0x527: {  	s4 =	sadd.s32 @!p0 s4, s21  }
0x528: {  	s26 =	simm.s32 @!p0 $0x7E80;
	[sflag:s10] =	ssyncset.done @!p0 $0x0;
	s4 =	sshrl.u32 @!p0 s4, $0x3  }
0x529: {  	[sflag:s10] =	ssyncadd.s32 @!p0 $0xFFFFFFE0;
	s21 =	simm.s32 @!p0 $0x0;
	s10 =	sadd.s32 @!p0 s1, s4  }
0x52a: {  	[tilespmem:s26], [sflag:$0x6] =	stream.linear.gather @!p0 [hbm4b:s10+s21], $0x20, $0x200038;
	[tilespmem:$0x1F700] =	vst v63  }
0x52b: {  	s10 =	sadd.s32 @!p0 s8, s4;
	s26 =	simm.s32 @!p0 $0x8000  }
0x52c: {  	[tilespmem:s26], [sflag:$0x6] =	stream.linear.gather @!p0 [hbm4b:s10+s21], $0x20, $0x200038;
	[tilespmem:$0x1F700] =	vst v63  }
0x52d: {  	s4 =	sadd.s32 @!p0 s9, s4;
	s10 =	simm.s32 @!p0 $0x8180  }
0x52e: {  	[tilespmem:s10], [sflag:$0x6] =	stream.linear.gather @!p0 [hbm4b:s4+s21], $0x20, $0x200038;
	[tilespmem:$0x1F700] =	vst v63  }
0x52f: {  	v8 =	vld [tilespmem:$0x7F00]  }
0x530: {  	v9 =	vld [tilespmem:$0x8080];
	_ =	sdelay $0x5  }
0x531: {  	[tilespmem:$0x8380] =	vst v9  }
0x532: {  	v8 =	vld.idx.msk [tilespmem:v8+s5+$0x0], $0xffff  }
0x533: {  	v10 =	vld.idx.msk [tilespmem:v9+s14+$0x0], $0xffff;
	_ =	sdelay $0x4  }
0x534: {  	v8 =	vadd.f32 v10, v8;
	_ =	sdelay $0x1  }
0x535: {  	v10 =	vmul.f32 $2.000000030e-01, v8  }
0x536: {  	vm0 =	vge.f32 v8, $0.0e+00  }
0x537: {  	v9 =	vld.idx.msk [tilespmem:v9+s20+$0x0], $0xffff;
	v8 =	vsel vm0, v8, v10  }
0x538: {  	v8 =	vmul.f32 $1.442695020e+00, v8;
	_ =	sdelay $0x1  }
0x539: {  	(erf) = vpow2.f32 v8;
	_ =	sdelay $0x1  }
0x53a: {  	(erf) = vrcp.f32 v9;
	_ =	sdelay $0x2  }
0x53b: {  	v8 =	vld [tilespmem:$0x8200];
	_ =	sdelay $0x1  }
0x53c: {  	v57 =	vld [tilespmem:$0x7F10]  }
0x53d: {  	v11 =	vld [tilespmem:$0x8090]  }
0x53e: {  	v58 =	vpop (erf)  }
0x53f: {  	v8 =	vmul.f32 v58, v8  }
0x540: {  	v59 =	vpop (erf)  }
0x541: {  	v8 =	vmul.f32 v8, v59  }
0x542: {  	[tilespmem:$0x8390] =	vst v11  }
0x543: {  	[tilespmem:$0xB400] =	vst v8  }
0x544: {  	v8 =	vld.idx.msk [tilespmem:v57+s5+$0x0], $0xffff  }
0x545: {  	v60 =	vld.idx.msk [tilespmem:v11+s14+$0x0], $0xffff;
	_ =	sdelay $0x4  }
0x546: {  	v8 =	vadd.f32 v60, v8;
	_ =	sdelay $0x1  }
0x547: {  	v9 =	vmul.f32 $2.000000030e-01, v8  }
0x548: {  	vm15 =	vge.f32 v8, $0.0e+00  }
0x549: {  	v61 =	vld.idx.msk [tilespmem:v11+s20+$0x0], $0xffff;
	v8 =	vsel vm15, v8, v9  }
0x54a: {  	v8 =	vmul.f32 $1.442695020e+00, v8;
	_ =	sdelay $0x1  }
0x54b: {  	(erf) = vpow2.f32 v8;
	_ =	sdelay $0x1  }
0x54c: {  	(erf) = vrcp.f32 v61;
	_ =	sdelay $0x2  }
0x54d: {  	v8 =	vld [tilespmem:$0x8210];
	_ =	sdelay $0x3  }
0x54e: {  	v62 =	vpop (erf)  }
0x54f: {  	v8 =	vmul.f32 v62, v8  }
0x550: {  	v63 =	vpop (erf)  }
0x551: {  	v8 =	vmul.f32 v8, v63;
	_ =	sdelay $0x1  }
0x552: {  	s4 =	simm.s32 @!p0 $0xB;
	[tilespmem:$0xB410] =	vst v8  }
0x553: {  	_ =	swait.ge @!p0 [sflag:s4], $0x1000  }
0x554: {  	s10 =	simm.s32 @!p0 $0x7E00;
	[sflag:s4] =	ssyncset.done @!p0 $0x0  }
0x555: {  	s21 =	simm.s32 @!p0 $0x8400;
	[sflag:s4] =	ssyncadd.s32 @!p0 $0xFFFFF000;
	s4 =	simm.s32 @!p0 $0x20  }
0x556: {  	[tilespmem:s21], [sflag:$0x8] =	stream.indirect.gather @!p0 [hbm4b:s6+s4], $0x80, s10, s4, $0x2000b8;
	[tilespmem:$0x1F700] =	vst v63  }
0x557: {  	_ =	swait.ge [sflag:s25], $0x1000  }
0x558: {  	[sflag:s25] =	ssyncset.done $0x0  }
0x559: {  	s4 =	simm.s32 $0x7;
	[sflag:s25] =	ssyncadd.s32 $0xFFFFF000  }
.LBB2_9:
0x55a: {  	s10 =	sadd.s32 $0xFFFFFFF9, s4  }
0x55b: {  	v8 =	vmov s10  }
0x55c: {  	v9 =	vshll.u32 v8, $0x7  }
0x55d: {  	v10 =	vor.u32 v0, v9;
	_ =	sdelay $0x3  }
0x55e: {  	v8 =	vld.idx.msk [tilespmem:v8+s19+$0x0], $0xffff  }
0x55f: {  	v11 =	vld.idx.msk [tilespmem:v10+s23+$0x0], $0xffff;
	_ =	sdelay $0x2  }
0x560: {  	v12 =	vor.u32 v1, v9;
	_ =	sdelay $0x1  }
0x561: {  	v11 =	vmul.f32 v11, v8;
	_ =	sdelay $0x1  }
0x562: {  	[tilespmem:v10+s23+$0x0] =	vst.idx.msk $0xffff, v11  }
0x563: {  	v10 =	vld.idx.msk [tilespmem:v12+s23+$0x0], $0xffff;
	_ =	sdelay $0x2  }
0x564: {  	v34 =	vor.u32 v2, v9;
	_ =	sdelay $0x1  }
0x565: {  	v10 =	vmul.f32 v10, v8;
	_ =	sdelay $0x1  }
0x566: {  	[tilespmem:v12+s23+$0x0] =	vst.idx.msk $0xffff, v10  }
0x567: {  	v10 =	vld.idx.msk [tilespmem:v34+s23+$0x0], $0xffff;
	_ =	sdelay $0x2  }
0x568: {  	v35 =	vor.u32 v3, v9;
	_ =	sdelay $0x1  }
0x569: {  	v10 =	vmul.f32 v10, v8;
	_ =	sdelay $0x1  }
0x56a: {  	[tilespmem:v34+s23+$0x0] =	vst.idx.msk $0xffff, v10  }
0x56b: {  	v10 =	vld.idx.msk [tilespmem:v35+s23+$0x0], $0xffff;
	_ =	sdelay $0x2  }
0x56c: {  	v36 =	vor.u32 v4, v9;
	_ =	sdelay $0x1  }
0x56d: {  	v10 =	vmul.f32 v10, v8;
	_ =	sdelay $0x1  }
0x56e: {  	[tilespmem:v35+s23+$0x0] =	vst.idx.msk $0xffff, v10  }
0x56f: {  	v10 =	vld.idx.msk [tilespmem:v36+s23+$0x0], $0xffff;
	_ =	sdelay $0x2  }
0x570: {  	v37 =	vor.u32 v5, v9;
	_ =	sdelay $0x1  }
0x571: {  	v10 =	vmul.f32 v10, v8;
	_ =	sdelay $0x1  }
0x572: {  	[tilespmem:v36+s23+$0x0] =	vst.idx.msk $0xffff, v10  }
0x573: {  	v10 =	vld.idx.msk [tilespmem:v37+s23+$0x0], $0xffff;
	_ =	sdelay $0x2  }
0x574: {  	v38 =	vor.u32 v6, v9;
	_ =	sdelay $0x1  }
0x575: {  	v10 =	vmul.f32 v10, v8;
	_ =	sdelay $0x1  }
0x576: {  	[tilespmem:v37+s23+$0x0] =	vst.idx.msk $0xffff, v10  }
0x577: {  	v10 =	vld.idx.msk [tilespmem:v38+s23+$0x0], $0xffff;
	_ =	sdelay $0x2  }
0x578: {  	v9 =	vor.u32 v7, v9;
	_ =	sdelay $0x1  }
0x579: {  	v10 =	vmul.f32 v10, v8;
	_ =	sdelay $0x1  }
0x57a: {  	[tilespmem:v38+s23+$0x0] =	vst.idx.msk $0xffff, v10  }
0x57b: {  	v10 =	vld.idx.msk [tilespmem:v9+s23+$0x0], $0xffff  }
0x57c: {  	s21 =	sadd.s32 $0xFFFFFFFA, s4  }
0x57d: {  	v39 =	vmov s21  }
0x57e: {  	v40 =	vshll.u32 v39, $0x7  }
0x57f: {  	v13 =	vor.u32 v0, v40  }
0x580: {  	v8 =	vmul.f32 v10, v8;
	_ =	sdelay $0x1  }
0x581: {  	[tilespmem:v9+s23+$0x0] =	vst.idx.msk $0xffff, v8  }
0x582: {  	v8 =	vld.idx.msk [tilespmem:v39+s19+$0x0], $0xffff  }
0x583: {  	v9 =	vld.idx.msk [tilespmem:v13+s23+$0x0], $0xffff;
	_ =	sdelay $0x2  }
0x584: {  	v41 =	vor.u32 v1, v40;
	_ =	sdelay $0x1  }
0x585: {  	v9 =	vmul.f32 v9, v8;
	_ =	sdelay $0x1  }
0x586: {  	[tilespmem:v13+s23+$0x0] =	vst.idx.msk $0xffff, v9  }
0x587: {  	v9 =	vld.idx.msk [tilespmem:v41+s23+$0x0], $0xffff;
	_ =	sdelay $0x2  }
0x588: {  	v42 =	vor.u32 v2, v40;
	_ =	sdelay $0x1  }
0x589: {  	v9 =	vmul.f32 v9, v8;
	_ =	sdelay $0x1  }
0x58a: {  	[tilespmem:v41+s23+$0x0] =	vst.idx.msk $0xffff, v9  }
0x58b: {  	v9 =	vld.idx.msk [tilespmem:v42+s23+$0x0], $0xffff;
	_ =	sdelay $0x2  }
0x58c: {  	v43 =	vor.u32 v3, v40;
	_ =	sdelay $0x1  }
0x58d: {  	v9 =	vmul.f32 v9, v8;
	_ =	sdelay $0x1  }
0x58e: {  	[tilespmem:v42+s23+$0x0] =	vst.idx.msk $0xffff, v9  }
0x58f: {  	v9 =	vld.idx.msk [tilespmem:v43+s23+$0x0], $0xffff;
	_ =	sdelay $0x2  }
0x590: {  	v44 =	vor.u32 v4, v40;
	_ =	sdelay $0x1  }
0x591: {  	v9 =	vmul.f32 v9, v8;
	_ =	sdelay $0x1  }
0x592: {  	[tilespmem:v43+s23+$0x0] =	vst.idx.msk $0xffff, v9  }
0x593: {  	v9 =	vld.idx.msk [tilespmem:v44+s23+$0x0], $0xffff;
	_ =	sdelay $0x2  }
0x594: {  	v45 =	vor.u32 v5, v40;
	_ =	sdelay $0x1  }
0x595: {  	v9 =	vmul.f32 v9, v8;
	_ =	sdelay $0x1  }
0x596: {  	[tilespmem:v44+s23+$0x0] =	vst.idx.msk $0xffff, v9  }
0x597: {  	v9 =	vld.idx.msk [tilespmem:v45+s23+$0x0], $0xffff;
	_ =	sdelay $0x2  }
0x598: {  	v46 =	vor.u32 v6, v40;
	_ =	sdelay $0x1  }
0x599: {  	v9 =	vmul.f32 v9, v8;
	_ =	sdelay $0x1  }
0x59a: {  	[tilespmem:v45+s23+$0x0] =	vst.idx.msk $0xffff, v9  }
0x59b: {  	v9 =	vld.idx.msk [tilespmem:v46+s23+$0x0], $0xffff;
	_ =	sdelay $0x2  }
0x59c: {  	v47 =	vor.u32 v7, v40;
	_ =	sdelay $0x1  }
0x59d: {  	v9 =	vmul.f32 v9, v8;
	_ =	sdelay $0x1  }
0x59e: {  	[tilespmem:v46+s23+$0x0] =	vst.idx.msk $0xffff, v9  }
0x59f: {  	v9 =	vld.idx.msk [tilespmem:v47+s23+$0x0], $0xffff  }
0x5a0: {  	s26 =	sadd.s32 $0xFFFFFFFB, s4  }
0x5a1: {  	v48 =	vmov s26  }
0x5a2: {  	v49 =	vshll.u32 v48, $0x7  }
0x5a3: {  	v50 =	vor.u32 v0, v49  }
0x5a4: {  	v8 =	vmul.f32 v9, v8;
	_ =	sdelay $0x1  }
0x5a5: {  	[tilespmem:v47+s23+$0x0] =	vst.idx.msk $0xffff, v8  }
0x5a6: {  	v8 =	vld.idx.msk [tilespmem:v48+s19+$0x0], $0xffff  }
0x5a7: {  	v51 =	vld.idx.msk [tilespmem:v50+s23+$0x0], $0xffff;
	_ =	sdelay $0x2  }
0x5a8: {  	v52 =	vor.u32 v1, v49;
	_ =	sdelay $0x1  }
0x5a9: {  	v9 =	vmul.f32 v51, v8;
	_ =	sdelay $0x1  }
0x5aa: {  	[tilespmem:v50+s23+$0x0] =	vst.idx.msk $0xffff, v9  }
0x5ab: {  	v9 =	vld.idx.msk [tilespmem:v52+s23+$0x0], $0xffff;
	_ =	sdelay $0x2  }
0x5ac: {  	v53 =	vor.u32 v2, v49;
	_ =	sdelay $0x1  }
0x5ad: {  	v9 =	vmul.f32 v9, v8;
	_ =	sdelay $0x1  }
0x5ae: {  	[tilespmem:v52+s23+$0x0] =	vst.idx.msk $0xffff, v9  }
0x5af: {  	v9 =	vld.idx.msk [tilespmem:v53+s23+$0x0], $0xffff;
	_ =	sdelay $0x2  }
0x5b0: {  	v54 =	vor.u32 v3, v49;
	_ =	sdelay $0x1  }
0x5b1: {  	v9 =	vmul.f32 v9, v8;
	_ =	sdelay $0x1  }
0x5b2: {  	[tilespmem:v53+s23+$0x0] =	vst.idx.msk $0xffff, v9  }
0x5b3: {  	v9 =	vld.idx.msk [tilespmem:v54+s23+$0x0], $0xffff;
	_ =	sdelay $0x2  }
0x5b4: {  	v55 =	vor.u32 v4, v49;
	_ =	sdelay $0x1  }
0x5b5: {  	v9 =	vmul.f32 v9, v8;
	_ =	sdelay $0x1  }
0x5b6: {  	[tilespmem:v54+s23+$0x0] =	vst.idx.msk $0xffff, v9  }
0x5b7: {  	v9 =	vld.idx.msk [tilespmem:v55+s23+$0x0], $0xffff;
	_ =	sdelay $0x2  }
0x5b8: {  	v56 =	vor.u32 v5, v49;
	_ =	sdelay $0x1  }
0x5b9: {  	v9 =	vmul.f32 v9, v8;
	_ =	sdelay $0x1  }
0x5ba: {  	[tilespmem:v55+s23+$0x0] =	vst.idx.msk $0xffff, v9  }
0x5bb: {  	v9 =	vld.idx.msk [tilespmem:v56+s23+$0x0], $0xffff;
	_ =	sdelay $0x2  }
0x5bc: {  	v57 =	vor.u32 v6, v49;
	_ =	sdelay $0x1  }
0x5bd: {  	v9 =	vmul.f32 v9, v8;
	_ =	sdelay $0x1  }
0x5be: {  	[tilespmem:v56+s23+$0x0] =	vst.idx.msk $0xffff, v9  }
0x5bf: {  	v9 =	vld.idx.msk [tilespmem:v57+s23+$0x0], $0xffff;
	_ =	sdelay $0x2  }
0x5c0: {  	v58 =	vor.u32 v7, v49;
	_ =	sdelay $0x1  }
0x5c1: {  	v9 =	vmul.f32 v9, v8;
	_ =	sdelay $0x1  }
0x5c2: {  	[tilespmem:v57+s23+$0x0] =	vst.idx.msk $0xffff, v9  }
0x5c3: {  	v9 =	vld.idx.msk [tilespmem:v58+s23+$0x0], $0xffff  }
0x5c4: {  	s29 =	sadd.s32 $0xFFFFFFFC, s4  }
0x5c5: {  	v59 =	vmov s29  }
0x5c6: {  	v60 =	vshll.u32 v59, $0x7  }
0x5c7: {  	v61 =	vor.u32 v0, v60  }
0x5c8: {  	v8 =	vmul.f32 v9, v8;
	_ =	sdelay $0x1  }
0x5c9: {  	[tilespmem:v58+s23+$0x0] =	vst.idx.msk $0xffff, v8  }
0x5ca: {  	v8 =	vld.idx.msk [tilespmem:v59+s19+$0x0], $0xffff  }
0x5cb: {  	v62 =	vld.idx.msk [tilespmem:v61+s23+$0x0], $0xffff;
	_ =	sdelay $0x2  }
0x5cc: {  	v63 =	vor.u32 v1, v60;
	_ =	sdelay $0x1  }
0x5cd: {  	v9 =	vmul.f32 v62, v8;
	_ =	sdelay $0x1  }
0x5ce: {  	[tilespmem:v61+s23+$0x0] =	vst.idx.msk $0xffff, v9  }
0x5cf: {  	v9 =	vld.idx.msk [tilespmem:v63+s23+$0x0], $0xffff;
	_ =	sdelay $0x2  }
0x5d0: {  	v14 =	vor.u32 v2, v60;
	_ =	sdelay $0x1  }
0x5d1: {  	v9 =	vmul.f32 v9, v8;
	_ =	sdelay $0x1  }
0x5d2: {  	[tilespmem:v63+s23+$0x0] =	vst.idx.msk $0xffff, v9  }
0x5d3: {  	v9 =	vld.idx.msk [tilespmem:v14+s23+$0x0], $0xffff;
	_ =	sdelay $0x2  }
0x5d4: {  	v15 =	vor.u32 v3, v60;
	_ =	sdelay $0x1  }
0x5d5: {  	v9 =	vmul.f32 v9, v8;
	_ =	sdelay $0x1  }
0x5d6: {  	[tilespmem:v14+s23+$0x0] =	vst.idx.msk $0xffff, v9  }
0x5d7: {  	v9 =	vld.idx.msk [tilespmem:v15+s23+$0x0], $0xffff;
	_ =	sdelay $0x2  }
0x5d8: {  	v16 =	vor.u32 v4, v60;
	_ =	sdelay $0x1  }
0x5d9: {  	v9 =	vmul.f32 v9, v8;
	_ =	sdelay $0x1  }
0x5da: {  	[tilespmem:v15+s23+$0x0] =	vst.idx.msk $0xffff, v9  }
0x5db: {  	v9 =	vld.idx.msk [tilespmem:v16+s23+$0x0], $0xffff;
	_ =	sdelay $0x2  }
0x5dc: {  	v17 =	vor.u32 v5, v60;
	_ =	sdelay $0x1  }
0x5dd: {  	v9 =	vmul.f32 v9, v8;
	_ =	sdelay $0x1  }
0x5de: {  	[tilespmem:v16+s23+$0x0] =	vst.idx.msk $0xffff, v9  }
0x5df: {  	v9 =	vld.idx.msk [tilespmem:v17+s23+$0x0], $0xffff;
	_ =	sdelay $0x2  }
0x5e0: {  	v18 =	vor.u32 v6, v60;
	_ =	sdelay $0x1  }
0x5e1: {  	v9 =	vmul.f32 v9, v8;
	_ =	sdelay $0x1  }
0x5e2: {  	[tilespmem:v17+s23+$0x0] =	vst.idx.msk $0xffff, v9  }
0x5e3: {  	v9 =	vld.idx.msk [tilespmem:v18+s23+$0x0], $0xffff;
	_ =	sdelay $0x2  }
0x5e4: {  	v19 =	vor.u32 v7, v60;
	_ =	sdelay $0x1  }
0x5e5: {  	v9 =	vmul.f32 v9, v8;
	_ =	sdelay $0x1  }
0x5e6: {  	[tilespmem:v18+s23+$0x0] =	vst.idx.msk $0xffff, v9  }
0x5e7: {  	v9 =	vld.idx.msk [tilespmem:v19+s23+$0x0], $0xffff  }
0x5e8: {  	s21 =	sadd.s32 $0xFFFFFFFD, s4  }
0x5e9: {  	v20 =	vmov s21  }
0x5ea: {  	v21 =	vshll.u32 v20, $0x7  }
0x5eb: {  	v22 =	vor.u32 v0, v21  }
0x5ec: {  	v8 =	vmul.f32 v9, v8;
	_ =	sdelay $0x1  }
0x5ed: {  	[tilespmem:v19+s23+$0x0] =	vst.idx.msk $0xffff, v8  }
0x5ee: {  	v8 =	vld.idx.msk [tilespmem:v20+s19+$0x0], $0xffff  }
0x5ef: {  	v23 =	vld.idx.msk [tilespmem:v22+s23+$0x0], $0xffff;
	_ =	sdelay $0x2  }
0x5f0: {  	v24 =	vor.u32 v1, v21;
	_ =	sdelay $0x1  }
0x5f1: {  	v9 =	vmul.f32 v23, v8;
	_ =	sdelay $0x1  }
0x5f2: {  	[tilespmem:v22+s23+$0x0] =	vst.idx.msk $0xffff, v9  }
0x5f3: {  	v9 =	vld.idx.msk [tilespmem:v24+s23+$0x0], $0xffff;
	_ =	sdelay $0x2  }
0x5f4: {  	v25 =	vor.u32 v2, v21;
	_ =	sdelay $0x1  }
0x5f5: {  	v9 =	vmul.f32 v9, v8;
	_ =	sdelay $0x1  }
0x5f6: {  	[tilespmem:v24+s23+$0x0] =	vst.idx.msk $0xffff, v9  }
0x5f7: {  	v9 =	vld.idx.msk [tilespmem:v25+s23+$0x0], $0xffff;
	_ =	sdelay $0x2  }
0x5f8: {  	v26 =	vor.u32 v3, v21;
	_ =	sdelay $0x1  }
0x5f9: {  	v9 =	vmul.f32 v9, v8;
	_ =	sdelay $0x1  }
0x5fa: {  	[tilespmem:v25+s23+$0x0] =	vst.idx.msk $0xffff, v9  }
0x5fb: {  	v9 =	vld.idx.msk [tilespmem:v26+s23+$0x0], $0xffff;
	_ =	sdelay $0x2  }
0x5fc: {  	v27 =	vor.u32 v4, v21;
	_ =	sdelay $0x1  }
0x5fd: {  	v9 =	vmul.f32 v9, v8;
	_ =	sdelay $0x1  }
0x5fe: {  	[tilespmem:v26+s23+$0x0] =	vst.idx.msk $0xffff, v9  }
0x5ff: {  	v9 =	vld.idx.msk [tilespmem:v27+s23+$0x0], $0xffff;
	_ =	sdelay $0x2  }
0x600: {  	v28 =	vor.u32 v5, v21;
	_ =	sdelay $0x1  }
0x601: {  	v9 =	vmul.f32 v9, v8;
	_ =	sdelay $0x1  }
0x602: {  	[tilespmem:v27+s23+$0x0] =	vst.idx.msk $0xffff, v9  }
0x603: {  	v9 =	vld.idx.msk [tilespmem:v28+s23+$0x0], $0xffff;
	_ =	sdelay $0x2  }
0x604: {  	v29 =	vor.u32 v6, v21;
	_ =	sdelay $0x1  }
0x605: {  	v9 =	vmul.f32 v9, v8;
	_ =	sdelay $0x1  }
0x606: {  	[tilespmem:v28+s23+$0x0] =	vst.idx.msk $0xffff, v9  }
0x607: {  	v9 =	vld.idx.msk [tilespmem:v29+s23+$0x0], $0xffff;
	_ =	sdelay $0x2  }
0x608: {  	v30 =	vor.u32 v7, v21;
	_ =	sdelay $0x1  }
0x609: {  	v9 =	vmul.f32 v9, v8;
	_ =	sdelay $0x1  }
0x60a: {  	[tilespmem:v29+s23+$0x0] =	vst.idx.msk $0xffff, v9  }
0x60b: {  	v9 =	vld.idx.msk [tilespmem:v30+s23+$0x0], $0xffff  }
0x60c: {  	s26 =	sadd.s32 $0xFFFFFFFE, s4  }
0x60d: {  	v31 =	vmov s26  }
0x60e: {  	v32 =	vshll.u32 v31, $0x7  }
0x60f: {  	v33 =	vor.u32 v0, v32  }
0x610: {  	v8 =	vmul.f32 v9, v8;
	_ =	sdelay $0x1  }
0x611: {  	[tilespmem:v30+s23+$0x0] =	vst.idx.msk $0xffff, v8  }
0x612: {  	v8 =	vld.idx.msk [tilespmem:v31+s19+$0x0], $0xffff  }
0x613: {  	v34 =	vld.idx.msk [tilespmem:v33+s23+$0x0], $0xffff;
	_ =	sdelay $0x2  }
0x614: {  	v35 =	vor.u32 v1, v32;
	_ =	sdelay $0x1  }
0x615: {  	v9 =	vmul.f32 v34, v8;
	_ =	sdelay $0x1  }
0x616: {  	[tilespmem:v33+s23+$0x0] =	vst.idx.msk $0xffff, v9  }
0x617: {  	v9 =	vld.idx.msk [tilespmem:v35+s23+$0x0], $0xffff;
	_ =	sdelay $0x2  }
0x618: {  	v36 =	vor.u32 v2, v32;
	_ =	sdelay $0x1  }
0x619: {  	v9 =	vmul.f32 v9, v8;
	_ =	sdelay $0x1  }
0x61a: {  	[tilespmem:v35+s23+$0x0] =	vst.idx.msk $0xffff, v9  }
0x61b: {  	v9 =	vld.idx.msk [tilespmem:v36+s23+$0x0], $0xffff;
	_ =	sdelay $0x2  }
0x61c: {  	v37 =	vor.u32 v3, v32;
	_ =	sdelay $0x1  }
0x61d: {  	v9 =	vmul.f32 v9, v8;
	_ =	sdelay $0x1  }
0x61e: {  	[tilespmem:v36+s23+$0x0] =	vst.idx.msk $0xffff, v9  }
0x61f: {  	v9 =	vld.idx.msk [tilespmem:v37+s23+$0x0], $0xffff;
	_ =	sdelay $0x2  }
0x620: {  	v38 =	vor.u32 v4, v32;
	_ =	sdelay $0x1  }
0x621: {  	v9 =	vmul.f32 v9, v8;
	_ =	sdelay $0x1  }
0x622: {  	[tilespmem:v37+s23+$0x0] =	vst.idx.msk $0xffff, v9  }
0x623: {  	v9 =	vld.idx.msk [tilespmem:v38+s23+$0x0], $0xffff;
	_ =	sdelay $0x2  }
0x624: {  	v39 =	vor.u32 v5, v32;
	_ =	sdelay $0x1  }
0x625: {  	v9 =	vmul.f32 v9, v8;
	_ =	sdelay $0x1  }
0x626: {  	[tilespmem:v38+s23+$0x0] =	vst.idx.msk $0xffff, v9  }
0x627: {  	v9 =	vld.idx.msk [tilespmem:v39+s23+$0x0], $0xffff;
	_ =	sdelay $0x2  }
0x628: {  	v40 =	vor.u32 v6, v32;
	_ =	sdelay $0x1  }
0x629: {  	v9 =	vmul.f32 v9, v8;
	_ =	sdelay $0x1  }
0x62a: {  	[tilespmem:v39+s23+$0x0] =	vst.idx.msk $0xffff, v9  }
0x62b: {  	v9 =	vld.idx.msk [tilespmem:v40+s23+$0x0], $0xffff;
	_ =	sdelay $0x2  }
0x62c: {  	v41 =	vor.u32 v7, v32;
	_ =	sdelay $0x1  }
0x62d: {  	v9 =	vmul.f32 v9, v8;
	_ =	sdelay $0x1  }
0x62e: {  	[tilespmem:v40+s23+$0x0] =	vst.idx.msk $0xffff, v9  }
0x62f: {  	v9 =	vld.idx.msk [tilespmem:v41+s23+$0x0], $0xffff  }
0x630: {  	s29 =	sadd.s32 $0xFFFFFFFF, s4  }
0x631: {  	v42 =	vmov s29  }
0x632: {  	v43 =	vshll.u32 v42, $0x7  }
0x633: {  	v44 =	vor.u32 v0, v43  }
0x634: {  	v8 =	vmul.f32 v9, v8;
	_ =	sdelay $0x1  }
0x635: {  	[tilespmem:v41+s23+$0x0] =	vst.idx.msk $0xffff, v8  }
0x636: {  	v8 =	vld.idx.msk [tilespmem:v42+s19+$0x0], $0xffff  }
0x637: {  	v45 =	vld.idx.msk [tilespmem:v44+s23+$0x0], $0xffff;
	_ =	sdelay $0x2  }
0x638: {  	v46 =	vor.u32 v1, v43;
	_ =	sdelay $0x1  }
0x639: {  	v9 =	vmul.f32 v45, v8;
	_ =	sdelay $0x1  }
0x63a: {  	[tilespmem:v44+s23+$0x0] =	vst.idx.msk $0xffff, v9  }
0x63b: {  	v9 =	vld.idx.msk [tilespmem:v46+s23+$0x0], $0xffff;
	_ =	sdelay $0x2  }
0x63c: {  	v47 =	vor.u32 v2, v43;
	_ =	sdelay $0x1  }
0x63d: {  	v9 =	vmul.f32 v9, v8;
	_ =	sdelay $0x1  }
0x63e: {  	[tilespmem:v46+s23+$0x0] =	vst.idx.msk $0xffff, v9  }
0x63f: {  	v9 =	vld.idx.msk [tilespmem:v47+s23+$0x0], $0xffff;
	_ =	sdelay $0x2  }
0x640: {  	v48 =	vor.u32 v3, v43;
	_ =	sdelay $0x1  }
0x641: {  	v9 =	vmul.f32 v9, v8;
	_ =	sdelay $0x1  }
0x642: {  	[tilespmem:v47+s23+$0x0] =	vst.idx.msk $0xffff, v9  }
0x643: {  	v9 =	vld.idx.msk [tilespmem:v48+s23+$0x0], $0xffff;
	_ =	sdelay $0x2  }
0x644: {  	v49 =	vor.u32 v4, v43;
	_ =	sdelay $0x1  }
0x645: {  	v9 =	vmul.f32 v9, v8;
	_ =	sdelay $0x1  }
0x646: {  	[tilespmem:v48+s23+$0x0] =	vst.idx.msk $0xffff, v9  }
0x647: {  	v9 =	vld.idx.msk [tilespmem:v49+s23+$0x0], $0xffff;
	_ =	sdelay $0x2  }
0x648: {  	v50 =	vor.u32 v5, v43;
	_ =	sdelay $0x1  }
0x649: {  	v9 =	vmul.f32 v9, v8;
	_ =	sdelay $0x1  }
0x64a: {  	[tilespmem:v49+s23+$0x0] =	vst.idx.msk $0xffff, v9  }
0x64b: {  	v9 =	vld.idx.msk [tilespmem:v50+s23+$0x0], $0xffff;
	_ =	sdelay $0x2  }
0x64c: {  	v51 =	vor.u32 v6, v43;
	_ =	sdelay $0x1  }
0x64d: {  	v9 =	vmul.f32 v9, v8;
	_ =	sdelay $0x1  }
0x64e: {  	[tilespmem:v50+s23+$0x0] =	vst.idx.msk $0xffff, v9  }
0x64f: {  	v9 =	vld.idx.msk [tilespmem:v51+s23+$0x0], $0xffff;
	_ =	sdelay $0x2  }
0x650: {  	v52 =	vor.u32 v7, v43;
	_ =	sdelay $0x1  }
0x651: {  	v9 =	vmul.f32 v9, v8;
	_ =	sdelay $0x1  }
0x652: {  	[tilespmem:v51+s23+$0x0] =	vst.idx.msk $0xffff, v9  }
0x653: {  	v9 =	vld.idx.msk [tilespmem:v52+s23+$0x0], $0xffff;
	_ =	sdelay $0x1  }
0x654: {  	v53 =	vmov s4  }
0x655: {  	v54 =	vshll.u32 v53, $0x7  }
0x656: {  	v55 =	vor.u32 v0, v54  }
0x657: {  	v8 =	vmul.f32 v9, v8;
	_ =	sdelay $0x1  }
0x658: {  	[tilespmem:v52+s23+$0x0] =	vst.idx.msk $0xffff, v8  }
0x659: {  	v8 =	vld.idx.msk [tilespmem:v53+s19+$0x0], $0xffff  }
0x65a: {  	v56 =	vld.idx.msk [tilespmem:v55+s23+$0x0], $0xffff;
	_ =	sdelay $0x2  }
0x65b: {  	v57 =	vor.u32 v1, v54;
	_ =	sdelay $0x1  }
0x65c: {  	v9 =	vmul.f32 v56, v8;
	_ =	sdelay $0x1  }
0x65d: {  	[tilespmem:v55+s23+$0x0] =	vst.idx.msk $0xffff, v9  }
0x65e: {  	v9 =	vld.idx.msk [tilespmem:v57+s23+$0x0], $0xffff;
	_ =	sdelay $0x2  }
0x65f: {  	v58 =	vor.u32 v2, v54;
	_ =	sdelay $0x1  }
0x660: {  	v9 =	vmul.f32 v9, v8;
	_ =	sdelay $0x1  }
0x661: {  	[tilespmem:v57+s23+$0x0] =	vst.idx.msk $0xffff, v9  }
0x662: {  	v9 =	vld.idx.msk [tilespmem:v58+s23+$0x0], $0xffff;
	_ =	sdelay $0x2  }
0x663: {  	v59 =	vor.u32 v3, v54;
	_ =	sdelay $0x1  }
0x664: {  	v9 =	vmul.f32 v9, v8;
	_ =	sdelay $0x1  }
0x665: {  	[tilespmem:v58+s23+$0x0] =	vst.idx.msk $0xffff, v9  }
0x666: {  	v9 =	vld.idx.msk [tilespmem:v59+s23+$0x0], $0xffff;
	_ =	sdelay $0x2  }
0x667: {  	v60 =	vor.u32 v4, v54;
	_ =	sdelay $0x1  }
0x668: {  	v9 =	vmul.f32 v9, v8;
	_ =	sdelay $0x1  }
0x669: {  	[tilespmem:v59+s23+$0x0] =	vst.idx.msk $0xffff, v9  }
0x66a: {  	v9 =	vld.idx.msk [tilespmem:v60+s23+$0x0], $0xffff;
	_ =	sdelay $0x2  }
0x66b: {  	v61 =	vor.u32 v5, v54;
	_ =	sdelay $0x1  }
0x66c: {  	v9 =	vmul.f32 v9, v8;
	_ =	sdelay $0x1  }
0x66d: {  	[tilespmem:v60+s23+$0x0] =	vst.idx.msk $0xffff, v9  }
0x66e: {  	v9 =	vld.idx.msk [tilespmem:v61+s23+$0x0], $0xffff;
	_ =	sdelay $0x2  }
0x66f: {  	v62 =	vor.u32 v6, v54;
	_ =	sdelay $0x1  }
0x670: {  	v9 =	vmul.f32 v9, v8;
	_ =	sdelay $0x1  }
0x671: {  	[tilespmem:v61+s23+$0x0] =	vst.idx.msk $0xffff, v9  }
0x672: {  	v9 =	vld.idx.msk [tilespmem:v62+s23+$0x0], $0xffff;
	_ =	sdelay $0x2  }
0x673: {  	v63 =	vor.u32 v7, v54;
	_ =	sdelay $0x1  }
0x674: {  	v9 =	vmul.f32 v9, v8;
	_ =	sdelay $0x1  }
0x675: {  	[tilespmem:v62+s23+$0x0] =	vst.idx.msk $0xffff, v9  }
0x676: {  	v9 =	vld.idx.msk [tilespmem:v63+s23+$0x0], $0xffff;
	_ =	sdelay $0x1  }
0x677: {  	p1 =	sne.s32 s4, $0x1F  }
.Ltmp5:
0x678: {  	_ = 	snop;
	(pc) =	sbr.rel @p1 .LBB2_9-.Ltmp5, $3  }
0x679: {  	_ = 	snop  }
0x67a: {  	v8 =	vmul.f32 v9, v8;
	_ =	sdelay $0x1  }
0x67b: {  	s4 =	sadd.s32 $0x8, s4;
	[tilespmem:v63+s23+$0x0] =	vst.idx.msk $0xffff, v8  }
.Ltmp6:
0x67c: {  	(pc) =	sbr.rel @p0 .LBB2_12-.Ltmp6, $3  }
0x67d: {  	_ =	sdelay $0x1  }
0x67e: {  	s4 =	simm.s32 $0x8380  }
0x67f: {  	[spmem:s3] =	stream.indirect.scatter.add.f32 [tilespmem:s23], [sflag:$0xD], $0x80, s4, s31, $0x2000b8;
	[tilespmem:$0x1F700] =	vst v63  }
0x680: {  	_ =	swait.ge [sflag:s30], $0x20  }
0x681: {  	[sflag:s30] =	ssyncset.done $0x0  }
0x682: {  	[sflag:s30] =	ssyncadd.s32 $0xFFFFFFE0  }
0x683: {  	_ =	swait.ge [sflag:s30], $0x20  }
0x684: {  	[sflag:s30] =	ssyncset.done $0x0  }
0x685: {  	[sflag:s30] =	ssyncadd.s32 $0xFFFFFFE0  }
0x686: {  	s4 =	smul.u32 $0x60, s15;
	_ =	swait.ge [sflag:s30], $0x20  }
0x687: {  	s10 =	rddreg [dreg:$0x1a]  }
0x688: {  	s4 =	sadd.s32 s4, s10  }
0x689: {  	[sflag:s30] =	ssyncset.done $0x0;
	s4 =	sshrl.u32 s4, $0x3  }
0x68a: {  	s21 =	simm.s32 $0x7F00;
	[sflag:s30] =	ssyncadd.s32 $0xFFFFFFE0;
	s29 =	sadd.s32 s1, s4  }
0x68b: {  	[tilespmem:s21], [sflag:$0x7] =	stream.linear.gather [hbm4b:s29+s5], $0x20, $0x200038;
	[tilespmem:$0x1F700] =	vst v63  }
.Ltmp7:
0x68c: {  	_ = 	snop;
	(pc) =	sbr.rel .LBB2_4-.Ltmp7, $4  }
0x68d: {  	s26 =	simm.s32 $0x8080;
	s21 =	sadd.s32 s8, s4  }
0x68e: {  	[tilespmem:s26], [sflag:$0x7] =	stream.linear.gather [hbm4b:s21+s5], $0x20, $0x200038;
	[tilespmem:$0x1F700] =	vst v63  }
0x68f: {  	s15 =	sadd.s32 $0x1, s15;
	s4 =	sadd.s32 s9, s4;
	s29 =	simm.s32 $0x8200  }
0x690: {  	[tilespmem:s29], [sflag:$0x7] =	stream.linear.gather [hbm4b:s4+s5], $0x20, $0x200038;
	[tilespmem:$0x1F700] =	vst v63  }
.LBB2_13:
0x691: {  	_ =	sfence.sel $0x180000  }
0x692: {  	[bflag:$0x0] =	sbarrier.arrive $0xFFFF  }
0x693: {  	_ =	strace $0x90000047  }
0x694: {  	s0 =	stileid.u32;
	[bflag:$0x2] =	sbarrier.arrive $0xFFFF  }
0x695: {  	p0 =	sne.s32 s0, $0x0;
	s0 =	rddreg [dreg:$0x4]  }
0x696: {  	s0 =	sadd.s32 @!p0 $0x100000, s0  }
0x697: {  	[sflag:s0] =	ssyncadd.tile.s32 @!p0 $0x1;
	_ =	shalt  }
.Lfunc_end2:
_tile_overlayer_lowered:
.L_overlay_start_2:
0x698: {  	(tag) =	ssettag $0x2  }
0x699: {  	s0 =	rddreg [dreg:$0x0];
	s2 =	stileid.u32  }
0x69a: {  	s1 =	rddreg [dreg:$0x1];
	p0 =	sne.s32 s2, $0x0  }
0x69b: {  	s3 =	rddreg [dreg:$0x2];
	[bflag:$0x3] =	sbarrier.arrive $0xFFFF;
	s2 =	simm.s32 @!p0 $0x1C0E  }
0x69c: {  	[timem:s3], [sflag:s2] =	dma.local @!p0 [hbm:s0], s1  }
0x69d: {  	s0 =	simm.s32 @!p0 $0xE  }
0x69e: {  	_ =	swait.ge @!p0 [sflag:s0], s1  }
0x69f: {  	s1 =	ssub.s32 @!p0 $0x0, s1;
	[sflag:s0] =	ssyncset.done @!p0 $0x0  }
0x6a0: {  	[sflag:s0] =	ssyncadd.s32 @!p0 s1  }
0x6a1: {  	[bflag:$0x3] =	sbarrier.arrive $0xFFFF  }
0x6a2: {  	_ =	shalt  }

</sc_bundles>
